<compile_context>
chip_gen: v7x
topology: tpu7x:2x2x1
jax: 0.10.2.dev20260603
libtpu: 0.0.44.dev20260713+nightly
codegen_flags: <defaults>
</compile_context>

<pallas_src>
import functools

import jax
import jax.numpy as jnp
from jax import lax
from jax.experimental import pallas as pl
from jax.experimental.pallas import tpu as pltpu
from jax.experimental.pallas import tpu_sc as plsc

N_NODES = 10000
N_PAD = 10240
N_EDGES = 320000
D_FEAT = 128
HIDDEN = 64

NC = 2
NS = 16
NW = NC * NS
C = 128
NCH = 80
EW = NCH * C
E_PAD = NW * EW
ZR = N_PAD // NS
NBUF = 8
GA = 6
SLAG = 2


def _mesh():
    return plsc.VectorSubcoreMesh(core_axis_name="c", subcore_axis_name="s")


_SC_PARAMS = pltpu.CompilerParams(use_tc_tiling_on_sc=False)


def _sc_degree(dst3):
    @functools.partial(
        pl.kernel,
        mesh=_mesh(),
        out_type=[jax.ShapeDtypeStruct((N_PAD,), jnp.float32)
                  for _ in range(NC)],
        scratch_types=[
            pltpu.VMEM((NCH, C), jnp.int32),
            pltpu.VMEM((C,), jnp.float32),
            pltpu.VMEM((ZR,), jnp.float32),
            pltpu.VMEM_SHARED((N_PAD,), jnp.float32),
            pltpu.SemaphoreType.DMA,
        ],
        compiler_params=_SC_PARAMS,
    )
    def k(dst_h, out0_h, out1_h, dst_v, ones_v, zbuf, acc, sem):
        outs = (out0_h, out1_h)
        c = lax.axis_index("c")
        s = lax.axis_index("s")
        wid = s * NC + c
        pltpu.sync_copy(dst_h.at[wid], dst_v)
        for i in range(C // 16):
            ones_v[pl.ds(i * 16, 16)] = jnp.ones((16,), jnp.float32)

        def zfill(i, carry):
            zbuf[pl.ds(i * 16, 16)] = jnp.zeros((16,), jnp.float32)
            return carry

        lax.fori_loop(0, ZR // 16, zfill, 0)
        pltpu.sync_copy(zbuf, acc.at[pl.ds(s * ZR, ZR)])
        plsc.subcore_barrier()

        def fire(j, carry):
            pltpu.async_copy(ones_v, acc.at[dst_v.at[j]], sem, add=True)
            return carry

        lax.fori_loop(0, NCH, fire, 0)

        def drain(j, carry):
            pltpu.make_async_copy(ones_v, acc.at[dst_v.at[0]], sem).wait()
            return carry

        lax.fori_loop(0, NCH, drain, 0)
        plsc.subcore_barrier()
        for cc in range(NC):
            @pl.when(c == cc)
            def _():
                pltpu.sync_copy(acc.at[pl.ds(s * ZR, ZR)],
                                outs[cc].at[pl.ds(s * ZR, ZR)])

    return k(dst3)


def _sc_gather_scatter(table, src3, dst3, feat, stage_table, init_from_table):
    wide = feat > 1
    buf_t = pltpu.VMEM((NBUF, C, feat) if wide else (NBUF, C), jnp.float32)
    acc_t = pltpu.VMEM_SHARED((N_PAD, feat) if wide else (N_PAD,), jnp.float32)
    out_sh = [jax.ShapeDtypeStruct((N_PAD, feat) if wide else (N_PAD,),
                                   jnp.float32) for _ in range(NC)]
    scratch = [
        pltpu.VMEM((NCH, C), jnp.int32),
        pltpu.VMEM((NCH, C), jnp.int32),
        buf_t,
        acc_t,
    ]
    if stage_table:
        scratch.append(pltpu.VMEM_SHARED((N_PAD, feat) if wide else (N_PAD,),
                                         jnp.float32))
    scratch += [pltpu.SemaphoreType.DMA] * (2 * NBUF)

    @functools.partial(
        pl.kernel,
        mesh=_mesh(),
        out_type=out_sh,
        scratch_types=scratch,
        compiler_params=_SC_PARAMS,
    )
    def k(tab_h, src_h, dst_h, *out_and_rest):
        outs = out_and_rest[:NC]
        src_v, dst_v, bufs = out_and_rest[NC:NC + 3]
        rest = out_and_rest[NC + 3:]
        if stage_table:
            tab = rest[1]
            acc = rest[0]
            sems = rest[2:]
        else:
            tab = tab_h
            acc = rest[0]
            sems = rest[1:]
        gsem = sems[:NBUF]
        ssem = sems[NBUF:]
        c = lax.axis_index("c")
        s = lax.axis_index("s")
        wid = s * NC + c
        pltpu.sync_copy(src_h.at[wid], src_v)
        pltpu.sync_copy(dst_h.at[wid], dst_v)
        if wide:
            def zfill(i, carry):
                for j in range(feat // 16):
                    bufs[0, i, pl.ds(j * 16, 16)] = jnp.zeros((16,),
                                                              jnp.float32)
                return carry
        else:
            def zfill(i, carry):
                bufs[0, pl.ds(i * 16, 16)] = jnp.zeros((16,), jnp.float32)
                return carry

        lax.fori_loop(0, C if wide else C // 16, zfill, 0)
        if init_from_table:
            @pl.when(c == 0)
            def _():
                pltpu.sync_copy(tab_h.at[pl.ds(s * ZR, ZR)],
                                acc.at[pl.ds(s * ZR, ZR)])

            @pl.when(c != 0)
            def _():
                for kk in range(ZR // C):
                    pltpu.sync_copy(bufs.at[0],
                                    acc.at[pl.ds(s * ZR + kk * C, C)])
        else:
            for kk in range(ZR // C):
                pltpu.sync_copy(bufs.at[0], acc.at[pl.ds(s * ZR + kk * C, C)])
        if stage_table:
            pltpu.sync_copy(tab_h.at[pl.ds(s * ZR, ZR)],
                            tab.at[pl.ds(s * ZR, ZR)])
        plsc.subcore_barrier()

        def gfire(j, b):
            pltpu.async_copy(tab.at[src_v.at[j]], bufs.at[b], gsem[b])

        def gwait(j, b):
            pltpu.make_async_copy(tab.at[src_v.at[j]], bufs.at[b],
                                  gsem[b]).wait()

        def sfire(j, b):
            pltpu.async_copy(bufs.at[b], acc.at[dst_v.at[j]], ssem[b],
                             add=True)

        def sdrain(j, b):
            pltpu.make_async_copy(bufs.at[b], acc.at[dst_v.at[j]],
                                  ssem[b]).wait()

        for j in range(GA):
            gfire(j, j)
        for b in range(NBUF):
            gwait(b, b)
            sfire(b, b)
            if b >= SLAG:
                sdrain(b - SLAG, (b - SLAG) % NBUF)
            gfire(b + GA, (b + GA) % NBUF)

        def body(t, carry):
            for b in range(NBUF):
                j = t * NBUF + b
                gwait(j, b)
                sfire(j, b)
                sdrain(j - SLAG, (b - SLAG) % NBUF)
                gfire(j + GA, (b + GA) % NBUF)
            return carry

        lax.fori_loop(1, (NCH // NBUF) - 1, body, 0)
        t = NCH // NBUF - 1
        for b in range(NBUF):
            j = t * NBUF + b
            gwait(j, b)
            sfire(j, b)
            sdrain(j - SLAG, (b - SLAG) % NBUF)
            if j + GA < NCH:
                gfire(j + GA, (b + GA) % NBUF)
        for b in range(NBUF - SLAG, NBUF):
            sdrain(t * NBUF + b, b)
        plsc.subcore_barrier()
        for cc in range(NC):
            @pl.when(c == cc)
            def _():
                pltpu.sync_copy(acc.at[pl.ds(s * ZR, ZR)],
                                outs[cc].at[pl.ds(s * ZR, ZR)])

    return k(table, src3, dst3)


_RB = 2048
_SB = _RB // 128


def _tc1a(x_p, W1):
    def body(x_ref, w_ref, h_ref):
        h_ref[...] = jnp.dot(x_ref[...].astype(jnp.bfloat16),
                             w_ref[...].astype(jnp.bfloat16),
                             preferred_element_type=jnp.float32)

    grid = (N_PAD // _RB,)
    return pl.pallas_call(
        body,
        grid=grid,
        in_specs=[
            pl.BlockSpec((_RB, D_FEAT), lambda i: (i, 0)),
            pl.BlockSpec((D_FEAT, HIDDEN), lambda i: (0, 0)),
        ],
        out_specs=pl.BlockSpec((_RB, HIDDEN), lambda i: (i, 0)),
        out_shape=jax.ShapeDtypeStruct((N_PAD, HIDDEN), jnp.float32),
    )(x_p, W1)


def _tc1b(h, d0, d1):
    def body(h_ref, d0_ref, d1_ref, hp_ref, isd_ref):
        deg = d0_ref[...] + d1_ref[...] + 1.0
        isd = lax.rsqrt(deg)
        h3 = h_ref[...].reshape(_SB, 128, HIDDEN)
        hp_ref[...] = (h3 * isd.reshape(_SB, 128, 1)).reshape(_RB, HIDDEN)
        isd_ref[...] = isd

    grid = (N_PAD // _RB,)
    return pl.pallas_call(
        body,
        grid=grid,
        in_specs=[
            pl.BlockSpec((_RB, HIDDEN), lambda i: (i, 0)),
            pl.BlockSpec((_SB, 128), lambda i: (i, 0)),
            pl.BlockSpec((_SB, 128), lambda i: (i, 0)),
        ],
        out_specs=[
            pl.BlockSpec((_RB, HIDDEN), lambda i: (i, 0)),
            pl.BlockSpec((_SB, 128), lambda i: (i, 0)),
        ],
        out_shape=[
            jax.ShapeDtypeStruct((N_PAD, HIDDEN), jnp.float32),
            jax.ShapeDtypeStruct((N_PAD // 128, 128), jnp.float32),
        ],
    )(h, d0, d1)


def _tc2(p0, p1, isd, w2row, b1row):
    def body(p0_ref, p1_ref, isd_ref, w2_ref, b1_ref, sp_ref):
        isd3 = isd_ref[...].reshape(_SB, 128, 1)
        pre3 = ((p0_ref[...] + p1_ref[...]).reshape(_SB, 128, HIDDEN) * isd3
                + b1_ref[...].reshape(1, 1, HIDDEN))
        r3 = jnp.maximum(pre3, 0.0)
        r3b = r3.astype(jnp.bfloat16).astype(jnp.float32)
        w2b = (w2_ref[...].astype(jnp.bfloat16).astype(jnp.float32)
               .reshape(1, 1, HIDDEN))
        s3 = jnp.sum(r3b * w2b, axis=-1)
        sp_ref[...] = s3 * isd_ref[...]

    grid = (N_PAD // _RB,)
    return pl.pallas_call(
        body,
        grid=grid,
        in_specs=[
            pl.BlockSpec((_RB, HIDDEN), lambda i: (i, 0)),
            pl.BlockSpec((_RB, HIDDEN), lambda i: (i, 0)),
            pl.BlockSpec((_SB, 128), lambda i: (i, 0)),
            pl.BlockSpec((1, HIDDEN), lambda i: (0, 0)),
            pl.BlockSpec((1, HIDDEN), lambda i: (0, 0)),
        ],
        out_specs=pl.BlockSpec((_SB, 128), lambda i: (i, 0)),
        out_shape=jax.ShapeDtypeStruct((N_PAD // 128, 128), jnp.float32),
    )(p0, p1, isd, w2row, b1row)


def _tc3(q0, q1, isd, b2):
    def body(q0_ref, q1_ref, isd_ref, b2_ref, out_ref):
        out_ref[...] = (isd_ref[...] * (q0_ref[...] + q1_ref[...])
                        + b2_ref[0, 0])

    nb = N_PAD // 128
    return pl.pallas_call(
        body,
        in_specs=[
            pl.BlockSpec((nb, 128), lambda: (0, 0)),
            pl.BlockSpec((nb, 128), lambda: (0, 0)),
            pl.BlockSpec((nb, 128), lambda: (0, 0)),
            pl.BlockSpec((1, 1), lambda: (0, 0)),
        ],
        out_specs=pl.BlockSpec((nb, 128), lambda: (0, 0)),
        out_shape=jax.ShapeDtypeStruct((nb, 128), jnp.float32),
    )(q0, q1, isd, b2)


def kernel(x, edge_index, W1, b1, W2, b2):
    ei_p = jnp.pad(edge_index, ((0, 0), (0, E_PAD - N_EDGES)))
    col = lax.broadcasted_iota(jnp.int32, (2, E_PAD), 1)
    ei_p = jnp.where(col < N_EDGES, ei_p,
                     N_NODES + col % (N_PAD - N_NODES))
    src3 = ei_p[0].reshape(NW, NCH, C)
    dst3 = ei_p[1].reshape(NW, NCH, C)

    h = _tc1a(x, W1)
    dp0, dp1 = _sc_degree(dst3)
    d0 = dp0.reshape(N_PAD // 128, 128)
    d1 = dp1.reshape(N_PAD // 128, 128)
    hp, isd = _tc1b(h, d0, d1)
    pp = _sc_gather_scatter(hp, src3, dst3, HIDDEN, False, True)
    sp = _tc2(pp[0], pp[1], isd, W2.reshape(1, HIDDEN),
              b1.reshape(1, HIDDEN))
    q0, q1 = _sc_gather_scatter(sp.reshape(N_PAD), src3, dst3, 1, True, True)
    out = _tc3(q0.reshape(N_PAD // 128, 128),
               q1.reshape(N_PAD // 128, 128), isd, b2.reshape(1, 1))
    return out.reshape(-1)[:N_NODES]

# --- scband reference (transcript-rebuilt; emitter-appended) ---
"""Pipeline reference for scband-gcn-1967095021897 (READ-ONLY COPY).

The authoritative reference and input builder live on the scoring server;
editing this copy changes nothing except your own understanding.
"""

import jax, jax.numpy as jnp
import numpy as np

N_NODES = 10000
N_EDGES = 320000
D_FEAT = 128
HIDDEN = 64


def setup_inputs(seed: int = 0) -> dict:
    key = jax.random.key(seed)
    k1, k2, k3, k4 = jax.random.split(key, 4)
    x = jax.random.normal(k1, (N_NODES, D_FEAT), dtype=jnp.float32)
    edge_index = jax.random.randint(k2, (2, N_EDGES), 0, N_NODES, dtype=jnp.int32)
    # GCNConv layer 1: in=128 -> out=64 (glorot-ish init)
    W1 = jax.random.normal(k3, (D_FEAT, HIDDEN), dtype=jnp.float32) * (1.0 / np.sqrt(D_FEAT))
    b1 = jnp.zeros((HIDDEN,), dtype=jnp.float32)
    # GCNConv layer 2: in=64 -> out=1
    W2 = jax.random.normal(k4, (HIDDEN, 1), dtype=jnp.float32) * (1.0 / np.sqrt(HIDDEN))
    b2 = jnp.zeros((1,), dtype=jnp.float32)
    return {"x": x, "edge_index": edge_index, "W1": W1, "b1": b1, "W2": W2, "b2": b2}


def _gcn_conv(x, src, dst, W, b, n_nodes):
    # PyG GCNConv: linear transform, then propagate with sym. normalization
    h = x @ W
    ones = jnp.ones(src.shape[0], dtype=h.dtype)
    deg = jax.ops.segment_sum(ones, dst, num_segments=n_nodes)
    inv_sqrt_deg = jnp.where(deg > 0, jax.lax.rsqrt(jnp.maximum(deg, 1e-12)), 0.0)
    coef = inv_sqrt_deg[src] * inv_sqrt_deg[dst]
    msg = h[src] * coef[:, None]
    out = jax.ops.segment_sum(msg, dst, num_segments=n_nodes)
    return out + b


def reference(x, edge_index, W1, b1, W2, b2):
    n_nodes = x.shape[0]
    # add self loops (GCNConv default add_self_loops=True)
    loops = jnp.arange(n_nodes, dtype=edge_index.dtype)
    src = jnp.concatenate([edge_index[0], loops])
    dst = jnp.concatenate([edge_index[1], loops])
    h = _gcn_conv(x, src, dst, W1, b1, n_nodes)
    h = jax.nn.relu(h)
    h = _gcn_conv(h, src, dst, W2, b2, n_nodes)
    return h.reshape(-1)

if __name__ == "__main__":
    import jax
    _d = setup_inputs()
    print(jax.jit(kernel)(*tuple(_d.values())))

</pallas_src>

<mosaic_0001>
#map = affine_map<(d0, d1) -> (0)>
#map1 = affine_map<(d0, d1) -> (0, 0, 0)>
module attributes {stable_mosaic.version = 14 : i64} {
  func.func @k(%arg0: i32, %arg1: i32, %arg2: memref<10240xf32, #tpu.memory_space<hbm>>, %arg3: memref<32x80x128xi32, #tpu.memory_space<hbm>>, %arg4: memref<32x80x128xi32, #tpu.memory_space<hbm>>, %arg5: memref<10240xf32, #tpu.memory_space<hbm>>, %arg6: memref<10240xf32, #tpu.memory_space<hbm>>, %arg7: memref<80x128xi32, #tpu.memory_space<vmem>>, %arg8: memref<80x128xi32, #tpu.memory_space<vmem>>, %arg9: memref<8x128xf32, #tpu.memory_space<vmem>>, %arg10: memref<10240xf32, #tpu.memory_space<vmem_shared>>, %arg11: memref<10240xf32, #tpu.memory_space<vmem_shared>>, %arg12: memref<!tpu.dma_semaphore, #tpu.memory_space<semaphore_mem>>, %arg13: memref<!tpu.dma_semaphore, #tpu.memory_space<semaphore_mem>>, %arg14: memref<!tpu.dma_semaphore, #tpu.memory_space<semaphore_mem>>, %arg15: memref<!tpu.dma_semaphore, #tpu.memory_space<semaphore_mem>>, %arg16: memref<!tpu.dma_semaphore, #tpu.memory_space<semaphore_mem>>, %arg17: memref<!tpu.dma_semaphore, #tpu.memory_space<semaphore_mem>>, %arg18: memref<!tpu.dma_semaphore, #tpu.memory_space<semaphore_mem>>, %arg19: memref<!tpu.dma_semaphore, #tpu.memory_space<semaphore_mem>>, %arg20: memref<!tpu.dma_semaphore, #tpu.memory_space<semaphore_mem>>, %arg21: memref<!tpu.dma_semaphore, #tpu.memory_space<semaphore_mem>>, %arg22: memref<!tpu.dma_semaphore, #tpu.memory_space<semaphore_mem>>, %arg23: memref<!tpu.dma_semaphore, #tpu.memory_space<semaphore_mem>>, %arg24: memref<!tpu.dma_semaphore, #tpu.memory_space<semaphore_mem>>, %arg25: memref<!tpu.dma_semaphore, #tpu.memory_space<semaphore_mem>>, %arg26: memref<!tpu.dma_semaphore, #tpu.memory_space<semaphore_mem>>, %arg27: memref<!tpu.dma_semaphore, #tpu.memory_space<semaphore_mem>>) attributes {dimension_semantics = [#tpu.dimension_semantics<core_parallel>, #tpu.dimension_semantics<subcore_parallel>], iteration_bounds = array<i64: 2, 16>, scalar_prefetch = 0 : i64, scratch_operands = 21 : i64, tpu.core_type = #tpu.core_type<sc_vector_subcore>, window_params = [{transform_indices = #map}, {transform_indices = #map1}, {transform_indices = #map1}, {transform_indices = #map}, {transform_indices = #map}]} {
    %mul3A = arith.constant 2 : i32
    %mul3A_0 = arith.muli %arg1, %mul3A : i32
    %add3A = arith.addi %mul3A_0, %arg0 : i32
    "tpu.region"() ({
      %run_scoped3A = tpu.sem_alloc : memref<!tpu.dma_semaphore, #tpu.memory_space<semaphore_mem>>
      %dma_start3A_671 = arith.constant 0 : i32
      %dma_start3A_672 = arith.constant 0 : i32
      %dma_start3A_673 = tpu.memref_slice %arg3[%add3A, %dma_start3A_671, %dma_start3A_672] : memref<32x80x128xi32, #tpu.memory_space<hbm>> -> memref<1x80x128xi32, #tpu.memory_space<hbm>>
      %dma_start3A_674 = tpu.memref_squeeze %dma_start3A_673 : memref<1x80x128xi32, #tpu.memory_space<hbm>> -> memref<80x128xi32, #tpu.memory_space<hbm>>
      %dma_start3A_675 = arith.constant 0 : i32
      %dma_start3A_676 = arith.constant 0 : i32
      %dma_start3A_677 = tpu.memref_slice %arg3[%add3A, %dma_start3A_675, %dma_start3A_676] : memref<32x80x128xi32, #tpu.memory_space<hbm>> -> memref<1x80x128xi32, #tpu.memory_space<hbm>>
      %dma_start3A_678 = tpu.memref_squeeze %dma_start3A_677 : memref<1x80x128xi32, #tpu.memory_space<hbm>> -> memref<80x128xi32, #tpu.memory_space<hbm>>
      tpu.enqueue_dma source(%dma_start3A_678 : memref<80x128xi32, #tpu.memory_space<hbm>>) target(%arg7 : memref<80x128xi32, #tpu.memory_space<vmem>>) target_semaphore(%run_scoped3A : memref<!tpu.dma_semaphore, #tpu.memory_space<semaphore_mem>>)
      %dma_wait3A_679 = arith.constant 0 : i32
      %dma_wait3A_680 = arith.constant 0 : i32
      %dma_wait3A_681 = tpu.memref_slice %arg3[%add3A, %dma_wait3A_679, %dma_wait3A_680] : memref<32x80x128xi32, #tpu.memory_space<hbm>> -> memref<1x80x128xi32, #tpu.memory_space<hbm>>
      %dma_wait3A_682 = tpu.memref_squeeze %dma_wait3A_681 : memref<1x80x128xi32, #tpu.memory_space<hbm>> -> memref<80x128xi32, #tpu.memory_space<hbm>>
      %dma_wait3A_683 = arith.constant 0 : i32
      %dma_wait3A_684 = arith.constant 0 : i32
      %dma_wait3A_685 = tpu.memref_slice %arg3[%add3A, %dma_wait3A_683, %dma_wait3A_684] : memref<32x80x128xi32, #tpu.memory_space<hbm>> -> memref<1x80x128xi32, #tpu.memory_space<hbm>>
      %dma_wait3A_686 = tpu.memref_squeeze %dma_wait3A_685 : memref<1x80x128xi32, #tpu.memory_space<hbm>> -> memref<80x128xi32, #tpu.memory_space<hbm>>
      tpu.wait_dma2 semaphore(%run_scoped3A : memref<!tpu.dma_semaphore, #tpu.memory_space<semaphore_mem>>) src(%dma_wait3A_686 : memref<80x128xi32, #tpu.memory_space<hbm>>) dst(%arg7 : memref<80x128xi32, #tpu.memory_space<vmem>>)
      tpu.yield
    }) : () -> ()
    "tpu.region"() ({
      %run_scoped3A = tpu.sem_alloc : memref<!tpu.dma_semaphore, #tpu.memory_space<semaphore_mem>>
      %dma_start3A_671 = arith.constant 0 : i32
      %dma_start3A_672 = arith.constant 0 : i32
      %dma_start3A_673 = tpu.memref_slice %arg4[%add3A, %dma_start3A_671, %dma_start3A_672] : memref<32x80x128xi32, #tpu.memory_space<hbm>> -> memref<1x80x128xi32, #tpu.memory_space<hbm>>
      %dma_start3A_674 = tpu.memref_squeeze %dma_start3A_673 : memref<1x80x128xi32, #tpu.memory_space<hbm>> -> memref<80x128xi32, #tpu.memory_space<hbm>>
      %dma_start3A_675 = arith.constant 0 : i32
      %dma_start3A_676 = arith.constant 0 : i32
      %dma_start3A_677 = tpu.memref_slice %arg4[%add3A, %dma_start3A_675, %dma_start3A_676] : memref<32x80x128xi32, #tpu.memory_space<hbm>> -> memref<1x80x128xi32, #tpu.memory_space<hbm>>
      %dma_start3A_678 = tpu.memref_squeeze %dma_start3A_677 : memref<1x80x128xi32, #tpu.memory_space<hbm>> -> memref<80x128xi32, #tpu.memory_space<hbm>>
      tpu.enqueue_dma source(%dma_start3A_678 : memref<80x128xi32, #tpu.memory_space<hbm>>) target(%arg8 : memref<80x128xi32, #tpu.memory_space<vmem>>) target_semaphore(%run_scoped3A : memref<!tpu.dma_semaphore, #tpu.memory_space<semaphore_mem>>)
      %dma_wait3A_679 = arith.constant 0 : i32
      %dma_wait3A_680 = arith.constant 0 : i32
      %dma_wait3A_681 = tpu.memref_slice %arg4[%add3A, %dma_wait3A_679, %dma_wait3A_680] : memref<32x80x128xi32, #tpu.memory_space<hbm>> -> memref<1x80x128xi32, #tpu.memory_space<hbm>>
      %dma_wait3A_682 = tpu.memref_squeeze %dma_wait3A_681 : memref<1x80x128xi32, #tpu.memory_space<hbm>> -> memref<80x128xi32, #tpu.memory_space<hbm>>
      %dma_wait3A_683 = arith.constant 0 : i32
      %dma_wait3A_684 = arith.constant 0 : i32
      %dma_wait3A_685 = tpu.memref_slice %arg4[%add3A, %dma_wait3A_683, %dma_wait3A_684] : memref<32x80x128xi32, #tpu.memory_space<hbm>> -> memref<1x80x128xi32, #tpu.memory_space<hbm>>
      %dma_wait3A_686 = tpu.memref_squeeze %dma_wait3A_685 : memref<1x80x128xi32, #tpu.memory_space<hbm>> -> memref<80x128xi32, #tpu.memory_space<hbm>>
      tpu.wait_dma2 semaphore(%run_scoped3A : memref<!tpu.dma_semaphore, #tpu.memory_space<semaphore_mem>>) src(%dma_wait3A_686 : memref<80x128xi32, #tpu.memory_space<hbm>>) dst(%arg8 : memref<80x128xi32, #tpu.memory_space<vmem>>)
      tpu.yield
    }) : () -> ()
    %scan3A = arith.constant 0 : i32
    %scan3A_1 = arith.constant 0 : i32
    %scan3A_2 = arith.constant 8 : i32
    %scan3A_3 = arith.addi %scan3A_1, %scan3A_2 : i32
    %scan3A_4 = arith.constant 1 : i32
    scf.for %scan3A_671 = %scan3A_1 to %scan3A_3 step %scan3A_4  : i32 {
      %broadcast_in_dim3A = arith.constant 0.000000e+00 : f32
      %broadcast_in_dim3A_672 = vector.broadcast %broadcast_in_dim3A : f32 to vector<16xf32>
      %mul3A_673 = arith.constant 16 : i32
      %mul3A_674 = arith.muli %scan3A_671, %mul3A_673 : i32
      %swap3A = arith.constant 0 : i32
      %swap3A_675 = arith.index_cast %swap3A : i32 to index
      %swap3A_676 = arith.index_cast %mul3A_674 : i32 to index
      %swap3A_677 = tpu.vector_load %arg9[%swap3A_675, %swap3A_676] {strides = array<i32>} : memref<8x128xf32, #tpu.memory_space<vmem>>, vector<1x16xf32>,
      %swap3A_678 = vector.shape_cast %swap3A_677 : vector<1x16xf32> to vector<16xf32>
      %swap3A_679 = vector.shape_cast %broadcast_in_dim3A_672 : vector<16xf32> to vector<1x16xf32>
      tpu.vector_store %arg9[%swap3A_675, %swap3A_676], %swap3A_679 {strides = array<i32>} : memref<8x128xf32, #tpu.memory_space<vmem>>, vector<1x16xf32>,
    }
    %scan3A_5 = arith.constant 8 : i32
    %eq3A = arith.constant 0 : i32
    %eq3A_6 = arith.cmpi eq, %arg0, %eq3A : i32
    %convert_element_type3A = arith.extui %eq3A_6 : i1 to i32
    %cond3A = arith.constant 0 : i32
    %cond3A_7 = arith.cmpi ne, %convert_element_type3A, %cond3A : i32
    scf.if %cond3A_7 {
      %mul3A_671 = arith.constant 640 : i32
      %mul3A_672 = arith.muli %arg1, %mul3A_671 : i32
      %mul3A_673 = arith.constant 640 : i32
      %mul3A_674 = arith.muli %arg1, %mul3A_673 : i32
      "tpu.region"() ({
        %run_scoped3A = tpu.sem_alloc : memref<!tpu.dma_semaphore, #tpu.memory_space<semaphore_mem>>
        %dma_start3A_675 = tpu.memref_slice %arg10[%mul3A_674] : memref<10240xf32, #tpu.memory_space<vmem_shared>> -> memref<640xf32, #tpu.memory_space<vmem_shared>>
        %dma_start3A_676 = tpu.memref_slice %arg2[%mul3A_672] : memref<10240xf32, #tpu.memory_space<hbm>> -> memref<640xf32, #tpu.memory_space<hbm>>
        tpu.enqueue_dma source(%dma_start3A_676 : memref<640xf32, #tpu.memory_space<hbm>>) target(%dma_start3A_675 : memref<640xf32, #tpu.memory_space<vmem_shared>>) target_semaphore(%run_scoped3A : memref<!tpu.dma_semaphore, #tpu.memory_space<semaphore_mem>>)
        %dma_wait3A_677 = tpu.memref_slice %arg10[%mul3A_674] : memref<10240xf32, #tpu.memory_space<vmem_shared>> -> memref<640xf32, #tpu.memory_space<vmem_shared>>
        %dma_wait3A_678 = tpu.memref_slice %arg2[%mul3A_672] : memref<10240xf32, #tpu.memory_space<hbm>> -> memref<640xf32, #tpu.memory_space<hbm>>
        tpu.wait_dma2 semaphore(%run_scoped3A : memref<!tpu.dma_semaphore, #tpu.memory_space<semaphore_mem>>) src(%dma_wait3A_678 : memref<640xf32, #tpu.memory_space<hbm>>) dst(%dma_wait3A_677 : memref<640xf32, #tpu.memory_space<vmem_shared>>)
        tpu.yield
      }) : () -> ()
    } else {
    }
    %ne3A = arith.constant 0 : i32
    %ne3A_8 = arith.cmpi ne, %arg0, %ne3A : i32
    %convert_element_type3A_9 = arith.extui %ne3A_8 : i1 to i32
    %cond3A_10 = arith.constant 0 : i32
    %cond3A_11 = arith.cmpi ne, %convert_element_type3A_9, %cond3A_10 : i32
    scf.if %cond3A_11 {
      %mul3A_671 = arith.constant 640 : i32
      %mul3A_672 = arith.muli %arg1, %mul3A_671 : i32
      %add3A_673 = arith.constant 0 : i32
      %add3A_674 = arith.addi %mul3A_672, %add3A_673 : i32
      %run_scoped3A = arith.constant 0 : i32
      "tpu.region"() ({
        %run_scoped3A_695 = tpu.sem_alloc : memref<!tpu.dma_semaphore, #tpu.memory_space<semaphore_mem>>
        %dma_start3A_696 = arith.constant 0 : i32
        %dma_start3A_697 = tpu.memref_slice %arg9[%run_scoped3A, %dma_start3A_696] : memref<8x128xf32, #tpu.memory_space<vmem>> -> memref<1x128xf32, #tpu.memory_space<vmem>>
        %dma_start3A_698 = tpu.memref_squeeze %dma_start3A_697 : memref<1x128xf32, #tpu.memory_space<vmem>> -> memref<128xf32, #tpu.memory_space<vmem>>
        %dma_start3A_699 = tpu.memref_slice %arg10[%add3A_674] : memref<10240xf32, #tpu.memory_space<vmem_shared>> -> memref<128xf32, #tpu.memory_space<vmem_shared>>
        %dma_start3A_700 = tpu.memref_slice %arg10[%add3A_674] : memref<10240xf32, #tpu.memory_space<vmem_shared>> -> memref<128xf32, #tpu.memory_space<vmem_shared>>
        %dma_start3A_701 = arith.constant 0 : i32
        %dma_start3A_702 = tpu.memref_slice %arg9[%run_scoped3A, %dma_start3A_701] : memref<8x128xf32, #tpu.memory_space<vmem>> -> memref<1x128xf32, #tpu.memory_space<vmem>>
        %dma_start3A_703 = tpu.memref_squeeze %dma_start3A_702 : memref<1x128xf32, #tpu.memory_space<vmem>> -> memref<128xf32, #tpu.memory_space<vmem>>
        tpu.enqueue_dma source(%dma_start3A_703 : memref<128xf32, #tpu.memory_space<vmem>>) target(%dma_start3A_700 : memref<128xf32, #tpu.memory_space<vmem_shared>>) target_semaphore(%run_scoped3A_695 : memref<!tpu.dma_semaphore, #tpu.memory_space<semaphore_mem>>)
        %dma_wait3A_704 = arith.constant 0 : i32
        %dma_wait3A_705 = tpu.memref_slice %arg9[%run_scoped3A, %dma_wait3A_704] : memref<8x128xf32, #tpu.memory_space<vmem>> -> memref<1x128xf32, #tpu.memory_space<vmem>>
        %dma_wait3A_706 = tpu.memref_squeeze %dma_wait3A_705 : memref<1x128xf32, #tpu.memory_space<vmem>> -> memref<128xf32, #tpu.memory_space<vmem>>
        %dma_wait3A_707 = tpu.memref_slice %arg10[%add3A_674] : memref<10240xf32, #tpu.memory_space<vmem_shared>> -> memref<128xf32, #tpu.memory_space<vmem_shared>>
        %dma_wait3A_708 = tpu.memref_slice %arg10[%add3A_674] : memref<10240xf32, #tpu.memory_space<vmem_shared>> -> memref<128xf32, #tpu.memory_space<vmem_shared>>
        %dma_wait3A_709 = arith.constant 0 : i32
        %dma_wait3A_710 = tpu.memref_slice %arg9[%run_scoped3A, %dma_wait3A_709] : memref<8x128xf32, #tpu.memory_space<vmem>> -> memref<1x128xf32, #tpu.memory_space<vmem>>
        %dma_wait3A_711 = tpu.memref_squeeze %dma_wait3A_710 : memref<1x128xf32, #tpu.memory_space<vmem>> -> memref<128xf32, #tpu.memory_space<vmem>>
        tpu.wait_dma2 semaphore(%run_scoped3A_695 : memref<!tpu.dma_semaphore, #tpu.memory_space<semaphore_mem>>) src(%dma_wait3A_711 : memref<128xf32, #tpu.memory_space<vmem>>) dst(%dma_wait3A_708 : memref<128xf32, #tpu.memory_space<vmem_shared>>)
        tpu.yield
      }) : () -> ()
      %mul3A_675 = arith.constant 640 : i32
      %mul3A_676 = arith.muli %arg1, %mul3A_675 : i32
      %add3A_677 = arith.constant 128 : i32
      %add3A_678 = arith.addi %mul3A_676, %add3A_677 : i32
      %run_scoped3A_679 = arith.constant 0 : i32
      "tpu.region"() ({
        %run_scoped3A_695 = tpu.sem_alloc : memref<!tpu.dma_semaphore, #tpu.memory_space<semaphore_mem>>
        %dma_start3A_696 = arith.constant 0 : i32
        %dma_start3A_697 = tpu.memref_slice %arg9[%run_scoped3A_679, %dma_start3A_696] : memref<8x128xf32, #tpu.memory_space<vmem>> -> memref<1x128xf32, #tpu.memory_space<vmem>>
        %dma_start3A_698 = tpu.memref_squeeze %dma_start3A_697 : memref<1x128xf32, #tpu.memory_space<vmem>> -> memref<128xf32, #tpu.memory_space<vmem>>
        %dma_start3A_699 = tpu.memref_slice %arg10[%add3A_678] : memref<10240xf32, #tpu.memory_space<vmem_shared>> -> memref<128xf32, #tpu.memory_space<vmem_shared>>
        %dma_start3A_700 = tpu.memref_slice %arg10[%add3A_678] : memref<10240xf32, #tpu.memory_space<vmem_shared>> -> memref<128xf32, #tpu.memory_space<vmem_shared>>
        %dma_start3A_701 = arith.constant 0 : i32
        %dma_start3A_702 = tpu.memref_slice %arg9[%run_scoped3A_679, %dma_start3A_701] : memref<8x128xf32, #tpu.memory_space<vmem>> -> memref<1x128xf32, #tpu.memory_space<vmem>>
        %dma_start3A_703 = tpu.memref_squeeze %dma_start3A_702 : memref<1x128xf32, #tpu.memory_space<vmem>> -> memref<128xf32, #tpu.memory_space<vmem>>
        tpu.enqueue_dma source(%dma_start3A_703 : memref<128xf32, #tpu.memory_space<vmem>>) target(%dma_start3A_700 : memref<128xf32, #tpu.memory_space<vmem_shared>>) target_semaphore(%run_scoped3A_695 : memref<!tpu.dma_semaphore, #tpu.memory_space<semaphore_mem>>)
        %dma_wait3A_704 = arith.constant 0 : i32
        %dma_wait3A_705 = tpu.memref_slice %arg9[%run_scoped3A_679, %dma_wait3A_704] : memref<8x128xf32, #tpu.memory_space<vmem>> -> memref<1x128xf32, #tpu.memory_space<vmem>>
        %dma_wait3A_706 = tpu.memref_squeeze %dma_wait3A_705 : memref<1x128xf32, #tpu.memory_space<vmem>> -> memref<128xf32, #tpu.memory_space<vmem>>
        %dma_wait3A_707 = tpu.memref_slice %arg10[%add3A_678] : memref<10240xf32, #tpu.memory_space<vmem_shared>> -> memref<128xf32, #tpu.memory_space<vmem_shared>>
        %dma_wait3A_708 = tpu.memref_slice %arg10[%add3A_678] : memref<10240xf32, #tpu.memory_space<vmem_shared>> -> memref<128xf32, #tpu.memory_space<vmem_shared>>
        %dma_wait3A_709 = arith.constant 0 : i32
        %dma_wait3A_710 = tpu.memref_slice %arg9[%run_scoped3A_679, %dma_wait3A_709] : memref<8x128xf32, #tpu.memory_space<vmem>> -> memref<1x128xf32, #tpu.memory_space<vmem>>
        %dma_wait3A_711 = tpu.memref_squeeze %dma_wait3A_710 : memref<1x128xf32, #tpu.memory_space<vmem>> -> memref<128xf32, #tpu.memory_space<vmem>>
        tpu.wait_dma2 semaphore(%run_scoped3A_695 : memref<!tpu.dma_semaphore, #tpu.memory_space<semaphore_mem>>) src(%dma_wait3A_711 : memref<128xf32, #tpu.memory_space<vmem>>) dst(%dma_wait3A_708 : memref<128xf32, #tpu.memory_space<vmem_shared>>)
        tpu.yield
      }) : () -> ()
      %mul3A_680 = arith.constant 640 : i32
      %mul3A_681 = arith.muli %arg1, %mul3A_680 : i32
      %add3A_682 = arith.constant 256 : i32
      %add3A_683 = arith.addi %mul3A_681, %add3A_682 : i32
      %run_scoped3A_684 = arith.constant 0 : i32
      "tpu.region"() ({
        %run_scoped3A_695 = tpu.sem_alloc : memref<!tpu.dma_semaphore, #tpu.memory_space<semaphore_mem>>
        %dma_start3A_696 = arith.constant 0 : i32
        %dma_start3A_697 = tpu.memref_slice %arg9[%run_scoped3A_684, %dma_start3A_696] : memref<8x128xf32, #tpu.memory_space<vmem>> -> memref<1x128xf32, #tpu.memory_space<vmem>>
        %dma_start3A_698 = tpu.memref_squeeze %dma_start3A_697 : memref<1x128xf32, #tpu.memory_space<vmem>> -> memref<128xf32, #tpu.memory_space<vmem>>
        %dma_start3A_699 = tpu.memref_slice %arg10[%add3A_683] : memref<10240xf32, #tpu.memory_space<vmem_shared>> -> memref<128xf32, #tpu.memory_space<vmem_shared>>
        %dma_start3A_700 = tpu.memref_slice %arg10[%add3A_683] : memref<10240xf32, #tpu.memory_space<vmem_shared>> -> memref<128xf32, #tpu.memory_space<vmem_shared>>
        %dma_start3A_701 = arith.constant 0 : i32
        %dma_start3A_702 = tpu.memref_slice %arg9[%run_scoped3A_684, %dma_start3A_701] : memref<8x128xf32, #tpu.memory_space<vmem>> -> memref<1x128xf32, #tpu.memory_space<vmem>>
        %dma_start3A_703 = tpu.memref_squeeze %dma_start3A_702 : memref<1x128xf32, #tpu.memory_space<vmem>> -> memref<128xf32, #tpu.memory_space<vmem>>
        tpu.enqueue_dma source(%dma_start3A_703 : memref<128xf32, #tpu.memory_space<vmem>>) target(%dma_start3A_700 : memref<128xf32, #tpu.memory_space<vmem_shared>>) target_semaphore(%run_scoped3A_695 : memref<!tpu.dma_semaphore, #tpu.memory_space<semaphore_mem>>)
        %dma_wait3A_704 = arith.constant 0 : i32
        %dma_wait3A_705 = tpu.memref_slice %arg9[%run_scoped3A_684, %dma_wait3A_704] : memref<8x128xf32, #tpu.memory_space<vmem>> -> memref<1x128xf32, #tpu.memory_space<vmem>>
        %dma_wait3A_706 = tpu.memref_squeeze %dma_wait3A_705 : memref<1x128xf32, #tpu.memory_space<vmem>> -> memref<128xf32, #tpu.memory_space<vmem>>
        %dma_wait3A_707 = tpu.memref_slice %arg10[%add3A_683] : memref<10240xf32, #tpu.memory_space<vmem_shared>> -> memref<128xf32, #tpu.memory_space<vmem_shared>>
        %dma_wait3A_708 = tpu.memref_slice %arg10[%add3A_683] : memref<10240xf32, #tpu.memory_space<vmem_shared>> -> memref<128xf32, #tpu.memory_space<vmem_shared>>
        %dma_wait3A_709 = arith.constant 0 : i32
        %dma_wait3A_710 = tpu.memref_slice %arg9[%run_scoped3A_684, %dma_wait3A_709] : memref<8x128xf32, #tpu.memory_space<vmem>> -> memref<1x128xf32, #tpu.memory_space<vmem>>
        %dma_wait3A_711 = tpu.memref_squeeze %dma_wait3A_710 : memref<1x128xf32, #tpu.memory_space<vmem>> -> memref<128xf32, #tpu.memory_space<vmem>>
        tpu.wait_dma2 semaphore(%run_scoped3A_695 : memref<!tpu.dma_semaphore, #tpu.memory_space<semaphore_mem>>) src(%dma_wait3A_711 : memref<128xf32, #tpu.memory_space<vmem>>) dst(%dma_wait3A_708 : memref<128xf32, #tpu.memory_space<vmem_shared>>)
        tpu.yield
      }) : () -> ()
      %mul3A_685 = arith.constant 640 : i32
      %mul3A_686 = arith.muli %arg1, %mul3A_685 : i32
      %add3A_687 = arith.constant 384 : i32
      %add3A_688 = arith.addi %mul3A_686, %add3A_687 : i32
      %run_scoped3A_689 = arith.constant 0 : i32
      "tpu.region"() ({
        %run_scoped3A_695 = tpu.sem_alloc : memref<!tpu.dma_semaphore, #tpu.memory_space<semaphore_mem>>
        %dma_start3A_696 = arith.constant 0 : i32
        %dma_start3A_697 = tpu.memref_slice %arg9[%run_scoped3A_689, %dma_start3A_696] : memref<8x128xf32, #tpu.memory_space<vmem>> -> memref<1x128xf32, #tpu.memory_space<vmem>>
        %dma_start3A_698 = tpu.memref_squeeze %dma_start3A_697 : memref<1x128xf32, #tpu.memory_space<vmem>> -> memref<128xf32, #tpu.memory_space<vmem>>
        %dma_start3A_699 = tpu.memref_slice %arg10[%add3A_688] : memref<10240xf32, #tpu.memory_space<vmem_shared>> -> memref<128xf32, #tpu.memory_space<vmem_shared>>
        %dma_start3A_700 = tpu.memref_slice %arg10[%add3A_688] : memref<10240xf32, #tpu.memory_space<vmem_shared>> -> memref<128xf32, #tpu.memory_space<vmem_shared>>
        %dma_start3A_701 = arith.constant 0 : i32
        %dma_start3A_702 = tpu.memref_slice %arg9[%run_scoped3A_689, %dma_start3A_701] : memref<8x128xf32, #tpu.memory_space<vmem>> -> memref<1x128xf32, #tpu.memory_space<vmem>>
        %dma_start3A_703 = tpu.memref_squeeze %dma_start3A_702 : memref<1x128xf32, #tpu.memory_space<vmem>> -> memref<128xf32, #tpu.memory_space<vmem>>
        tpu.enqueue_dma source(%dma_start3A_703 : memref<128xf32, #tpu.memory_space<vmem>>) target(%dma_start3A_700 : memref<128xf32, #tpu.memory_space<vmem_shared>>) target_semaphore(%run_scoped3A_695 : memref<!tpu.dma_semaphore, #tpu.memory_space<semaphore_mem>>)
        %dma_wait3A_704 = arith.constant 0 : i32
        %dma_wait3A_705 = tpu.memref_slice %arg9[%run_scoped3A_689, %dma_wait3A_704] : memref<8x128xf32, #tpu.memory_space<vmem>> -> memref<1x128xf32, #tpu.memory_space<vmem>>
        %dma_wait3A_706 = tpu.memref_squeeze %dma_wait3A_705 : memref<1x128xf32, #tpu.memory_space<vmem>> -> memref<128xf32, #tpu.memory_space<vmem>>
        %dma_wait3A_707 = tpu.memref_slice %arg10[%add3A_688] : memref<10240xf32, #tpu.memory_space<vmem_shared>> -> memref<128xf32, #tpu.memory_space<vmem_shared>>
        %dma_wait3A_708 = tpu.memref_slice %arg10[%add3A_688] : memref<10240xf32, #tpu.memory_space<vmem_shared>> -> memref<128xf32, #tpu.memory_space<vmem_shared>>
        %dma_wait3A_709 = arith.constant 0 : i32
        %dma_wait3A_710 = tpu.memref_slice %arg9[%run_scoped3A_689, %dma_wait3A_709] : memref<8x128xf32, #tpu.memory_space<vmem>> -> memref<1x128xf32, #tpu.memory_space<vmem>>
        %dma_wait3A_711 = tpu.memref_squeeze %dma_wait3A_710 : memref<1x128xf32, #tpu.memory_space<vmem>> -> memref<128xf32, #tpu.memory_space<vmem>>
        tpu.wait_dma2 semaphore(%run_scoped3A_695 : memref<!tpu.dma_semaphore, #tpu.memory_space<semaphore_mem>>) src(%dma_wait3A_711 : memref<128xf32, #tpu.memory_space<vmem>>) dst(%dma_wait3A_708 : memref<128xf32, #tpu.memory_space<vmem_shared>>)
        tpu.yield
      }) : () -> ()
      %mul3A_690 = arith.constant 640 : i32
      %mul3A_691 = arith.muli %arg1, %mul3A_690 : i32
      %add3A_692 = arith.constant 512 : i32
      %add3A_693 = arith.addi %mul3A_691, %add3A_692 : i32
      %run_scoped3A_694 = arith.constant 0 : i32
      "tpu.region"() ({
        %run_scoped3A_695 = tpu.sem_alloc : memref<!tpu.dma_semaphore, #tpu.memory_space<semaphore_mem>>
        %dma_start3A_696 = arith.constant 0 : i32
        %dma_start3A_697 = tpu.memref_slice %arg9[%run_scoped3A_694, %dma_start3A_696] : memref<8x128xf32, #tpu.memory_space<vmem>> -> memref<1x128xf32, #tpu.memory_space<vmem>>
        %dma_start3A_698 = tpu.memref_squeeze %dma_start3A_697 : memref<1x128xf32, #tpu.memory_space<vmem>> -> memref<128xf32, #tpu.memory_space<vmem>>
        %dma_start3A_699 = tpu.memref_slice %arg10[%add3A_693] : memref<10240xf32, #tpu.memory_space<vmem_shared>> -> memref<128xf32, #tpu.memory_space<vmem_shared>>
        %dma_start3A_700 = tpu.memref_slice %arg10[%add3A_693] : memref<10240xf32, #tpu.memory_space<vmem_shared>> -> memref<128xf32, #tpu.memory_space<vmem_shared>>
        %dma_start3A_701 = arith.constant 0 : i32
        %dma_start3A_702 = tpu.memref_slice %arg9[%run_scoped3A_694, %dma_start3A_701] : memref<8x128xf32, #tpu.memory_space<vmem>> -> memref<1x128xf32, #tpu.memory_space<vmem>>
        %dma_start3A_703 = tpu.memref_squeeze %dma_start3A_702 : memref<1x128xf32, #tpu.memory_space<vmem>> -> memref<128xf32, #tpu.memory_space<vmem>>
        tpu.enqueue_dma source(%dma_start3A_703 : memref<128xf32, #tpu.memory_space<vmem>>) target(%dma_start3A_700 : memref<128xf32, #tpu.memory_space<vmem_shared>>) target_semaphore(%run_scoped3A_695 : memref<!tpu.dma_semaphore, #tpu.memory_space<semaphore_mem>>)
        %dma_wait3A_704 = arith.constant 0 : i32
        %dma_wait3A_705 = tpu.memref_slice %arg9[%run_scoped3A_694, %dma_wait3A_704] : memref<8x128xf32, #tpu.memory_space<vmem>> -> memref<1x128xf32, #tpu.memory_space<vmem>>
        %dma_wait3A_706 = tpu.memref_squeeze %dma_wait3A_705 : memref<1x128xf32, #tpu.memory_space<vmem>> -> memref<128xf32, #tpu.memory_space<vmem>>
        %dma_wait3A_707 = tpu.memref_slice %arg10[%add3A_693] : memref<10240xf32, #tpu.memory_space<vmem_shared>> -> memref<128xf32, #tpu.memory_space<vmem_shared>>
        %dma_wait3A_708 = tpu.memref_slice %arg10[%add3A_693] : memref<10240xf32, #tpu.memory_space<vmem_shared>> -> memref<128xf32, #tpu.memory_space<vmem_shared>>
        %dma_wait3A_709 = arith.constant 0 : i32
        %dma_wait3A_710 = tpu.memref_slice %arg9[%run_scoped3A_694, %dma_wait3A_709] : memref<8x128xf32, #tpu.memory_space<vmem>> -> memref<1x128xf32, #tpu.memory_space<vmem>>
        %dma_wait3A_711 = tpu.memref_squeeze %dma_wait3A_710 : memref<1x128xf32, #tpu.memory_space<vmem>> -> memref<128xf32, #tpu.memory_space<vmem>>
        tpu.wait_dma2 semaphore(%run_scoped3A_695 : memref<!tpu.dma_semaphore, #tpu.memory_space<semaphore_mem>>) src(%dma_wait3A_711 : memref<128xf32, #tpu.memory_space<vmem>>) dst(%dma_wait3A_708 : memref<128xf32, #tpu.memory_space<vmem_shared>>)
        tpu.yield
      }) : () -> ()
    } else {
    }
    %mul3A_12 = arith.constant 640 : i32
    %mul3A_13 = arith.muli %arg1, %mul3A_12 : i32
    %mul3A_14 = arith.constant 640 : i32
    %mul3A_15 = arith.muli %arg1, %mul3A_14 : i32
    "tpu.region"() ({
      %run_scoped3A = tpu.sem_alloc : memref<!tpu.dma_semaphore, #tpu.memory_space<semaphore_mem>>
      %dma_start3A_671 = tpu.memref_slice %arg11[%mul3A_15] : memref<10240xf32, #tpu.memory_space<vmem_shared>> -> memref<640xf32, #tpu.memory_space<vmem_shared>>
      %dma_start3A_672 = tpu.memref_slice %arg2[%mul3A_13] : memref<10240xf32, #tpu.memory_space<hbm>> -> memref<640xf32, #tpu.memory_space<hbm>>
      tpu.enqueue_dma source(%dma_start3A_672 : memref<640xf32, #tpu.memory_space<hbm>>) target(%dma_start3A_671 : memref<640xf32, #tpu.memory_space<vmem_shared>>) target_semaphore(%run_scoped3A : memref<!tpu.dma_semaphore, #tpu.memory_space<semaphore_mem>>)
      %dma_wait3A_673 = tpu.memref_slice %arg11[%mul3A_15] : memref<10240xf32, #tpu.memory_space<vmem_shared>> -> memref<640xf32, #tpu.memory_space<vmem_shared>>
      %dma_wait3A_674 = tpu.memref_slice %arg2[%mul3A_13] : memref<10240xf32, #tpu.memory_space<hbm>> -> memref<640xf32, #tpu.memory_space<hbm>>
      tpu.wait_dma2 semaphore(%run_scoped3A : memref<!tpu.dma_semaphore, #tpu.memory_space<semaphore_mem>>) src(%dma_wait3A_674 : memref<640xf32, #tpu.memory_space<hbm>>) dst(%dma_wait3A_673 : memref<640xf32, #tpu.memory_space<vmem_shared>>)
      tpu.yield
    }) : () -> ()
    %barrier3A = arith.constant 0 : index
    tpu.barrier barrier_id(%barrier3A)
    %dma_start3A = arith.constant 0 : i32
    %dma_start3A_16 = arith.constant 0 : i32
    %dma_start3A_17 = arith.constant 0 : i32
    %dma_start3A_18 = tpu.memref_slice %arg9[%dma_start3A_16, %dma_start3A_17] : memref<8x128xf32, #tpu.memory_space<vmem>> -> memref<1x128xf32, #tpu.memory_space<vmem>>
    %dma_start3A_19 = tpu.memref_squeeze %dma_start3A_18 : memref<1x128xf32, #tpu.memory_space<vmem>> -> memref<128xf32, #tpu.memory_space<vmem>>
    %dma_start3A_20 = arith.constant 0 : i32
    %dma_start3A_21 = tpu.memref_slice %arg7[%dma_start3A, %dma_start3A_20] : memref<80x128xi32, #tpu.memory_space<vmem>> -> memref<1x128xi32, #tpu.memory_space<vmem>>
    %dma_start3A_22 = tpu.memref_squeeze %dma_start3A_21 : memref<1x128xi32, #tpu.memory_space<vmem>> -> memref<128xi32, #tpu.memory_space<vmem>>
    %dma_start3A_23 = arith.constant 0 : i32
    %dma_start3A_24 = tpu.memref_slice %arg11[%dma_start3A_23] : memref<10240xf32, #tpu.memory_space<vmem_shared>> -> memref<10240xf32, #tpu.memory_space<vmem_shared>>
    tpu.enqueue_indirect_dma source(%dma_start3A_24 : memref<10240xf32, #tpu.memory_space<vmem_shared>>) target(%dma_start3A_19 : memref<128xf32, #tpu.memory_space<vmem>>) offsets(%dma_start3A_22 : memref<128xi32, #tpu.memory_space<vmem>>) semaphore(%arg12 : memref<!tpu.dma_semaphore, #tpu.memory_space<semaphore_mem>>)
    %dma_start3A_25 = arith.constant 1 : i32
    %dma_start3A_26 = arith.constant 1 : i32
    %dma_start3A_27 = arith.constant 0 : i32
    %dma_start3A_28 = tpu.memref_slice %arg9[%dma_start3A_26, %dma_start3A_27] : memref<8x128xf32, #tpu.memory_space<vmem>> -> memref<1x128xf32, #tpu.memory_space<vmem>>
    %dma_start3A_29 = tpu.memref_squeeze %dma_start3A_28 : memref<1x128xf32, #tpu.memory_space<vmem>> -> memref<128xf32, #tpu.memory_space<vmem>>
    %dma_start3A_30 = arith.constant 0 : i32
    %dma_start3A_31 = tpu.memref_slice %arg7[%dma_start3A_25, %dma_start3A_30] : memref<80x128xi32, #tpu.memory_space<vmem>> -> memref<1x128xi32, #tpu.memory_space<vmem>>
    %dma_start3A_32 = tpu.memref_squeeze %dma_start3A_31 : memref<1x128xi32, #tpu.memory_space<vmem>> -> memref<128xi32, #tpu.memory_space<vmem>>
    %dma_start3A_33 = arith.constant 0 : i32
    %dma_start3A_34 = tpu.memref_slice %arg11[%dma_start3A_33] : memref<10240xf32, #tpu.memory_space<vmem_shared>> -> memref<10240xf32, #tpu.memory_space<vmem_shared>>
    tpu.enqueue_indirect_dma source(%dma_start3A_34 : memref<10240xf32, #tpu.memory_space<vmem_shared>>) target(%dma_start3A_29 : memref<128xf32, #tpu.memory_space<vmem>>) offsets(%dma_start3A_32 : memref<128xi32, #tpu.memory_space<vmem>>) semaphore(%arg13 : memref<!tpu.dma_semaphore, #tpu.memory_space<semaphore_mem>>)
    %dma_start3A_35 = arith.constant 2 : i32
    %dma_start3A_36 = arith.constant 2 : i32
    %dma_start3A_37 = arith.constant 0 : i32
    %dma_start3A_38 = tpu.memref_slice %arg9[%dma_start3A_36, %dma_start3A_37] : memref<8x128xf32, #tpu.memory_space<vmem>> -> memref<1x128xf32, #tpu.memory_space<vmem>>
    %dma_start3A_39 = tpu.memref_squeeze %dma_start3A_38 : memref<1x128xf32, #tpu.memory_space<vmem>> -> memref<128xf32, #tpu.memory_space<vmem>>
    %dma_start3A_40 = arith.constant 0 : i32
    %dma_start3A_41 = tpu.memref_slice %arg7[%dma_start3A_35, %dma_start3A_40] : memref<80x128xi32, #tpu.memory_space<vmem>> -> memref<1x128xi32, #tpu.memory_space<vmem>>
    %dma_start3A_42 = tpu.memref_squeeze %dma_start3A_41 : memref<1x128xi32, #tpu.memory_space<vmem>> -> memref<128xi32, #tpu.memory_space<vmem>>
    %dma_start3A_43 = arith.constant 0 : i32
    %dma_start3A_44 = tpu.memref_slice %arg11[%dma_start3A_43] : memref<10240xf32, #tpu.memory_space<vmem_shared>> -> memref<10240xf32, #tpu.memory_space<vmem_shared>>
    tpu.enqueue_indirect_dma source(%dma_start3A_44 : memref<10240xf32, #tpu.memory_space<vmem_shared>>) target(%dma_start3A_39 : memref<128xf32, #tpu.memory_space<vmem>>) offsets(%dma_start3A_42 : memref<128xi32, #tpu.memory_space<vmem>>) semaphore(%arg14 : memref<!tpu.dma_semaphore, #tpu.memory_space<semaphore_mem>>)
    %dma_start3A_45 = arith.constant 3 : i32
    %dma_start3A_46 = arith.constant 3 : i32
    %dma_start3A_47 = arith.constant 0 : i32
    %dma_start3A_48 = tpu.memref_slice %arg9[%dma_start3A_46, %dma_start3A_47] : memref<8x128xf32, #tpu.memory_space<vmem>> -> memref<1x128xf32, #tpu.memory_space<vmem>>
    %dma_start3A_49 = tpu.memref_squeeze %dma_start3A_48 : memref<1x128xf32, #tpu.memory_space<vmem>> -> memref<128xf32, #tpu.memory_space<vmem>>
    %dma_start3A_50 = arith.constant 0 : i32
    %dma_start3A_51 = tpu.memref_slice %arg7[%dma_start3A_45, %dma_start3A_50] : memref<80x128xi32, #tpu.memory_space<vmem>> -> memref<1x128xi32, #tpu.memory_space<vmem>>
    %dma_start3A_52 = tpu.memref_squeeze %dma_start3A_51 : memref<1x128xi32, #tpu.memory_space<vmem>> -> memref<128xi32, #tpu.memory_space<vmem>>
    %dma_start3A_53 = arith.constant 0 : i32
    %dma_start3A_54 = tpu.memref_slice %arg11[%dma_start3A_53] : memref<10240xf32, #tpu.memory_space<vmem_shared>> -> memref<10240xf32, #tpu.memory_space<vmem_shared>>
    tpu.enqueue_indirect_dma source(%dma_start3A_54 : memref<10240xf32, #tpu.memory_space<vmem_shared>>) target(%dma_start3A_49 : memref<128xf32, #tpu.memory_space<vmem>>) offsets(%dma_start3A_52 : memref<128xi32, #tpu.memory_space<vmem>>) semaphore(%arg15 : memref<!tpu.dma_semaphore, #tpu.memory_space<semaphore_mem>>)
    %dma_start3A_55 = arith.constant 4 : i32
    %dma_start3A_56 = arith.constant 4 : i32
    %dma_start3A_57 = arith.constant 0 : i32
    %dma_start3A_58 = tpu.memref_slice %arg9[%dma_start3A_56, %dma_start3A_57] : memref<8x128xf32, #tpu.memory_space<vmem>> -> memref<1x128xf32, #tpu.memory_space<vmem>>
    %dma_start3A_59 = tpu.memref_squeeze %dma_start3A_58 : memref<1x128xf32, #tpu.memory_space<vmem>> -> memref<128xf32, #tpu.memory_space<vmem>>
    %dma_start3A_60 = arith.constant 0 : i32
    %dma_start3A_61 = tpu.memref_slice %arg7[%dma_start3A_55, %dma_start3A_60] : memref<80x128xi32, #tpu.memory_space<vmem>> -> memref<1x128xi32, #tpu.memory_space<vmem>>
    %dma_start3A_62 = tpu.memref_squeeze %dma_start3A_61 : memref<1x128xi32, #tpu.memory_space<vmem>> -> memref<128xi32, #tpu.memory_space<vmem>>
    %dma_start3A_63 = arith.constant 0 : i32
    %dma_start3A_64 = tpu.memref_slice %arg11[%dma_start3A_63] : memref<10240xf32, #tpu.memory_space<vmem_shared>> -> memref<10240xf32, #tpu.memory_space<vmem_shared>>
    tpu.enqueue_indirect_dma source(%dma_start3A_64 : memref<10240xf32, #tpu.memory_space<vmem_shared>>) target(%dma_start3A_59 : memref<128xf32, #tpu.memory_space<vmem>>) offsets(%dma_start3A_62 : memref<128xi32, #tpu.memory_space<vmem>>) semaphore(%arg16 : memref<!tpu.dma_semaphore, #tpu.memory_space<semaphore_mem>>)
    %dma_start3A_65 = arith.constant 5 : i32
    %dma_start3A_66 = arith.constant 5 : i32
    %dma_start3A_67 = arith.constant 0 : i32
    %dma_start3A_68 = tpu.memref_slice %arg9[%dma_start3A_66, %dma_start3A_67] : memref<8x128xf32, #tpu.memory_space<vmem>> -> memref<1x128xf32, #tpu.memory_space<vmem>>
    %dma_start3A_69 = tpu.memref_squeeze %dma_start3A_68 : memref<1x128xf32, #tpu.memory_space<vmem>> -> memref<128xf32, #tpu.memory_space<vmem>>
    %dma_start3A_70 = arith.constant 0 : i32
    %dma_start3A_71 = tpu.memref_slice %arg7[%dma_start3A_65, %dma_start3A_70] : memref<80x128xi32, #tpu.memory_space<vmem>> -> memref<1x128xi32, #tpu.memory_space<vmem>>
    %dma_start3A_72 = tpu.memref_squeeze %dma_start3A_71 : memref<1x128xi32, #tpu.memory_space<vmem>> -> memref<128xi32, #tpu.memory_space<vmem>>
    %dma_start3A_73 = arith.constant 0 : i32
    %dma_start3A_74 = tpu.memref_slice %arg11[%dma_start3A_73] : memref<10240xf32, #tpu.memory_space<vmem_shared>> -> memref<10240xf32, #tpu.memory_space<vmem_shared>>
    tpu.enqueue_indirect_dma source(%dma_start3A_74 : memref<10240xf32, #tpu.memory_space<vmem_shared>>) target(%dma_start3A_69 : memref<128xf32, #tpu.memory_space<vmem>>) offsets(%dma_start3A_72 : memref<128xi32, #tpu.memory_space<vmem>>) semaphore(%arg17 : memref<!tpu.dma_semaphore, #tpu.memory_space<semaphore_mem>>)
    %dma_wait3A = arith.constant 0 : i32
    %dma_wait3A_75 = arith.constant 0 : i32
    %dma_wait3A_76 = arith.constant 0 : i32
    %dma_wait3A_77 = tpu.memref_slice %arg9[%dma_wait3A_75, %dma_wait3A_76] : memref<8x128xf32, #tpu.memory_space<vmem>> -> memref<1x128xf32, #tpu.memory_space<vmem>>
    %dma_wait3A_78 = tpu.memref_squeeze %dma_wait3A_77 : memref<1x128xf32, #tpu.memory_space<vmem>> -> memref<128xf32, #tpu.memory_space<vmem>>
    %dma_wait3A_79 = arith.constant 0 : i32
    %dma_wait3A_80 = tpu.memref_slice %arg7[%dma_wait3A, %dma_wait3A_79] : memref<80x128xi32, #tpu.memory_space<vmem>> -> memref<1x128xi32, #tpu.memory_space<vmem>>
    %dma_wait3A_81 = tpu.memref_squeeze %dma_wait3A_80 : memref<1x128xi32, #tpu.memory_space<vmem>> -> memref<128xi32, #tpu.memory_space<vmem>>
    %dma_wait3A_82 = arith.constant 0 : i32
    %dma_wait3A_83 = tpu.memref_slice %arg11[%dma_wait3A_82] : memref<10240xf32, #tpu.memory_space<vmem_shared>> -> memref<10240xf32, #tpu.memory_space<vmem_shared>>
    tpu.wait_indirect_dma semaphore(%arg12 : memref<!tpu.dma_semaphore, #tpu.memory_space<semaphore_mem>>) src(%dma_wait3A_83 : memref<10240xf32, #tpu.memory_space<vmem_shared>>) dst(%dma_wait3A_78 : memref<128xf32, #tpu.memory_space<vmem>>)
    %dma_start3A_84 = arith.constant 0 : i32
    %dma_start3A_85 = arith.constant 0 : i32
    %dma_start3A_86 = arith.constant 0 : i32
    %dma_start3A_87 = tpu.memref_slice %arg9[%dma_start3A_84, %dma_start3A_86] : memref<8x128xf32, #tpu.memory_space<vmem>> -> memref<1x128xf32, #tpu.memory_space<vmem>>
    %dma_start3A_88 = tpu.memref_squeeze %dma_start3A_87 : memref<1x128xf32, #tpu.memory_space<vmem>> -> memref<128xf32, #tpu.memory_space<vmem>>
    %dma_start3A_89 = arith.constant 0 : i32
    %dma_start3A_90 = tpu.memref_slice %arg8[%dma_start3A_85, %dma_start3A_89] : memref<80x128xi32, #tpu.memory_space<vmem>> -> memref<1x128xi32, #tpu.memory_space<vmem>>
    %dma_start3A_91 = tpu.memref_squeeze %dma_start3A_90 : memref<1x128xi32, #tpu.memory_space<vmem>> -> memref<128xi32, #tpu.memory_space<vmem>>
    %dma_start3A_92 = arith.constant 0 : i32
    %dma_start3A_93 = tpu.memref_slice %arg10[%dma_start3A_92] : memref<10240xf32, #tpu.memory_space<vmem_shared>> -> memref<10240xf32, #tpu.memory_space<vmem_shared>>
    tpu.enqueue_indirect_dma source(%dma_start3A_88 : memref<128xf32, #tpu.memory_space<vmem>>) target(%dma_start3A_93 : memref<10240xf32, #tpu.memory_space<vmem_shared>>) offsets(%dma_start3A_91 : memref<128xi32, #tpu.memory_space<vmem>>) semaphore(%arg20 : memref<!tpu.dma_semaphore, #tpu.memory_space<semaphore_mem>>) {add = true}
    %dma_start3A_94 = arith.constant 6 : i32
    %dma_start3A_95 = arith.constant 6 : i32
    %dma_start3A_96 = arith.constant 0 : i32
    %dma_start3A_97 = tpu.memref_slice %arg9[%dma_start3A_95, %dma_start3A_96] : memref<8x128xf32, #tpu.memory_space<vmem>> -> memref<1x128xf32, #tpu.memory_space<vmem>>
    %dma_start3A_98 = tpu.memref_squeeze %dma_start3A_97 : memref<1x128xf32, #tpu.memory_space<vmem>> -> memref<128xf32, #tpu.memory_space<vmem>>
    %dma_start3A_99 = arith.constant 0 : i32
    %dma_start3A_100 = tpu.memref_slice %arg7[%dma_start3A_94, %dma_start3A_99] : memref<80x128xi32, #tpu.memory_space<vmem>> -> memref<1x128xi32, #tpu.memory_space<vmem>>
    %dma_start3A_101 = tpu.memref_squeeze %dma_start3A_100 : memref<1x128xi32, #tpu.memory_space<vmem>> -> memref<128xi32, #tpu.memory_space<vmem>>
    %dma_start3A_102 = arith.constant 0 : i32
    %dma_start3A_103 = tpu.memref_slice %arg11[%dma_start3A_102] : memref<10240xf32, #tpu.memory_space<vmem_shared>> -> memref<10240xf32, #tpu.memory_space<vmem_shared>>
    tpu.enqueue_indirect_dma source(%dma_start3A_103 : memref<10240xf32, #tpu.memory_space<vmem_shared>>) target(%dma_start3A_98 : memref<128xf32, #tpu.memory_space<vmem>>) offsets(%dma_start3A_101 : memref<128xi32, #tpu.memory_space<vmem>>) semaphore(%arg18 : memref<!tpu.dma_semaphore, #tpu.memory_space<semaphore_mem>>)
    %dma_wait3A_104 = arith.constant 1 : i32
    %dma_wait3A_105 = arith.constant 1 : i32
    %dma_wait3A_106 = arith.constant 0 : i32
    %dma_wait3A_107 = tpu.memref_slice %arg9[%dma_wait3A_105, %dma_wait3A_106] : memref<8x128xf32, #tpu.memory_space<vmem>> -> memref<1x128xf32, #tpu.memory_space<vmem>>
    %dma_wait3A_108 = tpu.memref_squeeze %dma_wait3A_107 : memref<1x128xf32, #tpu.memory_space<vmem>> -> memref<128xf32, #tpu.memory_space<vmem>>
    %dma_wait3A_109 = arith.constant 0 : i32
    %dma_wait3A_110 = tpu.memref_slice %arg7[%dma_wait3A_104, %dma_wait3A_109] : memref<80x128xi32, #tpu.memory_space<vmem>> -> memref<1x128xi32, #tpu.memory_space<vmem>>
    %dma_wait3A_111 = tpu.memref_squeeze %dma_wait3A_110 : memref<1x128xi32, #tpu.memory_space<vmem>> -> memref<128xi32, #tpu.memory_space<vmem>>
    %dma_wait3A_112 = arith.constant 0 : i32
    %dma_wait3A_113 = tpu.memref_slice %arg11[%dma_wait3A_112] : memref<10240xf32, #tpu.memory_space<vmem_shared>> -> memref<10240xf32, #tpu.memory_space<vmem_shared>>
    tpu.wait_indirect_dma semaphore(%arg13 : memref<!tpu.dma_semaphore, #tpu.memory_space<semaphore_mem>>) src(%dma_wait3A_113 : memref<10240xf32, #tpu.memory_space<vmem_shared>>) dst(%dma_wait3A_108 : memref<128xf32, #tpu.memory_space<vmem>>)
    %dma_start3A_114 = arith.constant 1 : i32
    %dma_start3A_115 = arith.constant 1 : i32
    %dma_start3A_116 = arith.constant 0 : i32
    %dma_start3A_117 = tpu.memref_slice %arg9[%dma_start3A_114, %dma_start3A_116] : memref<8x128xf32, #tpu.memory_space<vmem>> -> memref<1x128xf32, #tpu.memory_space<vmem>>
    %dma_start3A_118 = tpu.memref_squeeze %dma_start3A_117 : memref<1x128xf32, #tpu.memory_space<vmem>> -> memref<128xf32, #tpu.memory_space<vmem>>
    %dma_start3A_119 = arith.constant 0 : i32
    %dma_start3A_120 = tpu.memref_slice %arg8[%dma_start3A_115, %dma_start3A_119] : memref<80x128xi32, #tpu.memory_space<vmem>> -> memref<1x128xi32, #tpu.memory_space<vmem>>
    %dma_start3A_121 = tpu.memref_squeeze %dma_start3A_120 : memref<1x128xi32, #tpu.memory_space<vmem>> -> memref<128xi32, #tpu.memory_space<vmem>>
    %dma_start3A_122 = arith.constant 0 : i32
    %dma_start3A_123 = tpu.memref_slice %arg10[%dma_start3A_122] : memref<10240xf32, #tpu.memory_space<vmem_shared>> -> memref<10240xf32, #tpu.memory_space<vmem_shared>>
    tpu.enqueue_indirect_dma source(%dma_start3A_118 : memref<128xf32, #tpu.memory_space<vmem>>) target(%dma_start3A_123 : memref<10240xf32, #tpu.memory_space<vmem_shared>>) offsets(%dma_start3A_121 : memref<128xi32, #tpu.memory_space<vmem>>) semaphore(%arg21 : memref<!tpu.dma_semaphore, #tpu.memory_space<semaphore_mem>>) {add = true}
    %dma_start3A_124 = arith.constant 7 : i32
    %dma_start3A_125 = arith.constant 7 : i32
    %dma_start3A_126 = arith.constant 0 : i32
    %dma_start3A_127 = tpu.memref_slice %arg9[%dma_start3A_125, %dma_start3A_126] : memref<8x128xf32, #tpu.memory_space<vmem>> -> memref<1x128xf32, #tpu.memory_space<vmem>>
    %dma_start3A_128 = tpu.memref_squeeze %dma_start3A_127 : memref<1x128xf32, #tpu.memory_space<vmem>> -> memref<128xf32, #tpu.memory_space<vmem>>
    %dma_start3A_129 = arith.constant 0 : i32
    %dma_start3A_130 = tpu.memref_slice %arg7[%dma_start3A_124, %dma_start3A_129] : memref<80x128xi32, #tpu.memory_space<vmem>> -> memref<1x128xi32, #tpu.memory_space<vmem>>
    %dma_start3A_131 = tpu.memref_squeeze %dma_start3A_130 : memref<1x128xi32, #tpu.memory_space<vmem>> -> memref<128xi32, #tpu.memory_space<vmem>>
    %dma_start3A_132 = arith.constant 0 : i32
    %dma_start3A_133 = tpu.memref_slice %arg11[%dma_start3A_132] : memref<10240xf32, #tpu.memory_space<vmem_shared>> -> memref<10240xf32, #tpu.memory_space<vmem_shared>>
    tpu.enqueue_indirect_dma source(%dma_start3A_133 : memref<10240xf32, #tpu.memory_space<vmem_shared>>) target(%dma_start3A_128 : memref<128xf32, #tpu.memory_space<vmem>>) offsets(%dma_start3A_131 : memref<128xi32, #tpu.memory_space<vmem>>) semaphore(%arg19 : memref<!tpu.dma_semaphore, #tpu.memory_space<semaphore_mem>>)
    %dma_wait3A_134 = arith.constant 2 : i32
    %dma_wait3A_135 = arith.constant 2 : i32
    %dma_wait3A_136 = arith.constant 0 : i32
    %dma_wait3A_137 = tpu.memref_slice %arg9[%dma_wait3A_135, %dma_wait3A_136] : memref<8x128xf32, #tpu.memory_space<vmem>> -> memref<1x128xf32, #tpu.memory_space<vmem>>
    %dma_wait3A_138 = tpu.memref_squeeze %dma_wait3A_137 : memref<1x128xf32, #tpu.memory_space<vmem>> -> memref<128xf32, #tpu.memory_space<vmem>>
    %dma_wait3A_139 = arith.constant 0 : i32
    %dma_wait3A_140 = tpu.memref_slice %arg7[%dma_wait3A_134, %dma_wait3A_139] : memref<80x128xi32, #tpu.memory_space<vmem>> -> memref<1x128xi32, #tpu.memory_space<vmem>>
    %dma_wait3A_141 = tpu.memref_squeeze %dma_wait3A_140 : memref<1x128xi32, #tpu.memory_space<vmem>> -> memref<128xi32, #tpu.memory_space<vmem>>
    %dma_wait3A_142 = arith.constant 0 : i32
    %dma_wait3A_143 = tpu.memref_slice %arg11[%dma_wait3A_142] : memref<10240xf32, #tpu.memory_space<vmem_shared>> -> memref<10240xf32, #tpu.memory_space<vmem_shared>>
    tpu.wait_indirect_dma semaphore(%arg14 : memref<!tpu.dma_semaphore, #tpu.memory_space<semaphore_mem>>) src(%dma_wait3A_143 : memref<10240xf32, #tpu.memory_space<vmem_shared>>) dst(%dma_wait3A_138 : memref<128xf32, #tpu.memory_space<vmem>>)
    %dma_start3A_144 = arith.constant 2 : i32
    %dma_start3A_145 = arith.constant 2 : i32
    %dma_start3A_146 = arith.constant 0 : i32
    %dma_start3A_147 = tpu.memref_slice %arg9[%dma_start3A_144, %dma_start3A_146] : memref<8x128xf32, #tpu.memory_space<vmem>> -> memref<1x128xf32, #tpu.memory_space<vmem>>
    %dma_start3A_148 = tpu.memref_squeeze %dma_start3A_147 : memref<1x128xf32, #tpu.memory_space<vmem>> -> memref<128xf32, #tpu.memory_space<vmem>>
    %dma_start3A_149 = arith.constant 0 : i32
    %dma_start3A_150 = tpu.memref_slice %arg8[%dma_start3A_145, %dma_start3A_149] : memref<80x128xi32, #tpu.memory_space<vmem>> -> memref<1x128xi32, #tpu.memory_space<vmem>>
    %dma_start3A_151 = tpu.memref_squeeze %dma_start3A_150 : memref<1x128xi32, #tpu.memory_space<vmem>> -> memref<128xi32, #tpu.memory_space<vmem>>
    %dma_start3A_152 = arith.constant 0 : i32
    %dma_start3A_153 = tpu.memref_slice %arg10[%dma_start3A_152] : memref<10240xf32, #tpu.memory_space<vmem_shared>> -> memref<10240xf32, #tpu.memory_space<vmem_shared>>
    tpu.enqueue_indirect_dma source(%dma_start3A_148 : memref<128xf32, #tpu.memory_space<vmem>>) target(%dma_start3A_153 : memref<10240xf32, #tpu.memory_space<vmem_shared>>) offsets(%dma_start3A_151 : memref<128xi32, #tpu.memory_space<vmem>>) semaphore(%arg22 : memref<!tpu.dma_semaphore, #tpu.memory_space<semaphore_mem>>) {add = true}
    %dma_wait3A_154 = arith.constant 0 : i32
    %dma_wait3A_155 = arith.constant 0 : i32
    %dma_wait3A_156 = arith.constant 0 : i32
    %dma_wait3A_157 = tpu.memref_slice %arg9[%dma_wait3A_154, %dma_wait3A_156] : memref<8x128xf32, #tpu.memory_space<vmem>> -> memref<1x128xf32, #tpu.memory_space<vmem>>
    %dma_wait3A_158 = tpu.memref_squeeze %dma_wait3A_157 : memref<1x128xf32, #tpu.memory_space<vmem>> -> memref<128xf32, #tpu.memory_space<vmem>>
    %dma_wait3A_159 = arith.constant 0 : i32
    %dma_wait3A_160 = tpu.memref_slice %arg8[%dma_wait3A_155, %dma_wait3A_159] : memref<80x128xi32, #tpu.memory_space<vmem>> -> memref<1x128xi32, #tpu.memory_space<vmem>>
    %dma_wait3A_161 = tpu.memref_squeeze %dma_wait3A_160 : memref<1x128xi32, #tpu.memory_space<vmem>> -> memref<128xi32, #tpu.memory_space<vmem>>
    %dma_wait3A_162 = arith.constant 0 : i32
    %dma_wait3A_163 = tpu.memref_slice %arg10[%dma_wait3A_162] : memref<10240xf32, #tpu.memory_space<vmem_shared>> -> memref<10240xf32, #tpu.memory_space<vmem_shared>>
    tpu.wait_indirect_dma semaphore(%arg20 : memref<!tpu.dma_semaphore, #tpu.memory_space<semaphore_mem>>) src(%dma_wait3A_158 : memref<128xf32, #tpu.memory_space<vmem>>) dst(%dma_wait3A_163 : memref<10240xf32, #tpu.memory_space<vmem_shared>>)
    %dma_start3A_164 = arith.constant 8 : i32
    %dma_start3A_165 = arith.constant 0 : i32
    %dma_start3A_166 = arith.constant 0 : i32
    %dma_start3A_167 = tpu.memref_slice %arg9[%dma_start3A_165, %dma_start3A_166] : memref<8x128xf32, #tpu.memory_space<vmem>> -> memref<1x128xf32, #tpu.memory_space<vmem>>
    %dma_start3A_168 = tpu.memref_squeeze %dma_start3A_167 : memref<1x128xf32, #tpu.memory_space<vmem>> -> memref<128xf32, #tpu.memory_space<vmem>>
    %dma_start3A_169 = arith.constant 0 : i32
    %dma_start3A_170 = tpu.memref_slice %arg7[%dma_start3A_164, %dma_start3A_169] : memref<80x128xi32, #tpu.memory_space<vmem>> -> memref<1x128xi32, #tpu.memory_space<vmem>>
    %dma_start3A_171 = tpu.memref_squeeze %dma_start3A_170 : memref<1x128xi32, #tpu.memory_space<vmem>> -> memref<128xi32, #tpu.memory_space<vmem>>
    %dma_start3A_172 = arith.constant 0 : i32
    %dma_start3A_173 = tpu.memref_slice %arg11[%dma_start3A_172] : memref<10240xf32, #tpu.memory_space<vmem_shared>> -> memref<10240xf32, #tpu.memory_space<vmem_shared>>
    tpu.enqueue_indirect_dma source(%dma_start3A_173 : memref<10240xf32, #tpu.memory_space<vmem_shared>>) target(%dma_start3A_168 : memref<128xf32, #tpu.memory_space<vmem>>) offsets(%dma_start3A_171 : memref<128xi32, #tpu.memory_space<vmem>>) semaphore(%arg12 : memref<!tpu.dma_semaphore, #tpu.memory_space<semaphore_mem>>)
    %dma_wait3A_174 = arith.constant 3 : i32
    %dma_wait3A_175 = arith.constant 3 : i32
    %dma_wait3A_176 = arith.constant 0 : i32
    %dma_wait3A_177 = tpu.memref_slice %arg9[%dma_wait3A_175, %dma_wait3A_176] : memref<8x128xf32, #tpu.memory_space<vmem>> -> memref<1x128xf32, #tpu.memory_space<vmem>>
    %dma_wait3A_178 = tpu.memref_squeeze %dma_wait3A_177 : memref<1x128xf32, #tpu.memory_space<vmem>> -> memref<128xf32, #tpu.memory_space<vmem>>
    %dma_wait3A_179 = arith.constant 0 : i32
    %dma_wait3A_180 = tpu.memref_slice %arg7[%dma_wait3A_174, %dma_wait3A_179] : memref<80x128xi32, #tpu.memory_space<vmem>> -> memref<1x128xi32, #tpu.memory_space<vmem>>
    %dma_wait3A_181 = tpu.memref_squeeze %dma_wait3A_180 : memref<1x128xi32, #tpu.memory_space<vmem>> -> memref<128xi32, #tpu.memory_space<vmem>>
    %dma_wait3A_182 = arith.constant 0 : i32
    %dma_wait3A_183 = tpu.memref_slice %arg11[%dma_wait3A_182] : memref<10240xf32, #tpu.memory_space<vmem_shared>> -> memref<10240xf32, #tpu.memory_space<vmem_shared>>
    tpu.wait_indirect_dma semaphore(%arg15 : memref<!tpu.dma_semaphore, #tpu.memory_space<semaphore_mem>>) src(%dma_wait3A_183 : memref<10240xf32, #tpu.memory_space<vmem_shared>>) dst(%dma_wait3A_178 : memref<128xf32, #tpu.memory_space<vmem>>)
    %dma_start3A_184 = arith.constant 3 : i32
    %dma_start3A_185 = arith.constant 3 : i32
    %dma_start3A_186 = arith.constant 0 : i32
    %dma_start3A_187 = tpu.memref_slice %arg9[%dma_start3A_184, %dma_start3A_186] : memref<8x128xf32, #tpu.memory_space<vmem>> -> memref<1x128xf32, #tpu.memory_space<vmem>>
    %dma_start3A_188 = tpu.memref_squeeze %dma_start3A_187 : memref<1x128xf32, #tpu.memory_space<vmem>> -> memref<128xf32, #tpu.memory_space<vmem>>
    %dma_start3A_189 = arith.constant 0 : i32
    %dma_start3A_190 = tpu.memref_slice %arg8[%dma_start3A_185, %dma_start3A_189] : memref<80x128xi32, #tpu.memory_space<vmem>> -> memref<1x128xi32, #tpu.memory_space<vmem>>
    %dma_start3A_191 = tpu.memref_squeeze %dma_start3A_190 : memref<1x128xi32, #tpu.memory_space<vmem>> -> memref<128xi32, #tpu.memory_space<vmem>>
    %dma_start3A_192 = arith.constant 0 : i32
    %dma_start3A_193 = tpu.memref_slice %arg10[%dma_start3A_192] : memref<10240xf32, #tpu.memory_space<vmem_shared>> -> memref<10240xf32, #tpu.memory_space<vmem_shared>>
    tpu.enqueue_indirect_dma source(%dma_start3A_188 : memref<128xf32, #tpu.memory_space<vmem>>) target(%dma_start3A_193 : memref<10240xf32, #tpu.memory_space<vmem_shared>>) offsets(%dma_start3A_191 : memref<128xi32, #tpu.memory_space<vmem>>) semaphore(%arg23 : memref<!tpu.dma_semaphore, #tpu.memory_space<semaphore_mem>>) {add = true}
    %dma_wait3A_194 = arith.constant 1 : i32
    %dma_wait3A_195 = arith.constant 1 : i32
    %dma_wait3A_196 = arith.constant 0 : i32
    %dma_wait3A_197 = tpu.memref_slice %arg9[%dma_wait3A_194, %dma_wait3A_196] : memref<8x128xf32, #tpu.memory_space<vmem>> -> memref<1x128xf32, #tpu.memory_space<vmem>>
    %dma_wait3A_198 = tpu.memref_squeeze %dma_wait3A_197 : memref<1x128xf32, #tpu.memory_space<vmem>> -> memref<128xf32, #tpu.memory_space<vmem>>
    %dma_wait3A_199 = arith.constant 0 : i32
    %dma_wait3A_200 = tpu.memref_slice %arg8[%dma_wait3A_195, %dma_wait3A_199] : memref<80x128xi32, #tpu.memory_space<vmem>> -> memref<1x128xi32, #tpu.memory_space<vmem>>
    %dma_wait3A_201 = tpu.memref_squeeze %dma_wait3A_200 : memref<1x128xi32, #tpu.memory_space<vmem>> -> memref<128xi32, #tpu.memory_space<vmem>>
    %dma_wait3A_202 = arith.constant 0 : i32
    %dma_wait3A_203 = tpu.memref_slice %arg10[%dma_wait3A_202] : memref<10240xf32, #tpu.memory_space<vmem_shared>> -> memref<10240xf32, #tpu.memory_space<vmem_shared>>
    tpu.wait_indirect_dma semaphore(%arg21 : memref<!tpu.dma_semaphore, #tpu.memory_space<semaphore_mem>>) src(%dma_wait3A_198 : memref<128xf32, #tpu.memory_space<vmem>>) dst(%dma_wait3A_203 : memref<10240xf32, #tpu.memory_space<vmem_shared>>)
    %dma_start3A_204 = arith.constant 9 : i32
    %dma_start3A_205 = arith.constant 1 : i32
    %dma_start3A_206 = arith.constant 0 : i32
    %dma_start3A_207 = tpu.memref_slice %arg9[%dma_start3A_205, %dma_start3A_206] : memref<8x128xf32, #tpu.memory_space<vmem>> -> memref<1x128xf32, #tpu.memory_space<vmem>>
    %dma_start3A_208 = tpu.memref_squeeze %dma_start3A_207 : memref<1x128xf32, #tpu.memory_space<vmem>> -> memref<128xf32, #tpu.memory_space<vmem>>
    %dma_start3A_209 = arith.constant 0 : i32
    %dma_start3A_210 = tpu.memref_slice %arg7[%dma_start3A_204, %dma_start3A_209] : memref<80x128xi32, #tpu.memory_space<vmem>> -> memref<1x128xi32, #tpu.memory_space<vmem>>
    %dma_start3A_211 = tpu.memref_squeeze %dma_start3A_210 : memref<1x128xi32, #tpu.memory_space<vmem>> -> memref<128xi32, #tpu.memory_space<vmem>>
    %dma_start3A_212 = arith.constant 0 : i32
    %dma_start3A_213 = tpu.memref_slice %arg11[%dma_start3A_212] : memref<10240xf32, #tpu.memory_space<vmem_shared>> -> memref<10240xf32, #tpu.memory_space<vmem_shared>>
    tpu.enqueue_indirect_dma source(%dma_start3A_213 : memref<10240xf32, #tpu.memory_space<vmem_shared>>) target(%dma_start3A_208 : memref<128xf32, #tpu.memory_space<vmem>>) offsets(%dma_start3A_211 : memref<128xi32, #tpu.memory_space<vmem>>) semaphore(%arg13 : memref<!tpu.dma_semaphore, #tpu.memory_space<semaphore_mem>>)
    %dma_wait3A_214 = arith.constant 4 : i32
    %dma_wait3A_215 = arith.constant 4 : i32
    %dma_wait3A_216 = arith.constant 0 : i32
    %dma_wait3A_217 = tpu.memref_slice %arg9[%dma_wait3A_215, %dma_wait3A_216] : memref<8x128xf32, #tpu.memory_space<vmem>> -> memref<1x128xf32, #tpu.memory_space<vmem>>
    %dma_wait3A_218 = tpu.memref_squeeze %dma_wait3A_217 : memref<1x128xf32, #tpu.memory_space<vmem>> -> memref<128xf32, #tpu.memory_space<vmem>>
    %dma_wait3A_219 = arith.constant 0 : i32
    %dma_wait3A_220 = tpu.memref_slice %arg7[%dma_wait3A_214, %dma_wait3A_219] : memref<80x128xi32, #tpu.memory_space<vmem>> -> memref<1x128xi32, #tpu.memory_space<vmem>>
    %dma_wait3A_221 = tpu.memref_squeeze %dma_wait3A_220 : memref<1x128xi32, #tpu.memory_space<vmem>> -> memref<128xi32, #tpu.memory_space<vmem>>
    %dma_wait3A_222 = arith.constant 0 : i32
    %dma_wait3A_223 = tpu.memref_slice %arg11[%dma_wait3A_222] : memref<10240xf32, #tpu.memory_space<vmem_shared>> -> memref<10240xf32, #tpu.memory_space<vmem_shared>>
    tpu.wait_indirect_dma semaphore(%arg16 : memref<!tpu.dma_semaphore, #tpu.memory_space<semaphore_mem>>) src(%dma_wait3A_223 : memref<10240xf32, #tpu.memory_space<vmem_shared>>) dst(%dma_wait3A_218 : memref<128xf32, #tpu.memory_space<vmem>>)
    %dma_start3A_224 = arith.constant 4 : i32
    %dma_start3A_225 = arith.constant 4 : i32
    %dma_start3A_226 = arith.constant 0 : i32
    %dma_start3A_227 = tpu.memref_slice %arg9[%dma_start3A_224, %dma_start3A_226] : memref<8x128xf32, #tpu.memory_space<vmem>> -> memref<1x128xf32, #tpu.memory_space<vmem>>
    %dma_start3A_228 = tpu.memref_squeeze %dma_start3A_227 : memref<1x128xf32, #tpu.memory_space<vmem>> -> memref<128xf32, #tpu.memory_space<vmem>>
    %dma_start3A_229 = arith.constant 0 : i32
    %dma_start3A_230 = tpu.memref_slice %arg8[%dma_start3A_225, %dma_start3A_229] : memref<80x128xi32, #tpu.memory_space<vmem>> -> memref<1x128xi32, #tpu.memory_space<vmem>>
    %dma_start3A_231 = tpu.memref_squeeze %dma_start3A_230 : memref<1x128xi32, #tpu.memory_space<vmem>> -> memref<128xi32, #tpu.memory_space<vmem>>
    %dma_start3A_232 = arith.constant 0 : i32
    %dma_start3A_233 = tpu.memref_slice %arg10[%dma_start3A_232] : memref<10240xf32, #tpu.memory_space<vmem_shared>> -> memref<10240xf32, #tpu.memory_space<vmem_shared>>
    tpu.enqueue_indirect_dma source(%dma_start3A_228 : memref<128xf32, #tpu.memory_space<vmem>>) target(%dma_start3A_233 : memref<10240xf32, #tpu.memory_space<vmem_shared>>) offsets(%dma_start3A_231 : memref<128xi32, #tpu.memory_space<vmem>>) semaphore(%arg24 : memref<!tpu.dma_semaphore, #tpu.memory_space<semaphore_mem>>) {add = true}
    %dma_wait3A_234 = arith.constant 2 : i32
    %dma_wait3A_235 = arith.constant 2 : i32
    %dma_wait3A_236 = arith.constant 0 : i32
    %dma_wait3A_237 = tpu.memref_slice %arg9[%dma_wait3A_234, %dma_wait3A_236] : memref<8x128xf32, #tpu.memory_space<vmem>> -> memref<1x128xf32, #tpu.memory_space<vmem>>
    %dma_wait3A_238 = tpu.memref_squeeze %dma_wait3A_237 : memref<1x128xf32, #tpu.memory_space<vmem>> -> memref<128xf32, #tpu.memory_space<vmem>>
    %dma_wait3A_239 = arith.constant 0 : i32
    %dma_wait3A_240 = tpu.memref_slice %arg8[%dma_wait3A_235, %dma_wait3A_239] : memref<80x128xi32, #tpu.memory_space<vmem>> -> memref<1x128xi32, #tpu.memory_space<vmem>>
    %dma_wait3A_241 = tpu.memref_squeeze %dma_wait3A_240 : memref<1x128xi32, #tpu.memory_space<vmem>> -> memref<128xi32, #tpu.memory_space<vmem>>
    %dma_wait3A_242 = arith.constant 0 : i32
    %dma_wait3A_243 = tpu.memref_slice %arg10[%dma_wait3A_242] : memref<10240xf32, #tpu.memory_space<vmem_shared>> -> memref<10240xf32, #tpu.memory_space<vmem_shared>>
    tpu.wait_indirect_dma semaphore(%arg22 : memref<!tpu.dma_semaphore, #tpu.memory_space<semaphore_mem>>) src(%dma_wait3A_238 : memref<128xf32, #tpu.memory_space<vmem>>) dst(%dma_wait3A_243 : memref<10240xf32, #tpu.memory_space<vmem_shared>>)
    %dma_start3A_244 = arith.constant 10 : i32
    %dma_start3A_245 = arith.constant 2 : i32
    %dma_start3A_246 = arith.constant 0 : i32
    %dma_start3A_247 = tpu.memref_slice %arg9[%dma_start3A_245, %dma_start3A_246] : memref<8x128xf32, #tpu.memory_space<vmem>> -> memref<1x128xf32, #tpu.memory_space<vmem>>
    %dma_start3A_248 = tpu.memref_squeeze %dma_start3A_247 : memref<1x128xf32, #tpu.memory_space<vmem>> -> memref<128xf32, #tpu.memory_space<vmem>>
    %dma_start3A_249 = arith.constant 0 : i32
    %dma_start3A_250 = tpu.memref_slice %arg7[%dma_start3A_244, %dma_start3A_249] : memref<80x128xi32, #tpu.memory_space<vmem>> -> memref<1x128xi32, #tpu.memory_space<vmem>>
    %dma_start3A_251 = tpu.memref_squeeze %dma_start3A_250 : memref<1x128xi32, #tpu.memory_space<vmem>> -> memref<128xi32, #tpu.memory_space<vmem>>
    %dma_start3A_252 = arith.constant 0 : i32
    %dma_start3A_253 = tpu.memref_slice %arg11[%dma_start3A_252] : memref<10240xf32, #tpu.memory_space<vmem_shared>> -> memref<10240xf32, #tpu.memory_space<vmem_shared>>
    tpu.enqueue_indirect_dma source(%dma_start3A_253 : memref<10240xf32, #tpu.memory_space<vmem_shared>>) target(%dma_start3A_248 : memref<128xf32, #tpu.memory_space<vmem>>) offsets(%dma_start3A_251 : memref<128xi32, #tpu.memory_space<vmem>>) semaphore(%arg14 : memref<!tpu.dma_semaphore, #tpu.memory_space<semaphore_mem>>)
    %dma_wait3A_254 = arith.constant 5 : i32
    %dma_wait3A_255 = arith.constant 5 : i32
    %dma_wait3A_256 = arith.constant 0 : i32
    %dma_wait3A_257 = tpu.memref_slice %arg9[%dma_wait3A_255, %dma_wait3A_256] : memref<8x128xf32, #tpu.memory_space<vmem>> -> memref<1x128xf32, #tpu.memory_space<vmem>>
    %dma_wait3A_258 = tpu.memref_squeeze %dma_wait3A_257 : memref<1x128xf32, #tpu.memory_space<vmem>> -> memref<128xf32, #tpu.memory_space<vmem>>
    %dma_wait3A_259 = arith.constant 0 : i32
    %dma_wait3A_260 = tpu.memref_slice %arg7[%dma_wait3A_254, %dma_wait3A_259] : memref<80x128xi32, #tpu.memory_space<vmem>> -> memref<1x128xi32, #tpu.memory_space<vmem>>
    %dma_wait3A_261 = tpu.memref_squeeze %dma_wait3A_260 : memref<1x128xi32, #tpu.memory_space<vmem>> -> memref<128xi32, #tpu.memory_space<vmem>>
    %dma_wait3A_262 = arith.constant 0 : i32
    %dma_wait3A_263 = tpu.memref_slice %arg11[%dma_wait3A_262] : memref<10240xf32, #tpu.memory_space<vmem_shared>> -> memref<10240xf32, #tpu.memory_space<vmem_shared>>
    tpu.wait_indirect_dma semaphore(%arg17 : memref<!tpu.dma_semaphore, #tpu.memory_space<semaphore_mem>>) src(%dma_wait3A_263 : memref<10240xf32, #tpu.memory_space<vmem_shared>>) dst(%dma_wait3A_258 : memref<128xf32, #tpu.memory_space<vmem>>)
    %dma_start3A_264 = arith.constant 5 : i32
    %dma_start3A_265 = arith.constant 5 : i32
    %dma_start3A_266 = arith.constant 0 : i32
    %dma_start3A_267 = tpu.memref_slice %arg9[%dma_start3A_264, %dma_start3A_266] : memref<8x128xf32, #tpu.memory_space<vmem>> -> memref<1x128xf32, #tpu.memory_space<vmem>>
    %dma_start3A_268 = tpu.memref_squeeze %dma_start3A_267 : memref<1x128xf32, #tpu.memory_space<vmem>> -> memref<128xf32, #tpu.memory_space<vmem>>
    %dma_start3A_269 = arith.constant 0 : i32
    %dma_start3A_270 = tpu.memref_slice %arg8[%dma_start3A_265, %dma_start3A_269] : memref<80x128xi32, #tpu.memory_space<vmem>> -> memref<1x128xi32, #tpu.memory_space<vmem>>
    %dma_start3A_271 = tpu.memref_squeeze %dma_start3A_270 : memref<1x128xi32, #tpu.memory_space<vmem>> -> memref<128xi32, #tpu.memory_space<vmem>>
    %dma_start3A_272 = arith.constant 0 : i32
    %dma_start3A_273 = tpu.memref_slice %arg10[%dma_start3A_272] : memref<10240xf32, #tpu.memory_space<vmem_shared>> -> memref<10240xf32, #tpu.memory_space<vmem_shared>>
    tpu.enqueue_indirect_dma source(%dma_start3A_268 : memref<128xf32, #tpu.memory_space<vmem>>) target(%dma_start3A_273 : memref<10240xf32, #tpu.memory_space<vmem_shared>>) offsets(%dma_start3A_271 : memref<128xi32, #tpu.memory_space<vmem>>) semaphore(%arg25 : memref<!tpu.dma_semaphore, #tpu.memory_space<semaphore_mem>>) {add = true}
    %dma_wait3A_274 = arith.constant 3 : i32
    %dma_wait3A_275 = arith.constant 3 : i32
    %dma_wait3A_276 = arith.constant 0 : i32
    %dma_wait3A_277 = tpu.memref_slice %arg9[%dma_wait3A_274, %dma_wait3A_276] : memref<8x128xf32, #tpu.memory_space<vmem>> -> memref<1x128xf32, #tpu.memory_space<vmem>>
    %dma_wait3A_278 = tpu.memref_squeeze %dma_wait3A_277 : memref<1x128xf32, #tpu.memory_space<vmem>> -> memref<128xf32, #tpu.memory_space<vmem>>
    %dma_wait3A_279 = arith.constant 0 : i32
    %dma_wait3A_280 = tpu.memref_slice %arg8[%dma_wait3A_275, %dma_wait3A_279] : memref<80x128xi32, #tpu.memory_space<vmem>> -> memref<1x128xi32, #tpu.memory_space<vmem>>
    %dma_wait3A_281 = tpu.memref_squeeze %dma_wait3A_280 : memref<1x128xi32, #tpu.memory_space<vmem>> -> memref<128xi32, #tpu.memory_space<vmem>>
    %dma_wait3A_282 = arith.constant 0 : i32
    %dma_wait3A_283 = tpu.memref_slice %arg10[%dma_wait3A_282] : memref<10240xf32, #tpu.memory_space<vmem_shared>> -> memref<10240xf32, #tpu.memory_space<vmem_shared>>
    tpu.wait_indirect_dma semaphore(%arg23 : memref<!tpu.dma_semaphore, #tpu.memory_space<semaphore_mem>>) src(%dma_wait3A_278 : memref<128xf32, #tpu.memory_space<vmem>>) dst(%dma_wait3A_283 : memref<10240xf32, #tpu.memory_space<vmem_shared>>)
    %dma_start3A_284 = arith.constant 11 : i32
    %dma_start3A_285 = arith.constant 3 : i32
    %dma_start3A_286 = arith.constant 0 : i32
    %dma_start3A_287 = tpu.memref_slice %arg9[%dma_start3A_285, %dma_start3A_286] : memref<8x128xf32, #tpu.memory_space<vmem>> -> memref<1x128xf32, #tpu.memory_space<vmem>>
    %dma_start3A_288 = tpu.memref_squeeze %dma_start3A_287 : memref<1x128xf32, #tpu.memory_space<vmem>> -> memref<128xf32, #tpu.memory_space<vmem>>
    %dma_start3A_289 = arith.constant 0 : i32
    %dma_start3A_290 = tpu.memref_slice %arg7[%dma_start3A_284, %dma_start3A_289] : memref<80x128xi32, #tpu.memory_space<vmem>> -> memref<1x128xi32, #tpu.memory_space<vmem>>
    %dma_start3A_291 = tpu.memref_squeeze %dma_start3A_290 : memref<1x128xi32, #tpu.memory_space<vmem>> -> memref<128xi32, #tpu.memory_space<vmem>>
    %dma_start3A_292 = arith.constant 0 : i32
    %dma_start3A_293 = tpu.memref_slice %arg11[%dma_start3A_292] : memref<10240xf32, #tpu.memory_space<vmem_shared>> -> memref<10240xf32, #tpu.memory_space<vmem_shared>>
    tpu.enqueue_indirect_dma source(%dma_start3A_293 : memref<10240xf32, #tpu.memory_space<vmem_shared>>) target(%dma_start3A_288 : memref<128xf32, #tpu.memory_space<vmem>>) offsets(%dma_start3A_291 : memref<128xi32, #tpu.memory_space<vmem>>) semaphore(%arg15 : memref<!tpu.dma_semaphore, #tpu.memory_space<semaphore_mem>>)
    %dma_wait3A_294 = arith.constant 6 : i32
    %dma_wait3A_295 = arith.constant 6 : i32
    %dma_wait3A_296 = arith.constant 0 : i32
    %dma_wait3A_297 = tpu.memref_slice %arg9[%dma_wait3A_295, %dma_wait3A_296] : memref<8x128xf32, #tpu.memory_space<vmem>> -> memref<1x128xf32, #tpu.memory_space<vmem>>
    %dma_wait3A_298 = tpu.memref_squeeze %dma_wait3A_297 : memref<1x128xf32, #tpu.memory_space<vmem>> -> memref<128xf32, #tpu.memory_space<vmem>>
    %dma_wait3A_299 = arith.constant 0 : i32
    %dma_wait3A_300 = tpu.memref_slice %arg7[%dma_wait3A_294, %dma_wait3A_299] : memref<80x128xi32, #tpu.memory_space<vmem>> -> memref<1x128xi32, #tpu.memory_space<vmem>>
    %dma_wait3A_301 = tpu.memref_squeeze %dma_wait3A_300 : memref<1x128xi32, #tpu.memory_space<vmem>> -> memref<128xi32, #tpu.memory_space<vmem>>
    %dma_wait3A_302 = arith.constant 0 : i32
    %dma_wait3A_303 = tpu.memref_slice %arg11[%dma_wait3A_302] : memref<10240xf32, #tpu.memory_space<vmem_shared>> -> memref<10240xf32, #tpu.memory_space<vmem_shared>>
    tpu.wait_indirect_dma semaphore(%arg18 : memref<!tpu.dma_semaphore, #tpu.memory_space<semaphore_mem>>) src(%dma_wait3A_303 : memref<10240xf32, #tpu.memory_space<vmem_shared>>) dst(%dma_wait3A_298 : memref<128xf32, #tpu.memory_space<vmem>>)
    %dma_start3A_304 = arith.constant 6 : i32
    %dma_start3A_305 = arith.constant 6 : i32
    %dma_start3A_306 = arith.constant 0 : i32
    %dma_start3A_307 = tpu.memref_slice %arg9[%dma_start3A_304, %dma_start3A_306] : memref<8x128xf32, #tpu.memory_space<vmem>> -> memref<1x128xf32, #tpu.memory_space<vmem>>
    %dma_start3A_308 = tpu.memref_squeeze %dma_start3A_307 : memref<1x128xf32, #tpu.memory_space<vmem>> -> memref<128xf32, #tpu.memory_space<vmem>>
    %dma_start3A_309 = arith.constant 0 : i32
    %dma_start3A_310 = tpu.memref_slice %arg8[%dma_start3A_305, %dma_start3A_309] : memref<80x128xi32, #tpu.memory_space<vmem>> -> memref<1x128xi32, #tpu.memory_space<vmem>>
    %dma_start3A_311 = tpu.memref_squeeze %dma_start3A_310 : memref<1x128xi32, #tpu.memory_space<vmem>> -> memref<128xi32, #tpu.memory_space<vmem>>
    %dma_start3A_312 = arith.constant 0 : i32
    %dma_start3A_313 = tpu.memref_slice %arg10[%dma_start3A_312] : memref<10240xf32, #tpu.memory_space<vmem_shared>> -> memref<10240xf32, #tpu.memory_space<vmem_shared>>
    tpu.enqueue_indirect_dma source(%dma_start3A_308 : memref<128xf32, #tpu.memory_space<vmem>>) target(%dma_start3A_313 : memref<10240xf32, #tpu.memory_space<vmem_shared>>) offsets(%dma_start3A_311 : memref<128xi32, #tpu.memory_space<vmem>>) semaphore(%arg26 : memref<!tpu.dma_semaphore, #tpu.memory_space<semaphore_mem>>) {add = true}
    %dma_wait3A_314 = arith.constant 4 : i32
    %dma_wait3A_315 = arith.constant 4 : i32
    %dma_wait3A_316 = arith.constant 0 : i32
    %dma_wait3A_317 = tpu.memref_slice %arg9[%dma_wait3A_314, %dma_wait3A_316] : memref<8x128xf32, #tpu.memory_space<vmem>> -> memref<1x128xf32, #tpu.memory_space<vmem>>
    %dma_wait3A_318 = tpu.memref_squeeze %dma_wait3A_317 : memref<1x128xf32, #tpu.memory_space<vmem>> -> memref<128xf32, #tpu.memory_space<vmem>>
    %dma_wait3A_319 = arith.constant 0 : i32
    %dma_wait3A_320 = tpu.memref_slice %arg8[%dma_wait3A_315, %dma_wait3A_319] : memref<80x128xi32, #tpu.memory_space<vmem>> -> memref<1x128xi32, #tpu.memory_space<vmem>>
    %dma_wait3A_321 = tpu.memref_squeeze %dma_wait3A_320 : memref<1x128xi32, #tpu.memory_space<vmem>> -> memref<128xi32, #tpu.memory_space<vmem>>
    %dma_wait3A_322 = arith.constant 0 : i32
    %dma_wait3A_323 = tpu.memref_slice %arg10[%dma_wait3A_322] : memref<10240xf32, #tpu.memory_space<vmem_shared>> -> memref<10240xf32, #tpu.memory_space<vmem_shared>>
    tpu.wait_indirect_dma semaphore(%arg24 : memref<!tpu.dma_semaphore, #tpu.memory_space<semaphore_mem>>) src(%dma_wait3A_318 : memref<128xf32, #tpu.memory_space<vmem>>) dst(%dma_wait3A_323 : memref<10240xf32, #tpu.memory_space<vmem_shared>>)
    %dma_start3A_324 = arith.constant 12 : i32
    %dma_start3A_325 = arith.constant 4 : i32
    %dma_start3A_326 = arith.constant 0 : i32
    %dma_start3A_327 = tpu.memref_slice %arg9[%dma_start3A_325, %dma_start3A_326] : memref<8x128xf32, #tpu.memory_space<vmem>> -> memref<1x128xf32, #tpu.memory_space<vmem>>
    %dma_start3A_328 = tpu.memref_squeeze %dma_start3A_327 : memref<1x128xf32, #tpu.memory_space<vmem>> -> memref<128xf32, #tpu.memory_space<vmem>>
    %dma_start3A_329 = arith.constant 0 : i32
    %dma_start3A_330 = tpu.memref_slice %arg7[%dma_start3A_324, %dma_start3A_329] : memref<80x128xi32, #tpu.memory_space<vmem>> -> memref<1x128xi32, #tpu.memory_space<vmem>>
    %dma_start3A_331 = tpu.memref_squeeze %dma_start3A_330 : memref<1x128xi32, #tpu.memory_space<vmem>> -> memref<128xi32, #tpu.memory_space<vmem>>
    %dma_start3A_332 = arith.constant 0 : i32
    %dma_start3A_333 = tpu.memref_slice %arg11[%dma_start3A_332] : memref<10240xf32, #tpu.memory_space<vmem_shared>> -> memref<10240xf32, #tpu.memory_space<vmem_shared>>
    tpu.enqueue_indirect_dma source(%dma_start3A_333 : memref<10240xf32, #tpu.memory_space<vmem_shared>>) target(%dma_start3A_328 : memref<128xf32, #tpu.memory_space<vmem>>) offsets(%dma_start3A_331 : memref<128xi32, #tpu.memory_space<vmem>>) semaphore(%arg16 : memref<!tpu.dma_semaphore, #tpu.memory_space<semaphore_mem>>)
    %dma_wait3A_334 = arith.constant 7 : i32
    %dma_wait3A_335 = arith.constant 7 : i32
    %dma_wait3A_336 = arith.constant 0 : i32
    %dma_wait3A_337 = tpu.memref_slice %arg9[%dma_wait3A_335, %dma_wait3A_336] : memref<8x128xf32, #tpu.memory_space<vmem>> -> memref<1x128xf32, #tpu.memory_space<vmem>>
    %dma_wait3A_338 = tpu.memref_squeeze %dma_wait3A_337 : memref<1x128xf32, #tpu.memory_space<vmem>> -> memref<128xf32, #tpu.memory_space<vmem>>
    %dma_wait3A_339 = arith.constant 0 : i32
    %dma_wait3A_340 = tpu.memref_slice %arg7[%dma_wait3A_334, %dma_wait3A_339] : memref<80x128xi32, #tpu.memory_space<vmem>> -> memref<1x128xi32, #tpu.memory_space<vmem>>
    %dma_wait3A_341 = tpu.memref_squeeze %dma_wait3A_340 : memref<1x128xi32, #tpu.memory_space<vmem>> -> memref<128xi32, #tpu.memory_space<vmem>>
    %dma_wait3A_342 = arith.constant 0 : i32
    %dma_wait3A_343 = tpu.memref_slice %arg11[%dma_wait3A_342] : memref<10240xf32, #tpu.memory_space<vmem_shared>> -> memref<10240xf32, #tpu.memory_space<vmem_shared>>
    tpu.wait_indirect_dma semaphore(%arg19 : memref<!tpu.dma_semaphore, #tpu.memory_space<semaphore_mem>>) src(%dma_wait3A_343 : memref<10240xf32, #tpu.memory_space<vmem_shared>>) dst(%dma_wait3A_338 : memref<128xf32, #tpu.memory_space<vmem>>)
    %dma_start3A_344 = arith.constant 7 : i32
    %dma_start3A_345 = arith.constant 7 : i32
    %dma_start3A_346 = arith.constant 0 : i32
    %dma_start3A_347 = tpu.memref_slice %arg9[%dma_start3A_344, %dma_start3A_346] : memref<8x128xf32, #tpu.memory_space<vmem>> -> memref<1x128xf32, #tpu.memory_space<vmem>>
    %dma_start3A_348 = tpu.memref_squeeze %dma_start3A_347 : memref<1x128xf32, #tpu.memory_space<vmem>> -> memref<128xf32, #tpu.memory_space<vmem>>
    %dma_start3A_349 = arith.constant 0 : i32
    %dma_start3A_350 = tpu.memref_slice %arg8[%dma_start3A_345, %dma_start3A_349] : memref<80x128xi32, #tpu.memory_space<vmem>> -> memref<1x128xi32, #tpu.memory_space<vmem>>
    %dma_start3A_351 = tpu.memref_squeeze %dma_start3A_350 : memref<1x128xi32, #tpu.memory_space<vmem>> -> memref<128xi32, #tpu.memory_space<vmem>>
    %dma_start3A_352 = arith.constant 0 : i32
    %dma_start3A_353 = tpu.memref_slice %arg10[%dma_start3A_352] : memref<10240xf32, #tpu.memory_space<vmem_shared>> -> memref<10240xf32, #tpu.memory_space<vmem_shared>>
    tpu.enqueue_indirect_dma source(%dma_start3A_348 : memref<128xf32, #tpu.memory_space<vmem>>) target(%dma_start3A_353 : memref<10240xf32, #tpu.memory_space<vmem_shared>>) offsets(%dma_start3A_351 : memref<128xi32, #tpu.memory_space<vmem>>) semaphore(%arg27 : memref<!tpu.dma_semaphore, #tpu.memory_space<semaphore_mem>>) {add = true}
    %dma_wait3A_354 = arith.constant 5 : i32
    %dma_wait3A_355 = arith.constant 5 : i32
    %dma_wait3A_356 = arith.constant 0 : i32
    %dma_wait3A_357 = tpu.memref_slice %arg9[%dma_wait3A_354, %dma_wait3A_356] : memref<8x128xf32, #tpu.memory_space<vmem>> -> memref<1x128xf32, #tpu.memory_space<vmem>>
    %dma_wait3A_358 = tpu.memref_squeeze %dma_wait3A_357 : memref<1x128xf32, #tpu.memory_space<vmem>> -> memref<128xf32, #tpu.memory_space<vmem>>
    %dma_wait3A_359 = arith.constant 0 : i32
    %dma_wait3A_360 = tpu.memref_slice %arg8[%dma_wait3A_355, %dma_wait3A_359] : memref<80x128xi32, #tpu.memory_space<vmem>> -> memref<1x128xi32, #tpu.memory_space<vmem>>
    %dma_wait3A_361 = tpu.memref_squeeze %dma_wait3A_360 : memref<1x128xi32, #tpu.memory_space<vmem>> -> memref<128xi32, #tpu.memory_space<vmem>>
    %dma_wait3A_362 = arith.constant 0 : i32
    %dma_wait3A_363 = tpu.memref_slice %arg10[%dma_wait3A_362] : memref<10240xf32, #tpu.memory_space<vmem_shared>> -> memref<10240xf32, #tpu.memory_space<vmem_shared>>
    tpu.wait_indirect_dma semaphore(%arg25 : memref<!tpu.dma_semaphore, #tpu.memory_space<semaphore_mem>>) src(%dma_wait3A_358 : memref<128xf32, #tpu.memory_space<vmem>>) dst(%dma_wait3A_363 : memref<10240xf32, #tpu.memory_space<vmem_shared>>)
    %dma_start3A_364 = arith.constant 13 : i32
    %dma_start3A_365 = arith.constant 5 : i32
    %dma_start3A_366 = arith.constant 0 : i32
    %dma_start3A_367 = tpu.memref_slice %arg9[%dma_start3A_365, %dma_start3A_366] : memref<8x128xf32, #tpu.memory_space<vmem>> -> memref<1x128xf32, #tpu.memory_space<vmem>>
    %dma_start3A_368 = tpu.memref_squeeze %dma_start3A_367 : memref<1x128xf32, #tpu.memory_space<vmem>> -> memref<128xf32, #tpu.memory_space<vmem>>
    %dma_start3A_369 = arith.constant 0 : i32
    %dma_start3A_370 = tpu.memref_slice %arg7[%dma_start3A_364, %dma_start3A_369] : memref<80x128xi32, #tpu.memory_space<vmem>> -> memref<1x128xi32, #tpu.memory_space<vmem>>
    %dma_start3A_371 = tpu.memref_squeeze %dma_start3A_370 : memref<1x128xi32, #tpu.memory_space<vmem>> -> memref<128xi32, #tpu.memory_space<vmem>>
    %dma_start3A_372 = arith.constant 0 : i32
    %dma_start3A_373 = tpu.memref_slice %arg11[%dma_start3A_372] : memref<10240xf32, #tpu.memory_space<vmem_shared>> -> memref<10240xf32, #tpu.memory_space<vmem_shared>>
    tpu.enqueue_indirect_dma source(%dma_start3A_373 : memref<10240xf32, #tpu.memory_space<vmem_shared>>) target(%dma_start3A_368 : memref<128xf32, #tpu.memory_space<vmem>>) offsets(%dma_start3A_371 : memref<128xi32, #tpu.memory_space<vmem>>) semaphore(%arg17 : memref<!tpu.dma_semaphore, #tpu.memory_space<semaphore_mem>>)
    %scan3A_374 = arith.constant 0 : i32
    %scan3A_375 = arith.constant 1 : i32
    %scan3A_376 = arith.constant 8 : i32
    %scan3A_377 = arith.addi %scan3A_375, %scan3A_376 : i32
    %scan3A_378 = arith.constant 1 : i32
    scf.for %scan3A_671 = %scan3A_375 to %scan3A_377 step %scan3A_378  : i32 {
      %mul3A_672 = arith.constant 8 : i32
      %mul3A_673 = arith.muli %scan3A_671, %mul3A_672 : i32
      %add3A_674 = arith.constant 0 : i32
      %add3A_675 = arith.addi %mul3A_673, %add3A_674 : i32
      %dma_wait3A_676 = arith.constant 0 : i32
      %dma_wait3A_677 = arith.constant 0 : i32
      %dma_wait3A_678 = tpu.memref_slice %arg9[%dma_wait3A_676, %dma_wait3A_677] : memref<8x128xf32, #tpu.memory_space<vmem>> -> memref<1x128xf32, #tpu.memory_space<vmem>>
      %dma_wait3A_679 = tpu.memref_squeeze %dma_wait3A_678 : memref<1x128xf32, #tpu.memory_space<vmem>> -> memref<128xf32, #tpu.memory_space<vmem>>
      %dma_wait3A_680 = arith.constant 0 : i32
      %dma_wait3A_681 = tpu.memref_slice %arg7[%add3A_675, %dma_wait3A_680] : memref<80x128xi32, #tpu.memory_space<vmem>> -> memref<1x128xi32, #tpu.memory_space<vmem>>
      %dma_wait3A_682 = tpu.memref_squeeze %dma_wait3A_681 : memref<1x128xi32, #tpu.memory_space<vmem>> -> memref<128xi32, #tpu.memory_space<vmem>>
      %dma_wait3A_683 = arith.constant 0 : i32
      %dma_wait3A_684 = tpu.memref_slice %arg11[%dma_wait3A_683] : memref<10240xf32, #tpu.memory_space<vmem_shared>> -> memref<10240xf32, #tpu.memory_space<vmem_shared>>
      tpu.wait_indirect_dma semaphore(%arg12 : memref<!tpu.dma_semaphore, #tpu.memory_space<semaphore_mem>>) src(%dma_wait3A_684 : memref<10240xf32, #tpu.memory_space<vmem_shared>>) dst(%dma_wait3A_679 : memref<128xf32, #tpu.memory_space<vmem>>)
      %dma_start3A_685 = arith.constant 0 : i32
      %dma_start3A_686 = arith.constant 0 : i32
      %dma_start3A_687 = tpu.memref_slice %arg9[%dma_start3A_685, %dma_start3A_686] : memref<8x128xf32, #tpu.memory_space<vmem>> -> memref<1x128xf32, #tpu.memory_space<vmem>>
      %dma_start3A_688 = tpu.memref_squeeze %dma_start3A_687 : memref<1x128xf32, #tpu.memory_space<vmem>> -> memref<128xf32, #tpu.memory_space<vmem>>
      %dma_start3A_689 = arith.constant 0 : i32
      %dma_start3A_690 = tpu.memref_slice %arg8[%add3A_675, %dma_start3A_689] : memref<80x128xi32, #tpu.memory_space<vmem>> -> memref<1x128xi32, #tpu.memory_space<vmem>>
      %dma_start3A_691 = tpu.memref_squeeze %dma_start3A_690 : memref<1x128xi32, #tpu.memory_space<vmem>> -> memref<128xi32, #tpu.memory_space<vmem>>
      %dma_start3A_692 = arith.constant 0 : i32
      %dma_start3A_693 = tpu.memref_slice %arg10[%dma_start3A_692] : memref<10240xf32, #tpu.memory_space<vmem_shared>> -> memref<10240xf32, #tpu.memory_space<vmem_shared>>
      tpu.enqueue_indirect_dma source(%dma_start3A_688 : memref<128xf32, #tpu.memory_space<vmem>>) target(%dma_start3A_693 : memref<10240xf32, #tpu.memory_space<vmem_shared>>) offsets(%dma_start3A_691 : memref<128xi32, #tpu.memory_space<vmem>>) semaphore(%arg20 : memref<!tpu.dma_semaphore, #tpu.memory_space<semaphore_mem>>) {add = true}
      %sub3A = arith.constant 2 : i32
      %sub3A_694 = arith.subi %add3A_675, %sub3A : i32
      %dma_wait3A_695 = arith.constant 6 : i32
      %dma_wait3A_696 = arith.constant 0 : i32
      %dma_wait3A_697 = tpu.memref_slice %arg9[%dma_wait3A_695, %dma_wait3A_696] : memref<8x128xf32, #tpu.memory_space<vmem>> -> memref<1x128xf32, #tpu.memory_space<vmem>>
      %dma_wait3A_698 = tpu.memref_squeeze %dma_wait3A_697 : memref<1x128xf32, #tpu.memory_space<vmem>> -> memref<128xf32, #tpu.memory_space<vmem>>
      %dma_wait3A_699 = arith.constant 0 : i32
      %dma_wait3A_700 = tpu.memref_slice %arg8[%sub3A_694, %dma_wait3A_699] : memref<80x128xi32, #tpu.memory_space<vmem>> -> memref<1x128xi32, #tpu.memory_space<vmem>>
      %dma_wait3A_701 = tpu.memref_squeeze %dma_wait3A_700 : memref<1x128xi32, #tpu.memory_space<vmem>> -> memref<128xi32, #tpu.memory_space<vmem>>
      %dma_wait3A_702 = arith.constant 0 : i32
      %dma_wait3A_703 = tpu.memref_slice %arg10[%dma_wait3A_702] : memref<10240xf32, #tpu.memory_space<vmem_shared>> -> memref<10240xf32, #tpu.memory_space<vmem_shared>>
      tpu.wait_indirect_dma semaphore(%arg26 : memref<!tpu.dma_semaphore, #tpu.memory_space<semaphore_mem>>) src(%dma_wait3A_698 : memref<128xf32, #tpu.memory_space<vmem>>) dst(%dma_wait3A_703 : memref<10240xf32, #tpu.memory_space<vmem_shared>>)
      %add3A_704 = arith.constant 6 : i32
      %add3A_705 = arith.addi %add3A_675, %add3A_704 : i32
      %dma_start3A_706 = arith.constant 6 : i32
      %dma_start3A_707 = arith.constant 0 : i32
      %dma_start3A_708 = tpu.memref_slice %arg9[%dma_start3A_706, %dma_start3A_707] : memref<8x128xf32, #tpu.memory_space<vmem>> -> memref<1x128xf32, #tpu.memory_space<vmem>>
      %dma_start3A_709 = tpu.memref_squeeze %dma_start3A_708 : memref<1x128xf32, #tpu.memory_space<vmem>> -> memref<128xf32, #tpu.memory_space<vmem>>
      %dma_start3A_710 = arith.constant 0 : i32
      %dma_start3A_711 = tpu.memref_slice %arg7[%add3A_705, %dma_start3A_710] : memref<80x128xi32, #tpu.memory_space<vmem>> -> memref<1x128xi32, #tpu.memory_space<vmem>>
      %dma_start3A_712 = tpu.memref_squeeze %dma_start3A_711 : memref<1x128xi32, #tpu.memory_space<vmem>> -> memref<128xi32, #tpu.memory_space<vmem>>
      %dma_start3A_713 = arith.constant 0 : i32
      %dma_start3A_714 = tpu.memref_slice %arg11[%dma_start3A_713] : memref<10240xf32, #tpu.memory_space<vmem_shared>> -> memref<10240xf32, #tpu.memory_space<vmem_shared>>
      tpu.enqueue_indirect_dma source(%dma_start3A_714 : memref<10240xf32, #tpu.memory_space<vmem_shared>>) target(%dma_start3A_709 : memref<128xf32, #tpu.memory_space<vmem>>) offsets(%dma_start3A_712 : memref<128xi32, #tpu.memory_space<vmem>>) semaphore(%arg18 : memref<!tpu.dma_semaphore, #tpu.memory_space<semaphore_mem>>)
      %mul3A_715 = arith.constant 8 : i32
      %mul3A_716 = arith.muli %scan3A_671, %mul3A_715 : i32
      %add3A_717 = arith.constant 1 : i32
      %add3A_718 = arith.addi %mul3A_716, %add3A_717 : i32
      %dma_wait3A_719 = arith.constant 1 : i32
      %dma_wait3A_720 = arith.constant 0 : i32
      %dma_wait3A_721 = tpu.memref_slice %arg9[%dma_wait3A_719, %dma_wait3A_720] : memref<8x128xf32, #tpu.memory_space<vmem>> -> memref<1x128xf32, #tpu.memory_space<vmem>>
      %dma_wait3A_722 = tpu.memref_squeeze %dma_wait3A_721 : memref<1x128xf32, #tpu.memory_space<vmem>> -> memref<128xf32, #tpu.memory_space<vmem>>
      %dma_wait3A_723 = arith.constant 0 : i32
      %dma_wait3A_724 = tpu.memref_slice %arg7[%add3A_718, %dma_wait3A_723] : memref<80x128xi32, #tpu.memory_space<vmem>> -> memref<1x128xi32, #tpu.memory_space<vmem>>
      %dma_wait3A_725 = tpu.memref_squeeze %dma_wait3A_724 : memref<1x128xi32, #tpu.memory_space<vmem>> -> memref<128xi32, #tpu.memory_space<vmem>>
      %dma_wait3A_726 = arith.constant 0 : i32
      %dma_wait3A_727 = tpu.memref_slice %arg11[%dma_wait3A_726] : memref<10240xf32, #tpu.memory_space<vmem_shared>> -> memref<10240xf32, #tpu.memory_space<vmem_shared>>
      tpu.wait_indirect_dma semaphore(%arg13 : memref<!tpu.dma_semaphore, #tpu.memory_space<semaphore_mem>>) src(%dma_wait3A_727 : memref<10240xf32, #tpu.memory_space<vmem_shared>>) dst(%dma_wait3A_722 : memref<128xf32, #tpu.memory_space<vmem>>)
      %dma_start3A_728 = arith.constant 1 : i32
      %dma_start3A_729 = arith.constant 0 : i32
      %dma_start3A_730 = tpu.memref_slice %arg9[%dma_start3A_728, %dma_start3A_729] : memref<8x128xf32, #tpu.memory_space<vmem>> -> memref<1x128xf32, #tpu.memory_space<vmem>>
      %dma_start3A_731 = tpu.memref_squeeze %dma_start3A_730 : memref<1x128xf32, #tpu.memory_space<vmem>> -> memref<128xf32, #tpu.memory_space<vmem>>
      %dma_start3A_732 = arith.constant 0 : i32
      %dma_start3A_733 = tpu.memref_slice %arg8[%add3A_718, %dma_start3A_732] : memref<80x128xi32, #tpu.memory_space<vmem>> -> memref<1x128xi32, #tpu.memory_space<vmem>>
      %dma_start3A_734 = tpu.memref_squeeze %dma_start3A_733 : memref<1x128xi32, #tpu.memory_space<vmem>> -> memref<128xi32, #tpu.memory_space<vmem>>
      %dma_start3A_735 = arith.constant 0 : i32
      %dma_start3A_736 = tpu.memref_slice %arg10[%dma_start3A_735] : memref<10240xf32, #tpu.memory_space<vmem_shared>> -> memref<10240xf32, #tpu.memory_space<vmem_shared>>
      tpu.enqueue_indirect_dma source(%dma_start3A_731 : memref<128xf32, #tpu.memory_space<vmem>>) target(%dma_start3A_736 : memref<10240xf32, #tpu.memory_space<vmem_shared>>) offsets(%dma_start3A_734 : memref<128xi32, #tpu.memory_space<vmem>>) semaphore(%arg21 : memref<!tpu.dma_semaphore, #tpu.memory_space<semaphore_mem>>) {add = true}
      %sub3A_737 = arith.constant 2 : i32
      %sub3A_738 = arith.subi %add3A_718, %sub3A_737 : i32
      %dma_wait3A_739 = arith.constant 7 : i32
      %dma_wait3A_740 = arith.constant 0 : i32
      %dma_wait3A_741 = tpu.memref_slice %arg9[%dma_wait3A_739, %dma_wait3A_740] : memref<8x128xf32, #tpu.memory_space<vmem>> -> memref<1x128xf32, #tpu.memory_space<vmem>>
      %dma_wait3A_742 = tpu.memref_squeeze %dma_wait3A_741 : memref<1x128xf32, #tpu.memory_space<vmem>> -> memref<128xf32, #tpu.memory_space<vmem>>
      %dma_wait3A_743 = arith.constant 0 : i32
      %dma_wait3A_744 = tpu.memref_slice %arg8[%sub3A_738, %dma_wait3A_743] : memref<80x128xi32, #tpu.memory_space<vmem>> -> memref<1x128xi32, #tpu.memory_space<vmem>>
      %dma_wait3A_745 = tpu.memref_squeeze %dma_wait3A_744 : memref<1x128xi32, #tpu.memory_space<vmem>> -> memref<128xi32, #tpu.memory_space<vmem>>
      %dma_wait3A_746 = arith.constant 0 : i32
      %dma_wait3A_747 = tpu.memref_slice %arg10[%dma_wait3A_746] : memref<10240xf32, #tpu.memory_space<vmem_shared>> -> memref<10240xf32, #tpu.memory_space<vmem_shared>>
      tpu.wait_indirect_dma semaphore(%arg27 : memref<!tpu.dma_semaphore, #tpu.memory_space<semaphore_mem>>) src(%dma_wait3A_742 : memref<128xf32, #tpu.memory_space<vmem>>) dst(%dma_wait3A_747 : memref<10240xf32, #tpu.memory_space<vmem_shared>>)
      %add3A_748 = arith.constant 6 : i32
      %add3A_749 = arith.addi %add3A_718, %add3A_748 : i32
      %dma_start3A_750 = arith.constant 7 : i32
      %dma_start3A_751 = arith.constant 0 : i32
      %dma_start3A_752 = tpu.memref_slice %arg9[%dma_start3A_750, %dma_start3A_751] : memref<8x128xf32, #tpu.memory_space<vmem>> -> memref<1x128xf32, #tpu.memory_space<vmem>>
      %dma_start3A_753 = tpu.memref_squeeze %dma_start3A_752 : memref<1x128xf32, #tpu.memory_space<vmem>> -> memref<128xf32, #tpu.memory_space<vmem>>
      %dma_start3A_754 = arith.constant 0 : i32
      %dma_start3A_755 = tpu.memref_slice %arg7[%add3A_749, %dma_start3A_754] : memref<80x128xi32, #tpu.memory_space<vmem>> -> memref<1x128xi32, #tpu.memory_space<vmem>>
      %dma_start3A_756 = tpu.memref_squeeze %dma_start3A_755 : memref<1x128xi32, #tpu.memory_space<vmem>> -> memref<128xi32, #tpu.memory_space<vmem>>
      %dma_start3A_757 = arith.constant 0 : i32
      %dma_start3A_758 = tpu.memref_slice %arg11[%dma_start3A_757] : memref<10240xf32, #tpu.memory_space<vmem_shared>> -> memref<10240xf32, #tpu.memory_space<vmem_shared>>
      tpu.enqueue_indirect_dma source(%dma_start3A_758 : memref<10240xf32, #tpu.memory_space<vmem_shared>>) target(%dma_start3A_753 : memref<128xf32, #tpu.memory_space<vmem>>) offsets(%dma_start3A_756 : memref<128xi32, #tpu.memory_space<vmem>>) semaphore(%arg19 : memref<!tpu.dma_semaphore, #tpu.memory_space<semaphore_mem>>)
      %mul3A_759 = arith.constant 8 : i32
      %mul3A_760 = arith.muli %scan3A_671, %mul3A_759 : i32
      %add3A_761 = arith.constant 2 : i32
      %add3A_762 = arith.addi %mul3A_760, %add3A_761 : i32
      %dma_wait3A_763 = arith.constant 2 : i32
      %dma_wait3A_764 = arith.constant 0 : i32
      %dma_wait3A_765 = tpu.memref_slice %arg9[%dma_wait3A_763, %dma_wait3A_764] : memref<8x128xf32, #tpu.memory_space<vmem>> -> memref<1x128xf32, #tpu.memory_space<vmem>>
      %dma_wait3A_766 = tpu.memref_squeeze %dma_wait3A_765 : memref<1x128xf32, #tpu.memory_space<vmem>> -> memref<128xf32, #tpu.memory_space<vmem>>
      %dma_wait3A_767 = arith.constant 0 : i32
      %dma_wait3A_768 = tpu.memref_slice %arg7[%add3A_762, %dma_wait3A_767] : memref<80x128xi32, #tpu.memory_space<vmem>> -> memref<1x128xi32, #tpu.memory_space<vmem>>
      %dma_wait3A_769 = tpu.memref_squeeze %dma_wait3A_768 : memref<1x128xi32, #tpu.memory_space<vmem>> -> memref<128xi32, #tpu.memory_space<vmem>>
      %dma_wait3A_770 = arith.constant 0 : i32
      %dma_wait3A_771 = tpu.memref_slice %arg11[%dma_wait3A_770] : memref<10240xf32, #tpu.memory_space<vmem_shared>> -> memref<10240xf32, #tpu.memory_space<vmem_shared>>
      tpu.wait_indirect_dma semaphore(%arg14 : memref<!tpu.dma_semaphore, #tpu.memory_space<semaphore_mem>>) src(%dma_wait3A_771 : memref<10240xf32, #tpu.memory_space<vmem_shared>>) dst(%dma_wait3A_766 : memref<128xf32, #tpu.memory_space<vmem>>)
      %dma_start3A_772 = arith.constant 2 : i32
      %dma_start3A_773 = arith.constant 0 : i32
      %dma_start3A_774 = tpu.memref_slice %arg9[%dma_start3A_772, %dma_start3A_773] : memref<8x128xf32, #tpu.memory_space<vmem>> -> memref<1x128xf32, #tpu.memory_space<vmem>>
      %dma_start3A_775 = tpu.memref_squeeze %dma_start3A_774 : memref<1x128xf32, #tpu.memory_space<vmem>> -> memref<128xf32, #tpu.memory_space<vmem>>
      %dma_start3A_776 = arith.constant 0 : i32
      %dma_start3A_777 = tpu.memref_slice %arg8[%add3A_762, %dma_start3A_776] : memref<80x128xi32, #tpu.memory_space<vmem>> -> memref<1x128xi32, #tpu.memory_space<vmem>>
      %dma_start3A_778 = tpu.memref_squeeze %dma_start3A_777 : memref<1x128xi32, #tpu.memory_space<vmem>> -> memref<128xi32, #tpu.memory_space<vmem>>
      %dma_start3A_779 = arith.constant 0 : i32
      %dma_start3A_780 = tpu.memref_slice %arg10[%dma_start3A_779] : memref<10240xf32, #tpu.memory_space<vmem_shared>> -> memref<10240xf32, #tpu.memory_space<vmem_shared>>
      tpu.enqueue_indirect_dma source(%dma_start3A_775 : memref<128xf32, #tpu.memory_space<vmem>>) target(%dma_start3A_780 : memref<10240xf32, #tpu.memory_space<vmem_shared>>) offsets(%dma_start3A_778 : memref<128xi32, #tpu.memory_space<vmem>>) semaphore(%arg22 : memref<!tpu.dma_semaphore, #tpu.memory_space<semaphore_mem>>) {add = true}
      %sub3A_781 = arith.constant 2 : i32
      %sub3A_782 = arith.subi %add3A_762, %sub3A_781 : i32
      %dma_wait3A_783 = arith.constant 0 : i32
      %dma_wait3A_784 = arith.constant 0 : i32
      %dma_wait3A_785 = tpu.memref_slice %arg9[%dma_wait3A_783, %dma_wait3A_784] : memref<8x128xf32, #tpu.memory_space<vmem>> -> memref<1x128xf32, #tpu.memory_space<vmem>>
      %dma_wait3A_786 = tpu.memref_squeeze %dma_wait3A_785 : memref<1x128xf32, #tpu.memory_space<vmem>> -> memref<128xf32, #tpu.memory_space<vmem>>
      %dma_wait3A_787 = arith.constant 0 : i32
      %dma_wait3A_788 = tpu.memref_slice %arg8[%sub3A_782, %dma_wait3A_787] : memref<80x128xi32, #tpu.memory_space<vmem>> -> memref<1x128xi32, #tpu.memory_space<vmem>>
      %dma_wait3A_789 = tpu.memref_squeeze %dma_wait3A_788 : memref<1x128xi32, #tpu.memory_space<vmem>> -> memref<128xi32, #tpu.memory_space<vmem>>
      %dma_wait3A_790 = arith.constant 0 : i32
      %dma_wait3A_791 = tpu.memref_slice %arg10[%dma_wait3A_790] : memref<10240xf32, #tpu.memory_space<vmem_shared>> -> memref<10240xf32, #tpu.memory_space<vmem_shared>>
      tpu.wait_indirect_dma semaphore(%arg20 : memref<!tpu.dma_semaphore, #tpu.memory_space<semaphore_mem>>) src(%dma_wait3A_786 : memref<128xf32, #tpu.memory_space<vmem>>) dst(%dma_wait3A_791 : memref<10240xf32, #tpu.memory_space<vmem_shared>>)
      %add3A_792 = arith.constant 6 : i32
      %add3A_793 = arith.addi %add3A_762, %add3A_792 : i32
      %dma_start3A_794 = arith.constant 0 : i32
      %dma_start3A_795 = arith.constant 0 : i32
      %dma_start3A_796 = tpu.memref_slice %arg9[%dma_start3A_794, %dma_start3A_795] : memref<8x128xf32, #tpu.memory_space<vmem>> -> memref<1x128xf32, #tpu.memory_space<vmem>>
      %dma_start3A_797 = tpu.memref_squeeze %dma_start3A_796 : memref<1x128xf32, #tpu.memory_space<vmem>> -> memref<128xf32, #tpu.memory_space<vmem>>
      %dma_start3A_798 = arith.constant 0 : i32
      %dma_start3A_799 = tpu.memref_slice %arg7[%add3A_793, %dma_start3A_798] : memref<80x128xi32, #tpu.memory_space<vmem>> -> memref<1x128xi32, #tpu.memory_space<vmem>>
      %dma_start3A_800 = tpu.memref_squeeze %dma_start3A_799 : memref<1x128xi32, #tpu.memory_space<vmem>> -> memref<128xi32, #tpu.memory_space<vmem>>
      %dma_start3A_801 = arith.constant 0 : i32
      %dma_start3A_802 = tpu.memref_slice %arg11[%dma_start3A_801] : memref<10240xf32, #tpu.memory_space<vmem_shared>> -> memref<10240xf32, #tpu.memory_space<vmem_shared>>
      tpu.enqueue_indirect_dma source(%dma_start3A_802 : memref<10240xf32, #tpu.memory_space<vmem_shared>>) target(%dma_start3A_797 : memref<128xf32, #tpu.memory_space<vmem>>) offsets(%dma_start3A_800 : memref<128xi32, #tpu.memory_space<vmem>>) semaphore(%arg12 : memref<!tpu.dma_semaphore, #tpu.memory_space<semaphore_mem>>)
      %mul3A_803 = arith.constant 8 : i32
      %mul3A_804 = arith.muli %scan3A_671, %mul3A_803 : i32
      %add3A_805 = arith.constant 3 : i32
      %add3A_806 = arith.addi %mul3A_804, %add3A_805 : i32
      %dma_wait3A_807 = arith.constant 3 : i32
      %dma_wait3A_808 = arith.constant 0 : i32
      %dma_wait3A_809 = tpu.memref_slice %arg9[%dma_wait3A_807, %dma_wait3A_808] : memref<8x128xf32, #tpu.memory_space<vmem>> -> memref<1x128xf32, #tpu.memory_space<vmem>>
      %dma_wait3A_810 = tpu.memref_squeeze %dma_wait3A_809 : memref<1x128xf32, #tpu.memory_space<vmem>> -> memref<128xf32, #tpu.memory_space<vmem>>
      %dma_wait3A_811 = arith.constant 0 : i32
      %dma_wait3A_812 = tpu.memref_slice %arg7[%add3A_806, %dma_wait3A_811] : memref<80x128xi32, #tpu.memory_space<vmem>> -> memref<1x128xi32, #tpu.memory_space<vmem>>
      %dma_wait3A_813 = tpu.memref_squeeze %dma_wait3A_812 : memref<1x128xi32, #tpu.memory_space<vmem>> -> memref<128xi32, #tpu.memory_space<vmem>>
      %dma_wait3A_814 = arith.constant 0 : i32
      %dma_wait3A_815 = tpu.memref_slice %arg11[%dma_wait3A_814] : memref<10240xf32, #tpu.memory_space<vmem_shared>> -> memref<10240xf32, #tpu.memory_space<vmem_shared>>
      tpu.wait_indirect_dma semaphore(%arg15 : memref<!tpu.dma_semaphore, #tpu.memory_space<semaphore_mem>>) src(%dma_wait3A_815 : memref<10240xf32, #tpu.memory_space<vmem_shared>>) dst(%dma_wait3A_810 : memref<128xf32, #tpu.memory_space<vmem>>)
      %dma_start3A_816 = arith.constant 3 : i32
      %dma_start3A_817 = arith.constant 0 : i32
      %dma_start3A_818 = tpu.memref_slice %arg9[%dma_start3A_816, %dma_start3A_817] : memref<8x128xf32, #tpu.memory_space<vmem>> -> memref<1x128xf32, #tpu.memory_space<vmem>>
      %dma_start3A_819 = tpu.memref_squeeze %dma_start3A_818 : memref<1x128xf32, #tpu.memory_space<vmem>> -> memref<128xf32, #tpu.memory_space<vmem>>
      %dma_start3A_820 = arith.constant 0 : i32
      %dma_start3A_821 = tpu.memref_slice %arg8[%add3A_806, %dma_start3A_820] : memref<80x128xi32, #tpu.memory_space<vmem>> -> memref<1x128xi32, #tpu.memory_space<vmem>>
      %dma_start3A_822 = tpu.memref_squeeze %dma_start3A_821 : memref<1x128xi32, #tpu.memory_space<vmem>> -> memref<128xi32, #tpu.memory_space<vmem>>
      %dma_start3A_823 = arith.constant 0 : i32
      %dma_start3A_824 = tpu.memref_slice %arg10[%dma_start3A_823] : memref<10240xf32, #tpu.memory_space<vmem_shared>> -> memref<10240xf32, #tpu.memory_space<vmem_shared>>
      tpu.enqueue_indirect_dma source(%dma_start3A_819 : memref<128xf32, #tpu.memory_space<vmem>>) target(%dma_start3A_824 : memref<10240xf32, #tpu.memory_space<vmem_shared>>) offsets(%dma_start3A_822 : memref<128xi32, #tpu.memory_space<vmem>>) semaphore(%arg23 : memref<!tpu.dma_semaphore, #tpu.memory_space<semaphore_mem>>) {add = true}
      %sub3A_825 = arith.constant 2 : i32
      %sub3A_826 = arith.subi %add3A_806, %sub3A_825 : i32
      %dma_wait3A_827 = arith.constant 1 : i32
      %dma_wait3A_828 = arith.constant 0 : i32
      %dma_wait3A_829 = tpu.memref_slice %arg9[%dma_wait3A_827, %dma_wait3A_828] : memref<8x128xf32, #tpu.memory_space<vmem>> -> memref<1x128xf32, #tpu.memory_space<vmem>>
      %dma_wait3A_830 = tpu.memref_squeeze %dma_wait3A_829 : memref<1x128xf32, #tpu.memory_space<vmem>> -> memref<128xf32, #tpu.memory_space<vmem>>
      %dma_wait3A_831 = arith.constant 0 : i32
      %dma_wait3A_832 = tpu.memref_slice %arg8[%sub3A_826, %dma_wait3A_831] : memref<80x128xi32, #tpu.memory_space<vmem>> -> memref<1x128xi32, #tpu.memory_space<vmem>>
      %dma_wait3A_833 = tpu.memref_squeeze %dma_wait3A_832 : memref<1x128xi32, #tpu.memory_space<vmem>> -> memref<128xi32, #tpu.memory_space<vmem>>
      %dma_wait3A_834 = arith.constant 0 : i32
      %dma_wait3A_835 = tpu.memref_slice %arg10[%dma_wait3A_834] : memref<10240xf32, #tpu.memory_space<vmem_shared>> -> memref<10240xf32, #tpu.memory_space<vmem_shared>>
      tpu.wait_indirect_dma semaphore(%arg21 : memref<!tpu.dma_semaphore, #tpu.memory_space<semaphore_mem>>) src(%dma_wait3A_830 : memref<128xf32, #tpu.memory_space<vmem>>) dst(%dma_wait3A_835 : memref<10240xf32, #tpu.memory_space<vmem_shared>>)
      %add3A_836 = arith.constant 6 : i32
      %add3A_837 = arith.addi %add3A_806, %add3A_836 : i32
      %dma_start3A_838 = arith.constant 1 : i32
      %dma_start3A_839 = arith.constant 0 : i32
      %dma_start3A_840 = tpu.memref_slice %arg9[%dma_start3A_838, %dma_start3A_839] : memref<8x128xf32, #tpu.memory_space<vmem>> -> memref<1x128xf32, #tpu.memory_space<vmem>>
      %dma_start3A_841 = tpu.memref_squeeze %dma_start3A_840 : memref<1x128xf32, #tpu.memory_space<vmem>> -> memref<128xf32, #tpu.memory_space<vmem>>
      %dma_start3A_842 = arith.constant 0 : i32
      %dma_start3A_843 = tpu.memref_slice %arg7[%add3A_837, %dma_start3A_842] : memref<80x128xi32, #tpu.memory_space<vmem>> -> memref<1x128xi32, #tpu.memory_space<vmem>>
      %dma_start3A_844 = tpu.memref_squeeze %dma_start3A_843 : memref<1x128xi32, #tpu.memory_space<vmem>> -> memref<128xi32, #tpu.memory_space<vmem>>
      %dma_start3A_845 = arith.constant 0 : i32
      %dma_start3A_846 = tpu.memref_slice %arg11[%dma_start3A_845] : memref<10240xf32, #tpu.memory_space<vmem_shared>> -> memref<10240xf32, #tpu.memory_space<vmem_shared>>
      tpu.enqueue_indirect_dma source(%dma_start3A_846 : memref<10240xf32, #tpu.memory_space<vmem_shared>>) target(%dma_start3A_841 : memref<128xf32, #tpu.memory_space<vmem>>) offsets(%dma_start3A_844 : memref<128xi32, #tpu.memory_space<vmem>>) semaphore(%arg13 : memref<!tpu.dma_semaphore, #tpu.memory_space<semaphore_mem>>)
      %mul3A_847 = arith.constant 8 : i32
      %mul3A_848 = arith.muli %scan3A_671, %mul3A_847 : i32
      %add3A_849 = arith.constant 4 : i32
      %add3A_850 = arith.addi %mul3A_848, %add3A_849 : i32
      %dma_wait3A_851 = arith.constant 4 : i32
      %dma_wait3A_852 = arith.constant 0 : i32
      %dma_wait3A_853 = tpu.memref_slice %arg9[%dma_wait3A_851, %dma_wait3A_852] : memref<8x128xf32, #tpu.memory_space<vmem>> -> memref<1x128xf32, #tpu.memory_space<vmem>>
      %dma_wait3A_854 = tpu.memref_squeeze %dma_wait3A_853 : memref<1x128xf32, #tpu.memory_space<vmem>> -> memref<128xf32, #tpu.memory_space<vmem>>
      %dma_wait3A_855 = arith.constant 0 : i32
      %dma_wait3A_856 = tpu.memref_slice %arg7[%add3A_850, %dma_wait3A_855] : memref<80x128xi32, #tpu.memory_space<vmem>> -> memref<1x128xi32, #tpu.memory_space<vmem>>
      %dma_wait3A_857 = tpu.memref_squeeze %dma_wait3A_856 : memref<1x128xi32, #tpu.memory_space<vmem>> -> memref<128xi32, #tpu.memory_space<vmem>>
      %dma_wait3A_858 = arith.constant 0 : i32
      %dma_wait3A_859 = tpu.memref_slice %arg11[%dma_wait3A_858] : memref<10240xf32, #tpu.memory_space<vmem_shared>> -> memref<10240xf32, #tpu.memory_space<vmem_shared>>
      tpu.wait_indirect_dma semaphore(%arg16 : memref<!tpu.dma_semaphore, #tpu.memory_space<semaphore_mem>>) src(%dma_wait3A_859 : memref<10240xf32, #tpu.memory_space<vmem_shared>>) dst(%dma_wait3A_854 : memref<128xf32, #tpu.memory_space<vmem>>)
      %dma_start3A_860 = arith.constant 4 : i32
      %dma_start3A_861 = arith.constant 0 : i32
      %dma_start3A_862 = tpu.memref_slice %arg9[%dma_start3A_860, %dma_start3A_861] : memref<8x128xf32, #tpu.memory_space<vmem>> -> memref<1x128xf32, #tpu.memory_space<vmem>>
      %dma_start3A_863 = tpu.memref_squeeze %dma_start3A_862 : memref<1x128xf32, #tpu.memory_space<vmem>> -> memref<128xf32, #tpu.memory_space<vmem>>
      %dma_start3A_864 = arith.constant 0 : i32
      %dma_start3A_865 = tpu.memref_slice %arg8[%add3A_850, %dma_start3A_864] : memref<80x128xi32, #tpu.memory_space<vmem>> -> memref<1x128xi32, #tpu.memory_space<vmem>>
      %dma_start3A_866 = tpu.memref_squeeze %dma_start3A_865 : memref<1x128xi32, #tpu.memory_space<vmem>> -> memref<128xi32, #tpu.memory_space<vmem>>
      %dma_start3A_867 = arith.constant 0 : i32
      %dma_start3A_868 = tpu.memref_slice %arg10[%dma_start3A_867] : memref<10240xf32, #tpu.memory_space<vmem_shared>> -> memref<10240xf32, #tpu.memory_space<vmem_shared>>
      tpu.enqueue_indirect_dma source(%dma_start3A_863 : memref<128xf32, #tpu.memory_space<vmem>>) target(%dma_start3A_868 : memref<10240xf32, #tpu.memory_space<vmem_shared>>) offsets(%dma_start3A_866 : memref<128xi32, #tpu.memory_space<vmem>>) semaphore(%arg24 : memref<!tpu.dma_semaphore, #tpu.memory_space<semaphore_mem>>) {add = true}
      %sub3A_869 = arith.constant 2 : i32
      %sub3A_870 = arith.subi %add3A_850, %sub3A_869 : i32
      %dma_wait3A_871 = arith.constant 2 : i32
      %dma_wait3A_872 = arith.constant 0 : i32
      %dma_wait3A_873 = tpu.memref_slice %arg9[%dma_wait3A_871, %dma_wait3A_872] : memref<8x128xf32, #tpu.memory_space<vmem>> -> memref<1x128xf32, #tpu.memory_space<vmem>>
      %dma_wait3A_874 = tpu.memref_squeeze %dma_wait3A_873 : memref<1x128xf32, #tpu.memory_space<vmem>> -> memref<128xf32, #tpu.memory_space<vmem>>
      %dma_wait3A_875 = arith.constant 0 : i32
      %dma_wait3A_876 = tpu.memref_slice %arg8[%sub3A_870, %dma_wait3A_875] : memref<80x128xi32, #tpu.memory_space<vmem>> -> memref<1x128xi32, #tpu.memory_space<vmem>>
      %dma_wait3A_877 = tpu.memref_squeeze %dma_wait3A_876 : memref<1x128xi32, #tpu.memory_space<vmem>> -> memref<128xi32, #tpu.memory_space<vmem>>
      %dma_wait3A_878 = arith.constant 0 : i32
      %dma_wait3A_879 = tpu.memref_slice %arg10[%dma_wait3A_878] : memref<10240xf32, #tpu.memory_space<vmem_shared>> -> memref<10240xf32, #tpu.memory_space<vmem_shared>>
      tpu.wait_indirect_dma semaphore(%arg22 : memref<!tpu.dma_semaphore, #tpu.memory_space<semaphore_mem>>) src(%dma_wait3A_874 : memref<128xf32, #tpu.memory_space<vmem>>) dst(%dma_wait3A_879 : memref<10240xf32, #tpu.memory_space<vmem_shared>>)
      %add3A_880 = arith.constant 6 : i32
      %add3A_881 = arith.addi %add3A_850, %add3A_880 : i32
      %dma_start3A_882 = arith.constant 2 : i32
      %dma_start3A_883 = arith.constant 0 : i32
      %dma_start3A_884 = tpu.memref_slice %arg9[%dma_start3A_882, %dma_start3A_883] : memref<8x128xf32, #tpu.memory_space<vmem>> -> memref<1x128xf32, #tpu.memory_space<vmem>>
      %dma_start3A_885 = tpu.memref_squeeze %dma_start3A_884 : memref<1x128xf32, #tpu.memory_space<vmem>> -> memref<128xf32, #tpu.memory_space<vmem>>
      %dma_start3A_886 = arith.constant 0 : i32
      %dma_start3A_887 = tpu.memref_slice %arg7[%add3A_881, %dma_start3A_886] : memref<80x128xi32, #tpu.memory_space<vmem>> -> memref<1x128xi32, #tpu.memory_space<vmem>>
      %dma_start3A_888 = tpu.memref_squeeze %dma_start3A_887 : memref<1x128xi32, #tpu.memory_space<vmem>> -> memref<128xi32, #tpu.memory_space<vmem>>
      %dma_start3A_889 = arith.constant 0 : i32
      %dma_start3A_890 = tpu.memref_slice %arg11[%dma_start3A_889] : memref<10240xf32, #tpu.memory_space<vmem_shared>> -> memref<10240xf32, #tpu.memory_space<vmem_shared>>
      tpu.enqueue_indirect_dma source(%dma_start3A_890 : memref<10240xf32, #tpu.memory_space<vmem_shared>>) target(%dma_start3A_885 : memref<128xf32, #tpu.memory_space<vmem>>) offsets(%dma_start3A_888 : memref<128xi32, #tpu.memory_space<vmem>>) semaphore(%arg14 : memref<!tpu.dma_semaphore, #tpu.memory_space<semaphore_mem>>)
      %mul3A_891 = arith.constant 8 : i32
      %mul3A_892 = arith.muli %scan3A_671, %mul3A_891 : i32
      %add3A_893 = arith.constant 5 : i32
      %add3A_894 = arith.addi %mul3A_892, %add3A_893 : i32
      %dma_wait3A_895 = arith.constant 5 : i32
      %dma_wait3A_896 = arith.constant 0 : i32
      %dma_wait3A_897 = tpu.memref_slice %arg9[%dma_wait3A_895, %dma_wait3A_896] : memref<8x128xf32, #tpu.memory_space<vmem>> -> memref<1x128xf32, #tpu.memory_space<vmem>>
      %dma_wait3A_898 = tpu.memref_squeeze %dma_wait3A_897 : memref<1x128xf32, #tpu.memory_space<vmem>> -> memref<128xf32, #tpu.memory_space<vmem>>
      %dma_wait3A_899 = arith.constant 0 : i32
      %dma_wait3A_900 = tpu.memref_slice %arg7[%add3A_894, %dma_wait3A_899] : memref<80x128xi32, #tpu.memory_space<vmem>> -> memref<1x128xi32, #tpu.memory_space<vmem>>
      %dma_wait3A_901 = tpu.memref_squeeze %dma_wait3A_900 : memref<1x128xi32, #tpu.memory_space<vmem>> -> memref<128xi32, #tpu.memory_space<vmem>>
      %dma_wait3A_902 = arith.constant 0 : i32
      %dma_wait3A_903 = tpu.memref_slice %arg11[%dma_wait3A_902] : memref<10240xf32, #tpu.memory_space<vmem_shared>> -> memref<10240xf32, #tpu.memory_space<vmem_shared>>
      tpu.wait_indirect_dma semaphore(%arg17 : memref<!tpu.dma_semaphore, #tpu.memory_space<semaphore_mem>>) src(%dma_wait3A_903 : memref<10240xf32, #tpu.memory_space<vmem_shared>>) dst(%dma_wait3A_898 : memref<128xf32, #tpu.memory_space<vmem>>)
      %dma_start3A_904 = arith.constant 5 : i32
      %dma_start3A_905 = arith.constant 0 : i32
      %dma_start3A_906 = tpu.memref_slice %arg9[%dma_start3A_904, %dma_start3A_905] : memref<8x128xf32, #tpu.memory_space<vmem>> -> memref<1x128xf32, #tpu.memory_space<vmem>>
      %dma_start3A_907 = tpu.memref_squeeze %dma_start3A_906 : memref<1x128xf32, #tpu.memory_space<vmem>> -> memref<128xf32, #tpu.memory_space<vmem>>
      %dma_start3A_908 = arith.constant 0 : i32
      %dma_start3A_909 = tpu.memref_slice %arg8[%add3A_894, %dma_start3A_908] : memref<80x128xi32, #tpu.memory_space<vmem>> -> memref<1x128xi32, #tpu.memory_space<vmem>>
      %dma_start3A_910 = tpu.memref_squeeze %dma_start3A_909 : memref<1x128xi32, #tpu.memory_space<vmem>> -> memref<128xi32, #tpu.memory_space<vmem>>
      %dma_start3A_911 = arith.constant 0 : i32
      %dma_start3A_912 = tpu.memref_slice %arg10[%dma_start3A_911] : memref<10240xf32, #tpu.memory_space<vmem_shared>> -> memref<10240xf32, #tpu.memory_space<vmem_shared>>
      tpu.enqueue_indirect_dma source(%dma_start3A_907 : memref<128xf32, #tpu.memory_space<vmem>>) target(%dma_start3A_912 : memref<10240xf32, #tpu.memory_space<vmem_shared>>) offsets(%dma_start3A_910 : memref<128xi32, #tpu.memory_space<vmem>>) semaphore(%arg25 : memref<!tpu.dma_semaphore, #tpu.memory_space<semaphore_mem>>) {add = true}
      %sub3A_913 = arith.constant 2 : i32
      %sub3A_914 = arith.subi %add3A_894, %sub3A_913 : i32
      %dma_wait3A_915 = arith.constant 3 : i32
      %dma_wait3A_916 = arith.constant 0 : i32
      %dma_wait3A_917 = tpu.memref_slice %arg9[%dma_wait3A_915, %dma_wait3A_916] : memref<8x128xf32, #tpu.memory_space<vmem>> -> memref<1x128xf32, #tpu.memory_space<vmem>>
      %dma_wait3A_918 = tpu.memref_squeeze %dma_wait3A_917 : memref<1x128xf32, #tpu.memory_space<vmem>> -> memref<128xf32, #tpu.memory_space<vmem>>
      %dma_wait3A_919 = arith.constant 0 : i32
      %dma_wait3A_920 = tpu.memref_slice %arg8[%sub3A_914, %dma_wait3A_919] : memref<80x128xi32, #tpu.memory_space<vmem>> -> memref<1x128xi32, #tpu.memory_space<vmem>>
      %dma_wait3A_921 = tpu.memref_squeeze %dma_wait3A_920 : memref<1x128xi32, #tpu.memory_space<vmem>> -> memref<128xi32, #tpu.memory_space<vmem>>
      %dma_wait3A_922 = arith.constant 0 : i32
      %dma_wait3A_923 = tpu.memref_slice %arg10[%dma_wait3A_922] : memref<10240xf32, #tpu.memory_space<vmem_shared>> -> memref<10240xf32, #tpu.memory_space<vmem_shared>>
      tpu.wait_indirect_dma semaphore(%arg23 : memref<!tpu.dma_semaphore, #tpu.memory_space<semaphore_mem>>) src(%dma_wait3A_918 : memref<128xf32, #tpu.memory_space<vmem>>) dst(%dma_wait3A_923 : memref<10240xf32, #tpu.memory_space<vmem_shared>>)
      %add3A_924 = arith.constant 6 : i32
      %add3A_925 = arith.addi %add3A_894, %add3A_924 : i32
      %dma_start3A_926 = arith.constant 3 : i32
      %dma_start3A_927 = arith.constant 0 : i32
      %dma_start3A_928 = tpu.memref_slice %arg9[%dma_start3A_926, %dma_start3A_927] : memref<8x128xf32, #tpu.memory_space<vmem>> -> memref<1x128xf32, #tpu.memory_space<vmem>>
      %dma_start3A_929 = tpu.memref_squeeze %dma_start3A_928 : memref<1x128xf32, #tpu.memory_space<vmem>> -> memref<128xf32, #tpu.memory_space<vmem>>
      %dma_start3A_930 = arith.constant 0 : i32
      %dma_start3A_931 = tpu.memref_slice %arg7[%add3A_925, %dma_start3A_930] : memref<80x128xi32, #tpu.memory_space<vmem>> -> memref<1x128xi32, #tpu.memory_space<vmem>>
      %dma_start3A_932 = tpu.memref_squeeze %dma_start3A_931 : memref<1x128xi32, #tpu.memory_space<vmem>> -> memref<128xi32, #tpu.memory_space<vmem>>
      %dma_start3A_933 = arith.constant 0 : i32
      %dma_start3A_934 = tpu.memref_slice %arg11[%dma_start3A_933] : memref<10240xf32, #tpu.memory_space<vmem_shared>> -> memref<10240xf32, #tpu.memory_space<vmem_shared>>
      tpu.enqueue_indirect_dma source(%dma_start3A_934 : memref<10240xf32, #tpu.memory_space<vmem_shared>>) target(%dma_start3A_929 : memref<128xf32, #tpu.memory_space<vmem>>) offsets(%dma_start3A_932 : memref<128xi32, #tpu.memory_space<vmem>>) semaphore(%arg15 : memref<!tpu.dma_semaphore, #tpu.memory_space<semaphore_mem>>)
      %mul3A_935 = arith.constant 8 : i32
      %mul3A_936 = arith.muli %scan3A_671, %mul3A_935 : i32
      %add3A_937 = arith.constant 6 : i32
      %add3A_938 = arith.addi %mul3A_936, %add3A_937 : i32
      %dma_wait3A_939 = arith.constant 6 : i32
      %dma_wait3A_940 = arith.constant 0 : i32
      %dma_wait3A_941 = tpu.memref_slice %arg9[%dma_wait3A_939, %dma_wait3A_940] : memref<8x128xf32, #tpu.memory_space<vmem>> -> memref<1x128xf32, #tpu.memory_space<vmem>>
      %dma_wait3A_942 = tpu.memref_squeeze %dma_wait3A_941 : memref<1x128xf32, #tpu.memory_space<vmem>> -> memref<128xf32, #tpu.memory_space<vmem>>
      %dma_wait3A_943 = arith.constant 0 : i32
      %dma_wait3A_944 = tpu.memref_slice %arg7[%add3A_938, %dma_wait3A_943] : memref<80x128xi32, #tpu.memory_space<vmem>> -> memref<1x128xi32, #tpu.memory_space<vmem>>
      %dma_wait3A_945 = tpu.memref_squeeze %dma_wait3A_944 : memref<1x128xi32, #tpu.memory_space<vmem>> -> memref<128xi32, #tpu.memory_space<vmem>>
      %dma_wait3A_946 = arith.constant 0 : i32
      %dma_wait3A_947 = tpu.memref_slice %arg11[%dma_wait3A_946] : memref<10240xf32, #tpu.memory_space<vmem_shared>> -> memref<10240xf32, #tpu.memory_space<vmem_shared>>
      tpu.wait_indirect_dma semaphore(%arg18 : memref<!tpu.dma_semaphore, #tpu.memory_space<semaphore_mem>>) src(%dma_wait3A_947 : memref<10240xf32, #tpu.memory_space<vmem_shared>>) dst(%dma_wait3A_942 : memref<128xf32, #tpu.memory_space<vmem>>)
      %dma_start3A_948 = arith.constant 6 : i32
      %dma_start3A_949 = arith.constant 0 : i32
      %dma_start3A_950 = tpu.memref_slice %arg9[%dma_start3A_948, %dma_start3A_949] : memref<8x128xf32, #tpu.memory_space<vmem>> -> memref<1x128xf32, #tpu.memory_space<vmem>>
      %dma_start3A_951 = tpu.memref_squeeze %dma_start3A_950 : memref<1x128xf32, #tpu.memory_space<vmem>> -> memref<128xf32, #tpu.memory_space<vmem>>
      %dma_start3A_952 = arith.constant 0 : i32
      %dma_start3A_953 = tpu.memref_slice %arg8[%add3A_938, %dma_start3A_952] : memref<80x128xi32, #tpu.memory_space<vmem>> -> memref<1x128xi32, #tpu.memory_space<vmem>>
      %dma_start3A_954 = tpu.memref_squeeze %dma_start3A_953 : memref<1x128xi32, #tpu.memory_space<vmem>> -> memref<128xi32, #tpu.memory_space<vmem>>
      %dma_start3A_955 = arith.constant 0 : i32
      %dma_start3A_956 = tpu.memref_slice %arg10[%dma_start3A_955] : memref<10240xf32, #tpu.memory_space<vmem_shared>> -> memref<10240xf32, #tpu.memory_space<vmem_shared>>
      tpu.enqueue_indirect_dma source(%dma_start3A_951 : memref<128xf32, #tpu.memory_space<vmem>>) target(%dma_start3A_956 : memref<10240xf32, #tpu.memory_space<vmem_shared>>) offsets(%dma_start3A_954 : memref<128xi32, #tpu.memory_space<vmem>>) semaphore(%arg26 : memref<!tpu.dma_semaphore, #tpu.memory_space<semaphore_mem>>) {add = true}
      %sub3A_957 = arith.constant 2 : i32
      %sub3A_958 = arith.subi %add3A_938, %sub3A_957 : i32
      %dma_wait3A_959 = arith.constant 4 : i32
      %dma_wait3A_960 = arith.constant 0 : i32
      %dma_wait3A_961 = tpu.memref_slice %arg9[%dma_wait3A_959, %dma_wait3A_960] : memref<8x128xf32, #tpu.memory_space<vmem>> -> memref<1x128xf32, #tpu.memory_space<vmem>>
      %dma_wait3A_962 = tpu.memref_squeeze %dma_wait3A_961 : memref<1x128xf32, #tpu.memory_space<vmem>> -> memref<128xf32, #tpu.memory_space<vmem>>
      %dma_wait3A_963 = arith.constant 0 : i32
      %dma_wait3A_964 = tpu.memref_slice %arg8[%sub3A_958, %dma_wait3A_963] : memref<80x128xi32, #tpu.memory_space<vmem>> -> memref<1x128xi32, #tpu.memory_space<vmem>>
      %dma_wait3A_965 = tpu.memref_squeeze %dma_wait3A_964 : memref<1x128xi32, #tpu.memory_space<vmem>> -> memref<128xi32, #tpu.memory_space<vmem>>
      %dma_wait3A_966 = arith.constant 0 : i32
      %dma_wait3A_967 = tpu.memref_slice %arg10[%dma_wait3A_966] : memref<10240xf32, #tpu.memory_space<vmem_shared>> -> memref<10240xf32, #tpu.memory_space<vmem_shared>>
      tpu.wait_indirect_dma semaphore(%arg24 : memref<!tpu.dma_semaphore, #tpu.memory_space<semaphore_mem>>) src(%dma_wait3A_962 : memref<128xf32, #tpu.memory_space<vmem>>) dst(%dma_wait3A_967 : memref<10240xf32, #tpu.memory_space<vmem_shared>>)
      %add3A_968 = arith.constant 6 : i32
      %add3A_969 = arith.addi %add3A_938, %add3A_968 : i32
      %dma_start3A_970 = arith.constant 4 : i32
      %dma_start3A_971 = arith.constant 0 : i32
      %dma_start3A_972 = tpu.memref_slice %arg9[%dma_start3A_970, %dma_start3A_971] : memref<8x128xf32, #tpu.memory_space<vmem>> -> memref<1x128xf32, #tpu.memory_space<vmem>>
      %dma_start3A_973 = tpu.memref_squeeze %dma_start3A_972 : memref<1x128xf32, #tpu.memory_space<vmem>> -> memref<128xf32, #tpu.memory_space<vmem>>
      %dma_start3A_974 = arith.constant 0 : i32
      %dma_start3A_975 = tpu.memref_slice %arg7[%add3A_969, %dma_start3A_974] : memref<80x128xi32, #tpu.memory_space<vmem>> -> memref<1x128xi32, #tpu.memory_space<vmem>>
      %dma_start3A_976 = tpu.memref_squeeze %dma_start3A_975 : memref<1x128xi32, #tpu.memory_space<vmem>> -> memref<128xi32, #tpu.memory_space<vmem>>
      %dma_start3A_977 = arith.constant 0 : i32
      %dma_start3A_978 = tpu.memref_slice %arg11[%dma_start3A_977] : memref<10240xf32, #tpu.memory_space<vmem_shared>> -> memref<10240xf32, #tpu.memory_space<vmem_shared>>
      tpu.enqueue_indirect_dma source(%dma_start3A_978 : memref<10240xf32, #tpu.memory_space<vmem_shared>>) target(%dma_start3A_973 : memref<128xf32, #tpu.memory_space<vmem>>) offsets(%dma_start3A_976 : memref<128xi32, #tpu.memory_space<vmem>>) semaphore(%arg16 : memref<!tpu.dma_semaphore, #tpu.memory_space<semaphore_mem>>)
      %mul3A_979 = arith.constant 8 : i32
      %mul3A_980 = arith.muli %scan3A_671, %mul3A_979 : i32
      %add3A_981 = arith.constant 7 : i32
      %add3A_982 = arith.addi %mul3A_980, %add3A_981 : i32
      %dma_wait3A_983 = arith.constant 7 : i32
      %dma_wait3A_984 = arith.constant 0 : i32
      %dma_wait3A_985 = tpu.memref_slice %arg9[%dma_wait3A_983, %dma_wait3A_984] : memref<8x128xf32, #tpu.memory_space<vmem>> -> memref<1x128xf32, #tpu.memory_space<vmem>>
      %dma_wait3A_986 = tpu.memref_squeeze %dma_wait3A_985 : memref<1x128xf32, #tpu.memory_space<vmem>> -> memref<128xf32, #tpu.memory_space<vmem>>
      %dma_wait3A_987 = arith.constant 0 : i32
      %dma_wait3A_988 = tpu.memref_slice %arg7[%add3A_982, %dma_wait3A_987] : memref<80x128xi32, #tpu.memory_space<vmem>> -> memref<1x128xi32, #tpu.memory_space<vmem>>
      %dma_wait3A_989 = tpu.memref_squeeze %dma_wait3A_988 : memref<1x128xi32, #tpu.memory_space<vmem>> -> memref<128xi32, #tpu.memory_space<vmem>>
      %dma_wait3A_990 = arith.constant 0 : i32
      %dma_wait3A_991 = tpu.memref_slice %arg11[%dma_wait3A_990] : memref<10240xf32, #tpu.memory_space<vmem_shared>> -> memref<10240xf32, #tpu.memory_space<vmem_shared>>
      tpu.wait_indirect_dma semaphore(%arg19 : memref<!tpu.dma_semaphore, #tpu.memory_space<semaphore_mem>>) src(%dma_wait3A_991 : memref<10240xf32, #tpu.memory_space<vmem_shared>>) dst(%dma_wait3A_986 : memref<128xf32, #tpu.memory_space<vmem>>)
      %dma_start3A_992 = arith.constant 7 : i32
      %dma_start3A_993 = arith.constant 0 : i32
      %dma_start3A_994 = tpu.memref_slice %arg9[%dma_start3A_992, %dma_start3A_993] : memref<8x128xf32, #tpu.memory_space<vmem>> -> memref<1x128xf32, #tpu.memory_space<vmem>>
      %dma_start3A_995 = tpu.memref_squeeze %dma_start3A_994 : memref<1x128xf32, #tpu.memory_space<vmem>> -> memref<128xf32, #tpu.memory_space<vmem>>
      %dma_start3A_996 = arith.constant 0 : i32
      %dma_start3A_997 = tpu.memref_slice %arg8[%add3A_982, %dma_start3A_996] : memref<80x128xi32, #tpu.memory_space<vmem>> -> memref<1x128xi32, #tpu.memory_space<vmem>>
      %dma_start3A_998 = tpu.memref_squeeze %dma_start3A_997 : memref<1x128xi32, #tpu.memory_space<vmem>> -> memref<128xi32, #tpu.memory_space<vmem>>
      %dma_start3A_999 = arith.constant 0 : i32
      %dma_start3A_1000 = tpu.memref_slice %arg10[%dma_start3A_999] : memref<10240xf32, #tpu.memory_space<vmem_shared>> -> memref<10240xf32, #tpu.memory_space<vmem_shared>>
      tpu.enqueue_indirect_dma source(%dma_start3A_995 : memref<128xf32, #tpu.memory_space<vmem>>) target(%dma_start3A_1000 : memref<10240xf32, #tpu.memory_space<vmem_shared>>) offsets(%dma_start3A_998 : memref<128xi32, #tpu.memory_space<vmem>>) semaphore(%arg27 : memref<!tpu.dma_semaphore, #tpu.memory_space<semaphore_mem>>) {add = true}
      %sub3A_1001 = arith.constant 2 : i32
      %sub3A_1002 = arith.subi %add3A_982, %sub3A_1001 : i32
      %dma_wait3A_1003 = arith.constant 5 : i32
      %dma_wait3A_1004 = arith.constant 0 : i32
      %dma_wait3A_1005 = tpu.memref_slice %arg9[%dma_wait3A_1003, %dma_wait3A_1004] : memref<8x128xf32, #tpu.memory_space<vmem>> -> memref<1x128xf32, #tpu.memory_space<vmem>>
      %dma_wait3A_1006 = tpu.memref_squeeze %dma_wait3A_1005 : memref<1x128xf32, #tpu.memory_space<vmem>> -> memref<128xf32, #tpu.memory_space<vmem>>
      %dma_wait3A_1007 = arith.constant 0 : i32
      %dma_wait3A_1008 = tpu.memref_slice %arg8[%sub3A_1002, %dma_wait3A_1007] : memref<80x128xi32, #tpu.memory_space<vmem>> -> memref<1x128xi32, #tpu.memory_space<vmem>>
      %dma_wait3A_1009 = tpu.memref_squeeze %dma_wait3A_1008 : memref<1x128xi32, #tpu.memory_space<vmem>> -> memref<128xi32, #tpu.memory_space<vmem>>
      %dma_wait3A_1010 = arith.constant 0 : i32
      %dma_wait3A_1011 = tpu.memref_slice %arg10[%dma_wait3A_1010] : memref<10240xf32, #tpu.memory_space<vmem_shared>> -> memref<10240xf32, #tpu.memory_space<vmem_shared>>
      tpu.wait_indirect_dma semaphore(%arg25 : memref<!tpu.dma_semaphore, #tpu.memory_space<semaphore_mem>>) src(%dma_wait3A_1006 : memref<128xf32, #tpu.memory_space<vmem>>) dst(%dma_wait3A_1011 : memref<10240xf32, #tpu.memory_space<vmem_shared>>)
      %add3A_1012 = arith.constant 6 : i32
      %add3A_1013 = arith.addi %add3A_982, %add3A_1012 : i32
      %dma_start3A_1014 = arith.constant 5 : i32
      %dma_start3A_1015 = arith.constant 0 : i32
      %dma_start3A_1016 = tpu.memref_slice %arg9[%dma_start3A_1014, %dma_start3A_1015] : memref<8x128xf32, #tpu.memory_space<vmem>> -> memref<1x128xf32, #tpu.memory_space<vmem>>
      %dma_start3A_1017 = tpu.memref_squeeze %dma_start3A_1016 : memref<1x128xf32, #tpu.memory_space<vmem>> -> memref<128xf32, #tpu.memory_space<vmem>>
      %dma_start3A_1018 = arith.constant 0 : i32
      %dma_start3A_1019 = tpu.memref_slice %arg7[%add3A_1013, %dma_start3A_1018] : memref<80x128xi32, #tpu.memory_space<vmem>> -> memref<1x128xi32, #tpu.memory_space<vmem>>
      %dma_start3A_1020 = tpu.memref_squeeze %dma_start3A_1019 : memref<1x128xi32, #tpu.memory_space<vmem>> -> memref<128xi32, #tpu.memory_space<vmem>>
      %dma_start3A_1021 = arith.constant 0 : i32
      %dma_start3A_1022 = tpu.memref_slice %arg11[%dma_start3A_1021] : memref<10240xf32, #tpu.memory_space<vmem_shared>> -> memref<10240xf32, #tpu.memory_space<vmem_shared>>
      tpu.enqueue_indirect_dma source(%dma_start3A_1022 : memref<10240xf32, #tpu.memory_space<vmem_shared>>) target(%dma_start3A_1017 : memref<128xf32, #tpu.memory_space<vmem>>) offsets(%dma_start3A_1020 : memref<128xi32, #tpu.memory_space<vmem>>) semaphore(%arg17 : memref<!tpu.dma_semaphore, #tpu.memory_space<semaphore_mem>>)
    }
    %scan3A_379 = arith.constant 8 : i32
    %dma_wait3A_380 = arith.constant 72 : i32
    %dma_wait3A_381 = arith.constant 0 : i32
    %dma_wait3A_382 = arith.constant 0 : i32
    %dma_wait3A_383 = tpu.memref_slice %arg9[%dma_wait3A_381, %dma_wait3A_382] : memref<8x128xf32, #tpu.memory_space<vmem>> -> memref<1x128xf32, #tpu.memory_space<vmem>>
    %dma_wait3A_384 = tpu.memref_squeeze %dma_wait3A_383 : memref<1x128xf32, #tpu.memory_space<vmem>> -> memref<128xf32, #tpu.memory_space<vmem>>
    %dma_wait3A_385 = arith.constant 0 : i32
    %dma_wait3A_386 = tpu.memref_slice %arg7[%dma_wait3A_380, %dma_wait3A_385] : memref<80x128xi32, #tpu.memory_space<vmem>> -> memref<1x128xi32, #tpu.memory_space<vmem>>
    %dma_wait3A_387 = tpu.memref_squeeze %dma_wait3A_386 : memref<1x128xi32, #tpu.memory_space<vmem>> -> memref<128xi32, #tpu.memory_space<vmem>>
    %dma_wait3A_388 = arith.constant 0 : i32
    %dma_wait3A_389 = tpu.memref_slice %arg11[%dma_wait3A_388] : memref<10240xf32, #tpu.memory_space<vmem_shared>> -> memref<10240xf32, #tpu.memory_space<vmem_shared>>
    tpu.wait_indirect_dma semaphore(%arg12 : memref<!tpu.dma_semaphore, #tpu.memory_space<semaphore_mem>>) src(%dma_wait3A_389 : memref<10240xf32, #tpu.memory_space<vmem_shared>>) dst(%dma_wait3A_384 : memref<128xf32, #tpu.memory_space<vmem>>)
    %dma_start3A_390 = arith.constant 0 : i32
    %dma_start3A_391 = arith.constant 72 : i32
    %dma_start3A_392 = arith.constant 0 : i32
    %dma_start3A_393 = tpu.memref_slice %arg9[%dma_start3A_390, %dma_start3A_392] : memref<8x128xf32, #tpu.memory_space<vmem>> -> memref<1x128xf32, #tpu.memory_space<vmem>>
    %dma_start3A_394 = tpu.memref_squeeze %dma_start3A_393 : memref<1x128xf32, #tpu.memory_space<vmem>> -> memref<128xf32, #tpu.memory_space<vmem>>
    %dma_start3A_395 = arith.constant 0 : i32
    %dma_start3A_396 = tpu.memref_slice %arg8[%dma_start3A_391, %dma_start3A_395] : memref<80x128xi32, #tpu.memory_space<vmem>> -> memref<1x128xi32, #tpu.memory_space<vmem>>
    %dma_start3A_397 = tpu.memref_squeeze %dma_start3A_396 : memref<1x128xi32, #tpu.memory_space<vmem>> -> memref<128xi32, #tpu.memory_space<vmem>>
    %dma_start3A_398 = arith.constant 0 : i32
    %dma_start3A_399 = tpu.memref_slice %arg10[%dma_start3A_398] : memref<10240xf32, #tpu.memory_space<vmem_shared>> -> memref<10240xf32, #tpu.memory_space<vmem_shared>>
    tpu.enqueue_indirect_dma source(%dma_start3A_394 : memref<128xf32, #tpu.memory_space<vmem>>) target(%dma_start3A_399 : memref<10240xf32, #tpu.memory_space<vmem_shared>>) offsets(%dma_start3A_397 : memref<128xi32, #tpu.memory_space<vmem>>) semaphore(%arg20 : memref<!tpu.dma_semaphore, #tpu.memory_space<semaphore_mem>>) {add = true}
    %dma_wait3A_400 = arith.constant 6 : i32
    %dma_wait3A_401 = arith.constant 70 : i32
    %dma_wait3A_402 = arith.constant 0 : i32
    %dma_wait3A_403 = tpu.memref_slice %arg9[%dma_wait3A_400, %dma_wait3A_402] : memref<8x128xf32, #tpu.memory_space<vmem>> -> memref<1x128xf32, #tpu.memory_space<vmem>>
    %dma_wait3A_404 = tpu.memref_squeeze %dma_wait3A_403 : memref<1x128xf32, #tpu.memory_space<vmem>> -> memref<128xf32, #tpu.memory_space<vmem>>
    %dma_wait3A_405 = arith.constant 0 : i32
    %dma_wait3A_406 = tpu.memref_slice %arg8[%dma_wait3A_401, %dma_wait3A_405] : memref<80x128xi32, #tpu.memory_space<vmem>> -> memref<1x128xi32, #tpu.memory_space<vmem>>
    %dma_wait3A_407 = tpu.memref_squeeze %dma_wait3A_406 : memref<1x128xi32, #tpu.memory_space<vmem>> -> memref<128xi32, #tpu.memory_space<vmem>>
    %dma_wait3A_408 = arith.constant 0 : i32
    %dma_wait3A_409 = tpu.memref_slice %arg10[%dma_wait3A_408] : memref<10240xf32, #tpu.memory_space<vmem_shared>> -> memref<10240xf32, #tpu.memory_space<vmem_shared>>
    tpu.wait_indirect_dma semaphore(%arg26 : memref<!tpu.dma_semaphore, #tpu.memory_space<semaphore_mem>>) src(%dma_wait3A_404 : memref<128xf32, #tpu.memory_space<vmem>>) dst(%dma_wait3A_409 : memref<10240xf32, #tpu.memory_space<vmem_shared>>)
    %dma_start3A_410 = arith.constant 78 : i32
    %dma_start3A_411 = arith.constant 6 : i32
    %dma_start3A_412 = arith.constant 0 : i32
    %dma_start3A_413 = tpu.memref_slice %arg9[%dma_start3A_411, %dma_start3A_412] : memref<8x128xf32, #tpu.memory_space<vmem>> -> memref<1x128xf32, #tpu.memory_space<vmem>>
    %dma_start3A_414 = tpu.memref_squeeze %dma_start3A_413 : memref<1x128xf32, #tpu.memory_space<vmem>> -> memref<128xf32, #tpu.memory_space<vmem>>
    %dma_start3A_415 = arith.constant 0 : i32
    %dma_start3A_416 = tpu.memref_slice %arg7[%dma_start3A_410, %dma_start3A_415] : memref<80x128xi32, #tpu.memory_space<vmem>> -> memref<1x128xi32, #tpu.memory_space<vmem>>
    %dma_start3A_417 = tpu.memref_squeeze %dma_start3A_416 : memref<1x128xi32, #tpu.memory_space<vmem>> -> memref<128xi32, #tpu.memory_space<vmem>>
    %dma_start3A_418 = arith.constant 0 : i32
    %dma_start3A_419 = tpu.memref_slice %arg11[%dma_start3A_418] : memref<10240xf32, #tpu.memory_space<vmem_shared>> -> memref<10240xf32, #tpu.memory_space<vmem_shared>>
    tpu.enqueue_indirect_dma source(%dma_start3A_419 : memref<10240xf32, #tpu.memory_space<vmem_shared>>) target(%dma_start3A_414 : memref<128xf32, #tpu.memory_space<vmem>>) offsets(%dma_start3A_417 : memref<128xi32, #tpu.memory_space<vmem>>) semaphore(%arg18 : memref<!tpu.dma_semaphore, #tpu.memory_space<semaphore_mem>>)
    %dma_wait3A_420 = arith.constant 73 : i32
    %dma_wait3A_421 = arith.constant 1 : i32
    %dma_wait3A_422 = arith.constant 0 : i32
    %dma_wait3A_423 = tpu.memref_slice %arg9[%dma_wait3A_421, %dma_wait3A_422] : memref<8x128xf32, #tpu.memory_space<vmem>> -> memref<1x128xf32, #tpu.memory_space<vmem>>
    %dma_wait3A_424 = tpu.memref_squeeze %dma_wait3A_423 : memref<1x128xf32, #tpu.memory_space<vmem>> -> memref<128xf32, #tpu.memory_space<vmem>>
    %dma_wait3A_425 = arith.constant 0 : i32
    %dma_wait3A_426 = tpu.memref_slice %arg7[%dma_wait3A_420, %dma_wait3A_425] : memref<80x128xi32, #tpu.memory_space<vmem>> -> memref<1x128xi32, #tpu.memory_space<vmem>>
    %dma_wait3A_427 = tpu.memref_squeeze %dma_wait3A_426 : memref<1x128xi32, #tpu.memory_space<vmem>> -> memref<128xi32, #tpu.memory_space<vmem>>
    %dma_wait3A_428 = arith.constant 0 : i32
    %dma_wait3A_429 = tpu.memref_slice %arg11[%dma_wait3A_428] : memref<10240xf32, #tpu.memory_space<vmem_shared>> -> memref<10240xf32, #tpu.memory_space<vmem_shared>>
    tpu.wait_indirect_dma semaphore(%arg13 : memref<!tpu.dma_semaphore, #tpu.memory_space<semaphore_mem>>) src(%dma_wait3A_429 : memref<10240xf32, #tpu.memory_space<vmem_shared>>) dst(%dma_wait3A_424 : memref<128xf32, #tpu.memory_space<vmem>>)
    %dma_start3A_430 = arith.constant 1 : i32
    %dma_start3A_431 = arith.constant 73 : i32
    %dma_start3A_432 = arith.constant 0 : i32
    %dma_start3A_433 = tpu.memref_slice %arg9[%dma_start3A_430, %dma_start3A_432] : memref<8x128xf32, #tpu.memory_space<vmem>> -> memref<1x128xf32, #tpu.memory_space<vmem>>
    %dma_start3A_434 = tpu.memref_squeeze %dma_start3A_433 : memref<1x128xf32, #tpu.memory_space<vmem>> -> memref<128xf32, #tpu.memory_space<vmem>>
    %dma_start3A_435 = arith.constant 0 : i32
    %dma_start3A_436 = tpu.memref_slice %arg8[%dma_start3A_431, %dma_start3A_435] : memref<80x128xi32, #tpu.memory_space<vmem>> -> memref<1x128xi32, #tpu.memory_space<vmem>>
    %dma_start3A_437 = tpu.memref_squeeze %dma_start3A_436 : memref<1x128xi32, #tpu.memory_space<vmem>> -> memref<128xi32, #tpu.memory_space<vmem>>
    %dma_start3A_438 = arith.constant 0 : i32
    %dma_start3A_439 = tpu.memref_slice %arg10[%dma_start3A_438] : memref<10240xf32, #tpu.memory_space<vmem_shared>> -> memref<10240xf32, #tpu.memory_space<vmem_shared>>
    tpu.enqueue_indirect_dma source(%dma_start3A_434 : memref<128xf32, #tpu.memory_space<vmem>>) target(%dma_start3A_439 : memref<10240xf32, #tpu.memory_space<vmem_shared>>) offsets(%dma_start3A_437 : memref<128xi32, #tpu.memory_space<vmem>>) semaphore(%arg21 : memref<!tpu.dma_semaphore, #tpu.memory_space<semaphore_mem>>) {add = true}
    %dma_wait3A_440 = arith.constant 7 : i32
    %dma_wait3A_441 = arith.constant 71 : i32
    %dma_wait3A_442 = arith.constant 0 : i32
    %dma_wait3A_443 = tpu.memref_slice %arg9[%dma_wait3A_440, %dma_wait3A_442] : memref<8x128xf32, #tpu.memory_space<vmem>> -> memref<1x128xf32, #tpu.memory_space<vmem>>
    %dma_wait3A_444 = tpu.memref_squeeze %dma_wait3A_443 : memref<1x128xf32, #tpu.memory_space<vmem>> -> memref<128xf32, #tpu.memory_space<vmem>>
    %dma_wait3A_445 = arith.constant 0 : i32
    %dma_wait3A_446 = tpu.memref_slice %arg8[%dma_wait3A_441, %dma_wait3A_445] : memref<80x128xi32, #tpu.memory_space<vmem>> -> memref<1x128xi32, #tpu.memory_space<vmem>>
    %dma_wait3A_447 = tpu.memref_squeeze %dma_wait3A_446 : memref<1x128xi32, #tpu.memory_space<vmem>> -> memref<128xi32, #tpu.memory_space<vmem>>
    %dma_wait3A_448 = arith.constant 0 : i32
    %dma_wait3A_449 = tpu.memref_slice %arg10[%dma_wait3A_448] : memref<10240xf32, #tpu.memory_space<vmem_shared>> -> memref<10240xf32, #tpu.memory_space<vmem_shared>>
    tpu.wait_indirect_dma semaphore(%arg27 : memref<!tpu.dma_semaphore, #tpu.memory_space<semaphore_mem>>) src(%dma_wait3A_444 : memref<128xf32, #tpu.memory_space<vmem>>) dst(%dma_wait3A_449 : memref<10240xf32, #tpu.memory_space<vmem_shared>>)
    %dma_start3A_450 = arith.constant 79 : i32
    %dma_start3A_451 = arith.constant 7 : i32
    %dma_start3A_452 = arith.constant 0 : i32
    %dma_start3A_453 = tpu.memref_slice %arg9[%dma_start3A_451, %dma_start3A_452] : memref<8x128xf32, #tpu.memory_space<vmem>> -> memref<1x128xf32, #tpu.memory_space<vmem>>
    %dma_start3A_454 = tpu.memref_squeeze %dma_start3A_453 : memref<1x128xf32, #tpu.memory_space<vmem>> -> memref<128xf32, #tpu.memory_space<vmem>>
    %dma_start3A_455 = arith.constant 0 : i32
    %dma_start3A_456 = tpu.memref_slice %arg7[%dma_start3A_450, %dma_start3A_455] : memref<80x128xi32, #tpu.memory_space<vmem>> -> memref<1x128xi32, #tpu.memory_space<vmem>>
    %dma_start3A_457 = tpu.memref_squeeze %dma_start3A_456 : memref<1x128xi32, #tpu.memory_space<vmem>> -> memref<128xi32, #tpu.memory_space<vmem>>
    %dma_start3A_458 = arith.constant 0 : i32
    %dma_start3A_459 = tpu.memref_slice %arg11[%dma_start3A_458] : memref<10240xf32, #tpu.memory_space<vmem_shared>> -> memref<10240xf32, #tpu.memory_space<vmem_shared>>
    tpu.enqueue_indirect_dma source(%dma_start3A_459 : memref<10240xf32, #tpu.memory_space<vmem_shared>>) target(%dma_start3A_454 : memref<128xf32, #tpu.memory_space<vmem>>) offsets(%dma_start3A_457 : memref<128xi32, #tpu.memory_space<vmem>>) semaphore(%arg19 : memref<!tpu.dma_semaphore, #tpu.memory_space<semaphore_mem>>)
    %dma_wait3A_460 = arith.constant 74 : i32
    %dma_wait3A_461 = arith.constant 2 : i32
    %dma_wait3A_462 = arith.constant 0 : i32
    %dma_wait3A_463 = tpu.memref_slice %arg9[%dma_wait3A_461, %dma_wait3A_462] : memref<8x128xf32, #tpu.memory_space<vmem>> -> memref<1x128xf32, #tpu.memory_space<vmem>>
    %dma_wait3A_464 = tpu.memref_squeeze %dma_wait3A_463 : memref<1x128xf32, #tpu.memory_space<vmem>> -> memref<128xf32, #tpu.memory_space<vmem>>
    %dma_wait3A_465 = arith.constant 0 : i32
    %dma_wait3A_466 = tpu.memref_slice %arg7[%dma_wait3A_460, %dma_wait3A_465] : memref<80x128xi32, #tpu.memory_space<vmem>> -> memref<1x128xi32, #tpu.memory_space<vmem>>
    %dma_wait3A_467 = tpu.memref_squeeze %dma_wait3A_466 : memref<1x128xi32, #tpu.memory_space<vmem>> -> memref<128xi32, #tpu.memory_space<vmem>>
    %dma_wait3A_468 = arith.constant 0 : i32
    %dma_wait3A_469 = tpu.memref_slice %arg11[%dma_wait3A_468] : memref<10240xf32, #tpu.memory_space<vmem_shared>> -> memref<10240xf32, #tpu.memory_space<vmem_shared>>
    tpu.wait_indirect_dma semaphore(%arg14 : memref<!tpu.dma_semaphore, #tpu.memory_space<semaphore_mem>>) src(%dma_wait3A_469 : memref<10240xf32, #tpu.memory_space<vmem_shared>>) dst(%dma_wait3A_464 : memref<128xf32, #tpu.memory_space<vmem>>)
    %dma_start3A_470 = arith.constant 2 : i32
    %dma_start3A_471 = arith.constant 74 : i32
    %dma_start3A_472 = arith.constant 0 : i32
    %dma_start3A_473 = tpu.memref_slice %arg9[%dma_start3A_470, %dma_start3A_472] : memref<8x128xf32, #tpu.memory_space<vmem>> -> memref<1x128xf32, #tpu.memory_space<vmem>>
    %dma_start3A_474 = tpu.memref_squeeze %dma_start3A_473 : memref<1x128xf32, #tpu.memory_space<vmem>> -> memref<128xf32, #tpu.memory_space<vmem>>
    %dma_start3A_475 = arith.constant 0 : i32
    %dma_start3A_476 = tpu.memref_slice %arg8[%dma_start3A_471, %dma_start3A_475] : memref<80x128xi32, #tpu.memory_space<vmem>> -> memref<1x128xi32, #tpu.memory_space<vmem>>
    %dma_start3A_477 = tpu.memref_squeeze %dma_start3A_476 : memref<1x128xi32, #tpu.memory_space<vmem>> -> memref<128xi32, #tpu.memory_space<vmem>>
    %dma_start3A_478 = arith.constant 0 : i32
    %dma_start3A_479 = tpu.memref_slice %arg10[%dma_start3A_478] : memref<10240xf32, #tpu.memory_space<vmem_shared>> -> memref<10240xf32, #tpu.memory_space<vmem_shared>>
    tpu.enqueue_indirect_dma source(%dma_start3A_474 : memref<128xf32, #tpu.memory_space<vmem>>) target(%dma_start3A_479 : memref<10240xf32, #tpu.memory_space<vmem_shared>>) offsets(%dma_start3A_477 : memref<128xi32, #tpu.memory_space<vmem>>) semaphore(%arg22 : memref<!tpu.dma_semaphore, #tpu.memory_space<semaphore_mem>>) {add = true}
    %dma_wait3A_480 = arith.constant 0 : i32
    %dma_wait3A_481 = arith.constant 72 : i32
    %dma_wait3A_482 = arith.constant 0 : i32
    %dma_wait3A_483 = tpu.memref_slice %arg9[%dma_wait3A_480, %dma_wait3A_482] : memref<8x128xf32, #tpu.memory_space<vmem>> -> memref<1x128xf32, #tpu.memory_space<vmem>>
    %dma_wait3A_484 = tpu.memref_squeeze %dma_wait3A_483 : memref<1x128xf32, #tpu.memory_space<vmem>> -> memref<128xf32, #tpu.memory_space<vmem>>
    %dma_wait3A_485 = arith.constant 0 : i32
    %dma_wait3A_486 = tpu.memref_slice %arg8[%dma_wait3A_481, %dma_wait3A_485] : memref<80x128xi32, #tpu.memory_space<vmem>> -> memref<1x128xi32, #tpu.memory_space<vmem>>
    %dma_wait3A_487 = tpu.memref_squeeze %dma_wait3A_486 : memref<1x128xi32, #tpu.memory_space<vmem>> -> memref<128xi32, #tpu.memory_space<vmem>>
    %dma_wait3A_488 = arith.constant 0 : i32
    %dma_wait3A_489 = tpu.memref_slice %arg10[%dma_wait3A_488] : memref<10240xf32, #tpu.memory_space<vmem_shared>> -> memref<10240xf32, #tpu.memory_space<vmem_shared>>
    tpu.wait_indirect_dma semaphore(%arg20 : memref<!tpu.dma_semaphore, #tpu.memory_space<semaphore_mem>>) src(%dma_wait3A_484 : memref<128xf32, #tpu.memory_space<vmem>>) dst(%dma_wait3A_489 : memref<10240xf32, #tpu.memory_space<vmem_shared>>)
    %dma_wait3A_490 = arith.constant 75 : i32
    %dma_wait3A_491 = arith.constant 3 : i32
    %dma_wait3A_492 = arith.constant 0 : i32
    %dma_wait3A_493 = tpu.memref_slice %arg9[%dma_wait3A_491, %dma_wait3A_492] : memref<8x128xf32, #tpu.memory_space<vmem>> -> memref<1x128xf32, #tpu.memory_space<vmem>>
    %dma_wait3A_494 = tpu.memref_squeeze %dma_wait3A_493 : memref<1x128xf32, #tpu.memory_space<vmem>> -> memref<128xf32, #tpu.memory_space<vmem>>
    %dma_wait3A_495 = arith.constant 0 : i32
    %dma_wait3A_496 = tpu.memref_slice %arg7[%dma_wait3A_490, %dma_wait3A_495] : memref<80x128xi32, #tpu.memory_space<vmem>> -> memref<1x128xi32, #tpu.memory_space<vmem>>
    %dma_wait3A_497 = tpu.memref_squeeze %dma_wait3A_496 : memref<1x128xi32, #tpu.memory_space<vmem>> -> memref<128xi32, #tpu.memory_space<vmem>>
    %dma_wait3A_498 = arith.constant 0 : i32
    %dma_wait3A_499 = tpu.memref_slice %arg11[%dma_wait3A_498] : memref<10240xf32, #tpu.memory_space<vmem_shared>> -> memref<10240xf32, #tpu.memory_space<vmem_shared>>
    tpu.wait_indirect_dma semaphore(%arg15 : memref<!tpu.dma_semaphore, #tpu.memory_space<semaphore_mem>>) src(%dma_wait3A_499 : memref<10240xf32, #tpu.memory_space<vmem_shared>>) dst(%dma_wait3A_494 : memref<128xf32, #tpu.memory_space<vmem>>)
    %dma_start3A_500 = arith.constant 3 : i32
    %dma_start3A_501 = arith.constant 75 : i32
    %dma_start3A_502 = arith.constant 0 : i32
    %dma_start3A_503 = tpu.memref_slice %arg9[%dma_start3A_500, %dma_start3A_502] : memref<8x128xf32, #tpu.memory_space<vmem>> -> memref<1x128xf32, #tpu.memory_space<vmem>>
    %dma_start3A_504 = tpu.memref_squeeze %dma_start3A_503 : memref<1x128xf32, #tpu.memory_space<vmem>> -> memref<128xf32, #tpu.memory_space<vmem>>
    %dma_start3A_505 = arith.constant 0 : i32
    %dma_start3A_506 = tpu.memref_slice %arg8[%dma_start3A_501, %dma_start3A_505] : memref<80x128xi32, #tpu.memory_space<vmem>> -> memref<1x128xi32, #tpu.memory_space<vmem>>
    %dma_start3A_507 = tpu.memref_squeeze %dma_start3A_506 : memref<1x128xi32, #tpu.memory_space<vmem>> -> memref<128xi32, #tpu.memory_space<vmem>>
    %dma_start3A_508 = arith.constant 0 : i32
    %dma_start3A_509 = tpu.memref_slice %arg10[%dma_start3A_508] : memref<10240xf32, #tpu.memory_space<vmem_shared>> -> memref<10240xf32, #tpu.memory_space<vmem_shared>>
    tpu.enqueue_indirect_dma source(%dma_start3A_504 : memref<128xf32, #tpu.memory_space<vmem>>) target(%dma_start3A_509 : memref<10240xf32, #tpu.memory_space<vmem_shared>>) offsets(%dma_start3A_507 : memref<128xi32, #tpu.memory_space<vmem>>) semaphore(%arg23 : memref<!tpu.dma_semaphore, #tpu.memory_space<semaphore_mem>>) {add = true}
    %dma_wait3A_510 = arith.constant 1 : i32
    %dma_wait3A_511 = arith.constant 73 : i32
    %dma_wait3A_512 = arith.constant 0 : i32
    %dma_wait3A_513 = tpu.memref_slice %arg9[%dma_wait3A_510, %dma_wait3A_512] : memref<8x128xf32, #tpu.memory_space<vmem>> -> memref<1x128xf32, #tpu.memory_space<vmem>>
    %dma_wait3A_514 = tpu.memref_squeeze %dma_wait3A_513 : memref<1x128xf32, #tpu.memory_space<vmem>> -> memref<128xf32, #tpu.memory_space<vmem>>
    %dma_wait3A_515 = arith.constant 0 : i32
    %dma_wait3A_516 = tpu.memref_slice %arg8[%dma_wait3A_511, %dma_wait3A_515] : memref<80x128xi32, #tpu.memory_space<vmem>> -> memref<1x128xi32, #tpu.memory_space<vmem>>
    %dma_wait3A_517 = tpu.memref_squeeze %dma_wait3A_516 : memref<1x128xi32, #tpu.memory_space<vmem>> -> memref<128xi32, #tpu.memory_space<vmem>>
    %dma_wait3A_518 = arith.constant 0 : i32
    %dma_wait3A_519 = tpu.memref_slice %arg10[%dma_wait3A_518] : memref<10240xf32, #tpu.memory_space<vmem_shared>> -> memref<10240xf32, #tpu.memory_space<vmem_shared>>
    tpu.wait_indirect_dma semaphore(%arg21 : memref<!tpu.dma_semaphore, #tpu.memory_space<semaphore_mem>>) src(%dma_wait3A_514 : memref<128xf32, #tpu.memory_space<vmem>>) dst(%dma_wait3A_519 : memref<10240xf32, #tpu.memory_space<vmem_shared>>)
    %dma_wait3A_520 = arith.constant 76 : i32
    %dma_wait3A_521 = arith.constant 4 : i32
    %dma_wait3A_522 = arith.constant 0 : i32
    %dma_wait3A_523 = tpu.memref_slice %arg9[%dma_wait3A_521, %dma_wait3A_522] : memref<8x128xf32, #tpu.memory_space<vmem>> -> memref<1x128xf32, #tpu.memory_space<vmem>>
    %dma_wait3A_524 = tpu.memref_squeeze %dma_wait3A_523 : memref<1x128xf32, #tpu.memory_space<vmem>> -> memref<128xf32, #tpu.memory_space<vmem>>
    %dma_wait3A_525 = arith.constant 0 : i32
    %dma_wait3A_526 = tpu.memref_slice %arg7[%dma_wait3A_520, %dma_wait3A_525] : memref<80x128xi32, #tpu.memory_space<vmem>> -> memref<1x128xi32, #tpu.memory_space<vmem>>
    %dma_wait3A_527 = tpu.memref_squeeze %dma_wait3A_526 : memref<1x128xi32, #tpu.memory_space<vmem>> -> memref<128xi32, #tpu.memory_space<vmem>>
    %dma_wait3A_528 = arith.constant 0 : i32
    %dma_wait3A_529 = tpu.memref_slice %arg11[%dma_wait3A_528] : memref<10240xf32, #tpu.memory_space<vmem_shared>> -> memref<10240xf32, #tpu.memory_space<vmem_shared>>
    tpu.wait_indirect_dma semaphore(%arg16 : memref<!tpu.dma_semaphore, #tpu.memory_space<semaphore_mem>>) src(%dma_wait3A_529 : memref<10240xf32, #tpu.memory_space<vmem_shared>>) dst(%dma_wait3A_524 : memref<128xf32, #tpu.memory_space<vmem>>)
    %dma_start3A_530 = arith.constant 4 : i32
    %dma_start3A_531 = arith.constant 76 : i32
    %dma_start3A_532 = arith.constant 0 : i32
    %dma_start3A_533 = tpu.memref_slice %arg9[%dma_start3A_530, %dma_start3A_532] : memref<8x128xf32, #tpu.memory_space<vmem>> -> memref<1x128xf32, #tpu.memory_space<vmem>>
    %dma_start3A_534 = tpu.memref_squeeze %dma_start3A_533 : memref<1x128xf32, #tpu.memory_space<vmem>> -> memref<128xf32, #tpu.memory_space<vmem>>
    %dma_start3A_535 = arith.constant 0 : i32
    %dma_start3A_536 = tpu.memref_slice %arg8[%dma_start3A_531, %dma_start3A_535] : memref<80x128xi32, #tpu.memory_space<vmem>> -> memref<1x128xi32, #tpu.memory_space<vmem>>
    %dma_start3A_537 = tpu.memref_squeeze %dma_start3A_536 : memref<1x128xi32, #tpu.memory_space<vmem>> -> memref<128xi32, #tpu.memory_space<vmem>>
    %dma_start3A_538 = arith.constant 0 : i32
    %dma_start3A_539 = tpu.memref_slice %arg10[%dma_start3A_538] : memref<10240xf32, #tpu.memory_space<vmem_shared>> -> memref<10240xf32, #tpu.memory_space<vmem_shared>>
    tpu.enqueue_indirect_dma source(%dma_start3A_534 : memref<128xf32, #tpu.memory_space<vmem>>) target(%dma_start3A_539 : memref<10240xf32, #tpu.memory_space<vmem_shared>>) offsets(%dma_start3A_537 : memref<128xi32, #tpu.memory_space<vmem>>) semaphore(%arg24 : memref<!tpu.dma_semaphore, #tpu.memory_space<semaphore_mem>>) {add = true}
    %dma_wait3A_540 = arith.constant 2 : i32
    %dma_wait3A_541 = arith.constant 74 : i32
    %dma_wait3A_542 = arith.constant 0 : i32
    %dma_wait3A_543 = tpu.memref_slice %arg9[%dma_wait3A_540, %dma_wait3A_542] : memref<8x128xf32, #tpu.memory_space<vmem>> -> memref<1x128xf32, #tpu.memory_space<vmem>>
    %dma_wait3A_544 = tpu.memref_squeeze %dma_wait3A_543 : memref<1x128xf32, #tpu.memory_space<vmem>> -> memref<128xf32, #tpu.memory_space<vmem>>
    %dma_wait3A_545 = arith.constant 0 : i32
    %dma_wait3A_546 = tpu.memref_slice %arg8[%dma_wait3A_541, %dma_wait3A_545] : memref<80x128xi32, #tpu.memory_space<vmem>> -> memref<1x128xi32, #tpu.memory_space<vmem>>
    %dma_wait3A_547 = tpu.memref_squeeze %dma_wait3A_546 : memref<1x128xi32, #tpu.memory_space<vmem>> -> memref<128xi32, #tpu.memory_space<vmem>>
    %dma_wait3A_548 = arith.constant 0 : i32
    %dma_wait3A_549 = tpu.memref_slice %arg10[%dma_wait3A_548] : memref<10240xf32, #tpu.memory_space<vmem_shared>> -> memref<10240xf32, #tpu.memory_space<vmem_shared>>
    tpu.wait_indirect_dma semaphore(%arg22 : memref<!tpu.dma_semaphore, #tpu.memory_space<semaphore_mem>>) src(%dma_wait3A_544 : memref<128xf32, #tpu.memory_space<vmem>>) dst(%dma_wait3A_549 : memref<10240xf32, #tpu.memory_space<vmem_shared>>)
    %dma_wait3A_550 = arith.constant 77 : i32
    %dma_wait3A_551 = arith.constant 5 : i32
    %dma_wait3A_552 = arith.constant 0 : i32
    %dma_wait3A_553 = tpu.memref_slice %arg9[%dma_wait3A_551, %dma_wait3A_552] : memref<8x128xf32, #tpu.memory_space<vmem>> -> memref<1x128xf32, #tpu.memory_space<vmem>>
    %dma_wait3A_554 = tpu.memref_squeeze %dma_wait3A_553 : memref<1x128xf32, #tpu.memory_space<vmem>> -> memref<128xf32, #tpu.memory_space<vmem>>
    %dma_wait3A_555 = arith.constant 0 : i32
    %dma_wait3A_556 = tpu.memref_slice %arg7[%dma_wait3A_550, %dma_wait3A_555] : memref<80x128xi32, #tpu.memory_space<vmem>> -> memref<1x128xi32, #tpu.memory_space<vmem>>
    %dma_wait3A_557 = tpu.memref_squeeze %dma_wait3A_556 : memref<1x128xi32, #tpu.memory_space<vmem>> -> memref<128xi32, #tpu.memory_space<vmem>>
    %dma_wait3A_558 = arith.constant 0 : i32
    %dma_wait3A_559 = tpu.memref_slice %arg11[%dma_wait3A_558] : memref<10240xf32, #tpu.memory_space<vmem_shared>> -> memref<10240xf32, #tpu.memory_space<vmem_shared>>
    tpu.wait_indirect_dma semaphore(%arg17 : memref<!tpu.dma_semaphore, #tpu.memory_space<semaphore_mem>>) src(%dma_wait3A_559 : memref<10240xf32, #tpu.memory_space<vmem_shared>>) dst(%dma_wait3A_554 : memref<128xf32, #tpu.memory_space<vmem>>)
    %dma_start3A_560 = arith.constant 5 : i32
    %dma_start3A_561 = arith.constant 77 : i32
    %dma_start3A_562 = arith.constant 0 : i32
    %dma_start3A_563 = tpu.memref_slice %arg9[%dma_start3A_560, %dma_start3A_562] : memref<8x128xf32, #tpu.memory_space<vmem>> -> memref<1x128xf32, #tpu.memory_space<vmem>>
    %dma_start3A_564 = tpu.memref_squeeze %dma_start3A_563 : memref<1x128xf32, #tpu.memory_space<vmem>> -> memref<128xf32, #tpu.memory_space<vmem>>
    %dma_start3A_565 = arith.constant 0 : i32
    %dma_start3A_566 = tpu.memref_slice %arg8[%dma_start3A_561, %dma_start3A_565] : memref<80x128xi32, #tpu.memory_space<vmem>> -> memref<1x128xi32, #tpu.memory_space<vmem>>
    %dma_start3A_567 = tpu.memref_squeeze %dma_start3A_566 : memref<1x128xi32, #tpu.memory_space<vmem>> -> memref<128xi32, #tpu.memory_space<vmem>>
    %dma_start3A_568 = arith.constant 0 : i32
    %dma_start3A_569 = tpu.memref_slice %arg10[%dma_start3A_568] : memref<10240xf32, #tpu.memory_space<vmem_shared>> -> memref<10240xf32, #tpu.memory_space<vmem_shared>>
    tpu.enqueue_indirect_dma source(%dma_start3A_564 : memref<128xf32, #tpu.memory_space<vmem>>) target(%dma_start3A_569 : memref<10240xf32, #tpu.memory_space<vmem_shared>>) offsets(%dma_start3A_567 : memref<128xi32, #tpu.memory_space<vmem>>) semaphore(%arg25 : memref<!tpu.dma_semaphore, #tpu.memory_space<semaphore_mem>>) {add = true}
    %dma_wait3A_570 = arith.constant 3 : i32
    %dma_wait3A_571 = arith.constant 75 : i32
    %dma_wait3A_572 = arith.constant 0 : i32
    %dma_wait3A_573 = tpu.memref_slice %arg9[%dma_wait3A_570, %dma_wait3A_572] : memref<8x128xf32, #tpu.memory_space<vmem>> -> memref<1x128xf32, #tpu.memory_space<vmem>>
    %dma_wait3A_574 = tpu.memref_squeeze %dma_wait3A_573 : memref<1x128xf32, #tpu.memory_space<vmem>> -> memref<128xf32, #tpu.memory_space<vmem>>
    %dma_wait3A_575 = arith.constant 0 : i32
    %dma_wait3A_576 = tpu.memref_slice %arg8[%dma_wait3A_571, %dma_wait3A_575] : memref<80x128xi32, #tpu.memory_space<vmem>> -> memref<1x128xi32, #tpu.memory_space<vmem>>
    %dma_wait3A_577 = tpu.memref_squeeze %dma_wait3A_576 : memref<1x128xi32, #tpu.memory_space<vmem>> -> memref<128xi32, #tpu.memory_space<vmem>>
    %dma_wait3A_578 = arith.constant 0 : i32
    %dma_wait3A_579 = tpu.memref_slice %arg10[%dma_wait3A_578] : memref<10240xf32, #tpu.memory_space<vmem_shared>> -> memref<10240xf32, #tpu.memory_space<vmem_shared>>
    tpu.wait_indirect_dma semaphore(%arg23 : memref<!tpu.dma_semaphore, #tpu.memory_space<semaphore_mem>>) src(%dma_wait3A_574 : memref<128xf32, #tpu.memory_space<vmem>>) dst(%dma_wait3A_579 : memref<10240xf32, #tpu.memory_space<vmem_shared>>)
    %dma_wait3A_580 = arith.constant 78 : i32
    %dma_wait3A_581 = arith.constant 6 : i32
    %dma_wait3A_582 = arith.constant 0 : i32
    %dma_wait3A_583 = tpu.memref_slice %arg9[%dma_wait3A_581, %dma_wait3A_582] : memref<8x128xf32, #tpu.memory_space<vmem>> -> memref<1x128xf32, #tpu.memory_space<vmem>>
    %dma_wait3A_584 = tpu.memref_squeeze %dma_wait3A_583 : memref<1x128xf32, #tpu.memory_space<vmem>> -> memref<128xf32, #tpu.memory_space<vmem>>
    %dma_wait3A_585 = arith.constant 0 : i32
    %dma_wait3A_586 = tpu.memref_slice %arg7[%dma_wait3A_580, %dma_wait3A_585] : memref<80x128xi32, #tpu.memory_space<vmem>> -> memref<1x128xi32, #tpu.memory_space<vmem>>
    %dma_wait3A_587 = tpu.memref_squeeze %dma_wait3A_586 : memref<1x128xi32, #tpu.memory_space<vmem>> -> memref<128xi32, #tpu.memory_space<vmem>>
    %dma_wait3A_588 = arith.constant 0 : i32
    %dma_wait3A_589 = tpu.memref_slice %arg11[%dma_wait3A_588] : memref<10240xf32, #tpu.memory_space<vmem_shared>> -> memref<10240xf32, #tpu.memory_space<vmem_shared>>
    tpu.wait_indirect_dma semaphore(%arg18 : memref<!tpu.dma_semaphore, #tpu.memory_space<semaphore_mem>>) src(%dma_wait3A_589 : memref<10240xf32, #tpu.memory_space<vmem_shared>>) dst(%dma_wait3A_584 : memref<128xf32, #tpu.memory_space<vmem>>)
    %dma_start3A_590 = arith.constant 6 : i32
    %dma_start3A_591 = arith.constant 78 : i32
    %dma_start3A_592 = arith.constant 0 : i32
    %dma_start3A_593 = tpu.memref_slice %arg9[%dma_start3A_590, %dma_start3A_592] : memref<8x128xf32, #tpu.memory_space<vmem>> -> memref<1x128xf32, #tpu.memory_space<vmem>>
    %dma_start3A_594 = tpu.memref_squeeze %dma_start3A_593 : memref<1x128xf32, #tpu.memory_space<vmem>> -> memref<128xf32, #tpu.memory_space<vmem>>
    %dma_start3A_595 = arith.constant 0 : i32
    %dma_start3A_596 = tpu.memref_slice %arg8[%dma_start3A_591, %dma_start3A_595] : memref<80x128xi32, #tpu.memory_space<vmem>> -> memref<1x128xi32, #tpu.memory_space<vmem>>
    %dma_start3A_597 = tpu.memref_squeeze %dma_start3A_596 : memref<1x128xi32, #tpu.memory_space<vmem>> -> memref<128xi32, #tpu.memory_space<vmem>>
    %dma_start3A_598 = arith.constant 0 : i32
    %dma_start3A_599 = tpu.memref_slice %arg10[%dma_start3A_598] : memref<10240xf32, #tpu.memory_space<vmem_shared>> -> memref<10240xf32, #tpu.memory_space<vmem_shared>>
    tpu.enqueue_indirect_dma source(%dma_start3A_594 : memref<128xf32, #tpu.memory_space<vmem>>) target(%dma_start3A_599 : memref<10240xf32, #tpu.memory_space<vmem_shared>>) offsets(%dma_start3A_597 : memref<128xi32, #tpu.memory_space<vmem>>) semaphore(%arg26 : memref<!tpu.dma_semaphore, #tpu.memory_space<semaphore_mem>>) {add = true}
    %dma_wait3A_600 = arith.constant 4 : i32
    %dma_wait3A_601 = arith.constant 76 : i32
    %dma_wait3A_602 = arith.constant 0 : i32
    %dma_wait3A_603 = tpu.memref_slice %arg9[%dma_wait3A_600, %dma_wait3A_602] : memref<8x128xf32, #tpu.memory_space<vmem>> -> memref<1x128xf32, #tpu.memory_space<vmem>>
    %dma_wait3A_604 = tpu.memref_squeeze %dma_wait3A_603 : memref<1x128xf32, #tpu.memory_space<vmem>> -> memref<128xf32, #tpu.memory_space<vmem>>
    %dma_wait3A_605 = arith.constant 0 : i32
    %dma_wait3A_606 = tpu.memref_slice %arg8[%dma_wait3A_601, %dma_wait3A_605] : memref<80x128xi32, #tpu.memory_space<vmem>> -> memref<1x128xi32, #tpu.memory_space<vmem>>
    %dma_wait3A_607 = tpu.memref_squeeze %dma_wait3A_606 : memref<1x128xi32, #tpu.memory_space<vmem>> -> memref<128xi32, #tpu.memory_space<vmem>>
    %dma_wait3A_608 = arith.constant 0 : i32
    %dma_wait3A_609 = tpu.memref_slice %arg10[%dma_wait3A_608] : memref<10240xf32, #tpu.memory_space<vmem_shared>> -> memref<10240xf32, #tpu.memory_space<vmem_shared>>
    tpu.wait_indirect_dma semaphore(%arg24 : memref<!tpu.dma_semaphore, #tpu.memory_space<semaphore_mem>>) src(%dma_wait3A_604 : memref<128xf32, #tpu.memory_space<vmem>>) dst(%dma_wait3A_609 : memref<10240xf32, #tpu.memory_space<vmem_shared>>)
    %dma_wait3A_610 = arith.constant 79 : i32
    %dma_wait3A_611 = arith.constant 7 : i32
    %dma_wait3A_612 = arith.constant 0 : i32
    %dma_wait3A_613 = tpu.memref_slice %arg9[%dma_wait3A_611, %dma_wait3A_612] : memref<8x128xf32, #tpu.memory_space<vmem>> -> memref<1x128xf32, #tpu.memory_space<vmem>>
    %dma_wait3A_614 = tpu.memref_squeeze %dma_wait3A_613 : memref<1x128xf32, #tpu.memory_space<vmem>> -> memref<128xf32, #tpu.memory_space<vmem>>
    %dma_wait3A_615 = arith.constant 0 : i32
    %dma_wait3A_616 = tpu.memref_slice %arg7[%dma_wait3A_610, %dma_wait3A_615] : memref<80x128xi32, #tpu.memory_space<vmem>> -> memref<1x128xi32, #tpu.memory_space<vmem>>
    %dma_wait3A_617 = tpu.memref_squeeze %dma_wait3A_616 : memref<1x128xi32, #tpu.memory_space<vmem>> -> memref<128xi32, #tpu.memory_space<vmem>>
    %dma_wait3A_618 = arith.constant 0 : i32
    %dma_wait3A_619 = tpu.memref_slice %arg11[%dma_wait3A_618] : memref<10240xf32, #tpu.memory_space<vmem_shared>> -> memref<10240xf32, #tpu.memory_space<vmem_shared>>
    tpu.wait_indirect_dma semaphore(%arg19 : memref<!tpu.dma_semaphore, #tpu.memory_space<semaphore_mem>>) src(%dma_wait3A_619 : memref<10240xf32, #tpu.memory_space<vmem_shared>>) dst(%dma_wait3A_614 : memref<128xf32, #tpu.memory_space<vmem>>)
    %dma_start3A_620 = arith.constant 7 : i32
    %dma_start3A_621 = arith.constant 79 : i32
    %dma_start3A_622 = arith.constant 0 : i32
    %dma_start3A_623 = tpu.memref_slice %arg9[%dma_start3A_620, %dma_start3A_622] : memref<8x128xf32, #tpu.memory_space<vmem>> -> memref<1x128xf32, #tpu.memory_space<vmem>>
    %dma_start3A_624 = tpu.memref_squeeze %dma_start3A_623 : memref<1x128xf32, #tpu.memory_space<vmem>> -> memref<128xf32, #tpu.memory_space<vmem>>
    %dma_start3A_625 = arith.constant 0 : i32
    %dma_start3A_626 = tpu.memref_slice %arg8[%dma_start3A_621, %dma_start3A_625] : memref<80x128xi32, #tpu.memory_space<vmem>> -> memref<1x128xi32, #tpu.memory_space<vmem>>
    %dma_start3A_627 = tpu.memref_squeeze %dma_start3A_626 : memref<1x128xi32, #tpu.memory_space<vmem>> -> memref<128xi32, #tpu.memory_space<vmem>>
    %dma_start3A_628 = arith.constant 0 : i32
    %dma_start3A_629 = tpu.memref_slice %arg10[%dma_start3A_628] : memref<10240xf32, #tpu.memory_space<vmem_shared>> -> memref<10240xf32, #tpu.memory_space<vmem_shared>>
    tpu.enqueue_indirect_dma source(%dma_start3A_624 : memref<128xf32, #tpu.memory_space<vmem>>) target(%dma_start3A_629 : memref<10240xf32, #tpu.memory_space<vmem_shared>>) offsets(%dma_start3A_627 : memref<128xi32, #tpu.memory_space<vmem>>) semaphore(%arg27 : memref<!tpu.dma_semaphore, #tpu.memory_space<semaphore_mem>>) {add = true}
    %dma_wait3A_630 = arith.constant 5 : i32
    %dma_wait3A_631 = arith.constant 77 : i32
    %dma_wait3A_632 = arith.constant 0 : i32
    %dma_wait3A_633 = tpu.memref_slice %arg9[%dma_wait3A_630, %dma_wait3A_632] : memref<8x128xf32, #tpu.memory_space<vmem>> -> memref<1x128xf32, #tpu.memory_space<vmem>>
    %dma_wait3A_634 = tpu.memref_squeeze %dma_wait3A_633 : memref<1x128xf32, #tpu.memory_space<vmem>> -> memref<128xf32, #tpu.memory_space<vmem>>
    %dma_wait3A_635 = arith.constant 0 : i32
    %dma_wait3A_636 = tpu.memref_slice %arg8[%dma_wait3A_631, %dma_wait3A_635] : memref<80x128xi32, #tpu.memory_space<vmem>> -> memref<1x128xi32, #tpu.memory_space<vmem>>
    %dma_wait3A_637 = tpu.memref_squeeze %dma_wait3A_636 : memref<1x128xi32, #tpu.memory_space<vmem>> -> memref<128xi32, #tpu.memory_space<vmem>>
    %dma_wait3A_638 = arith.constant 0 : i32
    %dma_wait3A_639 = tpu.memref_slice %arg10[%dma_wait3A_638] : memref<10240xf32, #tpu.memory_space<vmem_shared>> -> memref<10240xf32, #tpu.memory_space<vmem_shared>>
    tpu.wait_indirect_dma semaphore(%arg25 : memref<!tpu.dma_semaphore, #tpu.memory_space<semaphore_mem>>) src(%dma_wait3A_634 : memref<128xf32, #tpu.memory_space<vmem>>) dst(%dma_wait3A_639 : memref<10240xf32, #tpu.memory_space<vmem_shared>>)
    %dma_wait3A_640 = arith.constant 6 : i32
    %dma_wait3A_641 = arith.constant 78 : i32
    %dma_wait3A_642 = arith.constant 0 : i32
    %dma_wait3A_643 = tpu.memref_slice %arg9[%dma_wait3A_640, %dma_wait3A_642] : memref<8x128xf32, #tpu.memory_space<vmem>> -> memref<1x128xf32, #tpu.memory_space<vmem>>
    %dma_wait3A_644 = tpu.memref_squeeze %dma_wait3A_643 : memref<1x128xf32, #tpu.memory_space<vmem>> -> memref<128xf32, #tpu.memory_space<vmem>>
    %dma_wait3A_645 = arith.constant 0 : i32
    %dma_wait3A_646 = tpu.memref_slice %arg8[%dma_wait3A_641, %dma_wait3A_645] : memref<80x128xi32, #tpu.memory_space<vmem>> -> memref<1x128xi32, #tpu.memory_space<vmem>>
    %dma_wait3A_647 = tpu.memref_squeeze %dma_wait3A_646 : memref<1x128xi32, #tpu.memory_space<vmem>> -> memref<128xi32, #tpu.memory_space<vmem>>
    %dma_wait3A_648 = arith.constant 0 : i32
    %dma_wait3A_649 = tpu.memref_slice %arg10[%dma_wait3A_648] : memref<10240xf32, #tpu.memory_space<vmem_shared>> -> memref<10240xf32, #tpu.memory_space<vmem_shared>>
    tpu.wait_indirect_dma semaphore(%arg26 : memref<!tpu.dma_semaphore, #tpu.memory_space<semaphore_mem>>) src(%dma_wait3A_644 : memref<128xf32, #tpu.memory_space<vmem>>) dst(%dma_wait3A_649 : memref<10240xf32, #tpu.memory_space<vmem_shared>>)
    %dma_wait3A_650 = arith.constant 7 : i32
    %dma_wait3A_651 = arith.constant 79 : i32
    %dma_wait3A_652 = arith.constant 0 : i32
    %dma_wait3A_653 = tpu.memref_slice %arg9[%dma_wait3A_650, %dma_wait3A_652] : memref<8x128xf32, #tpu.memory_space<vmem>> -> memref<1x128xf32, #tpu.memory_space<vmem>>
    %dma_wait3A_654 = tpu.memref_squeeze %dma_wait3A_653 : memref<1x128xf32, #tpu.memory_space<vmem>> -> memref<128xf32, #tpu.memory_space<vmem>>
    %dma_wait3A_655 = arith.constant 0 : i32
    %dma_wait3A_656 = tpu.memref_slice %arg8[%dma_wait3A_651, %dma_wait3A_655] : memref<80x128xi32, #tpu.memory_space<vmem>> -> memref<1x128xi32, #tpu.memory_space<vmem>>
    %dma_wait3A_657 = tpu.memref_squeeze %dma_wait3A_656 : memref<1x128xi32, #tpu.memory_space<vmem>> -> memref<128xi32, #tpu.memory_space<vmem>>
    %dma_wait3A_658 = arith.constant 0 : i32
    %dma_wait3A_659 = tpu.memref_slice %arg10[%dma_wait3A_658] : memref<10240xf32, #tpu.memory_space<vmem_shared>> -> memref<10240xf32, #tpu.memory_space<vmem_shared>>
    tpu.wait_indirect_dma semaphore(%arg27 : memref<!tpu.dma_semaphore, #tpu.memory_space<semaphore_mem>>) src(%dma_wait3A_654 : memref<128xf32, #tpu.memory_space<vmem>>) dst(%dma_wait3A_659 : memref<10240xf32, #tpu.memory_space<vmem_shared>>)
    %barrier3A_660 = arith.constant 0 : index
    tpu.barrier barrier_id(%barrier3A_660)
    %eq3A_661 = arith.constant 0 : i32
    %eq3A_662 = arith.cmpi eq, %arg0, %eq3A_661 : i32
    %convert_element_type3A_663 = arith.extui %eq3A_662 : i1 to i32
    %cond3A_664 = arith.constant 0 : i32
    %cond3A_665 = arith.cmpi ne, %convert_element_type3A_663, %cond3A_664 : i32
    scf.if %cond3A_665 {
      %mul3A_671 = arith.constant 640 : i32
      %mul3A_672 = arith.muli %arg1, %mul3A_671 : i32
      %mul3A_673 = arith.constant 640 : i32
      %mul3A_674 = arith.muli %arg1, %mul3A_673 : i32
      "tpu.region"() ({
        %run_scoped3A = tpu.sem_alloc : memref<!tpu.dma_semaphore, #tpu.memory_space<semaphore_mem>>
        %dma_start3A_675 = tpu.memref_slice %arg5[%mul3A_674] : memref<10240xf32, #tpu.memory_space<hbm>> -> memref<640xf32, #tpu.memory_space<hbm>>
        %dma_start3A_676 = tpu.memref_slice %arg10[%mul3A_672] : memref<10240xf32, #tpu.memory_space<vmem_shared>> -> memref<640xf32, #tpu.memory_space<vmem_shared>>
        tpu.enqueue_dma source(%dma_start3A_676 : memref<640xf32, #tpu.memory_space<vmem_shared>>) target(%dma_start3A_675 : memref<640xf32, #tpu.memory_space<hbm>>) target_semaphore(%run_scoped3A : memref<!tpu.dma_semaphore, #tpu.memory_space<semaphore_mem>>)
        %dma_wait3A_677 = tpu.memref_slice %arg5[%mul3A_674] : memref<10240xf32, #tpu.memory_space<hbm>> -> memref<640xf32, #tpu.memory_space<hbm>>
        %dma_wait3A_678 = tpu.memref_slice %arg10[%mul3A_672] : memref<10240xf32, #tpu.memory_space<vmem_shared>> -> memref<640xf32, #tpu.memory_space<vmem_shared>>
        tpu.wait_dma2 semaphore(%run_scoped3A : memref<!tpu.dma_semaphore, #tpu.memory_space<semaphore_mem>>) src(%dma_wait3A_678 : memref<640xf32, #tpu.memory_space<vmem_shared>>) dst(%dma_wait3A_677 : memref<640xf32, #tpu.memory_space<hbm>>)
        tpu.yield
      }) : () -> ()
    } else {
    }
    %eq3A_666 = arith.constant 1 : i32
    %eq3A_667 = arith.cmpi eq, %arg0, %eq3A_666 : i32
    %convert_element_type3A_668 = arith.extui %eq3A_667 : i1 to i32
    %cond3A_669 = arith.constant 0 : i32
    %cond3A_670 = arith.cmpi ne, %convert_element_type3A_668, %cond3A_669 : i32
    scf.if %cond3A_670 {
      %mul3A_671 = arith.constant 640 : i32
      %mul3A_672 = arith.muli %arg1, %mul3A_671 : i32
      %mul3A_673 = arith.constant 640 : i32
      %mul3A_674 = arith.muli %arg1, %mul3A_673 : i32
      "tpu.region"() ({
        %run_scoped3A = tpu.sem_alloc : memref<!tpu.dma_semaphore, #tpu.memory_space<semaphore_mem>>
        %dma_start3A_675 = tpu.memref_slice %arg6[%mul3A_674] : memref<10240xf32, #tpu.memory_space<hbm>> -> memref<640xf32, #tpu.memory_space<hbm>>
        %dma_start3A_676 = tpu.memref_slice %arg10[%mul3A_672] : memref<10240xf32, #tpu.memory_space<vmem_shared>> -> memref<640xf32, #tpu.memory_space<vmem_shared>>
        tpu.enqueue_dma source(%dma_start3A_676 : memref<640xf32, #tpu.memory_space<vmem_shared>>) target(%dma_start3A_675 : memref<640xf32, #tpu.memory_space<hbm>>) target_semaphore(%run_scoped3A : memref<!tpu.dma_semaphore, #tpu.memory_space<semaphore_mem>>)
        %dma_wait3A_677 = tpu.memref_slice %arg6[%mul3A_674] : memref<10240xf32, #tpu.memory_space<hbm>> -> memref<640xf32, #tpu.memory_space<hbm>>
        %dma_wait3A_678 = tpu.memref_slice %arg10[%mul3A_672] : memref<10240xf32, #tpu.memory_space<vmem_shared>> -> memref<640xf32, #tpu.memory_space<vmem_shared>>
        tpu.wait_dma2 semaphore(%run_scoped3A : memref<!tpu.dma_semaphore, #tpu.memory_space<semaphore_mem>>) src(%dma_wait3A_678 : memref<640xf32, #tpu.memory_space<vmem_shared>>) dst(%dma_wait3A_677 : memref<640xf32, #tpu.memory_space<hbm>>)
        tpu.yield
      }) : () -> ()
    } else {
    }
    return
  }
}

#map = affine_map<(d0, d1) -> (0, 0, 0)>
#map1 = affine_map<(d0, d1) -> (0)>
module attributes {stable_mosaic.version = 14 : i64} {
  func.func @k(%arg0: i32, %arg1: i32, %arg2: memref<32x80x128xi32, #tpu.memory_space<hbm>>, %arg3: memref<10240xf32, #tpu.memory_space<hbm>>, %arg4: memref<10240xf32, #tpu.memory_space<hbm>>, %arg5: memref<80x128xi32, #tpu.memory_space<vmem>>, %arg6: memref<128xf32, #tpu.memory_space<vmem>>, %arg7: memref<640xf32, #tpu.memory_space<vmem>>, %arg8: memref<10240xf32, #tpu.memory_space<vmem_shared>>, %arg9: memref<!tpu.dma_semaphore, #tpu.memory_space<semaphore_mem>>) attributes {dimension_semantics = [#tpu.dimension_semantics<core_parallel>, #tpu.dimension_semantics<subcore_parallel>], iteration_bounds = array<i64: 2, 16>, scalar_prefetch = 0 : i64, scratch_operands = 5 : i64, tpu.core_type = #tpu.core_type<sc_vector_subcore>, window_params = [{transform_indices = #map}, {transform_indices = #map1}, {transform_indices = #map1}]} {
    %mul3A = arith.constant 2 : i32
    %mul3A_0 = arith.muli %arg1, %mul3A : i32
    %add3A = arith.addi %mul3A_0, %arg0 : i32
    "tpu.region"() ({
      %run_scoped3A = tpu.sem_alloc : memref<!tpu.dma_semaphore, #tpu.memory_space<semaphore_mem>>
      %dma_start3A = arith.constant 0 : i32
      %dma_start3A_74 = arith.constant 0 : i32
      %dma_start3A_75 = tpu.memref_slice %arg2[%add3A, %dma_start3A, %dma_start3A_74] : memref<32x80x128xi32, #tpu.memory_space<hbm>> -> memref<1x80x128xi32, #tpu.memory_space<hbm>>
      %dma_start3A_76 = tpu.memref_squeeze %dma_start3A_75 : memref<1x80x128xi32, #tpu.memory_space<hbm>> -> memref<80x128xi32, #tpu.memory_space<hbm>>
      %dma_start3A_77 = arith.constant 0 : i32
      %dma_start3A_78 = arith.constant 0 : i32
      %dma_start3A_79 = tpu.memref_slice %arg2[%add3A, %dma_start3A_77, %dma_start3A_78] : memref<32x80x128xi32, #tpu.memory_space<hbm>> -> memref<1x80x128xi32, #tpu.memory_space<hbm>>
      %dma_start3A_80 = tpu.memref_squeeze %dma_start3A_79 : memref<1x80x128xi32, #tpu.memory_space<hbm>> -> memref<80x128xi32, #tpu.memory_space<hbm>>
      tpu.enqueue_dma source(%dma_start3A_80 : memref<80x128xi32, #tpu.memory_space<hbm>>) target(%arg5 : memref<80x128xi32, #tpu.memory_space<vmem>>) target_semaphore(%run_scoped3A : memref<!tpu.dma_semaphore, #tpu.memory_space<semaphore_mem>>)
      %dma_wait3A = arith.constant 0 : i32
      %dma_wait3A_81 = arith.constant 0 : i32
      %dma_wait3A_82 = tpu.memref_slice %arg2[%add3A, %dma_wait3A, %dma_wait3A_81] : memref<32x80x128xi32, #tpu.memory_space<hbm>> -> memref<1x80x128xi32, #tpu.memory_space<hbm>>
      %dma_wait3A_83 = tpu.memref_squeeze %dma_wait3A_82 : memref<1x80x128xi32, #tpu.memory_space<hbm>> -> memref<80x128xi32, #tpu.memory_space<hbm>>
      %dma_wait3A_84 = arith.constant 0 : i32
      %dma_wait3A_85 = arith.constant 0 : i32
      %dma_wait3A_86 = tpu.memref_slice %arg2[%add3A, %dma_wait3A_84, %dma_wait3A_85] : memref<32x80x128xi32, #tpu.memory_space<hbm>> -> memref<1x80x128xi32, #tpu.memory_space<hbm>>
      %dma_wait3A_87 = tpu.memref_squeeze %dma_wait3A_86 : memref<1x80x128xi32, #tpu.memory_space<hbm>> -> memref<80x128xi32, #tpu.memory_space<hbm>>
      tpu.wait_dma2 semaphore(%run_scoped3A : memref<!tpu.dma_semaphore, #tpu.memory_space<semaphore_mem>>) src(%dma_wait3A_87 : memref<80x128xi32, #tpu.memory_space<hbm>>) dst(%arg5 : memref<80x128xi32, #tpu.memory_space<vmem>>)
      tpu.yield
    }) : () -> ()
    %broadcast_in_dim3A = arith.constant 1.000000e+00 : f32
    %broadcast_in_dim3A_1 = vector.broadcast %broadcast_in_dim3A : f32 to vector<16xf32>
    %swap3A = arith.constant 0 : index
    %swap3A_2 = tpu.vector_load %arg6[%swap3A] {strides = array<i32>} : memref<128xf32, #tpu.memory_space<vmem>>, vector<16xf32>,
    %swap3A_3 = vector.shape_cast %swap3A_2 : vector<16xf32> to vector<16xf32>
    %swap3A_4 = vector.shape_cast %broadcast_in_dim3A_1 : vector<16xf32> to vector<16xf32>
    tpu.vector_store %arg6[%swap3A], %swap3A_4 {strides = array<i32>} : memref<128xf32, #tpu.memory_space<vmem>>, vector<16xf32>,
    %broadcast_in_dim3A_5 = arith.constant 1.000000e+00 : f32
    %broadcast_in_dim3A_6 = vector.broadcast %broadcast_in_dim3A_5 : f32 to vector<16xf32>
    %swap3A_7 = arith.constant 16 : index
    %swap3A_8 = tpu.vector_load %arg6[%swap3A_7] {strides = array<i32>} : memref<128xf32, #tpu.memory_space<vmem>>, vector<16xf32>,
    %swap3A_9 = vector.shape_cast %swap3A_8 : vector<16xf32> to vector<16xf32>
    %swap3A_10 = vector.shape_cast %broadcast_in_dim3A_6 : vector<16xf32> to vector<16xf32>
    tpu.vector_store %arg6[%swap3A_7], %swap3A_10 {strides = array<i32>} : memref<128xf32, #tpu.memory_space<vmem>>, vector<16xf32>,
    %broadcast_in_dim3A_11 = arith.constant 1.000000e+00 : f32
    %broadcast_in_dim3A_12 = vector.broadcast %broadcast_in_dim3A_11 : f32 to vector<16xf32>
    %swap3A_13 = arith.constant 32 : index
    %swap3A_14 = tpu.vector_load %arg6[%swap3A_13] {strides = array<i32>} : memref<128xf32, #tpu.memory_space<vmem>>, vector<16xf32>,
    %swap3A_15 = vector.shape_cast %swap3A_14 : vector<16xf32> to vector<16xf32>
    %swap3A_16 = vector.shape_cast %broadcast_in_dim3A_12 : vector<16xf32> to vector<16xf32>
    tpu.vector_store %arg6[%swap3A_13], %swap3A_16 {strides = array<i32>} : memref<128xf32, #tpu.memory_space<vmem>>, vector<16xf32>,
    %broadcast_in_dim3A_17 = arith.constant 1.000000e+00 : f32
    %broadcast_in_dim3A_18 = vector.broadcast %broadcast_in_dim3A_17 : f32 to vector<16xf32>
    %swap3A_19 = arith.constant 48 : index
    %swap3A_20 = tpu.vector_load %arg6[%swap3A_19] {strides = array<i32>} : memref<128xf32, #tpu.memory_space<vmem>>, vector<16xf32>,
    %swap3A_21 = vector.shape_cast %swap3A_20 : vector<16xf32> to vector<16xf32>
    %swap3A_22 = vector.shape_cast %broadcast_in_dim3A_18 : vector<16xf32> to vector<16xf32>
    tpu.vector_store %arg6[%swap3A_19], %swap3A_22 {strides = array<i32>} : memref<128xf32, #tpu.memory_space<vmem>>, vector<16xf32>,
    %broadcast_in_dim3A_23 = arith.constant 1.000000e+00 : f32
    %broadcast_in_dim3A_24 = vector.broadcast %broadcast_in_dim3A_23 : f32 to vector<16xf32>
    %swap3A_25 = arith.constant 64 : index
    %swap3A_26 = tpu.vector_load %arg6[%swap3A_25] {strides = array<i32>} : memref<128xf32, #tpu.memory_space<vmem>>, vector<16xf32>,
    %swap3A_27 = vector.shape_cast %swap3A_26 : vector<16xf32> to vector<16xf32>
    %swap3A_28 = vector.shape_cast %broadcast_in_dim3A_24 : vector<16xf32> to vector<16xf32>
    tpu.vector_store %arg6[%swap3A_25], %swap3A_28 {strides = array<i32>} : memref<128xf32, #tpu.memory_space<vmem>>, vector<16xf32>,
    %broadcast_in_dim3A_29 = arith.constant 1.000000e+00 : f32
    %broadcast_in_dim3A_30 = vector.broadcast %broadcast_in_dim3A_29 : f32 to vector<16xf32>
    %swap3A_31 = arith.constant 80 : index
    %swap3A_32 = tpu.vector_load %arg6[%swap3A_31] {strides = array<i32>} : memref<128xf32, #tpu.memory_space<vmem>>, vector<16xf32>,
    %swap3A_33 = vector.shape_cast %swap3A_32 : vector<16xf32> to vector<16xf32>
    %swap3A_34 = vector.shape_cast %broadcast_in_dim3A_30 : vector<16xf32> to vector<16xf32>
    tpu.vector_store %arg6[%swap3A_31], %swap3A_34 {strides = array<i32>} : memref<128xf32, #tpu.memory_space<vmem>>, vector<16xf32>,
    %broadcast_in_dim3A_35 = arith.constant 1.000000e+00 : f32
    %broadcast_in_dim3A_36 = vector.broadcast %broadcast_in_dim3A_35 : f32 to vector<16xf32>
    %swap3A_37 = arith.constant 96 : index
    %swap3A_38 = tpu.vector_load %arg6[%swap3A_37] {strides = array<i32>} : memref<128xf32, #tpu.memory_space<vmem>>, vector<16xf32>,
    %swap3A_39 = vector.shape_cast %swap3A_38 : vector<16xf32> to vector<16xf32>
    %swap3A_40 = vector.shape_cast %broadcast_in_dim3A_36 : vector<16xf32> to vector<16xf32>
    tpu.vector_store %arg6[%swap3A_37], %swap3A_40 {strides = array<i32>} : memref<128xf32, #tpu.memory_space<vmem>>, vector<16xf32>,
    %broadcast_in_dim3A_41 = arith.constant 1.000000e+00 : f32
    %broadcast_in_dim3A_42 = vector.broadcast %broadcast_in_dim3A_41 : f32 to vector<16xf32>
    %swap3A_43 = arith.constant 112 : index
    %swap3A_44 = tpu.vector_load %arg6[%swap3A_43] {strides = array<i32>} : memref<128xf32, #tpu.memory_space<vmem>>, vector<16xf32>,
    %swap3A_45 = vector.shape_cast %swap3A_44 : vector<16xf32> to vector<16xf32>
    %swap3A_46 = vector.shape_cast %broadcast_in_dim3A_42 : vector<16xf32> to vector<16xf32>
    tpu.vector_store %arg6[%swap3A_43], %swap3A_46 {strides = array<i32>} : memref<128xf32, #tpu.memory_space<vmem>>, vector<16xf32>,
    %scan3A = arith.constant 0 : i32
    %scan3A_47 = arith.constant 0 : i32
    %scan3A_48 = arith.constant 40 : i32
    %scan3A_49 = arith.addi %scan3A_47, %scan3A_48 : i32
    %scan3A_50 = arith.constant 1 : i32
    scf.for %scan3A_74 = %scan3A_47 to %scan3A_49 step %scan3A_50  : i32 {
      %broadcast_in_dim3A_75 = arith.constant 0.000000e+00 : f32
      %broadcast_in_dim3A_76 = vector.broadcast %broadcast_in_dim3A_75 : f32 to vector<16xf32>
      %mul3A_77 = arith.constant 16 : i32
      %mul3A_78 = arith.muli %scan3A_74, %mul3A_77 : i32
      %swap3A_79 = arith.index_cast %mul3A_78 : i32 to index
      %swap3A_80 = tpu.vector_load %arg7[%swap3A_79] {strides = array<i32>} : memref<640xf32, #tpu.memory_space<vmem>>, vector<16xf32>,
      %swap3A_81 = vector.shape_cast %swap3A_80 : vector<16xf32> to vector<16xf32>
      %swap3A_82 = vector.shape_cast %broadcast_in_dim3A_76 : vector<16xf32> to vector<16xf32>
      tpu.vector_store %arg7[%swap3A_79], %swap3A_82 {strides = array<i32>} : memref<640xf32, #tpu.memory_space<vmem>>, vector<16xf32>,
    }
    %scan3A_51 = arith.constant 40 : i32
    %mul3A_52 = arith.constant 640 : i32
    %mul3A_53 = arith.muli %arg1, %mul3A_52 : i32
    "tpu.region"() ({
      %run_scoped3A = tpu.sem_alloc : memref<!tpu.dma_semaphore, #tpu.memory_space<semaphore_mem>>
      %dma_start3A = tpu.memref_slice %arg8[%mul3A_53] : memref<10240xf32, #tpu.memory_space<vmem_shared>> -> memref<640xf32, #tpu.memory_space<vmem_shared>>
      %dma_start3A_74 = tpu.memref_slice %arg8[%mul3A_53] : memref<10240xf32, #tpu.memory_space<vmem_shared>> -> memref<640xf32, #tpu.memory_space<vmem_shared>>
      tpu.enqueue_dma source(%arg7 : memref<640xf32, #tpu.memory_space<vmem>>) target(%dma_start3A_74 : memref<640xf32, #tpu.memory_space<vmem_shared>>) target_semaphore(%run_scoped3A : memref<!tpu.dma_semaphore, #tpu.memory_space<semaphore_mem>>)
      %dma_wait3A = tpu.memref_slice %arg8[%mul3A_53] : memref<10240xf32, #tpu.memory_space<vmem_shared>> -> memref<640xf32, #tpu.memory_space<vmem_shared>>
      %dma_wait3A_75 = tpu.memref_slice %arg8[%mul3A_53] : memref<10240xf32, #tpu.memory_space<vmem_shared>> -> memref<640xf32, #tpu.memory_space<vmem_shared>>
      tpu.wait_dma2 semaphore(%run_scoped3A : memref<!tpu.dma_semaphore, #tpu.memory_space<semaphore_mem>>) src(%arg7 : memref<640xf32, #tpu.memory_space<vmem>>) dst(%dma_wait3A_75 : memref<640xf32, #tpu.memory_space<vmem_shared>>)
      tpu.yield
    }) : () -> ()
    %barrier3A = arith.constant 0 : index
    tpu.barrier barrier_id(%barrier3A)
    %scan3A_54 = arith.constant 0 : i32
    %scan3A_55 = arith.constant 0 : i32
    %scan3A_56 = arith.constant 80 : i32
    %scan3A_57 = arith.addi %scan3A_55, %scan3A_56 : i32
    %scan3A_58 = arith.constant 1 : i32
    scf.for %scan3A_74 = %scan3A_55 to %scan3A_57 step %scan3A_58  : i32 {
      %dma_start3A = arith.constant 0 : i32
      %dma_start3A_75 = tpu.memref_slice %arg5[%scan3A_74, %dma_start3A] : memref<80x128xi32, #tpu.memory_space<vmem>> -> memref<1x128xi32, #tpu.memory_space<vmem>>
      %dma_start3A_76 = tpu.memref_squeeze %dma_start3A_75 : memref<1x128xi32, #tpu.memory_space<vmem>> -> memref<128xi32, #tpu.memory_space<vmem>>
      %dma_start3A_77 = arith.constant 0 : i32
      %dma_start3A_78 = tpu.memref_slice %arg8[%dma_start3A_77] : memref<10240xf32, #tpu.memory_space<vmem_shared>> -> memref<10240xf32, #tpu.memory_space<vmem_shared>>
      tpu.enqueue_indirect_dma source(%arg6 : memref<128xf32, #tpu.memory_space<vmem>>) target(%dma_start3A_78 : memref<10240xf32, #tpu.memory_space<vmem_shared>>) offsets(%dma_start3A_76 : memref<128xi32, #tpu.memory_space<vmem>>) semaphore(%arg9 : memref<!tpu.dma_semaphore, #tpu.memory_space<semaphore_mem>>) {add = true}
    }
    %scan3A_59 = arith.constant 80 : i32
    %scan3A_60 = arith.constant 0 : i32
    %scan3A_61 = arith.constant 0 : i32
    %scan3A_62 = arith.constant 80 : i32
    %scan3A_63 = arith.addi %scan3A_61, %scan3A_62 : i32
    %scan3A_64 = arith.constant 1 : i32
    scf.for %scan3A_74 = %scan3A_61 to %scan3A_63 step %scan3A_64  : i32 {
      %dma_wait3A = arith.constant 0 : i32
      %dma_wait3A_75 = arith.constant 0 : i32
      %dma_wait3A_76 = tpu.memref_slice %arg5[%dma_wait3A, %dma_wait3A_75] : memref<80x128xi32, #tpu.memory_space<vmem>> -> memref<1x128xi32, #tpu.memory_space<vmem>>
      %dma_wait3A_77 = tpu.memref_squeeze %dma_wait3A_76 : memref<1x128xi32, #tpu.memory_space<vmem>> -> memref<128xi32, #tpu.memory_space<vmem>>
      %dma_wait3A_78 = arith.constant 0 : i32
      %dma_wait3A_79 = tpu.memref_slice %arg8[%dma_wait3A_78] : memref<10240xf32, #tpu.memory_space<vmem_shared>> -> memref<10240xf32, #tpu.memory_space<vmem_shared>>
      tpu.wait_indirect_dma semaphore(%arg9 : memref<!tpu.dma_semaphore, #tpu.memory_space<semaphore_mem>>) src(%arg6 : memref<128xf32, #tpu.memory_space<vmem>>) dst(%dma_wait3A_79 : memref<10240xf32, #tpu.memory_space<vmem_shared>>)
    }
    %scan3A_65 = arith.constant 80 : i32
    %barrier3A_66 = arith.constant 0 : index
    tpu.barrier barrier_id(%barrier3A_66)
    %eq3A = arith.constant 0 : i32
    %eq3A_67 = arith.cmpi eq, %arg0, %eq3A : i32
    %convert_element_type3A = arith.extui %eq3A_67 : i1 to i32
    %cond3A = arith.constant 0 : i32
    %cond3A_68 = arith.cmpi ne, %convert_element_type3A, %cond3A : i32
    scf.if %cond3A_68 {
      %mul3A_74 = arith.constant 640 : i32
      %mul3A_75 = arith.muli %arg1, %mul3A_74 : i32
      %mul3A_76 = arith.constant 640 : i32
      %mul3A_77 = arith.muli %arg1, %mul3A_76 : i32
      "tpu.region"() ({
        %run_scoped3A = tpu.sem_alloc : memref<!tpu.dma_semaphore, #tpu.memory_space<semaphore_mem>>
        %dma_start3A = tpu.memref_slice %arg3[%mul3A_77] : memref<10240xf32, #tpu.memory_space<hbm>> -> memref<640xf32, #tpu.memory_space<hbm>>
        %dma_start3A_78 = tpu.memref_slice %arg8[%mul3A_75] : memref<10240xf32, #tpu.memory_space<vmem_shared>> -> memref<640xf32, #tpu.memory_space<vmem_shared>>
        tpu.enqueue_dma source(%dma_start3A_78 : memref<640xf32, #tpu.memory_space<vmem_shared>>) target(%dma_start3A : memref<640xf32, #tpu.memory_space<hbm>>) target_semaphore(%run_scoped3A : memref<!tpu.dma_semaphore, #tpu.memory_space<semaphore_mem>>)
        %dma_wait3A = tpu.memref_slice %arg3[%mul3A_77] : memref<10240xf32, #tpu.memory_space<hbm>> -> memref<640xf32, #tpu.memory_space<hbm>>
        %dma_wait3A_79 = tpu.memref_slice %arg8[%mul3A_75] : memref<10240xf32, #tpu.memory_space<vmem_shared>> -> memref<640xf32, #tpu.memory_space<vmem_shared>>
        tpu.wait_dma2 semaphore(%run_scoped3A : memref<!tpu.dma_semaphore, #tpu.memory_space<semaphore_mem>>) src(%dma_wait3A_79 : memref<640xf32, #tpu.memory_space<vmem_shared>>) dst(%dma_wait3A : memref<640xf32, #tpu.memory_space<hbm>>)
        tpu.yield
      }) : () -> ()
    } else {
    }
    %eq3A_69 = arith.constant 1 : i32
    %eq3A_70 = arith.cmpi eq, %arg0, %eq3A_69 : i32
    %convert_element_type3A_71 = arith.extui %eq3A_70 : i1 to i32
    %cond3A_72 = arith.constant 0 : i32
    %cond3A_73 = arith.cmpi ne, %convert_element_type3A_71, %cond3A_72 : i32
    scf.if %cond3A_73 {
      %mul3A_74 = arith.constant 640 : i32
      %mul3A_75 = arith.muli %arg1, %mul3A_74 : i32
      %mul3A_76 = arith.constant 640 : i32
      %mul3A_77 = arith.muli %arg1, %mul3A_76 : i32
      "tpu.region"() ({
        %run_scoped3A = tpu.sem_alloc : memref<!tpu.dma_semaphore, #tpu.memory_space<semaphore_mem>>
        %dma_start3A = tpu.memref_slice %arg4[%mul3A_77] : memref<10240xf32, #tpu.memory_space<hbm>> -> memref<640xf32, #tpu.memory_space<hbm>>
        %dma_start3A_78 = tpu.memref_slice %arg8[%mul3A_75] : memref<10240xf32, #tpu.memory_space<vmem_shared>> -> memref<640xf32, #tpu.memory_space<vmem_shared>>
        tpu.enqueue_dma source(%dma_start3A_78 : memref<640xf32, #tpu.memory_space<vmem_shared>>) target(%dma_start3A : memref<640xf32, #tpu.memory_space<hbm>>) target_semaphore(%run_scoped3A : memref<!tpu.dma_semaphore, #tpu.memory_space<semaphore_mem>>)
        %dma_wait3A = tpu.memref_slice %arg4[%mul3A_77] : memref<10240xf32, #tpu.memory_space<hbm>> -> memref<640xf32, #tpu.memory_space<hbm>>
        %dma_wait3A_79 = tpu.memref_slice %arg8[%mul3A_75] : memref<10240xf32, #tpu.memory_space<vmem_shared>> -> memref<640xf32, #tpu.memory_space<vmem_shared>>
        tpu.wait_dma2 semaphore(%run_scoped3A : memref<!tpu.dma_semaphore, #tpu.memory_space<semaphore_mem>>) src(%dma_wait3A_79 : memref<640xf32, #tpu.memory_space<vmem_shared>>) dst(%dma_wait3A : memref<640xf32, #tpu.memory_space<hbm>>)
        tpu.yield
      }) : () -> ()
    } else {
    }
    return
  }
}

#map = affine_map<(d0, d1) -> (0, 0)>
#map1 = affine_map<(d0, d1) -> (0, 0, 0)>
module attributes {stable_mosaic.version = 14 : i64} {
  func.func @k(%arg0: i32, %arg1: i32, %arg2: memref<10240x64xf32, #tpu.memory_space<hbm>>, %arg3: memref<32x80x128xi32, #tpu.memory_space<hbm>>, %arg4: memref<32x80x128xi32, #tpu.memory_space<hbm>>, %arg5: memref<10240x64xf32, #tpu.memory_space<hbm>>, %arg6: memref<10240x64xf32, #tpu.memory_space<hbm>>, %arg7: memref<80x128xi32, #tpu.memory_space<vmem>>, %arg8: memref<80x128xi32, #tpu.memory_space<vmem>>, %arg9: memref<8x128x64xf32, #tpu.memory_space<vmem>>, %arg10: memref<10240x64xf32, #tpu.memory_space<vmem_shared>>, %arg11: memref<!tpu.dma_semaphore, #tpu.memory_space<semaphore_mem>>, %arg12: memref<!tpu.dma_semaphore, #tpu.memory_space<semaphore_mem>>, %arg13: memref<!tpu.dma_semaphore, #tpu.memory_space<semaphore_mem>>, %arg14: memref<!tpu.dma_semaphore, #tpu.memory_space<semaphore_mem>>, %arg15: memref<!tpu.dma_semaphore, #tpu.memory_space<semaphore_mem>>, %arg16: memref<!tpu.dma_semaphore, #tpu.memory_space<semaphore_mem>>, %arg17: memref<!tpu.dma_semaphore, #tpu.memory_space<semaphore_mem>>, %arg18: memref<!tpu.dma_semaphore, #tpu.memory_space<semaphore_mem>>, %arg19: memref<!tpu.dma_semaphore, #tpu.memory_space<semaphore_mem>>, %arg20: memref<!tpu.dma_semaphore, #tpu.memory_space<semaphore_mem>>, %arg21: memref<!tpu.dma_semaphore, #tpu.memory_space<semaphore_mem>>, %arg22: memref<!tpu.dma_semaphore, #tpu.memory_space<semaphore_mem>>, %arg23: memref<!tpu.dma_semaphore, #tpu.memory_space<semaphore_mem>>, %arg24: memref<!tpu.dma_semaphore, #tpu.memory_space<semaphore_mem>>, %arg25: memref<!tpu.dma_semaphore, #tpu.memory_space<semaphore_mem>>, %arg26: memref<!tpu.dma_semaphore, #tpu.memory_space<semaphore_mem>>) attributes {dimension_semantics = [#tpu.dimension_semantics<core_parallel>, #tpu.dimension_semantics<subcore_parallel>], iteration_bounds = array<i64: 2, 16>, scalar_prefetch = 0 : i64, scratch_operands = 20 : i64, tpu.core_type = #tpu.core_type<sc_vector_subcore>, window_params = [{transform_indices = #map}, {transform_indices = #map1}, {transform_indices = #map1}, {transform_indices = #map}, {transform_indices = #map}]} {
    %mul3A = arith.constant 2 : i32
    %mul3A_0 = arith.muli %arg1, %mul3A : i32
    %add3A = arith.addi %mul3A_0, %arg0 : i32
    "tpu.region"() ({
      %run_scoped3A = tpu.sem_alloc : memref<!tpu.dma_semaphore, #tpu.memory_space<semaphore_mem>>
      %dma_start3A_795 = arith.constant 0 : i32
      %dma_start3A_796 = arith.constant 0 : i32
      %dma_start3A_797 = tpu.memref_slice %arg3[%add3A, %dma_start3A_795, %dma_start3A_796] : memref<32x80x128xi32, #tpu.memory_space<hbm>> -> memref<1x80x128xi32, #tpu.memory_space<hbm>>
      %dma_start3A_798 = tpu.memref_squeeze %dma_start3A_797 : memref<1x80x128xi32, #tpu.memory_space<hbm>> -> memref<80x128xi32, #tpu.memory_space<hbm>>
      %dma_start3A_799 = arith.constant 0 : i32
      %dma_start3A_800 = arith.constant 0 : i32
      %dma_start3A_801 = tpu.memref_slice %arg3[%add3A, %dma_start3A_799, %dma_start3A_800] : memref<32x80x128xi32, #tpu.memory_space<hbm>> -> memref<1x80x128xi32, #tpu.memory_space<hbm>>
      %dma_start3A_802 = tpu.memref_squeeze %dma_start3A_801 : memref<1x80x128xi32, #tpu.memory_space<hbm>> -> memref<80x128xi32, #tpu.memory_space<hbm>>
      tpu.enqueue_dma source(%dma_start3A_802 : memref<80x128xi32, #tpu.memory_space<hbm>>) target(%arg7 : memref<80x128xi32, #tpu.memory_space<vmem>>) target_semaphore(%run_scoped3A : memref<!tpu.dma_semaphore, #tpu.memory_space<semaphore_mem>>)
      %dma_wait3A_803 = arith.constant 0 : i32
      %dma_wait3A_804 = arith.constant 0 : i32
      %dma_wait3A_805 = tpu.memref_slice %arg3[%add3A, %dma_wait3A_803, %dma_wait3A_804] : memref<32x80x128xi32, #tpu.memory_space<hbm>> -> memref<1x80x128xi32, #tpu.memory_space<hbm>>
      %dma_wait3A_806 = tpu.memref_squeeze %dma_wait3A_805 : memref<1x80x128xi32, #tpu.memory_space<hbm>> -> memref<80x128xi32, #tpu.memory_space<hbm>>
      %dma_wait3A_807 = arith.constant 0 : i32
      %dma_wait3A_808 = arith.constant 0 : i32
      %dma_wait3A_809 = tpu.memref_slice %arg3[%add3A, %dma_wait3A_807, %dma_wait3A_808] : memref<32x80x128xi32, #tpu.memory_space<hbm>> -> memref<1x80x128xi32, #tpu.memory_space<hbm>>
      %dma_wait3A_810 = tpu.memref_squeeze %dma_wait3A_809 : memref<1x80x128xi32, #tpu.memory_space<hbm>> -> memref<80x128xi32, #tpu.memory_space<hbm>>
      tpu.wait_dma2 semaphore(%run_scoped3A : memref<!tpu.dma_semaphore, #tpu.memory_space<semaphore_mem>>) src(%dma_wait3A_810 : memref<80x128xi32, #tpu.memory_space<hbm>>) dst(%arg7 : memref<80x128xi32, #tpu.memory_space<vmem>>)
      tpu.yield
    }) : () -> ()
    "tpu.region"() ({
      %run_scoped3A = tpu.sem_alloc : memref<!tpu.dma_semaphore, #tpu.memory_space<semaphore_mem>>
      %dma_start3A_795 = arith.constant 0 : i32
      %dma_start3A_796 = arith.constant 0 : i32
      %dma_start3A_797 = tpu.memref_slice %arg4[%add3A, %dma_start3A_795, %dma_start3A_796] : memref<32x80x128xi32, #tpu.memory_space<hbm>> -> memref<1x80x128xi32, #tpu.memory_space<hbm>>
      %dma_start3A_798 = tpu.memref_squeeze %dma_start3A_797 : memref<1x80x128xi32, #tpu.memory_space<hbm>> -> memref<80x128xi32, #tpu.memory_space<hbm>>
      %dma_start3A_799 = arith.constant 0 : i32
      %dma_start3A_800 = arith.constant 0 : i32
      %dma_start3A_801 = tpu.memref_slice %arg4[%add3A, %dma_start3A_799, %dma_start3A_800] : memref<32x80x128xi32, #tpu.memory_space<hbm>> -> memref<1x80x128xi32, #tpu.memory_space<hbm>>
      %dma_start3A_802 = tpu.memref_squeeze %dma_start3A_801 : memref<1x80x128xi32, #tpu.memory_space<hbm>> -> memref<80x128xi32, #tpu.memory_space<hbm>>
      tpu.enqueue_dma source(%dma_start3A_802 : memref<80x128xi32, #tpu.memory_space<hbm>>) target(%arg8 : memref<80x128xi32, #tpu.memory_space<vmem>>) target_semaphore(%run_scoped3A : memref<!tpu.dma_semaphore, #tpu.memory_space<semaphore_mem>>)
      %dma_wait3A_803 = arith.constant 0 : i32
      %dma_wait3A_804 = arith.constant 0 : i32
      %dma_wait3A_805 = tpu.memref_slice %arg4[%add3A, %dma_wait3A_803, %dma_wait3A_804] : memref<32x80x128xi32, #tpu.memory_space<hbm>> -> memref<1x80x128xi32, #tpu.memory_space<hbm>>
      %dma_wait3A_806 = tpu.memref_squeeze %dma_wait3A_805 : memref<1x80x128xi32, #tpu.memory_space<hbm>> -> memref<80x128xi32, #tpu.memory_space<hbm>>
      %dma_wait3A_807 = arith.constant 0 : i32
      %dma_wait3A_808 = arith.constant 0 : i32
      %dma_wait3A_809 = tpu.memref_slice %arg4[%add3A, %dma_wait3A_807, %dma_wait3A_808] : memref<32x80x128xi32, #tpu.memory_space<hbm>> -> memref<1x80x128xi32, #tpu.memory_space<hbm>>
      %dma_wait3A_810 = tpu.memref_squeeze %dma_wait3A_809 : memref<1x80x128xi32, #tpu.memory_space<hbm>> -> memref<80x128xi32, #tpu.memory_space<hbm>>
      tpu.wait_dma2 semaphore(%run_scoped3A : memref<!tpu.dma_semaphore, #tpu.memory_space<semaphore_mem>>) src(%dma_wait3A_810 : memref<80x128xi32, #tpu.memory_space<hbm>>) dst(%arg8 : memref<80x128xi32, #tpu.memory_space<vmem>>)
      tpu.yield
    }) : () -> ()
    %scan3A = arith.constant 0 : i32
    %scan3A_1 = arith.constant 0 : i32
    %scan3A_2 = arith.constant 128 : i32
    %scan3A_3 = arith.addi %scan3A_1, %scan3A_2 : i32
    %scan3A_4 = arith.constant 1 : i32
    scf.for %scan3A_795 = %scan3A_1 to %scan3A_3 step %scan3A_4  : i32 {
      %broadcast_in_dim3A = arith.constant 0.000000e+00 : f32
      %broadcast_in_dim3A_796 = vector.broadcast %broadcast_in_dim3A : f32 to vector<16xf32>
      %swap3A = arith.constant 0 : i32
      %swap3A_797 = arith.index_cast %swap3A : i32 to index
      %swap3A_798 = arith.index_cast %scan3A_795 : i32 to index
      %swap3A_799 = arith.constant 0 : index
      %swap3A_800 = tpu.vector_load %arg9[%swap3A_797, %swap3A_798, %swap3A_799] {strides = array<i32>} : memref<8x128x64xf32, #tpu.memory_space<vmem>>, vector<1x1x16xf32>,
      %swap3A_801 = vector.shape_cast %swap3A_800 : vector<1x1x16xf32> to vector<16xf32>
      %swap3A_802 = vector.shape_cast %broadcast_in_dim3A_796 : vector<16xf32> to vector<1x1x16xf32>
      tpu.vector_store %arg9[%swap3A_797, %swap3A_798, %swap3A_799], %swap3A_802 {strides = array<i32>} : memref<8x128x64xf32, #tpu.memory_space<vmem>>, vector<1x1x16xf32>,
      %broadcast_in_dim3A_803 = arith.constant 0.000000e+00 : f32
      %broadcast_in_dim3A_804 = vector.broadcast %broadcast_in_dim3A_803 : f32 to vector<16xf32>
      %swap3A_805 = arith.constant 0 : i32
      %swap3A_806 = arith.index_cast %swap3A_805 : i32 to index
      %swap3A_807 = arith.index_cast %scan3A_795 : i32 to index
      %swap3A_808 = arith.constant 16 : index
      %swap3A_809 = tpu.vector_load %arg9[%swap3A_806, %swap3A_807, %swap3A_808] {strides = array<i32>} : memref<8x128x64xf32, #tpu.memory_space<vmem>>, vector<1x1x16xf32>,
      %swap3A_810 = vector.shape_cast %swap3A_809 : vector<1x1x16xf32> to vector<16xf32>
      %swap3A_811 = vector.shape_cast %broadcast_in_dim3A_804 : vector<16xf32> to vector<1x1x16xf32>
      tpu.vector_store %arg9[%swap3A_806, %swap3A_807, %swap3A_808], %swap3A_811 {strides = array<i32>} : memref<8x128x64xf32, #tpu.memory_space<vmem>>, vector<1x1x16xf32>,
      %broadcast_in_dim3A_812 = arith.constant 0.000000e+00 : f32
      %broadcast_in_dim3A_813 = vector.broadcast %broadcast_in_dim3A_812 : f32 to vector<16xf32>
      %swap3A_814 = arith.constant 0 : i32
      %swap3A_815 = arith.index_cast %swap3A_814 : i32 to index
      %swap3A_816 = arith.index_cast %scan3A_795 : i32 to index
      %swap3A_817 = arith.constant 32 : index
      %swap3A_818 = tpu.vector_load %arg9[%swap3A_815, %swap3A_816, %swap3A_817] {strides = array<i32>} : memref<8x128x64xf32, #tpu.memory_space<vmem>>, vector<1x1x16xf32>,
      %swap3A_819 = vector.shape_cast %swap3A_818 : vector<1x1x16xf32> to vector<16xf32>
      %swap3A_820 = vector.shape_cast %broadcast_in_dim3A_813 : vector<16xf32> to vector<1x1x16xf32>
      tpu.vector_store %arg9[%swap3A_815, %swap3A_816, %swap3A_817], %swap3A_820 {strides = array<i32>} : memref<8x128x64xf32, #tpu.memory_space<vmem>>, vector<1x1x16xf32>,
      %broadcast_in_dim3A_821 = arith.constant 0.000000e+00 : f32
      %broadcast_in_dim3A_822 = vector.broadcast %broadcast_in_dim3A_821 : f32 to vector<16xf32>
      %swap3A_823 = arith.constant 0 : i32
      %swap3A_824 = arith.index_cast %swap3A_823 : i32 to index
      %swap3A_825 = arith.index_cast %scan3A_795 : i32 to index
      %swap3A_826 = arith.constant 48 : index
      %swap3A_827 = tpu.vector_load %arg9[%swap3A_824, %swap3A_825, %swap3A_826] {strides = array<i32>} : memref<8x128x64xf32, #tpu.memory_space<vmem>>, vector<1x1x16xf32>,
      %swap3A_828 = vector.shape_cast %swap3A_827 : vector<1x1x16xf32> to vector<16xf32>
      %swap3A_829 = vector.shape_cast %broadcast_in_dim3A_822 : vector<16xf32> to vector<1x1x16xf32>
      tpu.vector_store %arg9[%swap3A_824, %swap3A_825, %swap3A_826], %swap3A_829 {strides = array<i32>} : memref<8x128x64xf32, #tpu.memory_space<vmem>>, vector<1x1x16xf32>,
    }
    %scan3A_5 = arith.constant 128 : i32
    %eq3A = arith.constant 0 : i32
    %eq3A_6 = arith.cmpi eq, %arg0, %eq3A : i32
    %convert_element_type3A = arith.extui %eq3A_6 : i1 to i32
    %cond3A = arith.constant 0 : i32
    %cond3A_7 = arith.cmpi ne, %convert_element_type3A, %cond3A : i32
    scf.if %cond3A_7 {
      %mul3A_795 = arith.constant 640 : i32
      %mul3A_796 = arith.muli %arg1, %mul3A_795 : i32
      %mul3A_797 = arith.constant 640 : i32
      %mul3A_798 = arith.muli %arg1, %mul3A_797 : i32
      "tpu.region"() ({
        %run_scoped3A = tpu.sem_alloc : memref<!tpu.dma_semaphore, #tpu.memory_space<semaphore_mem>>
        %dma_start3A_799 = arith.constant 0 : i32
        %dma_start3A_800 = tpu.memref_slice %arg10[%mul3A_798, %dma_start3A_799] : memref<10240x64xf32, #tpu.memory_space<vmem_shared>> -> memref<640x64xf32, #tpu.memory_space<vmem_shared>>
        %dma_start3A_801 = arith.constant 0 : i32
        %dma_start3A_802 = tpu.memref_slice %arg2[%mul3A_796, %dma_start3A_801] : memref<10240x64xf32, #tpu.memory_space<hbm>> -> memref<640x64xf32, #tpu.memory_space<hbm>>
        tpu.enqueue_dma source(%dma_start3A_802 : memref<640x64xf32, #tpu.memory_space<hbm>>) target(%dma_start3A_800 : memref<640x64xf32, #tpu.memory_space<vmem_shared>>) target_semaphore(%run_scoped3A : memref<!tpu.dma_semaphore, #tpu.memory_space<semaphore_mem>>)
        %dma_wait3A_803 = arith.constant 0 : i32
        %dma_wait3A_804 = tpu.memref_slice %arg10[%mul3A_798, %dma_wait3A_803] : memref<10240x64xf32, #tpu.memory_space<vmem_shared>> -> memref<640x64xf32, #tpu.memory_space<vmem_shared>>
        %dma_wait3A_805 = arith.constant 0 : i32
        %dma_wait3A_806 = tpu.memref_slice %arg2[%mul3A_796, %dma_wait3A_805] : memref<10240x64xf32, #tpu.memory_space<hbm>> -> memref<640x64xf32, #tpu.memory_space<hbm>>
        tpu.wait_dma2 semaphore(%run_scoped3A : memref<!tpu.dma_semaphore, #tpu.memory_space<semaphore_mem>>) src(%dma_wait3A_806 : memref<640x64xf32, #tpu.memory_space<hbm>>) dst(%dma_wait3A_804 : memref<640x64xf32, #tpu.memory_space<vmem_shared>>)
        tpu.yield
      }) : () -> ()
    } else {
    }
    %ne3A = arith.constant 0 : i32
    %ne3A_8 = arith.cmpi ne, %arg0, %ne3A : i32
    %convert_element_type3A_9 = arith.extui %ne3A_8 : i1 to i32
    %cond3A_10 = arith.constant 0 : i32
    %cond3A_11 = arith.cmpi ne, %convert_element_type3A_9, %cond3A_10 : i32
    scf.if %cond3A_11 {
      %mul3A_795 = arith.constant 640 : i32
      %mul3A_796 = arith.muli %arg1, %mul3A_795 : i32
      %add3A_797 = arith.constant 0 : i32
      %add3A_798 = arith.addi %mul3A_796, %add3A_797 : i32
      %run_scoped3A = arith.constant 0 : i32
      "tpu.region"() ({
        %run_scoped3A_819 = tpu.sem_alloc : memref<!tpu.dma_semaphore, #tpu.memory_space<semaphore_mem>>
        %dma_start3A_820 = arith.constant 0 : i32
        %dma_start3A_821 = arith.constant 0 : i32
        %dma_start3A_822 = tpu.memref_slice %arg9[%run_scoped3A, %dma_start3A_820, %dma_start3A_821] : memref<8x128x64xf32, #tpu.memory_space<vmem>> -> memref<1x128x64xf32, #tpu.memory_space<vmem>>
        %dma_start3A_823 = tpu.memref_squeeze %dma_start3A_822 : memref<1x128x64xf32, #tpu.memory_space<vmem>> -> memref<128x64xf32, #tpu.memory_space<vmem>>
        %dma_start3A_824 = arith.constant 0 : i32
        %dma_start3A_825 = tpu.memref_slice %arg10[%add3A_798, %dma_start3A_824] : memref<10240x64xf32, #tpu.memory_space<vmem_shared>> -> memref<128x64xf32, #tpu.memory_space<vmem_shared>>
        %dma_start3A_826 = arith.constant 0 : i32
        %dma_start3A_827 = tpu.memref_slice %arg10[%add3A_798, %dma_start3A_826] : memref<10240x64xf32, #tpu.memory_space<vmem_shared>> -> memref<128x64xf32, #tpu.memory_space<vmem_shared>>
        %dma_start3A_828 = arith.constant 0 : i32
        %dma_start3A_829 = arith.constant 0 : i32
        %dma_start3A_830 = tpu.memref_slice %arg9[%run_scoped3A, %dma_start3A_828, %dma_start3A_829] : memref<8x128x64xf32, #tpu.memory_space<vmem>> -> memref<1x128x64xf32, #tpu.memory_space<vmem>>
        %dma_start3A_831 = tpu.memref_squeeze %dma_start3A_830 : memref<1x128x64xf32, #tpu.memory_space<vmem>> -> memref<128x64xf32, #tpu.memory_space<vmem>>
        tpu.enqueue_dma source(%dma_start3A_831 : memref<128x64xf32, #tpu.memory_space<vmem>>) target(%dma_start3A_827 : memref<128x64xf32, #tpu.memory_space<vmem_shared>>) target_semaphore(%run_scoped3A_819 : memref<!tpu.dma_semaphore, #tpu.memory_space<semaphore_mem>>)
        %dma_wait3A_832 = arith.constant 0 : i32
        %dma_wait3A_833 = arith.constant 0 : i32
        %dma_wait3A_834 = tpu.memref_slice %arg9[%run_scoped3A, %dma_wait3A_832, %dma_wait3A_833] : memref<8x128x64xf32, #tpu.memory_space<vmem>> -> memref<1x128x64xf32, #tpu.memory_space<vmem>>
        %dma_wait3A_835 = tpu.memref_squeeze %dma_wait3A_834 : memref<1x128x64xf32, #tpu.memory_space<vmem>> -> memref<128x64xf32, #tpu.memory_space<vmem>>
        %dma_wait3A_836 = arith.constant 0 : i32
        %dma_wait3A_837 = tpu.memref_slice %arg10[%add3A_798, %dma_wait3A_836] : memref<10240x64xf32, #tpu.memory_space<vmem_shared>> -> memref<128x64xf32, #tpu.memory_space<vmem_shared>>
        %dma_wait3A_838 = arith.constant 0 : i32
        %dma_wait3A_839 = tpu.memref_slice %arg10[%add3A_798, %dma_wait3A_838] : memref<10240x64xf32, #tpu.memory_space<vmem_shared>> -> memref<128x64xf32, #tpu.memory_space<vmem_shared>>
        %dma_wait3A_840 = arith.constant 0 : i32
        %dma_wait3A_841 = arith.constant 0 : i32
        %dma_wait3A_842 = tpu.memref_slice %arg9[%run_scoped3A, %dma_wait3A_840, %dma_wait3A_841] : memref<8x128x64xf32, #tpu.memory_space<vmem>> -> memref<1x128x64xf32, #tpu.memory_space<vmem>>
        %dma_wait3A_843 = tpu.memref_squeeze %dma_wait3A_842 : memref<1x128x64xf32, #tpu.memory_space<vmem>> -> memref<128x64xf32, #tpu.memory_space<vmem>>
        tpu.wait_dma2 semaphore(%run_scoped3A_819 : memref<!tpu.dma_semaphore, #tpu.memory_space<semaphore_mem>>) src(%dma_wait3A_843 : memref<128x64xf32, #tpu.memory_space<vmem>>) dst(%dma_wait3A_839 : memref<128x64xf32, #tpu.memory_space<vmem_shared>>)
        tpu.yield
      }) : () -> ()
      %mul3A_799 = arith.constant 640 : i32
      %mul3A_800 = arith.muli %arg1, %mul3A_799 : i32
      %add3A_801 = arith.constant 128 : i32
      %add3A_802 = arith.addi %mul3A_800, %add3A_801 : i32
      %run_scoped3A_803 = arith.constant 0 : i32
      "tpu.region"() ({
        %run_scoped3A_819 = tpu.sem_alloc : memref<!tpu.dma_semaphore, #tpu.memory_space<semaphore_mem>>
        %dma_start3A_820 = arith.constant 0 : i32
        %dma_start3A_821 = arith.constant 0 : i32
        %dma_start3A_822 = tpu.memref_slice %arg9[%run_scoped3A_803, %dma_start3A_820, %dma_start3A_821] : memref<8x128x64xf32, #tpu.memory_space<vmem>> -> memref<1x128x64xf32, #tpu.memory_space<vmem>>
        %dma_start3A_823 = tpu.memref_squeeze %dma_start3A_822 : memref<1x128x64xf32, #tpu.memory_space<vmem>> -> memref<128x64xf32, #tpu.memory_space<vmem>>
        %dma_start3A_824 = arith.constant 0 : i32
        %dma_start3A_825 = tpu.memref_slice %arg10[%add3A_802, %dma_start3A_824] : memref<10240x64xf32, #tpu.memory_space<vmem_shared>> -> memref<128x64xf32, #tpu.memory_space<vmem_shared>>
        %dma_start3A_826 = arith.constant 0 : i32
        %dma_start3A_827 = tpu.memref_slice %arg10[%add3A_802, %dma_start3A_826] : memref<10240x64xf32, #tpu.memory_space<vmem_shared>> -> memref<128x64xf32, #tpu.memory_space<vmem_shared>>
        %dma_start3A_828 = arith.constant 0 : i32
        %dma_start3A_829 = arith.constant 0 : i32
        %dma_start3A_830 = tpu.memref_slice %arg9[%run_scoped3A_803, %dma_start3A_828, %dma_start3A_829] : memref<8x128x64xf32, #tpu.memory_space<vmem>> -> memref<1x128x64xf32, #tpu.memory_space<vmem>>
        %dma_start3A_831 = tpu.memref_squeeze %dma_start3A_830 : memref<1x128x64xf32, #tpu.memory_space<vmem>> -> memref<128x64xf32, #tpu.memory_space<vmem>>
        tpu.enqueue_dma source(%dma_start3A_831 : memref<128x64xf32, #tpu.memory_space<vmem>>) target(%dma_start3A_827 : memref<128x64xf32, #tpu.memory_space<vmem_shared>>) target_semaphore(%run_scoped3A_819 : memref<!tpu.dma_semaphore, #tpu.memory_space<semaphore_mem>>)
        %dma_wait3A_832 = arith.constant 0 : i32
        %dma_wait3A_833 = arith.constant 0 : i32
        %dma_wait3A_834 = tpu.memref_slice %arg9[%run_scoped3A_803, %dma_wait3A_832, %dma_wait3A_833] : memref<8x128x64xf32, #tpu.memory_space<vmem>> -> memref<1x128x64xf32, #tpu.memory_space<vmem>>
        %dma_wait3A_835 = tpu.memref_squeeze %dma_wait3A_834 : memref<1x128x64xf32, #tpu.memory_space<vmem>> -> memref<128x64xf32, #tpu.memory_space<vmem>>
        %dma_wait3A_836 = arith.constant 0 : i32
        %dma_wait3A_837 = tpu.memref_slice %arg10[%add3A_802, %dma_wait3A_836] : memref<10240x64xf32, #tpu.memory_space<vmem_shared>> -> memref<128x64xf32, #tpu.memory_space<vmem_shared>>
        %dma_wait3A_838 = arith.constant 0 : i32
        %dma_wait3A_839 = tpu.memref_slice %arg10[%add3A_802, %dma_wait3A_838] : memref<10240x64xf32, #tpu.memory_space<vmem_shared>> -> memref<128x64xf32, #tpu.memory_space<vmem_shared>>
        %dma_wait3A_840 = arith.constant 0 : i32
        %dma_wait3A_841 = arith.constant 0 : i32
        %dma_wait3A_842 = tpu.memref_slice %arg9[%run_scoped3A_803, %dma_wait3A_840, %dma_wait3A_841] : memref<8x128x64xf32, #tpu.memory_space<vmem>> -> memref<1x128x64xf32, #tpu.memory_space<vmem>>
        %dma_wait3A_843 = tpu.memref_squeeze %dma_wait3A_842 : memref<1x128x64xf32, #tpu.memory_space<vmem>> -> memref<128x64xf32, #tpu.memory_space<vmem>>
        tpu.wait_dma2 semaphore(%run_scoped3A_819 : memref<!tpu.dma_semaphore, #tpu.memory_space<semaphore_mem>>) src(%dma_wait3A_843 : memref<128x64xf32, #tpu.memory_space<vmem>>) dst(%dma_wait3A_839 : memref<128x64xf32, #tpu.memory_space<vmem_shared>>)
        tpu.yield
      }) : () -> ()
      %mul3A_804 = arith.constant 640 : i32
      %mul3A_805 = arith.muli %arg1, %mul3A_804 : i32
      %add3A_806 = arith.constant 256 : i32
      %add3A_807 = arith.addi %mul3A_805, %add3A_806 : i32
      %run_scoped3A_808 = arith.constant 0 : i32
      "tpu.region"() ({
        %run_scoped3A_819 = tpu.sem_alloc : memref<!tpu.dma_semaphore, #tpu.memory_space<semaphore_mem>>
        %dma_start3A_820 = arith.constant 0 : i32
        %dma_start3A_821 = arith.constant 0 : i32
        %dma_start3A_822 = tpu.memref_slice %arg9[%run_scoped3A_808, %dma_start3A_820, %dma_start3A_821] : memref<8x128x64xf32, #tpu.memory_space<vmem>> -> memref<1x128x64xf32, #tpu.memory_space<vmem>>
        %dma_start3A_823 = tpu.memref_squeeze %dma_start3A_822 : memref<1x128x64xf32, #tpu.memory_space<vmem>> -> memref<128x64xf32, #tpu.memory_space<vmem>>
        %dma_start3A_824 = arith.constant 0 : i32
        %dma_start3A_825 = tpu.memref_slice %arg10[%add3A_807, %dma_start3A_824] : memref<10240x64xf32, #tpu.memory_space<vmem_shared>> -> memref<128x64xf32, #tpu.memory_space<vmem_shared>>
        %dma_start3A_826 = arith.constant 0 : i32
        %dma_start3A_827 = tpu.memref_slice %arg10[%add3A_807, %dma_start3A_826] : memref<10240x64xf32, #tpu.memory_space<vmem_shared>> -> memref<128x64xf32, #tpu.memory_space<vmem_shared>>
        %dma_start3A_828 = arith.constant 0 : i32
        %dma_start3A_829 = arith.constant 0 : i32
        %dma_start3A_830 = tpu.memref_slice %arg9[%run_scoped3A_808, %dma_start3A_828, %dma_start3A_829] : memref<8x128x64xf32, #tpu.memory_space<vmem>> -> memref<1x128x64xf32, #tpu.memory_space<vmem>>
        %dma_start3A_831 = tpu.memref_squeeze %dma_start3A_830 : memref<1x128x64xf32, #tpu.memory_space<vmem>> -> memref<128x64xf32, #tpu.memory_space<vmem>>
        tpu.enqueue_dma source(%dma_start3A_831 : memref<128x64xf32, #tpu.memory_space<vmem>>) target(%dma_start3A_827 : memref<128x64xf32, #tpu.memory_space<vmem_shared>>) target_semaphore(%run_scoped3A_819 : memref<!tpu.dma_semaphore, #tpu.memory_space<semaphore_mem>>)
        %dma_wait3A_832 = arith.constant 0 : i32
        %dma_wait3A_833 = arith.constant 0 : i32
        %dma_wait3A_834 = tpu.memref_slice %arg9[%run_scoped3A_808, %dma_wait3A_832, %dma_wait3A_833] : memref<8x128x64xf32, #tpu.memory_space<vmem>> -> memref<1x128x64xf32, #tpu.memory_space<vmem>>
        %dma_wait3A_835 = tpu.memref_squeeze %dma_wait3A_834 : memref<1x128x64xf32, #tpu.memory_space<vmem>> -> memref<128x64xf32, #tpu.memory_space<vmem>>
        %dma_wait3A_836 = arith.constant 0 : i32
        %dma_wait3A_837 = tpu.memref_slice %arg10[%add3A_807, %dma_wait3A_836] : memref<10240x64xf32, #tpu.memory_space<vmem_shared>> -> memref<128x64xf32, #tpu.memory_space<vmem_shared>>
        %dma_wait3A_838 = arith.constant 0 : i32
        %dma_wait3A_839 = tpu.memref_slice %arg10[%add3A_807, %dma_wait3A_838] : memref<10240x64xf32, #tpu.memory_space<vmem_shared>> -> memref<128x64xf32, #tpu.memory_space<vmem_shared>>
        %dma_wait3A_840 = arith.constant 0 : i32
        %dma_wait3A_841 = arith.constant 0 : i32
        %dma_wait3A_842 = tpu.memref_slice %arg9[%run_scoped3A_808, %dma_wait3A_840, %dma_wait3A_841] : memref<8x128x64xf32, #tpu.memory_space<vmem>> -> memref<1x128x64xf32, #tpu.memory_space<vmem>>
        %dma_wait3A_843 = tpu.memref_squeeze %dma_wait3A_842 : memref<1x128x64xf32, #tpu.memory_space<vmem>> -> memref<128x64xf32, #tpu.memory_space<vmem>>
        tpu.wait_dma2 semaphore(%run_scoped3A_819 : memref<!tpu.dma_semaphore, #tpu.memory_space<semaphore_mem>>) src(%dma_wait3A_843 : memref<128x64xf32, #tpu.memory_space<vmem>>) dst(%dma_wait3A_839 : memref<128x64xf32, #tpu.memory_space<vmem_shared>>)
        tpu.yield
      }) : () -> ()
      %mul3A_809 = arith.constant 640 : i32
      %mul3A_810 = arith.muli %arg1, %mul3A_809 : i32
      %add3A_811 = arith.constant 384 : i32
      %add3A_812 = arith.addi %mul3A_810, %add3A_811 : i32
      %run_scoped3A_813 = arith.constant 0 : i32
      "tpu.region"() ({
        %run_scoped3A_819 = tpu.sem_alloc : memref<!tpu.dma_semaphore, #tpu.memory_space<semaphore_mem>>
        %dma_start3A_820 = arith.constant 0 : i32
        %dma_start3A_821 = arith.constant 0 : i32
        %dma_start3A_822 = tpu.memref_slice %arg9[%run_scoped3A_813, %dma_start3A_820, %dma_start3A_821] : memref<8x128x64xf32, #tpu.memory_space<vmem>> -> memref<1x128x64xf32, #tpu.memory_space<vmem>>
        %dma_start3A_823 = tpu.memref_squeeze %dma_start3A_822 : memref<1x128x64xf32, #tpu.memory_space<vmem>> -> memref<128x64xf32, #tpu.memory_space<vmem>>
        %dma_start3A_824 = arith.constant 0 : i32
        %dma_start3A_825 = tpu.memref_slice %arg10[%add3A_812, %dma_start3A_824] : memref<10240x64xf32, #tpu.memory_space<vmem_shared>> -> memref<128x64xf32, #tpu.memory_space<vmem_shared>>
        %dma_start3A_826 = arith.constant 0 : i32
        %dma_start3A_827 = tpu.memref_slice %arg10[%add3A_812, %dma_start3A_826] : memref<10240x64xf32, #tpu.memory_space<vmem_shared>> -> memref<128x64xf32, #tpu.memory_space<vmem_shared>>
        %dma_start3A_828 = arith.constant 0 : i32
        %dma_start3A_829 = arith.constant 0 : i32
        %dma_start3A_830 = tpu.memref_slice %arg9[%run_scoped3A_813, %dma_start3A_828, %dma_start3A_829] : memref<8x128x64xf32, #tpu.memory_space<vmem>> -> memref<1x128x64xf32, #tpu.memory_space<vmem>>
        %dma_start3A_831 = tpu.memref_squeeze %dma_start3A_830 : memref<1x128x64xf32, #tpu.memory_space<vmem>> -> memref<128x64xf32, #tpu.memory_space<vmem>>
        tpu.enqueue_dma source(%dma_start3A_831 : memref<128x64xf32, #tpu.memory_space<vmem>>) target(%dma_start3A_827 : memref<128x64xf32, #tpu.memory_space<vmem_shared>>) target_semaphore(%run_scoped3A_819 : memref<!tpu.dma_semaphore, #tpu.memory_space<semaphore_mem>>)
        %dma_wait3A_832 = arith.constant 0 : i32
        %dma_wait3A_833 = arith.constant 0 : i32
        %dma_wait3A_834 = tpu.memref_slice %arg9[%run_scoped3A_813, %dma_wait3A_832, %dma_wait3A_833] : memref<8x128x64xf32, #tpu.memory_space<vmem>> -> memref<1x128x64xf32, #tpu.memory_space<vmem>>
        %dma_wait3A_835 = tpu.memref_squeeze %dma_wait3A_834 : memref<1x128x64xf32, #tpu.memory_space<vmem>> -> memref<128x64xf32, #tpu.memory_space<vmem>>
        %dma_wait3A_836 = arith.constant 0 : i32
        %dma_wait3A_837 = tpu.memref_slice %arg10[%add3A_812, %dma_wait3A_836] : memref<10240x64xf32, #tpu.memory_space<vmem_shared>> -> memref<128x64xf32, #tpu.memory_space<vmem_shared>>
        %dma_wait3A_838 = arith.constant 0 : i32
        %dma_wait3A_839 = tpu.memref_slice %arg10[%add3A_812, %dma_wait3A_838] : memref<10240x64xf32, #tpu.memory_space<vmem_shared>> -> memref<128x64xf32, #tpu.memory_space<vmem_shared>>
        %dma_wait3A_840 = arith.constant 0 : i32
        %dma_wait3A_841 = arith.constant 0 : i32
        %dma_wait3A_842 = tpu.memref_slice %arg9[%run_scoped3A_813, %dma_wait3A_840, %dma_wait3A_841] : memref<8x128x64xf32, #tpu.memory_space<vmem>> -> memref<1x128x64xf32, #tpu.memory_space<vmem>>
        %dma_wait3A_843 = tpu.memref_squeeze %dma_wait3A_842 : memref<1x128x64xf32, #tpu.memory_space<vmem>> -> memref<128x64xf32, #tpu.memory_space<vmem>>
        tpu.wait_dma2 semaphore(%run_scoped3A_819 : memref<!tpu.dma_semaphore, #tpu.memory_space<semaphore_mem>>) src(%dma_wait3A_843 : memref<128x64xf32, #tpu.memory_space<vmem>>) dst(%dma_wait3A_839 : memref<128x64xf32, #tpu.memory_space<vmem_shared>>)
        tpu.yield
      }) : () -> ()
      %mul3A_814 = arith.constant 640 : i32
      %mul3A_815 = arith.muli %arg1, %mul3A_814 : i32
      %add3A_816 = arith.constant 512 : i32
      %add3A_817 = arith.addi %mul3A_815, %add3A_816 : i32
      %run_scoped3A_818 = arith.constant 0 : i32
      "tpu.region"() ({
        %run_scoped3A_819 = tpu.sem_alloc : memref<!tpu.dma_semaphore, #tpu.memory_space<semaphore_mem>>
        %dma_start3A_820 = arith.constant 0 : i32
        %dma_start3A_821 = arith.constant 0 : i32
        %dma_start3A_822 = tpu.memref_slice %arg9[%run_scoped3A_818, %dma_start3A_820, %dma_start3A_821] : memref<8x128x64xf32, #tpu.memory_space<vmem>> -> memref<1x128x64xf32, #tpu.memory_space<vmem>>
        %dma_start3A_823 = tpu.memref_squeeze %dma_start3A_822 : memref<1x128x64xf32, #tpu.memory_space<vmem>> -> memref<128x64xf32, #tpu.memory_space<vmem>>
        %dma_start3A_824 = arith.constant 0 : i32
        %dma_start3A_825 = tpu.memref_slice %arg10[%add3A_817, %dma_start3A_824] : memref<10240x64xf32, #tpu.memory_space<vmem_shared>> -> memref<128x64xf32, #tpu.memory_space<vmem_shared>>
        %dma_start3A_826 = arith.constant 0 : i32
        %dma_start3A_827 = tpu.memref_slice %arg10[%add3A_817, %dma_start3A_826] : memref<10240x64xf32, #tpu.memory_space<vmem_shared>> -> memref<128x64xf32, #tpu.memory_space<vmem_shared>>
        %dma_start3A_828 = arith.constant 0 : i32
        %dma_start3A_829 = arith.constant 0 : i32
        %dma_start3A_830 = tpu.memref_slice %arg9[%run_scoped3A_818, %dma_start3A_828, %dma_start3A_829] : memref<8x128x64xf32, #tpu.memory_space<vmem>> -> memref<1x128x64xf32, #tpu.memory_space<vmem>>
        %dma_start3A_831 = tpu.memref_squeeze %dma_start3A_830 : memref<1x128x64xf32, #tpu.memory_space<vmem>> -> memref<128x64xf32, #tpu.memory_space<vmem>>
        tpu.enqueue_dma source(%dma_start3A_831 : memref<128x64xf32, #tpu.memory_space<vmem>>) target(%dma_start3A_827 : memref<128x64xf32, #tpu.memory_space<vmem_shared>>) target_semaphore(%run_scoped3A_819 : memref<!tpu.dma_semaphore, #tpu.memory_space<semaphore_mem>>)
        %dma_wait3A_832 = arith.constant 0 : i32
        %dma_wait3A_833 = arith.constant 0 : i32
        %dma_wait3A_834 = tpu.memref_slice %arg9[%run_scoped3A_818, %dma_wait3A_832, %dma_wait3A_833] : memref<8x128x64xf32, #tpu.memory_space<vmem>> -> memref<1x128x64xf32, #tpu.memory_space<vmem>>
        %dma_wait3A_835 = tpu.memref_squeeze %dma_wait3A_834 : memref<1x128x64xf32, #tpu.memory_space<vmem>> -> memref<128x64xf32, #tpu.memory_space<vmem>>
        %dma_wait3A_836 = arith.constant 0 : i32
        %dma_wait3A_837 = tpu.memref_slice %arg10[%add3A_817, %dma_wait3A_836] : memref<10240x64xf32, #tpu.memory_space<vmem_shared>> -> memref<128x64xf32, #tpu.memory_space<vmem_shared>>
        %dma_wait3A_838 = arith.constant 0 : i32
        %dma_wait3A_839 = tpu.memref_slice %arg10[%add3A_817, %dma_wait3A_838] : memref<10240x64xf32, #tpu.memory_space<vmem_shared>> -> memref<128x64xf32, #tpu.memory_space<vmem_shared>>
        %dma_wait3A_840 = arith.constant 0 : i32
        %dma_wait3A_841 = arith.constant 0 : i32
        %dma_wait3A_842 = tpu.memref_slice %arg9[%run_scoped3A_818, %dma_wait3A_840, %dma_wait3A_841] : memref<8x128x64xf32, #tpu.memory_space<vmem>> -> memref<1x128x64xf32, #tpu.memory_space<vmem>>
        %dma_wait3A_843 = tpu.memref_squeeze %dma_wait3A_842 : memref<1x128x64xf32, #tpu.memory_space<vmem>> -> memref<128x64xf32, #tpu.memory_space<vmem>>
        tpu.wait_dma2 semaphore(%run_scoped3A_819 : memref<!tpu.dma_semaphore, #tpu.memory_space<semaphore_mem>>) src(%dma_wait3A_843 : memref<128x64xf32, #tpu.memory_space<vmem>>) dst(%dma_wait3A_839 : memref<128x64xf32, #tpu.memory_space<vmem_shared>>)
        tpu.yield
      }) : () -> ()
    } else {
    }
    %barrier3A = arith.constant 0 : index
    tpu.barrier barrier_id(%barrier3A)
    %dma_start3A = arith.constant 0 : i32
    %dma_start3A_12 = arith.constant 0 : i32
    %dma_start3A_13 = arith.constant 0 : i32
    %dma_start3A_14 = arith.constant 0 : i32
    %dma_start3A_15 = tpu.memref_slice %arg9[%dma_start3A_12, %dma_start3A_13, %dma_start3A_14] : memref<8x128x64xf32, #tpu.memory_space<vmem>> -> memref<1x128x64xf32, #tpu.memory_space<vmem>>
    %dma_start3A_16 = tpu.memref_squeeze %dma_start3A_15 : memref<1x128x64xf32, #tpu.memory_space<vmem>> -> memref<128x64xf32, #tpu.memory_space<vmem>>
    %dma_start3A_17 = arith.constant 0 : i32
    %dma_start3A_18 = tpu.memref_slice %arg7[%dma_start3A, %dma_start3A_17] : memref<80x128xi32, #tpu.memory_space<vmem>> -> memref<1x128xi32, #tpu.memory_space<vmem>>
    %dma_start3A_19 = tpu.memref_squeeze %dma_start3A_18 : memref<1x128xi32, #tpu.memory_space<vmem>> -> memref<128xi32, #tpu.memory_space<vmem>>
    %dma_start3A_20 = arith.constant 0 : i32
    %dma_start3A_21 = arith.constant 0 : i32
    %dma_start3A_22 = tpu.memref_slice %arg2[%dma_start3A_20, %dma_start3A_21] : memref<10240x64xf32, #tpu.memory_space<hbm>> -> memref<10240x64xf32, #tpu.memory_space<hbm>>
    tpu.enqueue_indirect_dma source(%dma_start3A_22 : memref<10240x64xf32, #tpu.memory_space<hbm>>) target(%dma_start3A_16 : memref<128x64xf32, #tpu.memory_space<vmem>>) offsets(%dma_start3A_19 : memref<128xi32, #tpu.memory_space<vmem>>) semaphore(%arg11 : memref<!tpu.dma_semaphore, #tpu.memory_space<semaphore_mem>>)
    %dma_start3A_23 = arith.constant 1 : i32
    %dma_start3A_24 = arith.constant 1 : i32
    %dma_start3A_25 = arith.constant 0 : i32
    %dma_start3A_26 = arith.constant 0 : i32
    %dma_start3A_27 = tpu.memref_slice %arg9[%dma_start3A_24, %dma_start3A_25, %dma_start3A_26] : memref<8x128x64xf32, #tpu.memory_space<vmem>> -> memref<1x128x64xf32, #tpu.memory_space<vmem>>
    %dma_start3A_28 = tpu.memref_squeeze %dma_start3A_27 : memref<1x128x64xf32, #tpu.memory_space<vmem>> -> memref<128x64xf32, #tpu.memory_space<vmem>>
    %dma_start3A_29 = arith.constant 0 : i32
    %dma_start3A_30 = tpu.memref_slice %arg7[%dma_start3A_23, %dma_start3A_29] : memref<80x128xi32, #tpu.memory_space<vmem>> -> memref<1x128xi32, #tpu.memory_space<vmem>>
    %dma_start3A_31 = tpu.memref_squeeze %dma_start3A_30 : memref<1x128xi32, #tpu.memory_space<vmem>> -> memref<128xi32, #tpu.memory_space<vmem>>
    %dma_start3A_32 = arith.constant 0 : i32
    %dma_start3A_33 = arith.constant 0 : i32
    %dma_start3A_34 = tpu.memref_slice %arg2[%dma_start3A_32, %dma_start3A_33] : memref<10240x64xf32, #tpu.memory_space<hbm>> -> memref<10240x64xf32, #tpu.memory_space<hbm>>
    tpu.enqueue_indirect_dma source(%dma_start3A_34 : memref<10240x64xf32, #tpu.memory_space<hbm>>) target(%dma_start3A_28 : memref<128x64xf32, #tpu.memory_space<vmem>>) offsets(%dma_start3A_31 : memref<128xi32, #tpu.memory_space<vmem>>) semaphore(%arg12 : memref<!tpu.dma_semaphore, #tpu.memory_space<semaphore_mem>>)
    %dma_start3A_35 = arith.constant 2 : i32
    %dma_start3A_36 = arith.constant 2 : i32
    %dma_start3A_37 = arith.constant 0 : i32
    %dma_start3A_38 = arith.constant 0 : i32
    %dma_start3A_39 = tpu.memref_slice %arg9[%dma_start3A_36, %dma_start3A_37, %dma_start3A_38] : memref<8x128x64xf32, #tpu.memory_space<vmem>> -> memref<1x128x64xf32, #tpu.memory_space<vmem>>
    %dma_start3A_40 = tpu.memref_squeeze %dma_start3A_39 : memref<1x128x64xf32, #tpu.memory_space<vmem>> -> memref<128x64xf32, #tpu.memory_space<vmem>>
    %dma_start3A_41 = arith.constant 0 : i32
    %dma_start3A_42 = tpu.memref_slice %arg7[%dma_start3A_35, %dma_start3A_41] : memref<80x128xi32, #tpu.memory_space<vmem>> -> memref<1x128xi32, #tpu.memory_space<vmem>>
    %dma_start3A_43 = tpu.memref_squeeze %dma_start3A_42 : memref<1x128xi32, #tpu.memory_space<vmem>> -> memref<128xi32, #tpu.memory_space<vmem>>
    %dma_start3A_44 = arith.constant 0 : i32
    %dma_start3A_45 = arith.constant 0 : i32
    %dma_start3A_46 = tpu.memref_slice %arg2[%dma_start3A_44, %dma_start3A_45] : memref<10240x64xf32, #tpu.memory_space<hbm>> -> memref<10240x64xf32, #tpu.memory_space<hbm>>
    tpu.enqueue_indirect_dma source(%dma_start3A_46 : memref<10240x64xf32, #tpu.memory_space<hbm>>) target(%dma_start3A_40 : memref<128x64xf32, #tpu.memory_space<vmem>>) offsets(%dma_start3A_43 : memref<128xi32, #tpu.memory_space<vmem>>) semaphore(%arg13 : memref<!tpu.dma_semaphore, #tpu.memory_space<semaphore_mem>>)
    %dma_start3A_47 = arith.constant 3 : i32
    %dma_start3A_48 = arith.constant 3 : i32
    %dma_start3A_49 = arith.constant 0 : i32
    %dma_start3A_50 = arith.constant 0 : i32
    %dma_start3A_51 = tpu.memref_slice %arg9[%dma_start3A_48, %dma_start3A_49, %dma_start3A_50] : memref<8x128x64xf32, #tpu.memory_space<vmem>> -> memref<1x128x64xf32, #tpu.memory_space<vmem>>
    %dma_start3A_52 = tpu.memref_squeeze %dma_start3A_51 : memref<1x128x64xf32, #tpu.memory_space<vmem>> -> memref<128x64xf32, #tpu.memory_space<vmem>>
    %dma_start3A_53 = arith.constant 0 : i32
    %dma_start3A_54 = tpu.memref_slice %arg7[%dma_start3A_47, %dma_start3A_53] : memref<80x128xi32, #tpu.memory_space<vmem>> -> memref<1x128xi32, #tpu.memory_space<vmem>>
    %dma_start3A_55 = tpu.memref_squeeze %dma_start3A_54 : memref<1x128xi32, #tpu.memory_space<vmem>> -> memref<128xi32, #tpu.memory_space<vmem>>
    %dma_start3A_56 = arith.constant 0 : i32
    %dma_start3A_57 = arith.constant 0 : i32
    %dma_start3A_58 = tpu.memref_slice %arg2[%dma_start3A_56, %dma_start3A_57] : memref<10240x64xf32, #tpu.memory_space<hbm>> -> memref<10240x64xf32, #tpu.memory_space<hbm>>
    tpu.enqueue_indirect_dma source(%dma_start3A_58 : memref<10240x64xf32, #tpu.memory_space<hbm>>) target(%dma_start3A_52 : memref<128x64xf32, #tpu.memory_space<vmem>>) offsets(%dma_start3A_55 : memref<128xi32, #tpu.memory_space<vmem>>) semaphore(%arg14 : memref<!tpu.dma_semaphore, #tpu.memory_space<semaphore_mem>>)
    %dma_start3A_59 = arith.constant 4 : i32
    %dma_start3A_60 = arith.constant 4 : i32
    %dma_start3A_61 = arith.constant 0 : i32
    %dma_start3A_62 = arith.constant 0 : i32
    %dma_start3A_63 = tpu.memref_slice %arg9[%dma_start3A_60, %dma_start3A_61, %dma_start3A_62] : memref<8x128x64xf32, #tpu.memory_space<vmem>> -> memref<1x128x64xf32, #tpu.memory_space<vmem>>
    %dma_start3A_64 = tpu.memref_squeeze %dma_start3A_63 : memref<1x128x64xf32, #tpu.memory_space<vmem>> -> memref<128x64xf32, #tpu.memory_space<vmem>>
    %dma_start3A_65 = arith.constant 0 : i32
    %dma_start3A_66 = tpu.memref_slice %arg7[%dma_start3A_59, %dma_start3A_65] : memref<80x128xi32, #tpu.memory_space<vmem>> -> memref<1x128xi32, #tpu.memory_space<vmem>>
    %dma_start3A_67 = tpu.memref_squeeze %dma_start3A_66 : memref<1x128xi32, #tpu.memory_space<vmem>> -> memref<128xi32, #tpu.memory_space<vmem>>
    %dma_start3A_68 = arith.constant 0 : i32
    %dma_start3A_69 = arith.constant 0 : i32
    %dma_start3A_70 = tpu.memref_slice %arg2[%dma_start3A_68, %dma_start3A_69] : memref<10240x64xf32, #tpu.memory_space<hbm>> -> memref<10240x64xf32, #tpu.memory_space<hbm>>
    tpu.enqueue_indirect_dma source(%dma_start3A_70 : memref<10240x64xf32, #tpu.memory_space<hbm>>) target(%dma_start3A_64 : memref<128x64xf32, #tpu.memory_space<vmem>>) offsets(%dma_start3A_67 : memref<128xi32, #tpu.memory_space<vmem>>) semaphore(%arg15 : memref<!tpu.dma_semaphore, #tpu.memory_space<semaphore_mem>>)
    %dma_start3A_71 = arith.constant 5 : i32
    %dma_start3A_72 = arith.constant 5 : i32
    %dma_start3A_73 = arith.constant 0 : i32
    %dma_start3A_74 = arith.constant 0 : i32
    %dma_start3A_75 = tpu.memref_slice %arg9[%dma_start3A_72, %dma_start3A_73, %dma_start3A_74] : memref<8x128x64xf32, #tpu.memory_space<vmem>> -> memref<1x128x64xf32, #tpu.memory_space<vmem>>
    %dma_start3A_76 = tpu.memref_squeeze %dma_start3A_75 : memref<1x128x64xf32, #tpu.memory_space<vmem>> -> memref<128x64xf32, #tpu.memory_space<vmem>>
    %dma_start3A_77 = arith.constant 0 : i32
    %dma_start3A_78 = tpu.memref_slice %arg7[%dma_start3A_71, %dma_start3A_77] : memref<80x128xi32, #tpu.memory_space<vmem>> -> memref<1x128xi32, #tpu.memory_space<vmem>>
    %dma_start3A_79 = tpu.memref_squeeze %dma_start3A_78 : memref<1x128xi32, #tpu.memory_space<vmem>> -> memref<128xi32, #tpu.memory_space<vmem>>
    %dma_start3A_80 = arith.constant 0 : i32
    %dma_start3A_81 = arith.constant 0 : i32
    %dma_start3A_82 = tpu.memref_slice %arg2[%dma_start3A_80, %dma_start3A_81] : memref<10240x64xf32, #tpu.memory_space<hbm>> -> memref<10240x64xf32, #tpu.memory_space<hbm>>
    tpu.enqueue_indirect_dma source(%dma_start3A_82 : memref<10240x64xf32, #tpu.memory_space<hbm>>) target(%dma_start3A_76 : memref<128x64xf32, #tpu.memory_space<vmem>>) offsets(%dma_start3A_79 : memref<128xi32, #tpu.memory_space<vmem>>) semaphore(%arg16 : memref<!tpu.dma_semaphore, #tpu.memory_space<semaphore_mem>>)
    %dma_wait3A = arith.constant 0 : i32
    %dma_wait3A_83 = arith.constant 0 : i32
    %dma_wait3A_84 = arith.constant 0 : i32
    %dma_wait3A_85 = arith.constant 0 : i32
    %dma_wait3A_86 = tpu.memref_slice %arg9[%dma_wait3A_83, %dma_wait3A_84, %dma_wait3A_85] : memref<8x128x64xf32, #tpu.memory_space<vmem>> -> memref<1x128x64xf32, #tpu.memory_space<vmem>>
    %dma_wait3A_87 = tpu.memref_squeeze %dma_wait3A_86 : memref<1x128x64xf32, #tpu.memory_space<vmem>> -> memref<128x64xf32, #tpu.memory_space<vmem>>
    %dma_wait3A_88 = arith.constant 0 : i32
    %dma_wait3A_89 = tpu.memref_slice %arg7[%dma_wait3A, %dma_wait3A_88] : memref<80x128xi32, #tpu.memory_space<vmem>> -> memref<1x128xi32, #tpu.memory_space<vmem>>
    %dma_wait3A_90 = tpu.memref_squeeze %dma_wait3A_89 : memref<1x128xi32, #tpu.memory_space<vmem>> -> memref<128xi32, #tpu.memory_space<vmem>>
    %dma_wait3A_91 = arith.constant 0 : i32
    %dma_wait3A_92 = arith.constant 0 : i32
    %dma_wait3A_93 = tpu.memref_slice %arg2[%dma_wait3A_91, %dma_wait3A_92] : memref<10240x64xf32, #tpu.memory_space<hbm>> -> memref<10240x64xf32, #tpu.memory_space<hbm>>
    tpu.wait_indirect_dma semaphore(%arg11 : memref<!tpu.dma_semaphore, #tpu.memory_space<semaphore_mem>>) src(%dma_wait3A_93 : memref<10240x64xf32, #tpu.memory_space<hbm>>) dst(%dma_wait3A_87 : memref<128x64xf32, #tpu.memory_space<vmem>>)
    %dma_start3A_94 = arith.constant 0 : i32
    %dma_start3A_95 = arith.constant 0 : i32
    %dma_start3A_96 = arith.constant 0 : i32
    %dma_start3A_97 = arith.constant 0 : i32
    %dma_start3A_98 = tpu.memref_slice %arg9[%dma_start3A_94, %dma_start3A_96, %dma_start3A_97] : memref<8x128x64xf32, #tpu.memory_space<vmem>> -> memref<1x128x64xf32, #tpu.memory_space<vmem>>
    %dma_start3A_99 = tpu.memref_squeeze %dma_start3A_98 : memref<1x128x64xf32, #tpu.memory_space<vmem>> -> memref<128x64xf32, #tpu.memory_space<vmem>>
    %dma_start3A_100 = arith.constant 0 : i32
    %dma_start3A_101 = tpu.memref_slice %arg8[%dma_start3A_95, %dma_start3A_100] : memref<80x128xi32, #tpu.memory_space<vmem>> -> memref<1x128xi32, #tpu.memory_space<vmem>>
    %dma_start3A_102 = tpu.memref_squeeze %dma_start3A_101 : memref<1x128xi32, #tpu.memory_space<vmem>> -> memref<128xi32, #tpu.memory_space<vmem>>
    %dma_start3A_103 = arith.constant 0 : i32
    %dma_start3A_104 = arith.constant 0 : i32
    %dma_start3A_105 = tpu.memref_slice %arg10[%dma_start3A_103, %dma_start3A_104] : memref<10240x64xf32, #tpu.memory_space<vmem_shared>> -> memref<10240x64xf32, #tpu.memory_space<vmem_shared>>
    tpu.enqueue_indirect_dma source(%dma_start3A_99 : memref<128x64xf32, #tpu.memory_space<vmem>>) target(%dma_start3A_105 : memref<10240x64xf32, #tpu.memory_space<vmem_shared>>) offsets(%dma_start3A_102 : memref<128xi32, #tpu.memory_space<vmem>>) semaphore(%arg19 : memref<!tpu.dma_semaphore, #tpu.memory_space<semaphore_mem>>) {add = true}
    %dma_start3A_106 = arith.constant 6 : i32
    %dma_start3A_107 = arith.constant 6 : i32
    %dma_start3A_108 = arith.constant 0 : i32
    %dma_start3A_109 = arith.constant 0 : i32
    %dma_start3A_110 = tpu.memref_slice %arg9[%dma_start3A_107, %dma_start3A_108, %dma_start3A_109] : memref<8x128x64xf32, #tpu.memory_space<vmem>> -> memref<1x128x64xf32, #tpu.memory_space<vmem>>
    %dma_start3A_111 = tpu.memref_squeeze %dma_start3A_110 : memref<1x128x64xf32, #tpu.memory_space<vmem>> -> memref<128x64xf32, #tpu.memory_space<vmem>>
    %dma_start3A_112 = arith.constant 0 : i32
    %dma_start3A_113 = tpu.memref_slice %arg7[%dma_start3A_106, %dma_start3A_112] : memref<80x128xi32, #tpu.memory_space<vmem>> -> memref<1x128xi32, #tpu.memory_space<vmem>>
    %dma_start3A_114 = tpu.memref_squeeze %dma_start3A_113 : memref<1x128xi32, #tpu.memory_space<vmem>> -> memref<128xi32, #tpu.memory_space<vmem>>
    %dma_start3A_115 = arith.constant 0 : i32
    %dma_start3A_116 = arith.constant 0 : i32
    %dma_start3A_117 = tpu.memref_slice %arg2[%dma_start3A_115, %dma_start3A_116] : memref<10240x64xf32, #tpu.memory_space<hbm>> -> memref<10240x64xf32, #tpu.memory_space<hbm>>
    tpu.enqueue_indirect_dma source(%dma_start3A_117 : memref<10240x64xf32, #tpu.memory_space<hbm>>) target(%dma_start3A_111 : memref<128x64xf32, #tpu.memory_space<vmem>>) offsets(%dma_start3A_114 : memref<128xi32, #tpu.memory_space<vmem>>) semaphore(%arg17 : memref<!tpu.dma_semaphore, #tpu.memory_space<semaphore_mem>>)
    %dma_wait3A_118 = arith.constant 1 : i32
    %dma_wait3A_119 = arith.constant 1 : i32
    %dma_wait3A_120 = arith.constant 0 : i32
    %dma_wait3A_121 = arith.constant 0 : i32
    %dma_wait3A_122 = tpu.memref_slice %arg9[%dma_wait3A_119, %dma_wait3A_120, %dma_wait3A_121] : memref<8x128x64xf32, #tpu.memory_space<vmem>> -> memref<1x128x64xf32, #tpu.memory_space<vmem>>
    %dma_wait3A_123 = tpu.memref_squeeze %dma_wait3A_122 : memref<1x128x64xf32, #tpu.memory_space<vmem>> -> memref<128x64xf32, #tpu.memory_space<vmem>>
    %dma_wait3A_124 = arith.constant 0 : i32
    %dma_wait3A_125 = tpu.memref_slice %arg7[%dma_wait3A_118, %dma_wait3A_124] : memref<80x128xi32, #tpu.memory_space<vmem>> -> memref<1x128xi32, #tpu.memory_space<vmem>>
    %dma_wait3A_126 = tpu.memref_squeeze %dma_wait3A_125 : memref<1x128xi32, #tpu.memory_space<vmem>> -> memref<128xi32, #tpu.memory_space<vmem>>
    %dma_wait3A_127 = arith.constant 0 : i32
    %dma_wait3A_128 = arith.constant 0 : i32
    %dma_wait3A_129 = tpu.memref_slice %arg2[%dma_wait3A_127, %dma_wait3A_128] : memref<10240x64xf32, #tpu.memory_space<hbm>> -> memref<10240x64xf32, #tpu.memory_space<hbm>>
    tpu.wait_indirect_dma semaphore(%arg12 : memref<!tpu.dma_semaphore, #tpu.memory_space<semaphore_mem>>) src(%dma_wait3A_129 : memref<10240x64xf32, #tpu.memory_space<hbm>>) dst(%dma_wait3A_123 : memref<128x64xf32, #tpu.memory_space<vmem>>)
    %dma_start3A_130 = arith.constant 1 : i32
    %dma_start3A_131 = arith.constant 1 : i32
    %dma_start3A_132 = arith.constant 0 : i32
    %dma_start3A_133 = arith.constant 0 : i32
    %dma_start3A_134 = tpu.memref_slice %arg9[%dma_start3A_130, %dma_start3A_132, %dma_start3A_133] : memref<8x128x64xf32, #tpu.memory_space<vmem>> -> memref<1x128x64xf32, #tpu.memory_space<vmem>>
    %dma_start3A_135 = tpu.memref_squeeze %dma_start3A_134 : memref<1x128x64xf32, #tpu.memory_space<vmem>> -> memref<128x64xf32, #tpu.memory_space<vmem>>
    %dma_start3A_136 = arith.constant 0 : i32
    %dma_start3A_137 = tpu.memref_slice %arg8[%dma_start3A_131, %dma_start3A_136] : memref<80x128xi32, #tpu.memory_space<vmem>> -> memref<1x128xi32, #tpu.memory_space<vmem>>
    %dma_start3A_138 = tpu.memref_squeeze %dma_start3A_137 : memref<1x128xi32, #tpu.memory_space<vmem>> -> memref<128xi32, #tpu.memory_space<vmem>>
    %dma_start3A_139 = arith.constant 0 : i32
    %dma_start3A_140 = arith.constant 0 : i32
    %dma_start3A_141 = tpu.memref_slice %arg10[%dma_start3A_139, %dma_start3A_140] : memref<10240x64xf32, #tpu.memory_space<vmem_shared>> -> memref<10240x64xf32, #tpu.memory_space<vmem_shared>>
    tpu.enqueue_indirect_dma source(%dma_start3A_135 : memref<128x64xf32, #tpu.memory_space<vmem>>) target(%dma_start3A_141 : memref<10240x64xf32, #tpu.memory_space<vmem_shared>>) offsets(%dma_start3A_138 : memref<128xi32, #tpu.memory_space<vmem>>) semaphore(%arg20 : memref<!tpu.dma_semaphore, #tpu.memory_space<semaphore_mem>>) {add = true}
    %dma_start3A_142 = arith.constant 7 : i32
    %dma_start3A_143 = arith.constant 7 : i32
    %dma_start3A_144 = arith.constant 0 : i32
    %dma_start3A_145 = arith.constant 0 : i32
    %dma_start3A_146 = tpu.memref_slice %arg9[%dma_start3A_143, %dma_start3A_144, %dma_start3A_145] : memref<8x128x64xf32, #tpu.memory_space<vmem>> -> memref<1x128x64xf32, #tpu.memory_space<vmem>>
    %dma_start3A_147 = tpu.memref_squeeze %dma_start3A_146 : memref<1x128x64xf32, #tpu.memory_space<vmem>> -> memref<128x64xf32, #tpu.memory_space<vmem>>
    %dma_start3A_148 = arith.constant 0 : i32
    %dma_start3A_149 = tpu.memref_slice %arg7[%dma_start3A_142, %dma_start3A_148] : memref<80x128xi32, #tpu.memory_space<vmem>> -> memref<1x128xi32, #tpu.memory_space<vmem>>
    %dma_start3A_150 = tpu.memref_squeeze %dma_start3A_149 : memref<1x128xi32, #tpu.memory_space<vmem>> -> memref<128xi32, #tpu.memory_space<vmem>>
    %dma_start3A_151 = arith.constant 0 : i32
    %dma_start3A_152 = arith.constant 0 : i32
    %dma_start3A_153 = tpu.memref_slice %arg2[%dma_start3A_151, %dma_start3A_152] : memref<10240x64xf32, #tpu.memory_space<hbm>> -> memref<10240x64xf32, #tpu.memory_space<hbm>>
    tpu.enqueue_indirect_dma source(%dma_start3A_153 : memref<10240x64xf32, #tpu.memory_space<hbm>>) target(%dma_start3A_147 : memref<128x64xf32, #tpu.memory_space<vmem>>) offsets(%dma_start3A_150 : memref<128xi32, #tpu.memory_space<vmem>>) semaphore(%arg18 : memref<!tpu.dma_semaphore, #tpu.memory_space<semaphore_mem>>)
    %dma_wait3A_154 = arith.constant 2 : i32
    %dma_wait3A_155 = arith.constant 2 : i32
    %dma_wait3A_156 = arith.constant 0 : i32
    %dma_wait3A_157 = arith.constant 0 : i32
    %dma_wait3A_158 = tpu.memref_slice %arg9[%dma_wait3A_155, %dma_wait3A_156, %dma_wait3A_157] : memref<8x128x64xf32, #tpu.memory_space<vmem>> -> memref<1x128x64xf32, #tpu.memory_space<vmem>>
    %dma_wait3A_159 = tpu.memref_squeeze %dma_wait3A_158 : memref<1x128x64xf32, #tpu.memory_space<vmem>> -> memref<128x64xf32, #tpu.memory_space<vmem>>
    %dma_wait3A_160 = arith.constant 0 : i32
    %dma_wait3A_161 = tpu.memref_slice %arg7[%dma_wait3A_154, %dma_wait3A_160] : memref<80x128xi32, #tpu.memory_space<vmem>> -> memref<1x128xi32, #tpu.memory_space<vmem>>
    %dma_wait3A_162 = tpu.memref_squeeze %dma_wait3A_161 : memref<1x128xi32, #tpu.memory_space<vmem>> -> memref<128xi32, #tpu.memory_space<vmem>>
    %dma_wait3A_163 = arith.constant 0 : i32
    %dma_wait3A_164 = arith.constant 0 : i32
    %dma_wait3A_165 = tpu.memref_slice %arg2[%dma_wait3A_163, %dma_wait3A_164] : memref<10240x64xf32, #tpu.memory_space<hbm>> -> memref<10240x64xf32, #tpu.memory_space<hbm>>
    tpu.wait_indirect_dma semaphore(%arg13 : memref<!tpu.dma_semaphore, #tpu.memory_space<semaphore_mem>>) src(%dma_wait3A_165 : memref<10240x64xf32, #tpu.memory_space<hbm>>) dst(%dma_wait3A_159 : memref<128x64xf32, #tpu.memory_space<vmem>>)
    %dma_start3A_166 = arith.constant 2 : i32
    %dma_start3A_167 = arith.constant 2 : i32
    %dma_start3A_168 = arith.constant 0 : i32
    %dma_start3A_169 = arith.constant 0 : i32
    %dma_start3A_170 = tpu.memref_slice %arg9[%dma_start3A_166, %dma_start3A_168, %dma_start3A_169] : memref<8x128x64xf32, #tpu.memory_space<vmem>> -> memref<1x128x64xf32, #tpu.memory_space<vmem>>
    %dma_start3A_171 = tpu.memref_squeeze %dma_start3A_170 : memref<1x128x64xf32, #tpu.memory_space<vmem>> -> memref<128x64xf32, #tpu.memory_space<vmem>>
    %dma_start3A_172 = arith.constant 0 : i32
    %dma_start3A_173 = tpu.memref_slice %arg8[%dma_start3A_167, %dma_start3A_172] : memref<80x128xi32, #tpu.memory_space<vmem>> -> memref<1x128xi32, #tpu.memory_space<vmem>>
    %dma_start3A_174 = tpu.memref_squeeze %dma_start3A_173 : memref<1x128xi32, #tpu.memory_space<vmem>> -> memref<128xi32, #tpu.memory_space<vmem>>
    %dma_start3A_175 = arith.constant 0 : i32
    %dma_start3A_176 = arith.constant 0 : i32
    %dma_start3A_177 = tpu.memref_slice %arg10[%dma_start3A_175, %dma_start3A_176] : memref<10240x64xf32, #tpu.memory_space<vmem_shared>> -> memref<10240x64xf32, #tpu.memory_space<vmem_shared>>
    tpu.enqueue_indirect_dma source(%dma_start3A_171 : memref<128x64xf32, #tpu.memory_space<vmem>>) target(%dma_start3A_177 : memref<10240x64xf32, #tpu.memory_space<vmem_shared>>) offsets(%dma_start3A_174 : memref<128xi32, #tpu.memory_space<vmem>>) semaphore(%arg21 : memref<!tpu.dma_semaphore, #tpu.memory_space<semaphore_mem>>) {add = true}
    %dma_wait3A_178 = arith.constant 0 : i32
    %dma_wait3A_179 = arith.constant 0 : i32
    %dma_wait3A_180 = arith.constant 0 : i32
    %dma_wait3A_181 = arith.constant 0 : i32
    %dma_wait3A_182 = tpu.memref_slice %arg9[%dma_wait3A_178, %dma_wait3A_180, %dma_wait3A_181] : memref<8x128x64xf32, #tpu.memory_space<vmem>> -> memref<1x128x64xf32, #tpu.memory_space<vmem>>
    %dma_wait3A_183 = tpu.memref_squeeze %dma_wait3A_182 : memref<1x128x64xf32, #tpu.memory_space<vmem>> -> memref<128x64xf32, #tpu.memory_space<vmem>>
    %dma_wait3A_184 = arith.constant 0 : i32
    %dma_wait3A_185 = tpu.memref_slice %arg8[%dma_wait3A_179, %dma_wait3A_184] : memref<80x128xi32, #tpu.memory_space<vmem>> -> memref<1x128xi32, #tpu.memory_space<vmem>>
    %dma_wait3A_186 = tpu.memref_squeeze %dma_wait3A_185 : memref<1x128xi32, #tpu.memory_space<vmem>> -> memref<128xi32, #tpu.memory_space<vmem>>
    %dma_wait3A_187 = arith.constant 0 : i32
    %dma_wait3A_188 = arith.constant 0 : i32
    %dma_wait3A_189 = tpu.memref_slice %arg10[%dma_wait3A_187, %dma_wait3A_188] : memref<10240x64xf32, #tpu.memory_space<vmem_shared>> -> memref<10240x64xf32, #tpu.memory_space<vmem_shared>>
    tpu.wait_indirect_dma semaphore(%arg19 : memref<!tpu.dma_semaphore, #tpu.memory_space<semaphore_mem>>) src(%dma_wait3A_183 : memref<128x64xf32, #tpu.memory_space<vmem>>) dst(%dma_wait3A_189 : memref<10240x64xf32, #tpu.memory_space<vmem_shared>>)
    %dma_start3A_190 = arith.constant 8 : i32
    %dma_start3A_191 = arith.constant 0 : i32
    %dma_start3A_192 = arith.constant 0 : i32
    %dma_start3A_193 = arith.constant 0 : i32
    %dma_start3A_194 = tpu.memref_slice %arg9[%dma_start3A_191, %dma_start3A_192, %dma_start3A_193] : memref<8x128x64xf32, #tpu.memory_space<vmem>> -> memref<1x128x64xf32, #tpu.memory_space<vmem>>
    %dma_start3A_195 = tpu.memref_squeeze %dma_start3A_194 : memref<1x128x64xf32, #tpu.memory_space<vmem>> -> memref<128x64xf32, #tpu.memory_space<vmem>>
    %dma_start3A_196 = arith.constant 0 : i32
    %dma_start3A_197 = tpu.memref_slice %arg7[%dma_start3A_190, %dma_start3A_196] : memref<80x128xi32, #tpu.memory_space<vmem>> -> memref<1x128xi32, #tpu.memory_space<vmem>>
    %dma_start3A_198 = tpu.memref_squeeze %dma_start3A_197 : memref<1x128xi32, #tpu.memory_space<vmem>> -> memref<128xi32, #tpu.memory_space<vmem>>
    %dma_start3A_199 = arith.constant 0 : i32
    %dma_start3A_200 = arith.constant 0 : i32
    %dma_start3A_201 = tpu.memref_slice %arg2[%dma_start3A_199, %dma_start3A_200] : memref<10240x64xf32, #tpu.memory_space<hbm>> -> memref<10240x64xf32, #tpu.memory_space<hbm>>
    tpu.enqueue_indirect_dma source(%dma_start3A_201 : memref<10240x64xf32, #tpu.memory_space<hbm>>) target(%dma_start3A_195 : memref<128x64xf32, #tpu.memory_space<vmem>>) offsets(%dma_start3A_198 : memref<128xi32, #tpu.memory_space<vmem>>) semaphore(%arg11 : memref<!tpu.dma_semaphore, #tpu.memory_space<semaphore_mem>>)
    %dma_wait3A_202 = arith.constant 3 : i32
    %dma_wait3A_203 = arith.constant 3 : i32
    %dma_wait3A_204 = arith.constant 0 : i32
    %dma_wait3A_205 = arith.constant 0 : i32
    %dma_wait3A_206 = tpu.memref_slice %arg9[%dma_wait3A_203, %dma_wait3A_204, %dma_wait3A_205] : memref<8x128x64xf32, #tpu.memory_space<vmem>> -> memref<1x128x64xf32, #tpu.memory_space<vmem>>
    %dma_wait3A_207 = tpu.memref_squeeze %dma_wait3A_206 : memref<1x128x64xf32, #tpu.memory_space<vmem>> -> memref<128x64xf32, #tpu.memory_space<vmem>>
    %dma_wait3A_208 = arith.constant 0 : i32
    %dma_wait3A_209 = tpu.memref_slice %arg7[%dma_wait3A_202, %dma_wait3A_208] : memref<80x128xi32, #tpu.memory_space<vmem>> -> memref<1x128xi32, #tpu.memory_space<vmem>>
    %dma_wait3A_210 = tpu.memref_squeeze %dma_wait3A_209 : memref<1x128xi32, #tpu.memory_space<vmem>> -> memref<128xi32, #tpu.memory_space<vmem>>
    %dma_wait3A_211 = arith.constant 0 : i32
    %dma_wait3A_212 = arith.constant 0 : i32
    %dma_wait3A_213 = tpu.memref_slice %arg2[%dma_wait3A_211, %dma_wait3A_212] : memref<10240x64xf32, #tpu.memory_space<hbm>> -> memref<10240x64xf32, #tpu.memory_space<hbm>>
    tpu.wait_indirect_dma semaphore(%arg14 : memref<!tpu.dma_semaphore, #tpu.memory_space<semaphore_mem>>) src(%dma_wait3A_213 : memref<10240x64xf32, #tpu.memory_space<hbm>>) dst(%dma_wait3A_207 : memref<128x64xf32, #tpu.memory_space<vmem>>)
    %dma_start3A_214 = arith.constant 3 : i32
    %dma_start3A_215 = arith.constant 3 : i32
    %dma_start3A_216 = arith.constant 0 : i32
    %dma_start3A_217 = arith.constant 0 : i32
    %dma_start3A_218 = tpu.memref_slice %arg9[%dma_start3A_214, %dma_start3A_216, %dma_start3A_217] : memref<8x128x64xf32, #tpu.memory_space<vmem>> -> memref<1x128x64xf32, #tpu.memory_space<vmem>>
    %dma_start3A_219 = tpu.memref_squeeze %dma_start3A_218 : memref<1x128x64xf32, #tpu.memory_space<vmem>> -> memref<128x64xf32, #tpu.memory_space<vmem>>
    %dma_start3A_220 = arith.constant 0 : i32
    %dma_start3A_221 = tpu.memref_slice %arg8[%dma_start3A_215, %dma_start3A_220] : memref<80x128xi32, #tpu.memory_space<vmem>> -> memref<1x128xi32, #tpu.memory_space<vmem>>
    %dma_start3A_222 = tpu.memref_squeeze %dma_start3A_221 : memref<1x128xi32, #tpu.memory_space<vmem>> -> memref<128xi32, #tpu.memory_space<vmem>>
    %dma_start3A_223 = arith.constant 0 : i32
    %dma_start3A_224 = arith.constant 0 : i32
    %dma_start3A_225 = tpu.memref_slice %arg10[%dma_start3A_223, %dma_start3A_224] : memref<10240x64xf32, #tpu.memory_space<vmem_shared>> -> memref<10240x64xf32, #tpu.memory_space<vmem_shared>>
    tpu.enqueue_indirect_dma source(%dma_start3A_219 : memref<128x64xf32, #tpu.memory_space<vmem>>) target(%dma_start3A_225 : memref<10240x64xf32, #tpu.memory_space<vmem_shared>>) offsets(%dma_start3A_222 : memref<128xi32, #tpu.memory_space<vmem>>) semaphore(%arg22 : memref<!tpu.dma_semaphore, #tpu.memory_space<semaphore_mem>>) {add = true}
    %dma_wait3A_226 = arith.constant 1 : i32
    %dma_wait3A_227 = arith.constant 1 : i32
    %dma_wait3A_228 = arith.constant 0 : i32
    %dma_wait3A_229 = arith.constant 0 : i32
    %dma_wait3A_230 = tpu.memref_slice %arg9[%dma_wait3A_226, %dma_wait3A_228, %dma_wait3A_229] : memref<8x128x64xf32, #tpu.memory_space<vmem>> -> memref<1x128x64xf32, #tpu.memory_space<vmem>>
    %dma_wait3A_231 = tpu.memref_squeeze %dma_wait3A_230 : memref<1x128x64xf32, #tpu.memory_space<vmem>> -> memref<128x64xf32, #tpu.memory_space<vmem>>
    %dma_wait3A_232 = arith.constant 0 : i32
    %dma_wait3A_233 = tpu.memref_slice %arg8[%dma_wait3A_227, %dma_wait3A_232] : memref<80x128xi32, #tpu.memory_space<vmem>> -> memref<1x128xi32, #tpu.memory_space<vmem>>
    %dma_wait3A_234 = tpu.memref_squeeze %dma_wait3A_233 : memref<1x128xi32, #tpu.memory_space<vmem>> -> memref<128xi32, #tpu.memory_space<vmem>>
    %dma_wait3A_235 = arith.constant 0 : i32
    %dma_wait3A_236 = arith.constant 0 : i32
    %dma_wait3A_237 = tpu.memref_slice %arg10[%dma_wait3A_235, %dma_wait3A_236] : memref<10240x64xf32, #tpu.memory_space<vmem_shared>> -> memref<10240x64xf32, #tpu.memory_space<vmem_shared>>
    tpu.wait_indirect_dma semaphore(%arg20 : memref<!tpu.dma_semaphore, #tpu.memory_space<semaphore_mem>>) src(%dma_wait3A_231 : memref<128x64xf32, #tpu.memory_space<vmem>>) dst(%dma_wait3A_237 : memref<10240x64xf32, #tpu.memory_space<vmem_shared>>)
    %dma_start3A_238 = arith.constant 9 : i32
    %dma_start3A_239 = arith.constant 1 : i32
    %dma_start3A_240 = arith.constant 0 : i32
    %dma_start3A_241 = arith.constant 0 : i32
    %dma_start3A_242 = tpu.memref_slice %arg9[%dma_start3A_239, %dma_start3A_240, %dma_start3A_241] : memref<8x128x64xf32, #tpu.memory_space<vmem>> -> memref<1x128x64xf32, #tpu.memory_space<vmem>>
    %dma_start3A_243 = tpu.memref_squeeze %dma_start3A_242 : memref<1x128x64xf32, #tpu.memory_space<vmem>> -> memref<128x64xf32, #tpu.memory_space<vmem>>
    %dma_start3A_244 = arith.constant 0 : i32
    %dma_start3A_245 = tpu.memref_slice %arg7[%dma_start3A_238, %dma_start3A_244] : memref<80x128xi32, #tpu.memory_space<vmem>> -> memref<1x128xi32, #tpu.memory_space<vmem>>
    %dma_start3A_246 = tpu.memref_squeeze %dma_start3A_245 : memref<1x128xi32, #tpu.memory_space<vmem>> -> memref<128xi32, #tpu.memory_space<vmem>>
    %dma_start3A_247 = arith.constant 0 : i32
    %dma_start3A_248 = arith.constant 0 : i32
    %dma_start3A_249 = tpu.memref_slice %arg2[%dma_start3A_247, %dma_start3A_248] : memref<10240x64xf32, #tpu.memory_space<hbm>> -> memref<10240x64xf32, #tpu.memory_space<hbm>>
    tpu.enqueue_indirect_dma source(%dma_start3A_249 : memref<10240x64xf32, #tpu.memory_space<hbm>>) target(%dma_start3A_243 : memref<128x64xf32, #tpu.memory_space<vmem>>) offsets(%dma_start3A_246 : memref<128xi32, #tpu.memory_space<vmem>>) semaphore(%arg12 : memref<!tpu.dma_semaphore, #tpu.memory_space<semaphore_mem>>)
    %dma_wait3A_250 = arith.constant 4 : i32
    %dma_wait3A_251 = arith.constant 4 : i32
    %dma_wait3A_252 = arith.constant 0 : i32
    %dma_wait3A_253 = arith.constant 0 : i32
    %dma_wait3A_254 = tpu.memref_slice %arg9[%dma_wait3A_251, %dma_wait3A_252, %dma_wait3A_253] : memref<8x128x64xf32, #tpu.memory_space<vmem>> -> memref<1x128x64xf32, #tpu.memory_space<vmem>>
    %dma_wait3A_255 = tpu.memref_squeeze %dma_wait3A_254 : memref<1x128x64xf32, #tpu.memory_space<vmem>> -> memref<128x64xf32, #tpu.memory_space<vmem>>
    %dma_wait3A_256 = arith.constant 0 : i32
    %dma_wait3A_257 = tpu.memref_slice %arg7[%dma_wait3A_250, %dma_wait3A_256] : memref<80x128xi32, #tpu.memory_space<vmem>> -> memref<1x128xi32, #tpu.memory_space<vmem>>
    %dma_wait3A_258 = tpu.memref_squeeze %dma_wait3A_257 : memref<1x128xi32, #tpu.memory_space<vmem>> -> memref<128xi32, #tpu.memory_space<vmem>>
    %dma_wait3A_259 = arith.constant 0 : i32
    %dma_wait3A_260 = arith.constant 0 : i32
    %dma_wait3A_261 = tpu.memref_slice %arg2[%dma_wait3A_259, %dma_wait3A_260] : memref<10240x64xf32, #tpu.memory_space<hbm>> -> memref<10240x64xf32, #tpu.memory_space<hbm>>
    tpu.wait_indirect_dma semaphore(%arg15 : memref<!tpu.dma_semaphore, #tpu.memory_space<semaphore_mem>>) src(%dma_wait3A_261 : memref<10240x64xf32, #tpu.memory_space<hbm>>) dst(%dma_wait3A_255 : memref<128x64xf32, #tpu.memory_space<vmem>>)
    %dma_start3A_262 = arith.constant 4 : i32
    %dma_start3A_263 = arith.constant 4 : i32
    %dma_start3A_264 = arith.constant 0 : i32
    %dma_start3A_265 = arith.constant 0 : i32
    %dma_start3A_266 = tpu.memref_slice %arg9[%dma_start3A_262, %dma_start3A_264, %dma_start3A_265] : memref<8x128x64xf32, #tpu.memory_space<vmem>> -> memref<1x128x64xf32, #tpu.memory_space<vmem>>
    %dma_start3A_267 = tpu.memref_squeeze %dma_start3A_266 : memref<1x128x64xf32, #tpu.memory_space<vmem>> -> memref<128x64xf32, #tpu.memory_space<vmem>>
    %dma_start3A_268 = arith.constant 0 : i32
    %dma_start3A_269 = tpu.memref_slice %arg8[%dma_start3A_263, %dma_start3A_268] : memref<80x128xi32, #tpu.memory_space<vmem>> -> memref<1x128xi32, #tpu.memory_space<vmem>>
    %dma_start3A_270 = tpu.memref_squeeze %dma_start3A_269 : memref<1x128xi32, #tpu.memory_space<vmem>> -> memref<128xi32, #tpu.memory_space<vmem>>
    %dma_start3A_271 = arith.constant 0 : i32
    %dma_start3A_272 = arith.constant 0 : i32
    %dma_start3A_273 = tpu.memref_slice %arg10[%dma_start3A_271, %dma_start3A_272] : memref<10240x64xf32, #tpu.memory_space<vmem_shared>> -> memref<10240x64xf32, #tpu.memory_space<vmem_shared>>
    tpu.enqueue_indirect_dma source(%dma_start3A_267 : memref<128x64xf32, #tpu.memory_space<vmem>>) target(%dma_start3A_273 : memref<10240x64xf32, #tpu.memory_space<vmem_shared>>) offsets(%dma_start3A_270 : memref<128xi32, #tpu.memory_space<vmem>>) semaphore(%arg23 : memref<!tpu.dma_semaphore, #tpu.memory_space<semaphore_mem>>) {add = true}
    %dma_wait3A_274 = arith.constant 2 : i32
    %dma_wait3A_275 = arith.constant 2 : i32
    %dma_wait3A_276 = arith.constant 0 : i32
    %dma_wait3A_277 = arith.constant 0 : i32
    %dma_wait3A_278 = tpu.memref_slice %arg9[%dma_wait3A_274, %dma_wait3A_276, %dma_wait3A_277] : memref<8x128x64xf32, #tpu.memory_space<vmem>> -> memref<1x128x64xf32, #tpu.memory_space<vmem>>
    %dma_wait3A_279 = tpu.memref_squeeze %dma_wait3A_278 : memref<1x128x64xf32, #tpu.memory_space<vmem>> -> memref<128x64xf32, #tpu.memory_space<vmem>>
    %dma_wait3A_280 = arith.constant 0 : i32
    %dma_wait3A_281 = tpu.memref_slice %arg8[%dma_wait3A_275, %dma_wait3A_280] : memref<80x128xi32, #tpu.memory_space<vmem>> -> memref<1x128xi32, #tpu.memory_space<vmem>>
    %dma_wait3A_282 = tpu.memref_squeeze %dma_wait3A_281 : memref<1x128xi32, #tpu.memory_space<vmem>> -> memref<128xi32, #tpu.memory_space<vmem>>
    %dma_wait3A_283 = arith.constant 0 : i32
    %dma_wait3A_284 = arith.constant 0 : i32
    %dma_wait3A_285 = tpu.memref_slice %arg10[%dma_wait3A_283, %dma_wait3A_284] : memref<10240x64xf32, #tpu.memory_space<vmem_shared>> -> memref<10240x64xf32, #tpu.memory_space<vmem_shared>>
    tpu.wait_indirect_dma semaphore(%arg21 : memref<!tpu.dma_semaphore, #tpu.memory_space<semaphore_mem>>) src(%dma_wait3A_279 : memref<128x64xf32, #tpu.memory_space<vmem>>) dst(%dma_wait3A_285 : memref<10240x64xf32, #tpu.memory_space<vmem_shared>>)
    %dma_start3A_286 = arith.constant 10 : i32
    %dma_start3A_287 = arith.constant 2 : i32
    %dma_start3A_288 = arith.constant 0 : i32
    %dma_start3A_289 = arith.constant 0 : i32
    %dma_start3A_290 = tpu.memref_slice %arg9[%dma_start3A_287, %dma_start3A_288, %dma_start3A_289] : memref<8x128x64xf32, #tpu.memory_space<vmem>> -> memref<1x128x64xf32, #tpu.memory_space<vmem>>
    %dma_start3A_291 = tpu.memref_squeeze %dma_start3A_290 : memref<1x128x64xf32, #tpu.memory_space<vmem>> -> memref<128x64xf32, #tpu.memory_space<vmem>>
    %dma_start3A_292 = arith.constant 0 : i32
    %dma_start3A_293 = tpu.memref_slice %arg7[%dma_start3A_286, %dma_start3A_292] : memref<80x128xi32, #tpu.memory_space<vmem>> -> memref<1x128xi32, #tpu.memory_space<vmem>>
    %dma_start3A_294 = tpu.memref_squeeze %dma_start3A_293 : memref<1x128xi32, #tpu.memory_space<vmem>> -> memref<128xi32, #tpu.memory_space<vmem>>
    %dma_start3A_295 = arith.constant 0 : i32
    %dma_start3A_296 = arith.constant 0 : i32
    %dma_start3A_297 = tpu.memref_slice %arg2[%dma_start3A_295, %dma_start3A_296] : memref<10240x64xf32, #tpu.memory_space<hbm>> -> memref<10240x64xf32, #tpu.memory_space<hbm>>
    tpu.enqueue_indirect_dma source(%dma_start3A_297 : memref<10240x64xf32, #tpu.memory_space<hbm>>) target(%dma_start3A_291 : memref<128x64xf32, #tpu.memory_space<vmem>>) offsets(%dma_start3A_294 : memref<128xi32, #tpu.memory_space<vmem>>) semaphore(%arg13 : memref<!tpu.dma_semaphore, #tpu.memory_space<semaphore_mem>>)
    %dma_wait3A_298 = arith.constant 5 : i32
    %dma_wait3A_299 = arith.constant 5 : i32
    %dma_wait3A_300 = arith.constant 0 : i32
    %dma_wait3A_301 = arith.constant 0 : i32
    %dma_wait3A_302 = tpu.memref_slice %arg9[%dma_wait3A_299, %dma_wait3A_300, %dma_wait3A_301] : memref<8x128x64xf32, #tpu.memory_space<vmem>> -> memref<1x128x64xf32, #tpu.memory_space<vmem>>
    %dma_wait3A_303 = tpu.memref_squeeze %dma_wait3A_302 : memref<1x128x64xf32, #tpu.memory_space<vmem>> -> memref<128x64xf32, #tpu.memory_space<vmem>>
    %dma_wait3A_304 = arith.constant 0 : i32
    %dma_wait3A_305 = tpu.memref_slice %arg7[%dma_wait3A_298, %dma_wait3A_304] : memref<80x128xi32, #tpu.memory_space<vmem>> -> memref<1x128xi32, #tpu.memory_space<vmem>>
    %dma_wait3A_306 = tpu.memref_squeeze %dma_wait3A_305 : memref<1x128xi32, #tpu.memory_space<vmem>> -> memref<128xi32, #tpu.memory_space<vmem>>
    %dma_wait3A_307 = arith.constant 0 : i32
    %dma_wait3A_308 = arith.constant 0 : i32
    %dma_wait3A_309 = tpu.memref_slice %arg2[%dma_wait3A_307, %dma_wait3A_308] : memref<10240x64xf32, #tpu.memory_space<hbm>> -> memref<10240x64xf32, #tpu.memory_space<hbm>>
    tpu.wait_indirect_dma semaphore(%arg16 : memref<!tpu.dma_semaphore, #tpu.memory_space<semaphore_mem>>) src(%dma_wait3A_309 : memref<10240x64xf32, #tpu.memory_space<hbm>>) dst(%dma_wait3A_303 : memref<128x64xf32, #tpu.memory_space<vmem>>)
    %dma_start3A_310 = arith.constant 5 : i32
    %dma_start3A_311 = arith.constant 5 : i32
    %dma_start3A_312 = arith.constant 0 : i32
    %dma_start3A_313 = arith.constant 0 : i32
    %dma_start3A_314 = tpu.memref_slice %arg9[%dma_start3A_310, %dma_start3A_312, %dma_start3A_313] : memref<8x128x64xf32, #tpu.memory_space<vmem>> -> memref<1x128x64xf32, #tpu.memory_space<vmem>>
    %dma_start3A_315 = tpu.memref_squeeze %dma_start3A_314 : memref<1x128x64xf32, #tpu.memory_space<vmem>> -> memref<128x64xf32, #tpu.memory_space<vmem>>
    %dma_start3A_316 = arith.constant 0 : i32
    %dma_start3A_317 = tpu.memref_slice %arg8[%dma_start3A_311, %dma_start3A_316] : memref<80x128xi32, #tpu.memory_space<vmem>> -> memref<1x128xi32, #tpu.memory_space<vmem>>
    %dma_start3A_318 = tpu.memref_squeeze %dma_start3A_317 : memref<1x128xi32, #tpu.memory_space<vmem>> -> memref<128xi32, #tpu.memory_space<vmem>>
    %dma_start3A_319 = arith.constant 0 : i32
    %dma_start3A_320 = arith.constant 0 : i32
    %dma_start3A_321 = tpu.memref_slice %arg10[%dma_start3A_319, %dma_start3A_320] : memref<10240x64xf32, #tpu.memory_space<vmem_shared>> -> memref<10240x64xf32, #tpu.memory_space<vmem_shared>>
    tpu.enqueue_indirect_dma source(%dma_start3A_315 : memref<128x64xf32, #tpu.memory_space<vmem>>) target(%dma_start3A_321 : memref<10240x64xf32, #tpu.memory_space<vmem_shared>>) offsets(%dma_start3A_318 : memref<128xi32, #tpu.memory_space<vmem>>) semaphore(%arg24 : memref<!tpu.dma_semaphore, #tpu.memory_space<semaphore_mem>>) {add = true}
    %dma_wait3A_322 = arith.constant 3 : i32
    %dma_wait3A_323 = arith.constant 3 : i32
    %dma_wait3A_324 = arith.constant 0 : i32
    %dma_wait3A_325 = arith.constant 0 : i32
    %dma_wait3A_326 = tpu.memref_slice %arg9[%dma_wait3A_322, %dma_wait3A_324, %dma_wait3A_325] : memref<8x128x64xf32, #tpu.memory_space<vmem>> -> memref<1x128x64xf32, #tpu.memory_space<vmem>>
    %dma_wait3A_327 = tpu.memref_squeeze %dma_wait3A_326 : memref<1x128x64xf32, #tpu.memory_space<vmem>> -> memref<128x64xf32, #tpu.memory_space<vmem>>
    %dma_wait3A_328 = arith.constant 0 : i32
    %dma_wait3A_329 = tpu.memref_slice %arg8[%dma_wait3A_323, %dma_wait3A_328] : memref<80x128xi32, #tpu.memory_space<vmem>> -> memref<1x128xi32, #tpu.memory_space<vmem>>
    %dma_wait3A_330 = tpu.memref_squeeze %dma_wait3A_329 : memref<1x128xi32, #tpu.memory_space<vmem>> -> memref<128xi32, #tpu.memory_space<vmem>>
    %dma_wait3A_331 = arith.constant 0 : i32
    %dma_wait3A_332 = arith.constant 0 : i32
    %dma_wait3A_333 = tpu.memref_slice %arg10[%dma_wait3A_331, %dma_wait3A_332] : memref<10240x64xf32, #tpu.memory_space<vmem_shared>> -> memref<10240x64xf32, #tpu.memory_space<vmem_shared>>
    tpu.wait_indirect_dma semaphore(%arg22 : memref<!tpu.dma_semaphore, #tpu.memory_space<semaphore_mem>>) src(%dma_wait3A_327 : memref<128x64xf32, #tpu.memory_space<vmem>>) dst(%dma_wait3A_333 : memref<10240x64xf32, #tpu.memory_space<vmem_shared>>)
    %dma_start3A_334 = arith.constant 11 : i32
    %dma_start3A_335 = arith.constant 3 : i32
    %dma_start3A_336 = arith.constant 0 : i32
    %dma_start3A_337 = arith.constant 0 : i32
    %dma_start3A_338 = tpu.memref_slice %arg9[%dma_start3A_335, %dma_start3A_336, %dma_start3A_337] : memref<8x128x64xf32, #tpu.memory_space<vmem>> -> memref<1x128x64xf32, #tpu.memory_space<vmem>>
    %dma_start3A_339 = tpu.memref_squeeze %dma_start3A_338 : memref<1x128x64xf32, #tpu.memory_space<vmem>> -> memref<128x64xf32, #tpu.memory_space<vmem>>
    %dma_start3A_340 = arith.constant 0 : i32
    %dma_start3A_341 = tpu.memref_slice %arg7[%dma_start3A_334, %dma_start3A_340] : memref<80x128xi32, #tpu.memory_space<vmem>> -> memref<1x128xi32, #tpu.memory_space<vmem>>
    %dma_start3A_342 = tpu.memref_squeeze %dma_start3A_341 : memref<1x128xi32, #tpu.memory_space<vmem>> -> memref<128xi32, #tpu.memory_space<vmem>>
    %dma_start3A_343 = arith.constant 0 : i32
    %dma_start3A_344 = arith.constant 0 : i32
    %dma_start3A_345 = tpu.memref_slice %arg2[%dma_start3A_343, %dma_start3A_344] : memref<10240x64xf32, #tpu.memory_space<hbm>> -> memref<10240x64xf32, #tpu.memory_space<hbm>>
    tpu.enqueue_indirect_dma source(%dma_start3A_345 : memref<10240x64xf32, #tpu.memory_space<hbm>>) target(%dma_start3A_339 : memref<128x64xf32, #tpu.memory_space<vmem>>) offsets(%dma_start3A_342 : memref<128xi32, #tpu.memory_space<vmem>>) semaphore(%arg14 : memref<!tpu.dma_semaphore, #tpu.memory_space<semaphore_mem>>)
    %dma_wait3A_346 = arith.constant 6 : i32
    %dma_wait3A_347 = arith.constant 6 : i32
    %dma_wait3A_348 = arith.constant 0 : i32
    %dma_wait3A_349 = arith.constant 0 : i32
    %dma_wait3A_350 = tpu.memref_slice %arg9[%dma_wait3A_347, %dma_wait3A_348, %dma_wait3A_349] : memref<8x128x64xf32, #tpu.memory_space<vmem>> -> memref<1x128x64xf32, #tpu.memory_space<vmem>>
    %dma_wait3A_351 = tpu.memref_squeeze %dma_wait3A_350 : memref<1x128x64xf32, #tpu.memory_space<vmem>> -> memref<128x64xf32, #tpu.memory_space<vmem>>
    %dma_wait3A_352 = arith.constant 0 : i32
    %dma_wait3A_353 = tpu.memref_slice %arg7[%dma_wait3A_346, %dma_wait3A_352] : memref<80x128xi32, #tpu.memory_space<vmem>> -> memref<1x128xi32, #tpu.memory_space<vmem>>
    %dma_wait3A_354 = tpu.memref_squeeze %dma_wait3A_353 : memref<1x128xi32, #tpu.memory_space<vmem>> -> memref<128xi32, #tpu.memory_space<vmem>>
    %dma_wait3A_355 = arith.constant 0 : i32
    %dma_wait3A_356 = arith.constant 0 : i32
    %dma_wait3A_357 = tpu.memref_slice %arg2[%dma_wait3A_355, %dma_wait3A_356] : memref<10240x64xf32, #tpu.memory_space<hbm>> -> memref<10240x64xf32, #tpu.memory_space<hbm>>
    tpu.wait_indirect_dma semaphore(%arg17 : memref<!tpu.dma_semaphore, #tpu.memory_space<semaphore_mem>>) src(%dma_wait3A_357 : memref<10240x64xf32, #tpu.memory_space<hbm>>) dst(%dma_wait3A_351 : memref<128x64xf32, #tpu.memory_space<vmem>>)
    %dma_start3A_358 = arith.constant 6 : i32
    %dma_start3A_359 = arith.constant 6 : i32
    %dma_start3A_360 = arith.constant 0 : i32
    %dma_start3A_361 = arith.constant 0 : i32
    %dma_start3A_362 = tpu.memref_slice %arg9[%dma_start3A_358, %dma_start3A_360, %dma_start3A_361] : memref<8x128x64xf32, #tpu.memory_space<vmem>> -> memref<1x128x64xf32, #tpu.memory_space<vmem>>
    %dma_start3A_363 = tpu.memref_squeeze %dma_start3A_362 : memref<1x128x64xf32, #tpu.memory_space<vmem>> -> memref<128x64xf32, #tpu.memory_space<vmem>>
    %dma_start3A_364 = arith.constant 0 : i32
    %dma_start3A_365 = tpu.memref_slice %arg8[%dma_start3A_359, %dma_start3A_364] : memref<80x128xi32, #tpu.memory_space<vmem>> -> memref<1x128xi32, #tpu.memory_space<vmem>>
    %dma_start3A_366 = tpu.memref_squeeze %dma_start3A_365 : memref<1x128xi32, #tpu.memory_space<vmem>> -> memref<128xi32, #tpu.memory_space<vmem>>
    %dma_start3A_367 = arith.constant 0 : i32
    %dma_start3A_368 = arith.constant 0 : i32
    %dma_start3A_369 = tpu.memref_slice %arg10[%dma_start3A_367, %dma_start3A_368] : memref<10240x64xf32, #tpu.memory_space<vmem_shared>> -> memref<10240x64xf32, #tpu.memory_space<vmem_shared>>
    tpu.enqueue_indirect_dma source(%dma_start3A_363 : memref<128x64xf32, #tpu.memory_space<vmem>>) target(%dma_start3A_369 : memref<10240x64xf32, #tpu.memory_space<vmem_shared>>) offsets(%dma_start3A_366 : memref<128xi32, #tpu.memory_space<vmem>>) semaphore(%arg25 : memref<!tpu.dma_semaphore, #tpu.memory_space<semaphore_mem>>) {add = true}
    %dma_wait3A_370 = arith.constant 4 : i32
    %dma_wait3A_371 = arith.constant 4 : i32
    %dma_wait3A_372 = arith.constant 0 : i32
    %dma_wait3A_373 = arith.constant 0 : i32
    %dma_wait3A_374 = tpu.memref_slice %arg9[%dma_wait3A_370, %dma_wait3A_372, %dma_wait3A_373] : memref<8x128x64xf32, #tpu.memory_space<vmem>> -> memref<1x128x64xf32, #tpu.memory_space<vmem>>
    %dma_wait3A_375 = tpu.memref_squeeze %dma_wait3A_374 : memref<1x128x64xf32, #tpu.memory_space<vmem>> -> memref<128x64xf32, #tpu.memory_space<vmem>>
    %dma_wait3A_376 = arith.constant 0 : i32
    %dma_wait3A_377 = tpu.memref_slice %arg8[%dma_wait3A_371, %dma_wait3A_376] : memref<80x128xi32, #tpu.memory_space<vmem>> -> memref<1x128xi32, #tpu.memory_space<vmem>>
    %dma_wait3A_378 = tpu.memref_squeeze %dma_wait3A_377 : memref<1x128xi32, #tpu.memory_space<vmem>> -> memref<128xi32, #tpu.memory_space<vmem>>
    %dma_wait3A_379 = arith.constant 0 : i32
    %dma_wait3A_380 = arith.constant 0 : i32
    %dma_wait3A_381 = tpu.memref_slice %arg10[%dma_wait3A_379, %dma_wait3A_380] : memref<10240x64xf32, #tpu.memory_space<vmem_shared>> -> memref<10240x64xf32, #tpu.memory_space<vmem_shared>>
    tpu.wait_indirect_dma semaphore(%arg23 : memref<!tpu.dma_semaphore, #tpu.memory_space<semaphore_mem>>) src(%dma_wait3A_375 : memref<128x64xf32, #tpu.memory_space<vmem>>) dst(%dma_wait3A_381 : memref<10240x64xf32, #tpu.memory_space<vmem_shared>>)
    %dma_start3A_382 = arith.constant 12 : i32
    %dma_start3A_383 = arith.constant 4 : i32
    %dma_start3A_384 = arith.constant 0 : i32
    %dma_start3A_385 = arith.constant 0 : i32
    %dma_start3A_386 = tpu.memref_slice %arg9[%dma_start3A_383, %dma_start3A_384, %dma_start3A_385] : memref<8x128x64xf32, #tpu.memory_space<vmem>> -> memref<1x128x64xf32, #tpu.memory_space<vmem>>
    %dma_start3A_387 = tpu.memref_squeeze %dma_start3A_386 : memref<1x128x64xf32, #tpu.memory_space<vmem>> -> memref<128x64xf32, #tpu.memory_space<vmem>>
    %dma_start3A_388 = arith.constant 0 : i32
    %dma_start3A_389 = tpu.memref_slice %arg7[%dma_start3A_382, %dma_start3A_388] : memref<80x128xi32, #tpu.memory_space<vmem>> -> memref<1x128xi32, #tpu.memory_space<vmem>>
    %dma_start3A_390 = tpu.memref_squeeze %dma_start3A_389 : memref<1x128xi32, #tpu.memory_space<vmem>> -> memref<128xi32, #tpu.memory_space<vmem>>
    %dma_start3A_391 = arith.constant 0 : i32
    %dma_start3A_392 = arith.constant 0 : i32
    %dma_start3A_393 = tpu.memref_slice %arg2[%dma_start3A_391, %dma_start3A_392] : memref<10240x64xf32, #tpu.memory_space<hbm>> -> memref<10240x64xf32, #tpu.memory_space<hbm>>
    tpu.enqueue_indirect_dma source(%dma_start3A_393 : memref<10240x64xf32, #tpu.memory_space<hbm>>) target(%dma_start3A_387 : memref<128x64xf32, #tpu.memory_space<vmem>>) offsets(%dma_start3A_390 : memref<128xi32, #tpu.memory_space<vmem>>) semaphore(%arg15 : memref<!tpu.dma_semaphore, #tpu.memory_space<semaphore_mem>>)
    %dma_wait3A_394 = arith.constant 7 : i32
    %dma_wait3A_395 = arith.constant 7 : i32
    %dma_wait3A_396 = arith.constant 0 : i32
    %dma_wait3A_397 = arith.constant 0 : i32
    %dma_wait3A_398 = tpu.memref_slice %arg9[%dma_wait3A_395, %dma_wait3A_396, %dma_wait3A_397] : memref<8x128x64xf32, #tpu.memory_space<vmem>> -> memref<1x128x64xf32, #tpu.memory_space<vmem>>
    %dma_wait3A_399 = tpu.memref_squeeze %dma_wait3A_398 : memref<1x128x64xf32, #tpu.memory_space<vmem>> -> memref<128x64xf32, #tpu.memory_space<vmem>>
    %dma_wait3A_400 = arith.constant 0 : i32
    %dma_wait3A_401 = tpu.memref_slice %arg7[%dma_wait3A_394, %dma_wait3A_400] : memref<80x128xi32, #tpu.memory_space<vmem>> -> memref<1x128xi32, #tpu.memory_space<vmem>>
    %dma_wait3A_402 = tpu.memref_squeeze %dma_wait3A_401 : memref<1x128xi32, #tpu.memory_space<vmem>> -> memref<128xi32, #tpu.memory_space<vmem>>
    %dma_wait3A_403 = arith.constant 0 : i32
    %dma_wait3A_404 = arith.constant 0 : i32
    %dma_wait3A_405 = tpu.memref_slice %arg2[%dma_wait3A_403, %dma_wait3A_404] : memref<10240x64xf32, #tpu.memory_space<hbm>> -> memref<10240x64xf32, #tpu.memory_space<hbm>>
    tpu.wait_indirect_dma semaphore(%arg18 : memref<!tpu.dma_semaphore, #tpu.memory_space<semaphore_mem>>) src(%dma_wait3A_405 : memref<10240x64xf32, #tpu.memory_space<hbm>>) dst(%dma_wait3A_399 : memref<128x64xf32, #tpu.memory_space<vmem>>)
    %dma_start3A_406 = arith.constant 7 : i32
    %dma_start3A_407 = arith.constant 7 : i32
    %dma_start3A_408 = arith.constant 0 : i32
    %dma_start3A_409 = arith.constant 0 : i32
    %dma_start3A_410 = tpu.memref_slice %arg9[%dma_start3A_406, %dma_start3A_408, %dma_start3A_409] : memref<8x128x64xf32, #tpu.memory_space<vmem>> -> memref<1x128x64xf32, #tpu.memory_space<vmem>>
    %dma_start3A_411 = tpu.memref_squeeze %dma_start3A_410 : memref<1x128x64xf32, #tpu.memory_space<vmem>> -> memref<128x64xf32, #tpu.memory_space<vmem>>
    %dma_start3A_412 = arith.constant 0 : i32
    %dma_start3A_413 = tpu.memref_slice %arg8[%dma_start3A_407, %dma_start3A_412] : memref<80x128xi32, #tpu.memory_space<vmem>> -> memref<1x128xi32, #tpu.memory_space<vmem>>
    %dma_start3A_414 = tpu.memref_squeeze %dma_start3A_413 : memref<1x128xi32, #tpu.memory_space<vmem>> -> memref<128xi32, #tpu.memory_space<vmem>>
    %dma_start3A_415 = arith.constant 0 : i32
    %dma_start3A_416 = arith.constant 0 : i32
    %dma_start3A_417 = tpu.memref_slice %arg10[%dma_start3A_415, %dma_start3A_416] : memref<10240x64xf32, #tpu.memory_space<vmem_shared>> -> memref<10240x64xf32, #tpu.memory_space<vmem_shared>>
    tpu.enqueue_indirect_dma source(%dma_start3A_411 : memref<128x64xf32, #tpu.memory_space<vmem>>) target(%dma_start3A_417 : memref<10240x64xf32, #tpu.memory_space<vmem_shared>>) offsets(%dma_start3A_414 : memref<128xi32, #tpu.memory_space<vmem>>) semaphore(%arg26 : memref<!tpu.dma_semaphore, #tpu.memory_space<semaphore_mem>>) {add = true}
    %dma_wait3A_418 = arith.constant 5 : i32
    %dma_wait3A_419 = arith.constant 5 : i32
    %dma_wait3A_420 = arith.constant 0 : i32
    %dma_wait3A_421 = arith.constant 0 : i32
    %dma_wait3A_422 = tpu.memref_slice %arg9[%dma_wait3A_418, %dma_wait3A_420, %dma_wait3A_421] : memref<8x128x64xf32, #tpu.memory_space<vmem>> -> memref<1x128x64xf32, #tpu.memory_space<vmem>>
    %dma_wait3A_423 = tpu.memref_squeeze %dma_wait3A_422 : memref<1x128x64xf32, #tpu.memory_space<vmem>> -> memref<128x64xf32, #tpu.memory_space<vmem>>
    %dma_wait3A_424 = arith.constant 0 : i32
    %dma_wait3A_425 = tpu.memref_slice %arg8[%dma_wait3A_419, %dma_wait3A_424] : memref<80x128xi32, #tpu.memory_space<vmem>> -> memref<1x128xi32, #tpu.memory_space<vmem>>
    %dma_wait3A_426 = tpu.memref_squeeze %dma_wait3A_425 : memref<1x128xi32, #tpu.memory_space<vmem>> -> memref<128xi32, #tpu.memory_space<vmem>>
    %dma_wait3A_427 = arith.constant 0 : i32
    %dma_wait3A_428 = arith.constant 0 : i32
    %dma_wait3A_429 = tpu.memref_slice %arg10[%dma_wait3A_427, %dma_wait3A_428] : memref<10240x64xf32, #tpu.memory_space<vmem_shared>> -> memref<10240x64xf32, #tpu.memory_space<vmem_shared>>
    tpu.wait_indirect_dma semaphore(%arg24 : memref<!tpu.dma_semaphore, #tpu.memory_space<semaphore_mem>>) src(%dma_wait3A_423 : memref<128x64xf32, #tpu.memory_space<vmem>>) dst(%dma_wait3A_429 : memref<10240x64xf32, #tpu.memory_space<vmem_shared>>)
    %dma_start3A_430 = arith.constant 13 : i32
    %dma_start3A_431 = arith.constant 5 : i32
    %dma_start3A_432 = arith.constant 0 : i32
    %dma_start3A_433 = arith.constant 0 : i32
    %dma_start3A_434 = tpu.memref_slice %arg9[%dma_start3A_431, %dma_start3A_432, %dma_start3A_433] : memref<8x128x64xf32, #tpu.memory_space<vmem>> -> memref<1x128x64xf32, #tpu.memory_space<vmem>>
    %dma_start3A_435 = tpu.memref_squeeze %dma_start3A_434 : memref<1x128x64xf32, #tpu.memory_space<vmem>> -> memref<128x64xf32, #tpu.memory_space<vmem>>
    %dma_start3A_436 = arith.constant 0 : i32
    %dma_start3A_437 = tpu.memref_slice %arg7[%dma_start3A_430, %dma_start3A_436] : memref<80x128xi32, #tpu.memory_space<vmem>> -> memref<1x128xi32, #tpu.memory_space<vmem>>
    %dma_start3A_438 = tpu.memref_squeeze %dma_start3A_437 : memref<1x128xi32, #tpu.memory_space<vmem>> -> memref<128xi32, #tpu.memory_space<vmem>>
    %dma_start3A_439 = arith.constant 0 : i32
    %dma_start3A_440 = arith.constant 0 : i32
    %dma_start3A_441 = tpu.memref_slice %arg2[%dma_start3A_439, %dma_start3A_440] : memref<10240x64xf32, #tpu.memory_space<hbm>> -> memref<10240x64xf32, #tpu.memory_space<hbm>>
    tpu.enqueue_indirect_dma source(%dma_start3A_441 : memref<10240x64xf32, #tpu.memory_space<hbm>>) target(%dma_start3A_435 : memref<128x64xf32, #tpu.memory_space<vmem>>) offsets(%dma_start3A_438 : memref<128xi32, #tpu.memory_space<vmem>>) semaphore(%arg16 : memref<!tpu.dma_semaphore, #tpu.memory_space<semaphore_mem>>)
    %scan3A_442 = arith.constant 0 : i32
    %scan3A_443 = arith.constant 1 : i32
    %scan3A_444 = arith.constant 8 : i32
    %scan3A_445 = arith.addi %scan3A_443, %scan3A_444 : i32
    %scan3A_446 = arith.constant 1 : i32
    scf.for %scan3A_795 = %scan3A_443 to %scan3A_445 step %scan3A_446  : i32 {
      %mul3A_796 = arith.constant 8 : i32
      %mul3A_797 = arith.muli %scan3A_795, %mul3A_796 : i32
      %add3A_798 = arith.constant 0 : i32
      %add3A_799 = arith.addi %mul3A_797, %add3A_798 : i32
      %dma_wait3A_800 = arith.constant 0 : i32
      %dma_wait3A_801 = arith.constant 0 : i32
      %dma_wait3A_802 = arith.constant 0 : i32
      %dma_wait3A_803 = tpu.memref_slice %arg9[%dma_wait3A_800, %dma_wait3A_801, %dma_wait3A_802] : memref<8x128x64xf32, #tpu.memory_space<vmem>> -> memref<1x128x64xf32, #tpu.memory_space<vmem>>
      %dma_wait3A_804 = tpu.memref_squeeze %dma_wait3A_803 : memref<1x128x64xf32, #tpu.memory_space<vmem>> -> memref<128x64xf32, #tpu.memory_space<vmem>>
      %dma_wait3A_805 = arith.constant 0 : i32
      %dma_wait3A_806 = tpu.memref_slice %arg7[%add3A_799, %dma_wait3A_805] : memref<80x128xi32, #tpu.memory_space<vmem>> -> memref<1x128xi32, #tpu.memory_space<vmem>>
      %dma_wait3A_807 = tpu.memref_squeeze %dma_wait3A_806 : memref<1x128xi32, #tpu.memory_space<vmem>> -> memref<128xi32, #tpu.memory_space<vmem>>
      %dma_wait3A_808 = arith.constant 0 : i32
      %dma_wait3A_809 = arith.constant 0 : i32
      %dma_wait3A_810 = tpu.memref_slice %arg2[%dma_wait3A_808, %dma_wait3A_809] : memref<10240x64xf32, #tpu.memory_space<hbm>> -> memref<10240x64xf32, #tpu.memory_space<hbm>>
      tpu.wait_indirect_dma semaphore(%arg11 : memref<!tpu.dma_semaphore, #tpu.memory_space<semaphore_mem>>) src(%dma_wait3A_810 : memref<10240x64xf32, #tpu.memory_space<hbm>>) dst(%dma_wait3A_804 : memref<128x64xf32, #tpu.memory_space<vmem>>)
      %dma_start3A_811 = arith.constant 0 : i32
      %dma_start3A_812 = arith.constant 0 : i32
      %dma_start3A_813 = arith.constant 0 : i32
      %dma_start3A_814 = tpu.memref_slice %arg9[%dma_start3A_811, %dma_start3A_812, %dma_start3A_813] : memref<8x128x64xf32, #tpu.memory_space<vmem>> -> memref<1x128x64xf32, #tpu.memory_space<vmem>>
      %dma_start3A_815 = tpu.memref_squeeze %dma_start3A_814 : memref<1x128x64xf32, #tpu.memory_space<vmem>> -> memref<128x64xf32, #tpu.memory_space<vmem>>
      %dma_start3A_816 = arith.constant 0 : i32
      %dma_start3A_817 = tpu.memref_slice %arg8[%add3A_799, %dma_start3A_816] : memref<80x128xi32, #tpu.memory_space<vmem>> -> memref<1x128xi32, #tpu.memory_space<vmem>>
      %dma_start3A_818 = tpu.memref_squeeze %dma_start3A_817 : memref<1x128xi32, #tpu.memory_space<vmem>> -> memref<128xi32, #tpu.memory_space<vmem>>
      %dma_start3A_819 = arith.constant 0 : i32
      %dma_start3A_820 = arith.constant 0 : i32
      %dma_start3A_821 = tpu.memref_slice %arg10[%dma_start3A_819, %dma_start3A_820] : memref<10240x64xf32, #tpu.memory_space<vmem_shared>> -> memref<10240x64xf32, #tpu.memory_space<vmem_shared>>
      tpu.enqueue_indirect_dma source(%dma_start3A_815 : memref<128x64xf32, #tpu.memory_space<vmem>>) target(%dma_start3A_821 : memref<10240x64xf32, #tpu.memory_space<vmem_shared>>) offsets(%dma_start3A_818 : memref<128xi32, #tpu.memory_space<vmem>>) semaphore(%arg19 : memref<!tpu.dma_semaphore, #tpu.memory_space<semaphore_mem>>) {add = true}
      %sub3A = arith.constant 2 : i32
      %sub3A_822 = arith.subi %add3A_799, %sub3A : i32
      %dma_wait3A_823 = arith.constant 6 : i32
      %dma_wait3A_824 = arith.constant 0 : i32
      %dma_wait3A_825 = arith.constant 0 : i32
      %dma_wait3A_826 = tpu.memref_slice %arg9[%dma_wait3A_823, %dma_wait3A_824, %dma_wait3A_825] : memref<8x128x64xf32, #tpu.memory_space<vmem>> -> memref<1x128x64xf32, #tpu.memory_space<vmem>>
      %dma_wait3A_827 = tpu.memref_squeeze %dma_wait3A_826 : memref<1x128x64xf32, #tpu.memory_space<vmem>> -> memref<128x64xf32, #tpu.memory_space<vmem>>
      %dma_wait3A_828 = arith.constant 0 : i32
      %dma_wait3A_829 = tpu.memref_slice %arg8[%sub3A_822, %dma_wait3A_828] : memref<80x128xi32, #tpu.memory_space<vmem>> -> memref<1x128xi32, #tpu.memory_space<vmem>>
      %dma_wait3A_830 = tpu.memref_squeeze %dma_wait3A_829 : memref<1x128xi32, #tpu.memory_space<vmem>> -> memref<128xi32, #tpu.memory_space<vmem>>
      %dma_wait3A_831 = arith.constant 0 : i32
      %dma_wait3A_832 = arith.constant 0 : i32
      %dma_wait3A_833 = tpu.memref_slice %arg10[%dma_wait3A_831, %dma_wait3A_832] : memref<10240x64xf32, #tpu.memory_space<vmem_shared>> -> memref<10240x64xf32, #tpu.memory_space<vmem_shared>>
      tpu.wait_indirect_dma semaphore(%arg25 : memref<!tpu.dma_semaphore, #tpu.memory_space<semaphore_mem>>) src(%dma_wait3A_827 : memref<128x64xf32, #tpu.memory_space<vmem>>) dst(%dma_wait3A_833 : memref<10240x64xf32, #tpu.memory_space<vmem_shared>>)
      %add3A_834 = arith.constant 6 : i32
      %add3A_835 = arith.addi %add3A_799, %add3A_834 : i32
      %dma_start3A_836 = arith.constant 6 : i32
      %dma_start3A_837 = arith.constant 0 : i32
      %dma_start3A_838 = arith.constant 0 : i32
      %dma_start3A_839 = tpu.memref_slice %arg9[%dma_start3A_836, %dma_start3A_837, %dma_start3A_838] : memref<8x128x64xf32, #tpu.memory_space<vmem>> -> memref<1x128x64xf32, #tpu.memory_space<vmem>>
      %dma_start3A_840 = tpu.memref_squeeze %dma_start3A_839 : memref<1x128x64xf32, #tpu.memory_space<vmem>> -> memref<128x64xf32, #tpu.memory_space<vmem>>
      %dma_start3A_841 = arith.constant 0 : i32
      %dma_start3A_842 = tpu.memref_slice %arg7[%add3A_835, %dma_start3A_841] : memref<80x128xi32, #tpu.memory_space<vmem>> -> memref<1x128xi32, #tpu.memory_space<vmem>>
      %dma_start3A_843 = tpu.memref_squeeze %dma_start3A_842 : memref<1x128xi32, #tpu.memory_space<vmem>> -> memref<128xi32, #tpu.memory_space<vmem>>
      %dma_start3A_844 = arith.constant 0 : i32
      %dma_start3A_845 = arith.constant 0 : i32
      %dma_start3A_846 = tpu.memref_slice %arg2[%dma_start3A_844, %dma_start3A_845] : memref<10240x64xf32, #tpu.memory_space<hbm>> -> memref<10240x64xf32, #tpu.memory_space<hbm>>
      tpu.enqueue_indirect_dma source(%dma_start3A_846 : memref<10240x64xf32, #tpu.memory_space<hbm>>) target(%dma_start3A_840 : memref<128x64xf32, #tpu.memory_space<vmem>>) offsets(%dma_start3A_843 : memref<128xi32, #tpu.memory_space<vmem>>) semaphore(%arg17 : memref<!tpu.dma_semaphore, #tpu.memory_space<semaphore_mem>>)
      %mul3A_847 = arith.constant 8 : i32
      %mul3A_848 = arith.muli %scan3A_795, %mul3A_847 : i32
      %add3A_849 = arith.constant 1 : i32
      %add3A_850 = arith.addi %mul3A_848, %add3A_849 : i32
      %dma_wait3A_851 = arith.constant 1 : i32
      %dma_wait3A_852 = arith.constant 0 : i32
      %dma_wait3A_853 = arith.constant 0 : i32
      %dma_wait3A_854 = tpu.memref_slice %arg9[%dma_wait3A_851, %dma_wait3A_852, %dma_wait3A_853] : memref<8x128x64xf32, #tpu.memory_space<vmem>> -> memref<1x128x64xf32, #tpu.memory_space<vmem>>
      %dma_wait3A_855 = tpu.memref_squeeze %dma_wait3A_854 : memref<1x128x64xf32, #tpu.memory_space<vmem>> -> memref<128x64xf32, #tpu.memory_space<vmem>>
      %dma_wait3A_856 = arith.constant 0 : i32
      %dma_wait3A_857 = tpu.memref_slice %arg7[%add3A_850, %dma_wait3A_856] : memref<80x128xi32, #tpu.memory_space<vmem>> -> memref<1x128xi32, #tpu.memory_space<vmem>>
      %dma_wait3A_858 = tpu.memref_squeeze %dma_wait3A_857 : memref<1x128xi32, #tpu.memory_space<vmem>> -> memref<128xi32, #tpu.memory_space<vmem>>
      %dma_wait3A_859 = arith.constant 0 : i32
      %dma_wait3A_860 = arith.constant 0 : i32
      %dma_wait3A_861 = tpu.memref_slice %arg2[%dma_wait3A_859, %dma_wait3A_860] : memref<10240x64xf32, #tpu.memory_space<hbm>> -> memref<10240x64xf32, #tpu.memory_space<hbm>>
      tpu.wait_indirect_dma semaphore(%arg12 : memref<!tpu.dma_semaphore, #tpu.memory_space<semaphore_mem>>) src(%dma_wait3A_861 : memref<10240x64xf32, #tpu.memory_space<hbm>>) dst(%dma_wait3A_855 : memref<128x64xf32, #tpu.memory_space<vmem>>)
      %dma_start3A_862 = arith.constant 1 : i32
      %dma_start3A_863 = arith.constant 0 : i32
      %dma_start3A_864 = arith.constant 0 : i32
      %dma_start3A_865 = tpu.memref_slice %arg9[%dma_start3A_862, %dma_start3A_863, %dma_start3A_864] : memref<8x128x64xf32, #tpu.memory_space<vmem>> -> memref<1x128x64xf32, #tpu.memory_space<vmem>>
      %dma_start3A_866 = tpu.memref_squeeze %dma_start3A_865 : memref<1x128x64xf32, #tpu.memory_space<vmem>> -> memref<128x64xf32, #tpu.memory_space<vmem>>
      %dma_start3A_867 = arith.constant 0 : i32
      %dma_start3A_868 = tpu.memref_slice %arg8[%add3A_850, %dma_start3A_867] : memref<80x128xi32, #tpu.memory_space<vmem>> -> memref<1x128xi32, #tpu.memory_space<vmem>>
      %dma_start3A_869 = tpu.memref_squeeze %dma_start3A_868 : memref<1x128xi32, #tpu.memory_space<vmem>> -> memref<128xi32, #tpu.memory_space<vmem>>
      %dma_start3A_870 = arith.constant 0 : i32
      %dma_start3A_871 = arith.constant 0 : i32
      %dma_start3A_872 = tpu.memref_slice %arg10[%dma_start3A_870, %dma_start3A_871] : memref<10240x64xf32, #tpu.memory_space<vmem_shared>> -> memref<10240x64xf32, #tpu.memory_space<vmem_shared>>
      tpu.enqueue_indirect_dma source(%dma_start3A_866 : memref<128x64xf32, #tpu.memory_space<vmem>>) target(%dma_start3A_872 : memref<10240x64xf32, #tpu.memory_space<vmem_shared>>) offsets(%dma_start3A_869 : memref<128xi32, #tpu.memory_space<vmem>>) semaphore(%arg20 : memref<!tpu.dma_semaphore, #tpu.memory_space<semaphore_mem>>) {add = true}
      %sub3A_873 = arith.constant 2 : i32
      %sub3A_874 = arith.subi %add3A_850, %sub3A_873 : i32
      %dma_wait3A_875 = arith.constant 7 : i32
      %dma_wait3A_876 = arith.constant 0 : i32
      %dma_wait3A_877 = arith.constant 0 : i32
      %dma_wait3A_878 = tpu.memref_slice %arg9[%dma_wait3A_875, %dma_wait3A_876, %dma_wait3A_877] : memref<8x128x64xf32, #tpu.memory_space<vmem>> -> memref<1x128x64xf32, #tpu.memory_space<vmem>>
      %dma_wait3A_879 = tpu.memref_squeeze %dma_wait3A_878 : memref<1x128x64xf32, #tpu.memory_space<vmem>> -> memref<128x64xf32, #tpu.memory_space<vmem>>
      %dma_wait3A_880 = arith.constant 0 : i32
      %dma_wait3A_881 = tpu.memref_slice %arg8[%sub3A_874, %dma_wait3A_880] : memref<80x128xi32, #tpu.memory_space<vmem>> -> memref<1x128xi32, #tpu.memory_space<vmem>>
      %dma_wait3A_882 = tpu.memref_squeeze %dma_wait3A_881 : memref<1x128xi32, #tpu.memory_space<vmem>> -> memref<128xi32, #tpu.memory_space<vmem>>
      %dma_wait3A_883 = arith.constant 0 : i32
      %dma_wait3A_884 = arith.constant 0 : i32
      %dma_wait3A_885 = tpu.memref_slice %arg10[%dma_wait3A_883, %dma_wait3A_884] : memref<10240x64xf32, #tpu.memory_space<vmem_shared>> -> memref<10240x64xf32, #tpu.memory_space<vmem_shared>>
      tpu.wait_indirect_dma semaphore(%arg26 : memref<!tpu.dma_semaphore, #tpu.memory_space<semaphore_mem>>) src(%dma_wait3A_879 : memref<128x64xf32, #tpu.memory_space<vmem>>) dst(%dma_wait3A_885 : memref<10240x64xf32, #tpu.memory_space<vmem_shared>>)
      %add3A_886 = arith.constant 6 : i32
      %add3A_887 = arith.addi %add3A_850, %add3A_886 : i32
      %dma_start3A_888 = arith.constant 7 : i32
      %dma_start3A_889 = arith.constant 0 : i32
      %dma_start3A_890 = arith.constant 0 : i32
      %dma_start3A_891 = tpu.memref_slice %arg9[%dma_start3A_888, %dma_start3A_889, %dma_start3A_890] : memref<8x128x64xf32, #tpu.memory_space<vmem>> -> memref<1x128x64xf32, #tpu.memory_space<vmem>>
      %dma_start3A_892 = tpu.memref_squeeze %dma_start3A_891 : memref<1x128x64xf32, #tpu.memory_space<vmem>> -> memref<128x64xf32, #tpu.memory_space<vmem>>
      %dma_start3A_893 = arith.constant 0 : i32
      %dma_start3A_894 = tpu.memref_slice %arg7[%add3A_887, %dma_start3A_893] : memref<80x128xi32, #tpu.memory_space<vmem>> -> memref<1x128xi32, #tpu.memory_space<vmem>>
      %dma_start3A_895 = tpu.memref_squeeze %dma_start3A_894 : memref<1x128xi32, #tpu.memory_space<vmem>> -> memref<128xi32, #tpu.memory_space<vmem>>
      %dma_start3A_896 = arith.constant 0 : i32
      %dma_start3A_897 = arith.constant 0 : i32
      %dma_start3A_898 = tpu.memref_slice %arg2[%dma_start3A_896, %dma_start3A_897] : memref<10240x64xf32, #tpu.memory_space<hbm>> -> memref<10240x64xf32, #tpu.memory_space<hbm>>
      tpu.enqueue_indirect_dma source(%dma_start3A_898 : memref<10240x64xf32, #tpu.memory_space<hbm>>) target(%dma_start3A_892 : memref<128x64xf32, #tpu.memory_space<vmem>>) offsets(%dma_start3A_895 : memref<128xi32, #tpu.memory_space<vmem>>) semaphore(%arg18 : memref<!tpu.dma_semaphore, #tpu.memory_space<semaphore_mem>>)
      %mul3A_899 = arith.constant 8 : i32
      %mul3A_900 = arith.muli %scan3A_795, %mul3A_899 : i32
      %add3A_901 = arith.constant 2 : i32
      %add3A_902 = arith.addi %mul3A_900, %add3A_901 : i32
      %dma_wait3A_903 = arith.constant 2 : i32
      %dma_wait3A_904 = arith.constant 0 : i32
      %dma_wait3A_905 = arith.constant 0 : i32
      %dma_wait3A_906 = tpu.memref_slice %arg9[%dma_wait3A_903, %dma_wait3A_904, %dma_wait3A_905] : memref<8x128x64xf32, #tpu.memory_space<vmem>> -> memref<1x128x64xf32, #tpu.memory_space<vmem>>
      %dma_wait3A_907 = tpu.memref_squeeze %dma_wait3A_906 : memref<1x128x64xf32, #tpu.memory_space<vmem>> -> memref<128x64xf32, #tpu.memory_space<vmem>>
      %dma_wait3A_908 = arith.constant 0 : i32
      %dma_wait3A_909 = tpu.memref_slice %arg7[%add3A_902, %dma_wait3A_908] : memref<80x128xi32, #tpu.memory_space<vmem>> -> memref<1x128xi32, #tpu.memory_space<vmem>>
      %dma_wait3A_910 = tpu.memref_squeeze %dma_wait3A_909 : memref<1x128xi32, #tpu.memory_space<vmem>> -> memref<128xi32, #tpu.memory_space<vmem>>
      %dma_wait3A_911 = arith.constant 0 : i32
      %dma_wait3A_912 = arith.constant 0 : i32
      %dma_wait3A_913 = tpu.memref_slice %arg2[%dma_wait3A_911, %dma_wait3A_912] : memref<10240x64xf32, #tpu.memory_space<hbm>> -> memref<10240x64xf32, #tpu.memory_space<hbm>>
      tpu.wait_indirect_dma semaphore(%arg13 : memref<!tpu.dma_semaphore, #tpu.memory_space<semaphore_mem>>) src(%dma_wait3A_913 : memref<10240x64xf32, #tpu.memory_space<hbm>>) dst(%dma_wait3A_907 : memref<128x64xf32, #tpu.memory_space<vmem>>)
      %dma_start3A_914 = arith.constant 2 : i32
      %dma_start3A_915 = arith.constant 0 : i32
      %dma_start3A_916 = arith.constant 0 : i32
      %dma_start3A_917 = tpu.memref_slice %arg9[%dma_start3A_914, %dma_start3A_915, %dma_start3A_916] : memref<8x128x64xf32, #tpu.memory_space<vmem>> -> memref<1x128x64xf32, #tpu.memory_space<vmem>>
      %dma_start3A_918 = tpu.memref_squeeze %dma_start3A_917 : memref<1x128x64xf32, #tpu.memory_space<vmem>> -> memref<128x64xf32, #tpu.memory_space<vmem>>
      %dma_start3A_919 = arith.constant 0 : i32
      %dma_start3A_920 = tpu.memref_slice %arg8[%add3A_902, %dma_start3A_919] : memref<80x128xi32, #tpu.memory_space<vmem>> -> memref<1x128xi32, #tpu.memory_space<vmem>>
      %dma_start3A_921 = tpu.memref_squeeze %dma_start3A_920 : memref<1x128xi32, #tpu.memory_space<vmem>> -> memref<128xi32, #tpu.memory_space<vmem>>
      %dma_start3A_922 = arith.constant 0 : i32
      %dma_start3A_923 = arith.constant 0 : i32
      %dma_start3A_924 = tpu.memref_slice %arg10[%dma_start3A_922, %dma_start3A_923] : memref<10240x64xf32, #tpu.memory_space<vmem_shared>> -> memref<10240x64xf32, #tpu.memory_space<vmem_shared>>
      tpu.enqueue_indirect_dma source(%dma_start3A_918 : memref<128x64xf32, #tpu.memory_space<vmem>>) target(%dma_start3A_924 : memref<10240x64xf32, #tpu.memory_space<vmem_shared>>) offsets(%dma_start3A_921 : memref<128xi32, #tpu.memory_space<vmem>>) semaphore(%arg21 : memref<!tpu.dma_semaphore, #tpu.memory_space<semaphore_mem>>) {add = true}
      %sub3A_925 = arith.constant 2 : i32
      %sub3A_926 = arith.subi %add3A_902, %sub3A_925 : i32
      %dma_wait3A_927 = arith.constant 0 : i32
      %dma_wait3A_928 = arith.constant 0 : i32
      %dma_wait3A_929 = arith.constant 0 : i32
      %dma_wait3A_930 = tpu.memref_slice %arg9[%dma_wait3A_927, %dma_wait3A_928, %dma_wait3A_929] : memref<8x128x64xf32, #tpu.memory_space<vmem>> -> memref<1x128x64xf32, #tpu.memory_space<vmem>>
      %dma_wait3A_931 = tpu.memref_squeeze %dma_wait3A_930 : memref<1x128x64xf32, #tpu.memory_space<vmem>> -> memref<128x64xf32, #tpu.memory_space<vmem>>
      %dma_wait3A_932 = arith.constant 0 : i32
      %dma_wait3A_933 = tpu.memref_slice %arg8[%sub3A_926, %dma_wait3A_932] : memref<80x128xi32, #tpu.memory_space<vmem>> -> memref<1x128xi32, #tpu.memory_space<vmem>>
      %dma_wait3A_934 = tpu.memref_squeeze %dma_wait3A_933 : memref<1x128xi32, #tpu.memory_space<vmem>> -> memref<128xi32, #tpu.memory_space<vmem>>
      %dma_wait3A_935 = arith.constant 0 : i32
      %dma_wait3A_936 = arith.constant 0 : i32
      %dma_wait3A_937 = tpu.memref_slice %arg10[%dma_wait3A_935, %dma_wait3A_936] : memref<10240x64xf32, #tpu.memory_space<vmem_shared>> -> memref<10240x64xf32, #tpu.memory_space<vmem_shared>>
      tpu.wait_indirect_dma semaphore(%arg19 : memref<!tpu.dma_semaphore, #tpu.memory_space<semaphore_mem>>) src(%dma_wait3A_931 : memref<128x64xf32, #tpu.memory_space<vmem>>) dst(%dma_wait3A_937 : memref<10240x64xf32, #tpu.memory_space<vmem_shared>>)
      %add3A_938 = arith.constant 6 : i32
      %add3A_939 = arith.addi %add3A_902, %add3A_938 : i32
      %dma_start3A_940 = arith.constant 0 : i32
      %dma_start3A_941 = arith.constant 0 : i32
      %dma_start3A_942 = arith.constant 0 : i32
      %dma_start3A_943 = tpu.memref_slice %arg9[%dma_start3A_940, %dma_start3A_941, %dma_start3A_942] : memref<8x128x64xf32, #tpu.memory_space<vmem>> -> memref<1x128x64xf32, #tpu.memory_space<vmem>>
      %dma_start3A_944 = tpu.memref_squeeze %dma_start3A_943 : memref<1x128x64xf32, #tpu.memory_space<vmem>> -> memref<128x64xf32, #tpu.memory_space<vmem>>
      %dma_start3A_945 = arith.constant 0 : i32
      %dma_start3A_946 = tpu.memref_slice %arg7[%add3A_939, %dma_start3A_945] : memref<80x128xi32, #tpu.memory_space<vmem>> -> memref<1x128xi32, #tpu.memory_space<vmem>>
      %dma_start3A_947 = tpu.memref_squeeze %dma_start3A_946 : memref<1x128xi32, #tpu.memory_space<vmem>> -> memref<128xi32, #tpu.memory_space<vmem>>
      %dma_start3A_948 = arith.constant 0 : i32
      %dma_start3A_949 = arith.constant 0 : i32
      %dma_start3A_950 = tpu.memref_slice %arg2[%dma_start3A_948, %dma_start3A_949] : memref<10240x64xf32, #tpu.memory_space<hbm>> -> memref<10240x64xf32, #tpu.memory_space<hbm>>
      tpu.enqueue_indirect_dma source(%dma_start3A_950 : memref<10240x64xf32, #tpu.memory_space<hbm>>) target(%dma_start3A_944 : memref<128x64xf32, #tpu.memory_space<vmem>>) offsets(%dma_start3A_947 : memref<128xi32, #tpu.memory_space<vmem>>) semaphore(%arg11 : memref<!tpu.dma_semaphore, #tpu.memory_space<semaphore_mem>>)
      %mul3A_951 = arith.constant 8 : i32
      %mul3A_952 = arith.muli %scan3A_795, %mul3A_951 : i32
      %add3A_953 = arith.constant 3 : i32
      %add3A_954 = arith.addi %mul3A_952, %add3A_953 : i32
      %dma_wait3A_955 = arith.constant 3 : i32
      %dma_wait3A_956 = arith.constant 0 : i32
      %dma_wait3A_957 = arith.constant 0 : i32
      %dma_wait3A_958 = tpu.memref_slice %arg9[%dma_wait3A_955, %dma_wait3A_956, %dma_wait3A_957] : memref<8x128x64xf32, #tpu.memory_space<vmem>> -> memref<1x128x64xf32, #tpu.memory_space<vmem>>
      %dma_wait3A_959 = tpu.memref_squeeze %dma_wait3A_958 : memref<1x128x64xf32, #tpu.memory_space<vmem>> -> memref<128x64xf32, #tpu.memory_space<vmem>>
      %dma_wait3A_960 = arith.constant 0 : i32
      %dma_wait3A_961 = tpu.memref_slice %arg7[%add3A_954, %dma_wait3A_960] : memref<80x128xi32, #tpu.memory_space<vmem>> -> memref<1x128xi32, #tpu.memory_space<vmem>>
      %dma_wait3A_962 = tpu.memref_squeeze %dma_wait3A_961 : memref<1x128xi32, #tpu.memory_space<vmem>> -> memref<128xi32, #tpu.memory_space<vmem>>
      %dma_wait3A_963 = arith.constant 0 : i32
      %dma_wait3A_964 = arith.constant 0 : i32
      %dma_wait3A_965 = tpu.memref_slice %arg2[%dma_wait3A_963, %dma_wait3A_964] : memref<10240x64xf32, #tpu.memory_space<hbm>> -> memref<10240x64xf32, #tpu.memory_space<hbm>>
      tpu.wait_indirect_dma semaphore(%arg14 : memref<!tpu.dma_semaphore, #tpu.memory_space<semaphore_mem>>) src(%dma_wait3A_965 : memref<10240x64xf32, #tpu.memory_space<hbm>>) dst(%dma_wait3A_959 : memref<128x64xf32, #tpu.memory_space<vmem>>)
      %dma_start3A_966 = arith.constant 3 : i32
      %dma_start3A_967 = arith.constant 0 : i32
      %dma_start3A_968 = arith.constant 0 : i32
      %dma_start3A_969 = tpu.memref_slice %arg9[%dma_start3A_966, %dma_start3A_967, %dma_start3A_968] : memref<8x128x64xf32, #tpu.memory_space<vmem>> -> memref<1x128x64xf32, #tpu.memory_space<vmem>>
      %dma_start3A_970 = tpu.memref_squeeze %dma_start3A_969 : memref<1x128x64xf32, #tpu.memory_space<vmem>> -> memref<128x64xf32, #tpu.memory_space<vmem>>
      %dma_start3A_971 = arith.constant 0 : i32
      %dma_start3A_972 = tpu.memref_slice %arg8[%add3A_954, %dma_start3A_971] : memref<80x128xi32, #tpu.memory_space<vmem>> -> memref<1x128xi32, #tpu.memory_space<vmem>>
      %dma_start3A_973 = tpu.memref_squeeze %dma_start3A_972 : memref<1x128xi32, #tpu.memory_space<vmem>> -> memref<128xi32, #tpu.memory_space<vmem>>
      %dma_start3A_974 = arith.constant 0 : i32
      %dma_start3A_975 = arith.constant 0 : i32
      %dma_start3A_976 = tpu.memref_slice %arg10[%dma_start3A_974, %dma_start3A_975] : memref<10240x64xf32, #tpu.memory_space<vmem_shared>> -> memref<10240x64xf32, #tpu.memory_space<vmem_shared>>
      tpu.enqueue_indirect_dma source(%dma_start3A_970 : memref<128x64xf32, #tpu.memory_space<vmem>>) target(%dma_start3A_976 : memref<10240x64xf32, #tpu.memory_space<vmem_shared>>) offsets(%dma_start3A_973 : memref<128xi32, #tpu.memory_space<vmem>>) semaphore(%arg22 : memref<!tpu.dma_semaphore, #tpu.memory_space<semaphore_mem>>) {add = true}
      %sub3A_977 = arith.constant 2 : i32
      %sub3A_978 = arith.subi %add3A_954, %sub3A_977 : i32
      %dma_wait3A_979 = arith.constant 1 : i32
      %dma_wait3A_980 = arith.constant 0 : i32
      %dma_wait3A_981 = arith.constant 0 : i32
      %dma_wait3A_982 = tpu.memref_slice %arg9[%dma_wait3A_979, %dma_wait3A_980, %dma_wait3A_981] : memref<8x128x64xf32, #tpu.memory_space<vmem>> -> memref<1x128x64xf32, #tpu.memory_space<vmem>>
      %dma_wait3A_983 = tpu.memref_squeeze %dma_wait3A_982 : memref<1x128x64xf32, #tpu.memory_space<vmem>> -> memref<128x64xf32, #tpu.memory_space<vmem>>
      %dma_wait3A_984 = arith.constant 0 : i32
      %dma_wait3A_985 = tpu.memref_slice %arg8[%sub3A_978, %dma_wait3A_984] : memref<80x128xi32, #tpu.memory_space<vmem>> -> memref<1x128xi32, #tpu.memory_space<vmem>>
      %dma_wait3A_986 = tpu.memref_squeeze %dma_wait3A_985 : memref<1x128xi32, #tpu.memory_space<vmem>> -> memref<128xi32, #tpu.memory_space<vmem>>
      %dma_wait3A_987 = arith.constant 0 : i32
      %dma_wait3A_988 = arith.constant 0 : i32
      %dma_wait3A_989 = tpu.memref_slice %arg10[%dma_wait3A_987, %dma_wait3A_988] : memref<10240x64xf32, #tpu.memory_space<vmem_shared>> -> memref<10240x64xf32, #tpu.memory_space<vmem_shared>>
      tpu.wait_indirect_dma semaphore(%arg20 : memref<!tpu.dma_semaphore, #tpu.memory_space<semaphore_mem>>) src(%dma_wait3A_983 : memref<128x64xf32, #tpu.memory_space<vmem>>) dst(%dma_wait3A_989 : memref<10240x64xf32, #tpu.memory_space<vmem_shared>>)
      %add3A_990 = arith.constant 6 : i32
      %add3A_991 = arith.addi %add3A_954, %add3A_990 : i32
      %dma_start3A_992 = arith.constant 1 : i32
      %dma_start3A_993 = arith.constant 0 : i32
      %dma_start3A_994 = arith.constant 0 : i32
      %dma_start3A_995 = tpu.memref_slice %arg9[%dma_start3A_992, %dma_start3A_993, %dma_start3A_994] : memref<8x128x64xf32, #tpu.memory_space<vmem>> -> memref<1x128x64xf32, #tpu.memory_space<vmem>>
      %dma_start3A_996 = tpu.memref_squeeze %dma_start3A_995 : memref<1x128x64xf32, #tpu.memory_space<vmem>> -> memref<128x64xf32, #tpu.memory_space<vmem>>
      %dma_start3A_997 = arith.constant 0 : i32
      %dma_start3A_998 = tpu.memref_slice %arg7[%add3A_991, %dma_start3A_997] : memref<80x128xi32, #tpu.memory_space<vmem>> -> memref<1x128xi32, #tpu.memory_space<vmem>>
      %dma_start3A_999 = tpu.memref_squeeze %dma_start3A_998 : memref<1x128xi32, #tpu.memory_space<vmem>> -> memref<128xi32, #tpu.memory_space<vmem>>
      %dma_start3A_1000 = arith.constant 0 : i32
      %dma_start3A_1001 = arith.constant 0 : i32
      %dma_start3A_1002 = tpu.memref_slice %arg2[%dma_start3A_1000, %dma_start3A_1001] : memref<10240x64xf32, #tpu.memory_space<hbm>> -> memref<10240x64xf32, #tpu.memory_space<hbm>>
      tpu.enqueue_indirect_dma source(%dma_start3A_1002 : memref<10240x64xf32, #tpu.memory_space<hbm>>) target(%dma_start3A_996 : memref<128x64xf32, #tpu.memory_space<vmem>>) offsets(%dma_start3A_999 : memref<128xi32, #tpu.memory_space<vmem>>) semaphore(%arg12 : memref<!tpu.dma_semaphore, #tpu.memory_space<semaphore_mem>>)
      %mul3A_1003 = arith.constant 8 : i32
      %mul3A_1004 = arith.muli %scan3A_795, %mul3A_1003 : i32
      %add3A_1005 = arith.constant 4 : i32
      %add3A_1006 = arith.addi %mul3A_1004, %add3A_1005 : i32
      %dma_wait3A_1007 = arith.constant 4 : i32
      %dma_wait3A_1008 = arith.constant 0 : i32
      %dma_wait3A_1009 = arith.constant 0 : i32
      %dma_wait3A_1010 = tpu.memref_slice %arg9[%dma_wait3A_1007, %dma_wait3A_1008, %dma_wait3A_1009] : memref<8x128x64xf32, #tpu.memory_space<vmem>> -> memref<1x128x64xf32, #tpu.memory_space<vmem>>
      %dma_wait3A_1011 = tpu.memref_squeeze %dma_wait3A_1010 : memref<1x128x64xf32, #tpu.memory_space<vmem>> -> memref<128x64xf32, #tpu.memory_space<vmem>>
      %dma_wait3A_1012 = arith.constant 0 : i32
      %dma_wait3A_1013 = tpu.memref_slice %arg7[%add3A_1006, %dma_wait3A_1012] : memref<80x128xi32, #tpu.memory_space<vmem>> -> memref<1x128xi32, #tpu.memory_space<vmem>>
      %dma_wait3A_1014 = tpu.memref_squeeze %dma_wait3A_1013 : memref<1x128xi32, #tpu.memory_space<vmem>> -> memref<128xi32, #tpu.memory_space<vmem>>
      %dma_wait3A_1015 = arith.constant 0 : i32
      %dma_wait3A_1016 = arith.constant 0 : i32
      %dma_wait3A_1017 = tpu.memref_slice %arg2[%dma_wait3A_1015, %dma_wait3A_1016] : memref<10240x64xf32, #tpu.memory_space<hbm>> -> memref<10240x64xf32, #tpu.memory_space<hbm>>
      tpu.wait_indirect_dma semaphore(%arg15 : memref<!tpu.dma_semaphore, #tpu.memory_space<semaphore_mem>>) src(%dma_wait3A_1017 : memref<10240x64xf32, #tpu.memory_space<hbm>>) dst(%dma_wait3A_1011 : memref<128x64xf32, #tpu.memory_space<vmem>>)
      %dma_start3A_1018 = arith.constant 4 : i32
      %dma_start3A_1019 = arith.constant 0 : i32
      %dma_start3A_1020 = arith.constant 0 : i32
      %dma_start3A_1021 = tpu.memref_slice %arg9[%dma_start3A_1018, %dma_start3A_1019, %dma_start3A_1020] : memref<8x128x64xf32, #tpu.memory_space<vmem>> -> memref<1x128x64xf32, #tpu.memory_space<vmem>>
      %dma_start3A_1022 = tpu.memref_squeeze %dma_start3A_1021 : memref<1x128x64xf32, #tpu.memory_space<vmem>> -> memref<128x64xf32, #tpu.memory_space<vmem>>
      %dma_start3A_1023 = arith.constant 0 : i32
      %dma_start3A_1024 = tpu.memref_slice %arg8[%add3A_1006, %dma_start3A_1023] : memref<80x128xi32, #tpu.memory_space<vmem>> -> memref<1x128xi32, #tpu.memory_space<vmem>>
      %dma_start3A_1025 = tpu.memref_squeeze %dma_start3A_1024 : memref<1x128xi32, #tpu.memory_space<vmem>> -> memref<128xi32, #tpu.memory_space<vmem>>
      %dma_start3A_1026 = arith.constant 0 : i32
      %dma_start3A_1027 = arith.constant 0 : i32
      %dma_start3A_1028 = tpu.memref_slice %arg10[%dma_start3A_1026, %dma_start3A_1027] : memref<10240x64xf32, #tpu.memory_space<vmem_shared>> -> memref<10240x64xf32, #tpu.memory_space<vmem_shared>>
      tpu.enqueue_indirect_dma source(%dma_start3A_1022 : memref<128x64xf32, #tpu.memory_space<vmem>>) target(%dma_start3A_1028 : memref<10240x64xf32, #tpu.memory_space<vmem_shared>>) offsets(%dma_start3A_1025 : memref<128xi32, #tpu.memory_space<vmem>>) semaphore(%arg23 : memref<!tpu.dma_semaphore, #tpu.memory_space<semaphore_mem>>) {add = true}
      %sub3A_1029 = arith.constant 2 : i32
      %sub3A_1030 = arith.subi %add3A_1006, %sub3A_1029 : i32
      %dma_wait3A_1031 = arith.constant 2 : i32
      %dma_wait3A_1032 = arith.constant 0 : i32
      %dma_wait3A_1033 = arith.constant 0 : i32
      %dma_wait3A_1034 = tpu.memref_slice %arg9[%dma_wait3A_1031, %dma_wait3A_1032, %dma_wait3A_1033] : memref<8x128x64xf32, #tpu.memory_space<vmem>> -> memref<1x128x64xf32, #tpu.memory_space<vmem>>
      %dma_wait3A_1035 = tpu.memref_squeeze %dma_wait3A_1034 : memref<1x128x64xf32, #tpu.memory_space<vmem>> -> memref<128x64xf32, #tpu.memory_space<vmem>>
      %dma_wait3A_1036 = arith.constant 0 : i32
      %dma_wait3A_1037 = tpu.memref_slice %arg8[%sub3A_1030, %dma_wait3A_1036] : memref<80x128xi32, #tpu.memory_space<vmem>> -> memref<1x128xi32, #tpu.memory_space<vmem>>
      %dma_wait3A_1038 = tpu.memref_squeeze %dma_wait3A_1037 : memref<1x128xi32, #tpu.memory_space<vmem>> -> memref<128xi32, #tpu.memory_space<vmem>>
      %dma_wait3A_1039 = arith.constant 0 : i32
      %dma_wait3A_1040 = arith.constant 0 : i32
      %dma_wait3A_1041 = tpu.memref_slice %arg10[%dma_wait3A_1039, %dma_wait3A_1040] : memref<10240x64xf32, #tpu.memory_space<vmem_shared>> -> memref<10240x64xf32, #tpu.memory_space<vmem_shared>>
      tpu.wait_indirect_dma semaphore(%arg21 : memref<!tpu.dma_semaphore, #tpu.memory_space<semaphore_mem>>) src(%dma_wait3A_1035 : memref<128x64xf32, #tpu.memory_space<vmem>>) dst(%dma_wait3A_1041 : memref<10240x64xf32, #tpu.memory_space<vmem_shared>>)
      %add3A_1042 = arith.constant 6 : i32
      %add3A_1043 = arith.addi %add3A_1006, %add3A_1042 : i32
      %dma_start3A_1044 = arith.constant 2 : i32
      %dma_start3A_1045 = arith.constant 0 : i32
      %dma_start3A_1046 = arith.constant 0 : i32
      %dma_start3A_1047 = tpu.memref_slice %arg9[%dma_start3A_1044, %dma_start3A_1045, %dma_start3A_1046] : memref<8x128x64xf32, #tpu.memory_space<vmem>> -> memref<1x128x64xf32, #tpu.memory_space<vmem>>
      %dma_start3A_1048 = tpu.memref_squeeze %dma_start3A_1047 : memref<1x128x64xf32, #tpu.memory_space<vmem>> -> memref<128x64xf32, #tpu.memory_space<vmem>>
      %dma_start3A_1049 = arith.constant 0 : i32
      %dma_start3A_1050 = tpu.memref_slice %arg7[%add3A_1043, %dma_start3A_1049] : memref<80x128xi32, #tpu.memory_space<vmem>> -> memref<1x128xi32, #tpu.memory_space<vmem>>
      %dma_start3A_1051 = tpu.memref_squeeze %dma_start3A_1050 : memref<1x128xi32, #tpu.memory_space<vmem>> -> memref<128xi32, #tpu.memory_space<vmem>>
      %dma_start3A_1052 = arith.constant 0 : i32
      %dma_start3A_1053 = arith.constant 0 : i32
      %dma_start3A_1054 = tpu.memref_slice %arg2[%dma_start3A_1052, %dma_start3A_1053] : memref<10240x64xf32, #tpu.memory_space<hbm>> -> memref<10240x64xf32, #tpu.memory_space<hbm>>
      tpu.enqueue_indirect_dma source(%dma_start3A_1054 : memref<10240x64xf32, #tpu.memory_space<hbm>>) target(%dma_start3A_1048 : memref<128x64xf32, #tpu.memory_space<vmem>>) offsets(%dma_start3A_1051 : memref<128xi32, #tpu.memory_space<vmem>>) semaphore(%arg13 : memref<!tpu.dma_semaphore, #tpu.memory_space<semaphore_mem>>)
      %mul3A_1055 = arith.constant 8 : i32
      %mul3A_1056 = arith.muli %scan3A_795, %mul3A_1055 : i32
      %add3A_1057 = arith.constant 5 : i32
      %add3A_1058 = arith.addi %mul3A_1056, %add3A_1057 : i32
      %dma_wait3A_1059 = arith.constant 5 : i32
      %dma_wait3A_1060 = arith.constant 0 : i32
      %dma_wait3A_1061 = arith.constant 0 : i32
      %dma_wait3A_1062 = tpu.memref_slice %arg9[%dma_wait3A_1059, %dma_wait3A_1060, %dma_wait3A_1061] : memref<8x128x64xf32, #tpu.memory_space<vmem>> -> memref<1x128x64xf32, #tpu.memory_space<vmem>>
      %dma_wait3A_1063 = tpu.memref_squeeze %dma_wait3A_1062 : memref<1x128x64xf32, #tpu.memory_space<vmem>> -> memref<128x64xf32, #tpu.memory_space<vmem>>
      %dma_wait3A_1064 = arith.constant 0 : i32
      %dma_wait3A_1065 = tpu.memref_slice %arg7[%add3A_1058, %dma_wait3A_1064] : memref<80x128xi32, #tpu.memory_space<vmem>> -> memref<1x128xi32, #tpu.memory_space<vmem>>
      %dma_wait3A_1066 = tpu.memref_squeeze %dma_wait3A_1065 : memref<1x128xi32, #tpu.memory_space<vmem>> -> memref<128xi32, #tpu.memory_space<vmem>>
      %dma_wait3A_1067 = arith.constant 0 : i32
      %dma_wait3A_1068 = arith.constant 0 : i32
      %dma_wait3A_1069 = tpu.memref_slice %arg2[%dma_wait3A_1067, %dma_wait3A_1068] : memref<10240x64xf32, #tpu.memory_space<hbm>> -> memref<10240x64xf32, #tpu.memory_space<hbm>>
      tpu.wait_indirect_dma semaphore(%arg16 : memref<!tpu.dma_semaphore, #tpu.memory_space<semaphore_mem>>) src(%dma_wait3A_1069 : memref<10240x64xf32, #tpu.memory_space<hbm>>) dst(%dma_wait3A_1063 : memref<128x64xf32, #tpu.memory_space<vmem>>)
      %dma_start3A_1070 = arith.constant 5 : i32
      %dma_start3A_1071 = arith.constant 0 : i32
      %dma_start3A_1072 = arith.constant 0 : i32
      %dma_start3A_1073 = tpu.memref_slice %arg9[%dma_start3A_1070, %dma_start3A_1071, %dma_start3A_1072] : memref<8x128x64xf32, #tpu.memory_space<vmem>> -> memref<1x128x64xf32, #tpu.memory_space<vmem>>
      %dma_start3A_1074 = tpu.memref_squeeze %dma_start3A_1073 : memref<1x128x64xf32, #tpu.memory_space<vmem>> -> memref<128x64xf32, #tpu.memory_space<vmem>>
      %dma_start3A_1075 = arith.constant 0 : i32
      %dma_start3A_1076 = tpu.memref_slice %arg8[%add3A_1058, %dma_start3A_1075] : memref<80x128xi32, #tpu.memory_space<vmem>> -> memref<1x128xi32, #tpu.memory_space<vmem>>
      %dma_start3A_1077 = tpu.memref_squeeze %dma_start3A_1076 : memref<1x128xi32, #tpu.memory_space<vmem>> -> memref<128xi32, #tpu.memory_space<vmem>>
      %dma_start3A_1078 = arith.constant 0 : i32
      %dma_start3A_1079 = arith.constant 0 : i32
      %dma_start3A_1080 = tpu.memref_slice %arg10[%dma_start3A_1078, %dma_start3A_1079] : memref<10240x64xf32, #tpu.memory_space<vmem_shared>> -> memref<10240x64xf32, #tpu.memory_space<vmem_shared>>
      tpu.enqueue_indirect_dma source(%dma_start3A_1074 : memref<128x64xf32, #tpu.memory_space<vmem>>) target(%dma_start3A_1080 : memref<10240x64xf32, #tpu.memory_space<vmem_shared>>) offsets(%dma_start3A_1077 : memref<128xi32, #tpu.memory_space<vmem>>) semaphore(%arg24 : memref<!tpu.dma_semaphore, #tpu.memory_space<semaphore_mem>>) {add = true}
      %sub3A_1081 = arith.constant 2 : i32
      %sub3A_1082 = arith.subi %add3A_1058, %sub3A_1081 : i32
      %dma_wait3A_1083 = arith.constant 3 : i32
      %dma_wait3A_1084 = arith.constant 0 : i32
      %dma_wait3A_1085 = arith.constant 0 : i32
      %dma_wait3A_1086 = tpu.memref_slice %arg9[%dma_wait3A_1083, %dma_wait3A_1084, %dma_wait3A_1085] : memref<8x128x64xf32, #tpu.memory_space<vmem>> -> memref<1x128x64xf32, #tpu.memory_space<vmem>>
      %dma_wait3A_1087 = tpu.memref_squeeze %dma_wait3A_1086 : memref<1x128x64xf32, #tpu.memory_space<vmem>> -> memref<128x64xf32, #tpu.memory_space<vmem>>
      %dma_wait3A_1088 = arith.constant 0 : i32
      %dma_wait3A_1089 = tpu.memref_slice %arg8[%sub3A_1082, %dma_wait3A_1088] : memref<80x128xi32, #tpu.memory_space<vmem>> -> memref<1x128xi32, #tpu.memory_space<vmem>>
      %dma_wait3A_1090 = tpu.memref_squeeze %dma_wait3A_1089 : memref<1x128xi32, #tpu.memory_space<vmem>> -> memref<128xi32, #tpu.memory_space<vmem>>
      %dma_wait3A_1091 = arith.constant 0 : i32
      %dma_wait3A_1092 = arith.constant 0 : i32
      %dma_wait3A_1093 = tpu.memref_slice %arg10[%dma_wait3A_1091, %dma_wait3A_1092] : memref<10240x64xf32, #tpu.memory_space<vmem_shared>> -> memref<10240x64xf32, #tpu.memory_space<vmem_shared>>
      tpu.wait_indirect_dma semaphore(%arg22 : memref<!tpu.dma_semaphore, #tpu.memory_space<semaphore_mem>>) src(%dma_wait3A_1087 : memref<128x64xf32, #tpu.memory_space<vmem>>) dst(%dma_wait3A_1093 : memref<10240x64xf32, #tpu.memory_space<vmem_shared>>)
      %add3A_1094 = arith.constant 6 : i32
      %add3A_1095 = arith.addi %add3A_1058, %add3A_1094 : i32
      %dma_start3A_1096 = arith.constant 3 : i32
      %dma_start3A_1097 = arith.constant 0 : i32
      %dma_start3A_1098 = arith.constant 0 : i32
      %dma_start3A_1099 = tpu.memref_slice %arg9[%dma_start3A_1096, %dma_start3A_1097, %dma_start3A_1098] : memref<8x128x64xf32, #tpu.memory_space<vmem>> -> memref<1x128x64xf32, #tpu.memory_space<vmem>>
      %dma_start3A_1100 = tpu.memref_squeeze %dma_start3A_1099 : memref<1x128x64xf32, #tpu.memory_space<vmem>> -> memref<128x64xf32, #tpu.memory_space<vmem>>
      %dma_start3A_1101 = arith.constant 0 : i32
      %dma_start3A_1102 = tpu.memref_slice %arg7[%add3A_1095, %dma_start3A_1101] : memref<80x128xi32, #tpu.memory_space<vmem>> -> memref<1x128xi32, #tpu.memory_space<vmem>>
      %dma_start3A_1103 = tpu.memref_squeeze %dma_start3A_1102 : memref<1x128xi32, #tpu.memory_space<vmem>> -> memref<128xi32, #tpu.memory_space<vmem>>
      %dma_start3A_1104 = arith.constant 0 : i32
      %dma_start3A_1105 = arith.constant 0 : i32
      %dma_start3A_1106 = tpu.memref_slice %arg2[%dma_start3A_1104, %dma_start3A_1105] : memref<10240x64xf32, #tpu.memory_space<hbm>> -> memref<10240x64xf32, #tpu.memory_space<hbm>>
      tpu.enqueue_indirect_dma source(%dma_start3A_1106 : memref<10240x64xf32, #tpu.memory_space<hbm>>) target(%dma_start3A_1100 : memref<128x64xf32, #tpu.memory_space<vmem>>) offsets(%dma_start3A_1103 : memref<128xi32, #tpu.memory_space<vmem>>) semaphore(%arg14 : memref<!tpu.dma_semaphore, #tpu.memory_space<semaphore_mem>>)
      %mul3A_1107 = arith.constant 8 : i32
      %mul3A_1108 = arith.muli %scan3A_795, %mul3A_1107 : i32
      %add3A_1109 = arith.constant 6 : i32
      %add3A_1110 = arith.addi %mul3A_1108, %add3A_1109 : i32
      %dma_wait3A_1111 = arith.constant 6 : i32
      %dma_wait3A_1112 = arith.constant 0 : i32
      %dma_wait3A_1113 = arith.constant 0 : i32
      %dma_wait3A_1114 = tpu.memref_slice %arg9[%dma_wait3A_1111, %dma_wait3A_1112, %dma_wait3A_1113] : memref<8x128x64xf32, #tpu.memory_space<vmem>> -> memref<1x128x64xf32, #tpu.memory_space<vmem>>
      %dma_wait3A_1115 = tpu.memref_squeeze %dma_wait3A_1114 : memref<1x128x64xf32, #tpu.memory_space<vmem>> -> memref<128x64xf32, #tpu.memory_space<vmem>>
      %dma_wait3A_1116 = arith.constant 0 : i32
      %dma_wait3A_1117 = tpu.memref_slice %arg7[%add3A_1110, %dma_wait3A_1116] : memref<80x128xi32, #tpu.memory_space<vmem>> -> memref<1x128xi32, #tpu.memory_space<vmem>>
      %dma_wait3A_1118 = tpu.memref_squeeze %dma_wait3A_1117 : memref<1x128xi32, #tpu.memory_space<vmem>> -> memref<128xi32, #tpu.memory_space<vmem>>
      %dma_wait3A_1119 = arith.constant 0 : i32
      %dma_wait3A_1120 = arith.constant 0 : i32
      %dma_wait3A_1121 = tpu.memref_slice %arg2[%dma_wait3A_1119, %dma_wait3A_1120] : memref<10240x64xf32, #tpu.memory_space<hbm>> -> memref<10240x64xf32, #tpu.memory_space<hbm>>
      tpu.wait_indirect_dma semaphore(%arg17 : memref<!tpu.dma_semaphore, #tpu.memory_space<semaphore_mem>>) src(%dma_wait3A_1121 : memref<10240x64xf32, #tpu.memory_space<hbm>>) dst(%dma_wait3A_1115 : memref<128x64xf32, #tpu.memory_space<vmem>>)
      %dma_start3A_1122 = arith.constant 6 : i32
      %dma_start3A_1123 = arith.constant 0 : i32
      %dma_start3A_1124 = arith.constant 0 : i32
      %dma_start3A_1125 = tpu.memref_slice %arg9[%dma_start3A_1122, %dma_start3A_1123, %dma_start3A_1124] : memref<8x128x64xf32, #tpu.memory_space<vmem>> -> memref<1x128x64xf32, #tpu.memory_space<vmem>>
      %dma_start3A_1126 = tpu.memref_squeeze %dma_start3A_1125 : memref<1x128x64xf32, #tpu.memory_space<vmem>> -> memref<128x64xf32, #tpu.memory_space<vmem>>
      %dma_start3A_1127 = arith.constant 0 : i32
      %dma_start3A_1128 = tpu.memref_slice %arg8[%add3A_1110, %dma_start3A_1127] : memref<80x128xi32, #tpu.memory_space<vmem>> -> memref<1x128xi32, #tpu.memory_space<vmem>>
      %dma_start3A_1129 = tpu.memref_squeeze %dma_start3A_1128 : memref<1x128xi32, #tpu.memory_space<vmem>> -> memref<128xi32, #tpu.memory_space<vmem>>
      %dma_start3A_1130 = arith.constant 0 : i32
      %dma_start3A_1131 = arith.constant 0 : i32
      %dma_start3A_1132 = tpu.memref_slice %arg10[%dma_start3A_1130, %dma_start3A_1131] : memref<10240x64xf32, #tpu.memory_space<vmem_shared>> -> memref<10240x64xf32, #tpu.memory_space<vmem_shared>>
      tpu.enqueue_indirect_dma source(%dma_start3A_1126 : memref<128x64xf32, #tpu.memory_space<vmem>>) target(%dma_start3A_1132 : memref<10240x64xf32, #tpu.memory_space<vmem_shared>>) offsets(%dma_start3A_1129 : memref<128xi32, #tpu.memory_space<vmem>>) semaphore(%arg25 : memref<!tpu.dma_semaphore, #tpu.memory_space<semaphore_mem>>) {add = true}
      %sub3A_1133 = arith.constant 2 : i32
      %sub3A_1134 = arith.subi %add3A_1110, %sub3A_1133 : i32
      %dma_wait3A_1135 = arith.constant 4 : i32
      %dma_wait3A_1136 = arith.constant 0 : i32
      %dma_wait3A_1137 = arith.constant 0 : i32
      %dma_wait3A_1138 = tpu.memref_slice %arg9[%dma_wait3A_1135, %dma_wait3A_1136, %dma_wait3A_1137] : memref<8x128x64xf32, #tpu.memory_space<vmem>> -> memref<1x128x64xf32, #tpu.memory_space<vmem>>
      %dma_wait3A_1139 = tpu.memref_squeeze %dma_wait3A_1138 : memref<1x128x64xf32, #tpu.memory_space<vmem>> -> memref<128x64xf32, #tpu.memory_space<vmem>>
      %dma_wait3A_1140 = arith.constant 0 : i32
      %dma_wait3A_1141 = tpu.memref_slice %arg8[%sub3A_1134, %dma_wait3A_1140] : memref<80x128xi32, #tpu.memory_space<vmem>> -> memref<1x128xi32, #tpu.memory_space<vmem>>
      %dma_wait3A_1142 = tpu.memref_squeeze %dma_wait3A_1141 : memref<1x128xi32, #tpu.memory_space<vmem>> -> memref<128xi32, #tpu.memory_space<vmem>>
      %dma_wait3A_1143 = arith.constant 0 : i32
      %dma_wait3A_1144 = arith.constant 0 : i32
      %dma_wait3A_1145 = tpu.memref_slice %arg10[%dma_wait3A_1143, %dma_wait3A_1144] : memref<10240x64xf32, #tpu.memory_space<vmem_shared>> -> memref<10240x64xf32, #tpu.memory_space<vmem_shared>>
      tpu.wait_indirect_dma semaphore(%arg23 : memref<!tpu.dma_semaphore, #tpu.memory_space<semaphore_mem>>) src(%dma_wait3A_1139 : memref<128x64xf32, #tpu.memory_space<vmem>>) dst(%dma_wait3A_1145 : memref<10240x64xf32, #tpu.memory_space<vmem_shared>>)
      %add3A_1146 = arith.constant 6 : i32
      %add3A_1147 = arith.addi %add3A_1110, %add3A_1146 : i32
      %dma_start3A_1148 = arith.constant 4 : i32
      %dma_start3A_1149 = arith.constant 0 : i32
      %dma_start3A_1150 = arith.constant 0 : i32
      %dma_start3A_1151 = tpu.memref_slice %arg9[%dma_start3A_1148, %dma_start3A_1149, %dma_start3A_1150] : memref<8x128x64xf32, #tpu.memory_space<vmem>> -> memref<1x128x64xf32, #tpu.memory_space<vmem>>
      %dma_start3A_1152 = tpu.memref_squeeze %dma_start3A_1151 : memref<1x128x64xf32, #tpu.memory_space<vmem>> -> memref<128x64xf32, #tpu.memory_space<vmem>>
      %dma_start3A_1153 = arith.constant 0 : i32
      %dma_start3A_1154 = tpu.memref_slice %arg7[%add3A_1147, %dma_start3A_1153] : memref<80x128xi32, #tpu.memory_space<vmem>> -> memref<1x128xi32, #tpu.memory_space<vmem>>
      %dma_start3A_1155 = tpu.memref_squeeze %dma_start3A_1154 : memref<1x128xi32, #tpu.memory_space<vmem>> -> memref<128xi32, #tpu.memory_space<vmem>>
      %dma_start3A_1156 = arith.constant 0 : i32
      %dma_start3A_1157 = arith.constant 0 : i32
      %dma_start3A_1158 = tpu.memref_slice %arg2[%dma_start3A_1156, %dma_start3A_1157] : memref<10240x64xf32, #tpu.memory_space<hbm>> -> memref<10240x64xf32, #tpu.memory_space<hbm>>
      tpu.enqueue_indirect_dma source(%dma_start3A_1158 : memref<10240x64xf32, #tpu.memory_space<hbm>>) target(%dma_start3A_1152 : memref<128x64xf32, #tpu.memory_space<vmem>>) offsets(%dma_start3A_1155 : memref<128xi32, #tpu.memory_space<vmem>>) semaphore(%arg15 : memref<!tpu.dma_semaphore, #tpu.memory_space<semaphore_mem>>)
      %mul3A_1159 = arith.constant 8 : i32
      %mul3A_1160 = arith.muli %scan3A_795, %mul3A_1159 : i32
      %add3A_1161 = arith.constant 7 : i32
      %add3A_1162 = arith.addi %mul3A_1160, %add3A_1161 : i32
      %dma_wait3A_1163 = arith.constant 7 : i32
      %dma_wait3A_1164 = arith.constant 0 : i32
      %dma_wait3A_1165 = arith.constant 0 : i32
      %dma_wait3A_1166 = tpu.memref_slice %arg9[%dma_wait3A_1163, %dma_wait3A_1164, %dma_wait3A_1165] : memref<8x128x64xf32, #tpu.memory_space<vmem>> -> memref<1x128x64xf32, #tpu.memory_space<vmem>>
      %dma_wait3A_1167 = tpu.memref_squeeze %dma_wait3A_1166 : memref<1x128x64xf32, #tpu.memory_space<vmem>> -> memref<128x64xf32, #tpu.memory_space<vmem>>
      %dma_wait3A_1168 = arith.constant 0 : i32
      %dma_wait3A_1169 = tpu.memref_slice %arg7[%add3A_1162, %dma_wait3A_1168] : memref<80x128xi32, #tpu.memory_space<vmem>> -> memref<1x128xi32, #tpu.memory_space<vmem>>
      %dma_wait3A_1170 = tpu.memref_squeeze %dma_wait3A_1169 : memref<1x128xi32, #tpu.memory_space<vmem>> -> memref<128xi32, #tpu.memory_space<vmem>>
      %dma_wait3A_1171 = arith.constant 0 : i32
      %dma_wait3A_1172 = arith.constant 0 : i32
      %dma_wait3A_1173 = tpu.memref_slice %arg2[%dma_wait3A_1171, %dma_wait3A_1172] : memref<10240x64xf32, #tpu.memory_space<hbm>> -> memref<10240x64xf32, #tpu.memory_space<hbm>>
      tpu.wait_indirect_dma semaphore(%arg18 : memref<!tpu.dma_semaphore, #tpu.memory_space<semaphore_mem>>) src(%dma_wait3A_1173 : memref<10240x64xf32, #tpu.memory_space<hbm>>) dst(%dma_wait3A_1167 : memref<128x64xf32, #tpu.memory_space<vmem>>)
      %dma_start3A_1174 = arith.constant 7 : i32
      %dma_start3A_1175 = arith.constant 0 : i32
      %dma_start3A_1176 = arith.constant 0 : i32
      %dma_start3A_1177 = tpu.memref_slice %arg9[%dma_start3A_1174, %dma_start3A_1175, %dma_start3A_1176] : memref<8x128x64xf32, #tpu.memory_space<vmem>> -> memref<1x128x64xf32, #tpu.memory_space<vmem>>
      %dma_start3A_1178 = tpu.memref_squeeze %dma_start3A_1177 : memref<1x128x64xf32, #tpu.memory_space<vmem>> -> memref<128x64xf32, #tpu.memory_space<vmem>>
      %dma_start3A_1179 = arith.constant 0 : i32
      %dma_start3A_1180 = tpu.memref_slice %arg8[%add3A_1162, %dma_start3A_1179] : memref<80x128xi32, #tpu.memory_space<vmem>> -> memref<1x128xi32, #tpu.memory_space<vmem>>
      %dma_start3A_1181 = tpu.memref_squeeze %dma_start3A_1180 : memref<1x128xi32, #tpu.memory_space<vmem>> -> memref<128xi32, #tpu.memory_space<vmem>>
      %dma_start3A_1182 = arith.constant 0 : i32
      %dma_start3A_1183 = arith.constant 0 : i32
      %dma_start3A_1184 = tpu.memref_slice %arg10[%dma_start3A_1182, %dma_start3A_1183] : memref<10240x64xf32, #tpu.memory_space<vmem_shared>> -> memref<10240x64xf32, #tpu.memory_space<vmem_shared>>
      tpu.enqueue_indirect_dma source(%dma_start3A_1178 : memref<128x64xf32, #tpu.memory_space<vmem>>) target(%dma_start3A_1184 : memref<10240x64xf32, #tpu.memory_space<vmem_shared>>) offsets(%dma_start3A_1181 : memref<128xi32, #tpu.memory_space<vmem>>) semaphore(%arg26 : memref<!tpu.dma_semaphore, #tpu.memory_space<semaphore_mem>>) {add = true}
      %sub3A_1185 = arith.constant 2 : i32
      %sub3A_1186 = arith.subi %add3A_1162, %sub3A_1185 : i32
      %dma_wait3A_1187 = arith.constant 5 : i32
      %dma_wait3A_1188 = arith.constant 0 : i32
      %dma_wait3A_1189 = arith.constant 0 : i32
      %dma_wait3A_1190 = tpu.memref_slice %arg9[%dma_wait3A_1187, %dma_wait3A_1188, %dma_wait3A_1189] : memref<8x128x64xf32, #tpu.memory_space<vmem>> -> memref<1x128x64xf32, #tpu.memory_space<vmem>>
      %dma_wait3A_1191 = tpu.memref_squeeze %dma_wait3A_1190 : memref<1x128x64xf32, #tpu.memory_space<vmem>> -> memref<128x64xf32, #tpu.memory_space<vmem>>
      %dma_wait3A_1192 = arith.constant 0 : i32
      %dma_wait3A_1193 = tpu.memref_slice %arg8[%sub3A_1186, %dma_wait3A_1192] : memref<80x128xi32, #tpu.memory_space<vmem>> -> memref<1x128xi32, #tpu.memory_space<vmem>>
      %dma_wait3A_1194 = tpu.memref_squeeze %dma_wait3A_1193 : memref<1x128xi32, #tpu.memory_space<vmem>> -> memref<128xi32, #tpu.memory_space<vmem>>
      %dma_wait3A_1195 = arith.constant 0 : i32
      %dma_wait3A_1196 = arith.constant 0 : i32
      %dma_wait3A_1197 = tpu.memref_slice %arg10[%dma_wait3A_1195, %dma_wait3A_1196] : memref<10240x64xf32, #tpu.memory_space<vmem_shared>> -> memref<10240x64xf32, #tpu.memory_space<vmem_shared>>
      tpu.wait_indirect_dma semaphore(%arg24 : memref<!tpu.dma_semaphore, #tpu.memory_space<semaphore_mem>>) src(%dma_wait3A_1191 : memref<128x64xf32, #tpu.memory_space<vmem>>) dst(%dma_wait3A_1197 : memref<10240x64xf32, #tpu.memory_space<vmem_shared>>)
      %add3A_1198 = arith.constant 6 : i32
      %add3A_1199 = arith.addi %add3A_1162, %add3A_1198 : i32
      %dma_start3A_1200 = arith.constant 5 : i32
      %dma_start3A_1201 = arith.constant 0 : i32
      %dma_start3A_1202 = arith.constant 0 : i32
      %dma_start3A_1203 = tpu.memref_slice %arg9[%dma_start3A_1200, %dma_start3A_1201, %dma_start3A_1202] : memref<8x128x64xf32, #tpu.memory_space<vmem>> -> memref<1x128x64xf32, #tpu.memory_space<vmem>>
      %dma_start3A_1204 = tpu.memref_squeeze %dma_start3A_1203 : memref<1x128x64xf32, #tpu.memory_space<vmem>> -> memref<128x64xf32, #tpu.memory_space<vmem>>
      %dma_start3A_1205 = arith.constant 0 : i32
      %dma_start3A_1206 = tpu.memref_slice %arg7[%add3A_1199, %dma_start3A_1205] : memref<80x128xi32, #tpu.memory_space<vmem>> -> memref<1x128xi32, #tpu.memory_space<vmem>>
      %dma_start3A_1207 = tpu.memref_squeeze %dma_start3A_1206 : memref<1x128xi32, #tpu.memory_space<vmem>> -> memref<128xi32, #tpu.memory_space<vmem>>
      %dma_start3A_1208 = arith.constant 0 : i32
      %dma_start3A_1209 = arith.constant 0 : i32
      %dma_start3A_1210 = tpu.memref_slice %arg2[%dma_start3A_1208, %dma_start3A_1209] : memref<10240x64xf32, #tpu.memory_space<hbm>> -> memref<10240x64xf32, #tpu.memory_space<hbm>>
      tpu.enqueue_indirect_dma source(%dma_start3A_1210 : memref<10240x64xf32, #tpu.memory_space<hbm>>) target(%dma_start3A_1204 : memref<128x64xf32, #tpu.memory_space<vmem>>) offsets(%dma_start3A_1207 : memref<128xi32, #tpu.memory_space<vmem>>) semaphore(%arg16 : memref<!tpu.dma_semaphore, #tpu.memory_space<semaphore_mem>>)
    }
    %scan3A_447 = arith.constant 8 : i32
    %dma_wait3A_448 = arith.constant 72 : i32
    %dma_wait3A_449 = arith.constant 0 : i32
    %dma_wait3A_450 = arith.constant 0 : i32
    %dma_wait3A_451 = arith.constant 0 : i32
    %dma_wait3A_452 = tpu.memref_slice %arg9[%dma_wait3A_449, %dma_wait3A_450, %dma_wait3A_451] : memref<8x128x64xf32, #tpu.memory_space<vmem>> -> memref<1x128x64xf32, #tpu.memory_space<vmem>>
    %dma_wait3A_453 = tpu.memref_squeeze %dma_wait3A_452 : memref<1x128x64xf32, #tpu.memory_space<vmem>> -> memref<128x64xf32, #tpu.memory_space<vmem>>
    %dma_wait3A_454 = arith.constant 0 : i32
    %dma_wait3A_455 = tpu.memref_slice %arg7[%dma_wait3A_448, %dma_wait3A_454] : memref<80x128xi32, #tpu.memory_space<vmem>> -> memref<1x128xi32, #tpu.memory_space<vmem>>
    %dma_wait3A_456 = tpu.memref_squeeze %dma_wait3A_455 : memref<1x128xi32, #tpu.memory_space<vmem>> -> memref<128xi32, #tpu.memory_space<vmem>>
    %dma_wait3A_457 = arith.constant 0 : i32
    %dma_wait3A_458 = arith.constant 0 : i32
    %dma_wait3A_459 = tpu.memref_slice %arg2[%dma_wait3A_457, %dma_wait3A_458] : memref<10240x64xf32, #tpu.memory_space<hbm>> -> memref<10240x64xf32, #tpu.memory_space<hbm>>
    tpu.wait_indirect_dma semaphore(%arg11 : memref<!tpu.dma_semaphore, #tpu.memory_space<semaphore_mem>>) src(%dma_wait3A_459 : memref<10240x64xf32, #tpu.memory_space<hbm>>) dst(%dma_wait3A_453 : memref<128x64xf32, #tpu.memory_space<vmem>>)
    %dma_start3A_460 = arith.constant 0 : i32
    %dma_start3A_461 = arith.constant 72 : i32
    %dma_start3A_462 = arith.constant 0 : i32
    %dma_start3A_463 = arith.constant 0 : i32
    %dma_start3A_464 = tpu.memref_slice %arg9[%dma_start3A_460, %dma_start3A_462, %dma_start3A_463] : memref<8x128x64xf32, #tpu.memory_space<vmem>> -> memref<1x128x64xf32, #tpu.memory_space<vmem>>
    %dma_start3A_465 = tpu.memref_squeeze %dma_start3A_464 : memref<1x128x64xf32, #tpu.memory_space<vmem>> -> memref<128x64xf32, #tpu.memory_space<vmem>>
    %dma_start3A_466 = arith.constant 0 : i32
    %dma_start3A_467 = tpu.memref_slice %arg8[%dma_start3A_461, %dma_start3A_466] : memref<80x128xi32, #tpu.memory_space<vmem>> -> memref<1x128xi32, #tpu.memory_space<vmem>>
    %dma_start3A_468 = tpu.memref_squeeze %dma_start3A_467 : memref<1x128xi32, #tpu.memory_space<vmem>> -> memref<128xi32, #tpu.memory_space<vmem>>
    %dma_start3A_469 = arith.constant 0 : i32
    %dma_start3A_470 = arith.constant 0 : i32
    %dma_start3A_471 = tpu.memref_slice %arg10[%dma_start3A_469, %dma_start3A_470] : memref<10240x64xf32, #tpu.memory_space<vmem_shared>> -> memref<10240x64xf32, #tpu.memory_space<vmem_shared>>
    tpu.enqueue_indirect_dma source(%dma_start3A_465 : memref<128x64xf32, #tpu.memory_space<vmem>>) target(%dma_start3A_471 : memref<10240x64xf32, #tpu.memory_space<vmem_shared>>) offsets(%dma_start3A_468 : memref<128xi32, #tpu.memory_space<vmem>>) semaphore(%arg19 : memref<!tpu.dma_semaphore, #tpu.memory_space<semaphore_mem>>) {add = true}
    %dma_wait3A_472 = arith.constant 6 : i32
    %dma_wait3A_473 = arith.constant 70 : i32
    %dma_wait3A_474 = arith.constant 0 : i32
    %dma_wait3A_475 = arith.constant 0 : i32
    %dma_wait3A_476 = tpu.memref_slice %arg9[%dma_wait3A_472, %dma_wait3A_474, %dma_wait3A_475] : memref<8x128x64xf32, #tpu.memory_space<vmem>> -> memref<1x128x64xf32, #tpu.memory_space<vmem>>
    %dma_wait3A_477 = tpu.memref_squeeze %dma_wait3A_476 : memref<1x128x64xf32, #tpu.memory_space<vmem>> -> memref<128x64xf32, #tpu.memory_space<vmem>>
    %dma_wait3A_478 = arith.constant 0 : i32
    %dma_wait3A_479 = tpu.memref_slice %arg8[%dma_wait3A_473, %dma_wait3A_478] : memref<80x128xi32, #tpu.memory_space<vmem>> -> memref<1x128xi32, #tpu.memory_space<vmem>>
    %dma_wait3A_480 = tpu.memref_squeeze %dma_wait3A_479 : memref<1x128xi32, #tpu.memory_space<vmem>> -> memref<128xi32, #tpu.memory_space<vmem>>
    %dma_wait3A_481 = arith.constant 0 : i32
    %dma_wait3A_482 = arith.constant 0 : i32
    %dma_wait3A_483 = tpu.memref_slice %arg10[%dma_wait3A_481, %dma_wait3A_482] : memref<10240x64xf32, #tpu.memory_space<vmem_shared>> -> memref<10240x64xf32, #tpu.memory_space<vmem_shared>>
    tpu.wait_indirect_dma semaphore(%arg25 : memref<!tpu.dma_semaphore, #tpu.memory_space<semaphore_mem>>) src(%dma_wait3A_477 : memref<128x64xf32, #tpu.memory_space<vmem>>) dst(%dma_wait3A_483 : memref<10240x64xf32, #tpu.memory_space<vmem_shared>>)
    %dma_start3A_484 = arith.constant 78 : i32
    %dma_start3A_485 = arith.constant 6 : i32
    %dma_start3A_486 = arith.constant 0 : i32
    %dma_start3A_487 = arith.constant 0 : i32
    %dma_start3A_488 = tpu.memref_slice %arg9[%dma_start3A_485, %dma_start3A_486, %dma_start3A_487] : memref<8x128x64xf32, #tpu.memory_space<vmem>> -> memref<1x128x64xf32, #tpu.memory_space<vmem>>
    %dma_start3A_489 = tpu.memref_squeeze %dma_start3A_488 : memref<1x128x64xf32, #tpu.memory_space<vmem>> -> memref<128x64xf32, #tpu.memory_space<vmem>>
    %dma_start3A_490 = arith.constant 0 : i32
    %dma_start3A_491 = tpu.memref_slice %arg7[%dma_start3A_484, %dma_start3A_490] : memref<80x128xi32, #tpu.memory_space<vmem>> -> memref<1x128xi32, #tpu.memory_space<vmem>>
    %dma_start3A_492 = tpu.memref_squeeze %dma_start3A_491 : memref<1x128xi32, #tpu.memory_space<vmem>> -> memref<128xi32, #tpu.memory_space<vmem>>
    %dma_start3A_493 = arith.constant 0 : i32
    %dma_start3A_494 = arith.constant 0 : i32
    %dma_start3A_495 = tpu.memref_slice %arg2[%dma_start3A_493, %dma_start3A_494] : memref<10240x64xf32, #tpu.memory_space<hbm>> -> memref<10240x64xf32, #tpu.memory_space<hbm>>
    tpu.enqueue_indirect_dma source(%dma_start3A_495 : memref<10240x64xf32, #tpu.memory_space<hbm>>) target(%dma_start3A_489 : memref<128x64xf32, #tpu.memory_space<vmem>>) offsets(%dma_start3A_492 : memref<128xi32, #tpu.memory_space<vmem>>) semaphore(%arg17 : memref<!tpu.dma_semaphore, #tpu.memory_space<semaphore_mem>>)
    %dma_wait3A_496 = arith.constant 73 : i32
    %dma_wait3A_497 = arith.constant 1 : i32
    %dma_wait3A_498 = arith.constant 0 : i32
    %dma_wait3A_499 = arith.constant 0 : i32
    %dma_wait3A_500 = tpu.memref_slice %arg9[%dma_wait3A_497, %dma_wait3A_498, %dma_wait3A_499] : memref<8x128x64xf32, #tpu.memory_space<vmem>> -> memref<1x128x64xf32, #tpu.memory_space<vmem>>
    %dma_wait3A_501 = tpu.memref_squeeze %dma_wait3A_500 : memref<1x128x64xf32, #tpu.memory_space<vmem>> -> memref<128x64xf32, #tpu.memory_space<vmem>>
    %dma_wait3A_502 = arith.constant 0 : i32
    %dma_wait3A_503 = tpu.memref_slice %arg7[%dma_wait3A_496, %dma_wait3A_502] : memref<80x128xi32, #tpu.memory_space<vmem>> -> memref<1x128xi32, #tpu.memory_space<vmem>>
    %dma_wait3A_504 = tpu.memref_squeeze %dma_wait3A_503 : memref<1x128xi32, #tpu.memory_space<vmem>> -> memref<128xi32, #tpu.memory_space<vmem>>
    %dma_wait3A_505 = arith.constant 0 : i32
    %dma_wait3A_506 = arith.constant 0 : i32
    %dma_wait3A_507 = tpu.memref_slice %arg2[%dma_wait3A_505, %dma_wait3A_506] : memref<10240x64xf32, #tpu.memory_space<hbm>> -> memref<10240x64xf32, #tpu.memory_space<hbm>>
    tpu.wait_indirect_dma semaphore(%arg12 : memref<!tpu.dma_semaphore, #tpu.memory_space<semaphore_mem>>) src(%dma_wait3A_507 : memref<10240x64xf32, #tpu.memory_space<hbm>>) dst(%dma_wait3A_501 : memref<128x64xf32, #tpu.memory_space<vmem>>)
    %dma_start3A_508 = arith.constant 1 : i32
    %dma_start3A_509 = arith.constant 73 : i32
    %dma_start3A_510 = arith.constant 0 : i32
    %dma_start3A_511 = arith.constant 0 : i32
    %dma_start3A_512 = tpu.memref_slice %arg9[%dma_start3A_508, %dma_start3A_510, %dma_start3A_511] : memref<8x128x64xf32, #tpu.memory_space<vmem>> -> memref<1x128x64xf32, #tpu.memory_space<vmem>>
    %dma_start3A_513 = tpu.memref_squeeze %dma_start3A_512 : memref<1x128x64xf32, #tpu.memory_space<vmem>> -> memref<128x64xf32, #tpu.memory_space<vmem>>
    %dma_start3A_514 = arith.constant 0 : i32
    %dma_start3A_515 = tpu.memref_slice %arg8[%dma_start3A_509, %dma_start3A_514] : memref<80x128xi32, #tpu.memory_space<vmem>> -> memref<1x128xi32, #tpu.memory_space<vmem>>
    %dma_start3A_516 = tpu.memref_squeeze %dma_start3A_515 : memref<1x128xi32, #tpu.memory_space<vmem>> -> memref<128xi32, #tpu.memory_space<vmem>>
    %dma_start3A_517 = arith.constant 0 : i32
    %dma_start3A_518 = arith.constant 0 : i32
    %dma_start3A_519 = tpu.memref_slice %arg10[%dma_start3A_517, %dma_start3A_518] : memref<10240x64xf32, #tpu.memory_space<vmem_shared>> -> memref<10240x64xf32, #tpu.memory_space<vmem_shared>>
    tpu.enqueue_indirect_dma source(%dma_start3A_513 : memref<128x64xf32, #tpu.memory_space<vmem>>) target(%dma_start3A_519 : memref<10240x64xf32, #tpu.memory_space<vmem_shared>>) offsets(%dma_start3A_516 : memref<128xi32, #tpu.memory_space<vmem>>) semaphore(%arg20 : memref<!tpu.dma_semaphore, #tpu.memory_space<semaphore_mem>>) {add = true}
    %dma_wait3A_520 = arith.constant 7 : i32
    %dma_wait3A_521 = arith.constant 71 : i32
    %dma_wait3A_522 = arith.constant 0 : i32
    %dma_wait3A_523 = arith.constant 0 : i32
    %dma_wait3A_524 = tpu.memref_slice %arg9[%dma_wait3A_520, %dma_wait3A_522, %dma_wait3A_523] : memref<8x128x64xf32, #tpu.memory_space<vmem>> -> memref<1x128x64xf32, #tpu.memory_space<vmem>>
    %dma_wait3A_525 = tpu.memref_squeeze %dma_wait3A_524 : memref<1x128x64xf32, #tpu.memory_space<vmem>> -> memref<128x64xf32, #tpu.memory_space<vmem>>
    %dma_wait3A_526 = arith.constant 0 : i32
    %dma_wait3A_527 = tpu.memref_slice %arg8[%dma_wait3A_521, %dma_wait3A_526] : memref<80x128xi32, #tpu.memory_space<vmem>> -> memref<1x128xi32, #tpu.memory_space<vmem>>
    %dma_wait3A_528 = tpu.memref_squeeze %dma_wait3A_527 : memref<1x128xi32, #tpu.memory_space<vmem>> -> memref<128xi32, #tpu.memory_space<vmem>>
    %dma_wait3A_529 = arith.constant 0 : i32
    %dma_wait3A_530 = arith.constant 0 : i32
    %dma_wait3A_531 = tpu.memref_slice %arg10[%dma_wait3A_529, %dma_wait3A_530] : memref<10240x64xf32, #tpu.memory_space<vmem_shared>> -> memref<10240x64xf32, #tpu.memory_space<vmem_shared>>
    tpu.wait_indirect_dma semaphore(%arg26 : memref<!tpu.dma_semaphore, #tpu.memory_space<semaphore_mem>>) src(%dma_wait3A_525 : memref<128x64xf32, #tpu.memory_space<vmem>>) dst(%dma_wait3A_531 : memref<10240x64xf32, #tpu.memory_space<vmem_shared>>)
    %dma_start3A_532 = arith.constant 79 : i32
    %dma_start3A_533 = arith.constant 7 : i32
    %dma_start3A_534 = arith.constant 0 : i32
    %dma_start3A_535 = arith.constant 0 : i32
    %dma_start3A_536 = tpu.memref_slice %arg9[%dma_start3A_533, %dma_start3A_534, %dma_start3A_535] : memref<8x128x64xf32, #tpu.memory_space<vmem>> -> memref<1x128x64xf32, #tpu.memory_space<vmem>>
    %dma_start3A_537 = tpu.memref_squeeze %dma_start3A_536 : memref<1x128x64xf32, #tpu.memory_space<vmem>> -> memref<128x64xf32, #tpu.memory_space<vmem>>
    %dma_start3A_538 = arith.constant 0 : i32
    %dma_start3A_539 = tpu.memref_slice %arg7[%dma_start3A_532, %dma_start3A_538] : memref<80x128xi32, #tpu.memory_space<vmem>> -> memref<1x128xi32, #tpu.memory_space<vmem>>
    %dma_start3A_540 = tpu.memref_squeeze %dma_start3A_539 : memref<1x128xi32, #tpu.memory_space<vmem>> -> memref<128xi32, #tpu.memory_space<vmem>>
    %dma_start3A_541 = arith.constant 0 : i32
    %dma_start3A_542 = arith.constant 0 : i32
    %dma_start3A_543 = tpu.memref_slice %arg2[%dma_start3A_541, %dma_start3A_542] : memref<10240x64xf32, #tpu.memory_space<hbm>> -> memref<10240x64xf32, #tpu.memory_space<hbm>>
    tpu.enqueue_indirect_dma source(%dma_start3A_543 : memref<10240x64xf32, #tpu.memory_space<hbm>>) target(%dma_start3A_537 : memref<128x64xf32, #tpu.memory_space<vmem>>) offsets(%dma_start3A_540 : memref<128xi32, #tpu.memory_space<vmem>>) semaphore(%arg18 : memref<!tpu.dma_semaphore, #tpu.memory_space<semaphore_mem>>)
    %dma_wait3A_544 = arith.constant 74 : i32
    %dma_wait3A_545 = arith.constant 2 : i32
    %dma_wait3A_546 = arith.constant 0 : i32
    %dma_wait3A_547 = arith.constant 0 : i32
    %dma_wait3A_548 = tpu.memref_slice %arg9[%dma_wait3A_545, %dma_wait3A_546, %dma_wait3A_547] : memref<8x128x64xf32, #tpu.memory_space<vmem>> -> memref<1x128x64xf32, #tpu.memory_space<vmem>>
    %dma_wait3A_549 = tpu.memref_squeeze %dma_wait3A_548 : memref<1x128x64xf32, #tpu.memory_space<vmem>> -> memref<128x64xf32, #tpu.memory_space<vmem>>
    %dma_wait3A_550 = arith.constant 0 : i32
    %dma_wait3A_551 = tpu.memref_slice %arg7[%dma_wait3A_544, %dma_wait3A_550] : memref<80x128xi32, #tpu.memory_space<vmem>> -> memref<1x128xi32, #tpu.memory_space<vmem>>
    %dma_wait3A_552 = tpu.memref_squeeze %dma_wait3A_551 : memref<1x128xi32, #tpu.memory_space<vmem>> -> memref<128xi32, #tpu.memory_space<vmem>>
    %dma_wait3A_553 = arith.constant 0 : i32
    %dma_wait3A_554 = arith.constant 0 : i32
    %dma_wait3A_555 = tpu.memref_slice %arg2[%dma_wait3A_553, %dma_wait3A_554] : memref<10240x64xf32, #tpu.memory_space<hbm>> -> memref<10240x64xf32, #tpu.memory_space<hbm>>
    tpu.wait_indirect_dma semaphore(%arg13 : memref<!tpu.dma_semaphore, #tpu.memory_space<semaphore_mem>>) src(%dma_wait3A_555 : memref<10240x64xf32, #tpu.memory_space<hbm>>) dst(%dma_wait3A_549 : memref<128x64xf32, #tpu.memory_space<vmem>>)
    %dma_start3A_556 = arith.constant 2 : i32
    %dma_start3A_557 = arith.constant 74 : i32
    %dma_start3A_558 = arith.constant 0 : i32
    %dma_start3A_559 = arith.constant 0 : i32
    %dma_start3A_560 = tpu.memref_slice %arg9[%dma_start3A_556, %dma_start3A_558, %dma_start3A_559] : memref<8x128x64xf32, #tpu.memory_space<vmem>> -> memref<1x128x64xf32, #tpu.memory_space<vmem>>
    %dma_start3A_561 = tpu.memref_squeeze %dma_start3A_560 : memref<1x128x64xf32, #tpu.memory_space<vmem>> -> memref<128x64xf32, #tpu.memory_space<vmem>>
    %dma_start3A_562 = arith.constant 0 : i32
    %dma_start3A_563 = tpu.memref_slice %arg8[%dma_start3A_557, %dma_start3A_562] : memref<80x128xi32, #tpu.memory_space<vmem>> -> memref<1x128xi32, #tpu.memory_space<vmem>>
    %dma_start3A_564 = tpu.memref_squeeze %dma_start3A_563 : memref<1x128xi32, #tpu.memory_space<vmem>> -> memref<128xi32, #tpu.memory_space<vmem>>
    %dma_start3A_565 = arith.constant 0 : i32
    %dma_start3A_566 = arith.constant 0 : i32
    %dma_start3A_567 = tpu.memref_slice %arg10[%dma_start3A_565, %dma_start3A_566] : memref<10240x64xf32, #tpu.memory_space<vmem_shared>> -> memref<10240x64xf32, #tpu.memory_space<vmem_shared>>
    tpu.enqueue_indirect_dma source(%dma_start3A_561 : memref<128x64xf32, #tpu.memory_space<vmem>>) target(%dma_start3A_567 : memref<10240x64xf32, #tpu.memory_space<vmem_shared>>) offsets(%dma_start3A_564 : memref<128xi32, #tpu.memory_space<vmem>>) semaphore(%arg21 : memref<!tpu.dma_semaphore, #tpu.memory_space<semaphore_mem>>) {add = true}
    %dma_wait3A_568 = arith.constant 0 : i32
    %dma_wait3A_569 = arith.constant 72 : i32
    %dma_wait3A_570 = arith.constant 0 : i32
    %dma_wait3A_571 = arith.constant 0 : i32
    %dma_wait3A_572 = tpu.memref_slice %arg9[%dma_wait3A_568, %dma_wait3A_570, %dma_wait3A_571] : memref<8x128x64xf32, #tpu.memory_space<vmem>> -> memref<1x128x64xf32, #tpu.memory_space<vmem>>
    %dma_wait3A_573 = tpu.memref_squeeze %dma_wait3A_572 : memref<1x128x64xf32, #tpu.memory_space<vmem>> -> memref<128x64xf32, #tpu.memory_space<vmem>>
    %dma_wait3A_574 = arith.constant 0 : i32
    %dma_wait3A_575 = tpu.memref_slice %arg8[%dma_wait3A_569, %dma_wait3A_574] : memref<80x128xi32, #tpu.memory_space<vmem>> -> memref<1x128xi32, #tpu.memory_space<vmem>>
    %dma_wait3A_576 = tpu.memref_squeeze %dma_wait3A_575 : memref<1x128xi32, #tpu.memory_space<vmem>> -> memref<128xi32, #tpu.memory_space<vmem>>
    %dma_wait3A_577 = arith.constant 0 : i32
    %dma_wait3A_578 = arith.constant 0 : i32
    %dma_wait3A_579 = tpu.memref_slice %arg10[%dma_wait3A_577, %dma_wait3A_578] : memref<10240x64xf32, #tpu.memory_space<vmem_shared>> -> memref<10240x64xf32, #tpu.memory_space<vmem_shared>>
    tpu.wait_indirect_dma semaphore(%arg19 : memref<!tpu.dma_semaphore, #tpu.memory_space<semaphore_mem>>) src(%dma_wait3A_573 : memref<128x64xf32, #tpu.memory_space<vmem>>) dst(%dma_wait3A_579 : memref<10240x64xf32, #tpu.memory_space<vmem_shared>>)
    %dma_wait3A_580 = arith.constant 75 : i32
    %dma_wait3A_581 = arith.constant 3 : i32
    %dma_wait3A_582 = arith.constant 0 : i32
    %dma_wait3A_583 = arith.constant 0 : i32
    %dma_wait3A_584 = tpu.memref_slice %arg9[%dma_wait3A_581, %dma_wait3A_582, %dma_wait3A_583] : memref<8x128x64xf32, #tpu.memory_space<vmem>> -> memref<1x128x64xf32, #tpu.memory_space<vmem>>
    %dma_wait3A_585 = tpu.memref_squeeze %dma_wait3A_584 : memref<1x128x64xf32, #tpu.memory_space<vmem>> -> memref<128x64xf32, #tpu.memory_space<vmem>>
    %dma_wait3A_586 = arith.constant 0 : i32
    %dma_wait3A_587 = tpu.memref_slice %arg7[%dma_wait3A_580, %dma_wait3A_586] : memref<80x128xi32, #tpu.memory_space<vmem>> -> memref<1x128xi32, #tpu.memory_space<vmem>>
    %dma_wait3A_588 = tpu.memref_squeeze %dma_wait3A_587 : memref<1x128xi32, #tpu.memory_space<vmem>> -> memref<128xi32, #tpu.memory_space<vmem>>
    %dma_wait3A_589 = arith.constant 0 : i32
    %dma_wait3A_590 = arith.constant 0 : i32
    %dma_wait3A_591 = tpu.memref_slice %arg2[%dma_wait3A_589, %dma_wait3A_590] : memref<10240x64xf32, #tpu.memory_space<hbm>> -> memref<10240x64xf32, #tpu.memory_space<hbm>>
    tpu.wait_indirect_dma semaphore(%arg14 : memref<!tpu.dma_semaphore, #tpu.memory_space<semaphore_mem>>) src(%dma_wait3A_591 : memref<10240x64xf32, #tpu.memory_space<hbm>>) dst(%dma_wait3A_585 : memref<128x64xf32, #tpu.memory_space<vmem>>)
    %dma_start3A_592 = arith.constant 3 : i32
    %dma_start3A_593 = arith.constant 75 : i32
    %dma_start3A_594 = arith.constant 0 : i32
    %dma_start3A_595 = arith.constant 0 : i32
    %dma_start3A_596 = tpu.memref_slice %arg9[%dma_start3A_592, %dma_start3A_594, %dma_start3A_595] : memref<8x128x64xf32, #tpu.memory_space<vmem>> -> memref<1x128x64xf32, #tpu.memory_space<vmem>>
    %dma_start3A_597 = tpu.memref_squeeze %dma_start3A_596 : memref<1x128x64xf32, #tpu.memory_space<vmem>> -> memref<128x64xf32, #tpu.memory_space<vmem>>
    %dma_start3A_598 = arith.constant 0 : i32
    %dma_start3A_599 = tpu.memref_slice %arg8[%dma_start3A_593, %dma_start3A_598] : memref<80x128xi32, #tpu.memory_space<vmem>> -> memref<1x128xi32, #tpu.memory_space<vmem>>
    %dma_start3A_600 = tpu.memref_squeeze %dma_start3A_599 : memref<1x128xi32, #tpu.memory_space<vmem>> -> memref<128xi32, #tpu.memory_space<vmem>>
    %dma_start3A_601 = arith.constant 0 : i32
    %dma_start3A_602 = arith.constant 0 : i32
    %dma_start3A_603 = tpu.memref_slice %arg10[%dma_start3A_601, %dma_start3A_602] : memref<10240x64xf32, #tpu.memory_space<vmem_shared>> -> memref<10240x64xf32, #tpu.memory_space<vmem_shared>>
    tpu.enqueue_indirect_dma source(%dma_start3A_597 : memref<128x64xf32, #tpu.memory_space<vmem>>) target(%dma_start3A_603 : memref<10240x64xf32, #tpu.memory_space<vmem_shared>>) offsets(%dma_start3A_600 : memref<128xi32, #tpu.memory_space<vmem>>) semaphore(%arg22 : memref<!tpu.dma_semaphore, #tpu.memory_space<semaphore_mem>>) {add = true}
    %dma_wait3A_604 = arith.constant 1 : i32
    %dma_wait3A_605 = arith.constant 73 : i32
    %dma_wait3A_606 = arith.constant 0 : i32
    %dma_wait3A_607 = arith.constant 0 : i32
    %dma_wait3A_608 = tpu.memref_slice %arg9[%dma_wait3A_604, %dma_wait3A_606, %dma_wait3A_607] : memref<8x128x64xf32, #tpu.memory_space<vmem>> -> memref<1x128x64xf32, #tpu.memory_space<vmem>>
    %dma_wait3A_609 = tpu.memref_squeeze %dma_wait3A_608 : memref<1x128x64xf32, #tpu.memory_space<vmem>> -> memref<128x64xf32, #tpu.memory_space<vmem>>
    %dma_wait3A_610 = arith.constant 0 : i32
    %dma_wait3A_611 = tpu.memref_slice %arg8[%dma_wait3A_605, %dma_wait3A_610] : memref<80x128xi32, #tpu.memory_space<vmem>> -> memref<1x128xi32, #tpu.memory_space<vmem>>
    %dma_wait3A_612 = tpu.memref_squeeze %dma_wait3A_611 : memref<1x128xi32, #tpu.memory_space<vmem>> -> memref<128xi32, #tpu.memory_space<vmem>>
    %dma_wait3A_613 = arith.constant 0 : i32
    %dma_wait3A_614 = arith.constant 0 : i32
    %dma_wait3A_615 = tpu.memref_slice %arg10[%dma_wait3A_613, %dma_wait3A_614] : memref<10240x64xf32, #tpu.memory_space<vmem_shared>> -> memref<10240x64xf32, #tpu.memory_space<vmem_shared>>
    tpu.wait_indirect_dma semaphore(%arg20 : memref<!tpu.dma_semaphore, #tpu.memory_space<semaphore_mem>>) src(%dma_wait3A_609 : memref<128x64xf32, #tpu.memory_space<vmem>>) dst(%dma_wait3A_615 : memref<10240x64xf32, #tpu.memory_space<vmem_shared>>)
    %dma_wait3A_616 = arith.constant 76 : i32
    %dma_wait3A_617 = arith.constant 4 : i32
    %dma_wait3A_618 = arith.constant 0 : i32
    %dma_wait3A_619 = arith.constant 0 : i32
    %dma_wait3A_620 = tpu.memref_slice %arg9[%dma_wait3A_617, %dma_wait3A_618, %dma_wait3A_619] : memref<8x128x64xf32, #tpu.memory_space<vmem>> -> memref<1x128x64xf32, #tpu.memory_space<vmem>>
    %dma_wait3A_621 = tpu.memref_squeeze %dma_wait3A_620 : memref<1x128x64xf32, #tpu.memory_space<vmem>> -> memref<128x64xf32, #tpu.memory_space<vmem>>
    %dma_wait3A_622 = arith.constant 0 : i32
    %dma_wait3A_623 = tpu.memref_slice %arg7[%dma_wait3A_616, %dma_wait3A_622] : memref<80x128xi32, #tpu.memory_space<vmem>> -> memref<1x128xi32, #tpu.memory_space<vmem>>
    %dma_wait3A_624 = tpu.memref_squeeze %dma_wait3A_623 : memref<1x128xi32, #tpu.memory_space<vmem>> -> memref<128xi32, #tpu.memory_space<vmem>>
    %dma_wait3A_625 = arith.constant 0 : i32
    %dma_wait3A_626 = arith.constant 0 : i32
    %dma_wait3A_627 = tpu.memref_slice %arg2[%dma_wait3A_625, %dma_wait3A_626] : memref<10240x64xf32, #tpu.memory_space<hbm>> -> memref<10240x64xf32, #tpu.memory_space<hbm>>
    tpu.wait_indirect_dma semaphore(%arg15 : memref<!tpu.dma_semaphore, #tpu.memory_space<semaphore_mem>>) src(%dma_wait3A_627 : memref<10240x64xf32, #tpu.memory_space<hbm>>) dst(%dma_wait3A_621 : memref<128x64xf32, #tpu.memory_space<vmem>>)
    %dma_start3A_628 = arith.constant 4 : i32
    %dma_start3A_629 = arith.constant 76 : i32
    %dma_start3A_630 = arith.constant 0 : i32
    %dma_start3A_631 = arith.constant 0 : i32
    %dma_start3A_632 = tpu.memref_slice %arg9[%dma_start3A_628, %dma_start3A_630, %dma_start3A_631] : memref<8x128x64xf32, #tpu.memory_space<vmem>> -> memref<1x128x64xf32, #tpu.memory_space<vmem>>
    %dma_start3A_633 = tpu.memref_squeeze %dma_start3A_632 : memref<1x128x64xf32, #tpu.memory_space<vmem>> -> memref<128x64xf32, #tpu.memory_space<vmem>>
    %dma_start3A_634 = arith.constant 0 : i32
    %dma_start3A_635 = tpu.memref_slice %arg8[%dma_start3A_629, %dma_start3A_634] : memref<80x128xi32, #tpu.memory_space<vmem>> -> memref<1x128xi32, #tpu.memory_space<vmem>>
    %dma_start3A_636 = tpu.memref_squeeze %dma_start3A_635 : memref<1x128xi32, #tpu.memory_space<vmem>> -> memref<128xi32, #tpu.memory_space<vmem>>
    %dma_start3A_637 = arith.constant 0 : i32
    %dma_start3A_638 = arith.constant 0 : i32
    %dma_start3A_639 = tpu.memref_slice %arg10[%dma_start3A_637, %dma_start3A_638] : memref<10240x64xf32, #tpu.memory_space<vmem_shared>> -> memref<10240x64xf32, #tpu.memory_space<vmem_shared>>
    tpu.enqueue_indirect_dma source(%dma_start3A_633 : memref<128x64xf32, #tpu.memory_space<vmem>>) target(%dma_start3A_639 : memref<10240x64xf32, #tpu.memory_space<vmem_shared>>) offsets(%dma_start3A_636 : memref<128xi32, #tpu.memory_space<vmem>>) semaphore(%arg23 : memref<!tpu.dma_semaphore, #tpu.memory_space<semaphore_mem>>) {add = true}
    %dma_wait3A_640 = arith.constant 2 : i32
    %dma_wait3A_641 = arith.constant 74 : i32
    %dma_wait3A_642 = arith.constant 0 : i32
    %dma_wait3A_643 = arith.constant 0 : i32
    %dma_wait3A_644 = tpu.memref_slice %arg9[%dma_wait3A_640, %dma_wait3A_642, %dma_wait3A_643] : memref<8x128x64xf32, #tpu.memory_space<vmem>> -> memref<1x128x64xf32, #tpu.memory_space<vmem>>
    %dma_wait3A_645 = tpu.memref_squeeze %dma_wait3A_644 : memref<1x128x64xf32, #tpu.memory_space<vmem>> -> memref<128x64xf32, #tpu.memory_space<vmem>>
    %dma_wait3A_646 = arith.constant 0 : i32
    %dma_wait3A_647 = tpu.memref_slice %arg8[%dma_wait3A_641, %dma_wait3A_646] : memref<80x128xi32, #tpu.memory_space<vmem>> -> memref<1x128xi32, #tpu.memory_space<vmem>>
    %dma_wait3A_648 = tpu.memref_squeeze %dma_wait3A_647 : memref<1x128xi32, #tpu.memory_space<vmem>> -> memref<128xi32, #tpu.memory_space<vmem>>
    %dma_wait3A_649 = arith.constant 0 : i32
    %dma_wait3A_650 = arith.constant 0 : i32
    %dma_wait3A_651 = tpu.memref_slice %arg10[%dma_wait3A_649, %dma_wait3A_650] : memref<10240x64xf32, #tpu.memory_space<vmem_shared>> -> memref<10240x64xf32, #tpu.memory_space<vmem_shared>>
    tpu.wait_indirect_dma semaphore(%arg21 : memref<!tpu.dma_semaphore, #tpu.memory_space<semaphore_mem>>) src(%dma_wait3A_645 : memref<128x64xf32, #tpu.memory_space<vmem>>) dst(%dma_wait3A_651 : memref<10240x64xf32, #tpu.memory_space<vmem_shared>>)
    %dma_wait3A_652 = arith.constant 77 : i32
    %dma_wait3A_653 = arith.constant 5 : i32
    %dma_wait3A_654 = arith.constant 0 : i32
    %dma_wait3A_655 = arith.constant 0 : i32
    %dma_wait3A_656 = tpu.memref_slice %arg9[%dma_wait3A_653, %dma_wait3A_654, %dma_wait3A_655] : memref<8x128x64xf32, #tpu.memory_space<vmem>> -> memref<1x128x64xf32, #tpu.memory_space<vmem>>
    %dma_wait3A_657 = tpu.memref_squeeze %dma_wait3A_656 : memref<1x128x64xf32, #tpu.memory_space<vmem>> -> memref<128x64xf32, #tpu.memory_space<vmem>>
    %dma_wait3A_658 = arith.constant 0 : i32
    %dma_wait3A_659 = tpu.memref_slice %arg7[%dma_wait3A_652, %dma_wait3A_658] : memref<80x128xi32, #tpu.memory_space<vmem>> -> memref<1x128xi32, #tpu.memory_space<vmem>>
    %dma_wait3A_660 = tpu.memref_squeeze %dma_wait3A_659 : memref<1x128xi32, #tpu.memory_space<vmem>> -> memref<128xi32, #tpu.memory_space<vmem>>
    %dma_wait3A_661 = arith.constant 0 : i32
    %dma_wait3A_662 = arith.constant 0 : i32
    %dma_wait3A_663 = tpu.memref_slice %arg2[%dma_wait3A_661, %dma_wait3A_662] : memref<10240x64xf32, #tpu.memory_space<hbm>> -> memref<10240x64xf32, #tpu.memory_space<hbm>>
    tpu.wait_indirect_dma semaphore(%arg16 : memref<!tpu.dma_semaphore, #tpu.memory_space<semaphore_mem>>) src(%dma_wait3A_663 : memref<10240x64xf32, #tpu.memory_space<hbm>>) dst(%dma_wait3A_657 : memref<128x64xf32, #tpu.memory_space<vmem>>)
    %dma_start3A_664 = arith.constant 5 : i32
    %dma_start3A_665 = arith.constant 77 : i32
    %dma_start3A_666 = arith.constant 0 : i32
    %dma_start3A_667 = arith.constant 0 : i32
    %dma_start3A_668 = tpu.memref_slice %arg9[%dma_start3A_664, %dma_start3A_666, %dma_start3A_667] : memref<8x128x64xf32, #tpu.memory_space<vmem>> -> memref<1x128x64xf32, #tpu.memory_space<vmem>>
    %dma_start3A_669 = tpu.memref_squeeze %dma_start3A_668 : memref<1x128x64xf32, #tpu.memory_space<vmem>> -> memref<128x64xf32, #tpu.memory_space<vmem>>
    %dma_start3A_670 = arith.constant 0 : i32
    %dma_start3A_671 = tpu.memref_slice %arg8[%dma_start3A_665, %dma_start3A_670] : memref<80x128xi32, #tpu.memory_space<vmem>> -> memref<1x128xi32, #tpu.memory_space<vmem>>
    %dma_start3A_672 = tpu.memref_squeeze %dma_start3A_671 : memref<1x128xi32, #tpu.memory_space<vmem>> -> memref<128xi32, #tpu.memory_space<vmem>>
    %dma_start3A_673 = arith.constant 0 : i32
    %dma_start3A_674 = arith.constant 0 : i32
    %dma_start3A_675 = tpu.memref_slice %arg10[%dma_start3A_673, %dma_start3A_674] : memref<10240x64xf32, #tpu.memory_space<vmem_shared>> -> memref<10240x64xf32, #tpu.memory_space<vmem_shared>>
    tpu.enqueue_indirect_dma source(%dma_start3A_669 : memref<128x64xf32, #tpu.memory_space<vmem>>) target(%dma_start3A_675 : memref<10240x64xf32, #tpu.memory_space<vmem_shared>>) offsets(%dma_start3A_672 : memref<128xi32, #tpu.memory_space<vmem>>) semaphore(%arg24 : memref<!tpu.dma_semaphore, #tpu.memory_space<semaphore_mem>>) {add = true}
    %dma_wait3A_676 = arith.constant 3 : i32
    %dma_wait3A_677 = arith.constant 75 : i32
    %dma_wait3A_678 = arith.constant 0 : i32
    %dma_wait3A_679 = arith.constant 0 : i32
    %dma_wait3A_680 = tpu.memref_slice %arg9[%dma_wait3A_676, %dma_wait3A_678, %dma_wait3A_679] : memref<8x128x64xf32, #tpu.memory_space<vmem>> -> memref<1x128x64xf32, #tpu.memory_space<vmem>>
    %dma_wait3A_681 = tpu.memref_squeeze %dma_wait3A_680 : memref<1x128x64xf32, #tpu.memory_space<vmem>> -> memref<128x64xf32, #tpu.memory_space<vmem>>
    %dma_wait3A_682 = arith.constant 0 : i32
    %dma_wait3A_683 = tpu.memref_slice %arg8[%dma_wait3A_677, %dma_wait3A_682] : memref<80x128xi32, #tpu.memory_space<vmem>> -> memref<1x128xi32, #tpu.memory_space<vmem>>
    %dma_wait3A_684 = tpu.memref_squeeze %dma_wait3A_683 : memref<1x128xi32, #tpu.memory_space<vmem>> -> memref<128xi32, #tpu.memory_space<vmem>>
    %dma_wait3A_685 = arith.constant 0 : i32
    %dma_wait3A_686 = arith.constant 0 : i32
    %dma_wait3A_687 = tpu.memref_slice %arg10[%dma_wait3A_685, %dma_wait3A_686] : memref<10240x64xf32, #tpu.memory_space<vmem_shared>> -> memref<10240x64xf32, #tpu.memory_space<vmem_shared>>
    tpu.wait_indirect_dma semaphore(%arg22 : memref<!tpu.dma_semaphore, #tpu.memory_space<semaphore_mem>>) src(%dma_wait3A_681 : memref<128x64xf32, #tpu.memory_space<vmem>>) dst(%dma_wait3A_687 : memref<10240x64xf32, #tpu.memory_space<vmem_shared>>)
    %dma_wait3A_688 = arith.constant 78 : i32
    %dma_wait3A_689 = arith.constant 6 : i32
    %dma_wait3A_690 = arith.constant 0 : i32
    %dma_wait3A_691 = arith.constant 0 : i32
    %dma_wait3A_692 = tpu.memref_slice %arg9[%dma_wait3A_689, %dma_wait3A_690, %dma_wait3A_691] : memref<8x128x64xf32, #tpu.memory_space<vmem>> -> memref<1x128x64xf32, #tpu.memory_space<vmem>>
    %dma_wait3A_693 = tpu.memref_squeeze %dma_wait3A_692 : memref<1x128x64xf32, #tpu.memory_space<vmem>> -> memref<128x64xf32, #tpu.memory_space<vmem>>
    %dma_wait3A_694 = arith.constant 0 : i32
    %dma_wait3A_695 = tpu.memref_slice %arg7[%dma_wait3A_688, %dma_wait3A_694] : memref<80x128xi32, #tpu.memory_space<vmem>> -> memref<1x128xi32, #tpu.memory_space<vmem>>
    %dma_wait3A_696 = tpu.memref_squeeze %dma_wait3A_695 : memref<1x128xi32, #tpu.memory_space<vmem>> -> memref<128xi32, #tpu.memory_space<vmem>>
    %dma_wait3A_697 = arith.constant 0 : i32
    %dma_wait3A_698 = arith.constant 0 : i32
    %dma_wait3A_699 = tpu.memref_slice %arg2[%dma_wait3A_697, %dma_wait3A_698] : memref<10240x64xf32, #tpu.memory_space<hbm>> -> memref<10240x64xf32, #tpu.memory_space<hbm>>
    tpu.wait_indirect_dma semaphore(%arg17 : memref<!tpu.dma_semaphore, #tpu.memory_space<semaphore_mem>>) src(%dma_wait3A_699 : memref<10240x64xf32, #tpu.memory_space<hbm>>) dst(%dma_wait3A_693 : memref<128x64xf32, #tpu.memory_space<vmem>>)
    %dma_start3A_700 = arith.constant 6 : i32
    %dma_start3A_701 = arith.constant 78 : i32
    %dma_start3A_702 = arith.constant 0 : i32
    %dma_start3A_703 = arith.constant 0 : i32
    %dma_start3A_704 = tpu.memref_slice %arg9[%dma_start3A_700, %dma_start3A_702, %dma_start3A_703] : memref<8x128x64xf32, #tpu.memory_space<vmem>> -> memref<1x128x64xf32, #tpu.memory_space<vmem>>
    %dma_start3A_705 = tpu.memref_squeeze %dma_start3A_704 : memref<1x128x64xf32, #tpu.memory_space<vmem>> -> memref<128x64xf32, #tpu.memory_space<vmem>>
    %dma_start3A_706 = arith.constant 0 : i32
    %dma_start3A_707 = tpu.memref_slice %arg8[%dma_start3A_701, %dma_start3A_706] : memref<80x128xi32, #tpu.memory_space<vmem>> -> memref<1x128xi32, #tpu.memory_space<vmem>>
    %dma_start3A_708 = tpu.memref_squeeze %dma_start3A_707 : memref<1x128xi32, #tpu.memory_space<vmem>> -> memref<128xi32, #tpu.memory_space<vmem>>
    %dma_start3A_709 = arith.constant 0 : i32
    %dma_start3A_710 = arith.constant 0 : i32
    %dma_start3A_711 = tpu.memref_slice %arg10[%dma_start3A_709, %dma_start3A_710] : memref<10240x64xf32, #tpu.memory_space<vmem_shared>> -> memref<10240x64xf32, #tpu.memory_space<vmem_shared>>
    tpu.enqueue_indirect_dma source(%dma_start3A_705 : memref<128x64xf32, #tpu.memory_space<vmem>>) target(%dma_start3A_711 : memref<10240x64xf32, #tpu.memory_space<vmem_shared>>) offsets(%dma_start3A_708 : memref<128xi32, #tpu.memory_space<vmem>>) semaphore(%arg25 : memref<!tpu.dma_semaphore, #tpu.memory_space<semaphore_mem>>) {add = true}
    %dma_wait3A_712 = arith.constant 4 : i32
    %dma_wait3A_713 = arith.constant 76 : i32
    %dma_wait3A_714 = arith.constant 0 : i32
    %dma_wait3A_715 = arith.constant 0 : i32
    %dma_wait3A_716 = tpu.memref_slice %arg9[%dma_wait3A_712, %dma_wait3A_714, %dma_wait3A_715] : memref<8x128x64xf32, #tpu.memory_space<vmem>> -> memref<1x128x64xf32, #tpu.memory_space<vmem>>
    %dma_wait3A_717 = tpu.memref_squeeze %dma_wait3A_716 : memref<1x128x64xf32, #tpu.memory_space<vmem>> -> memref<128x64xf32, #tpu.memory_space<vmem>>
    %dma_wait3A_718 = arith.constant 0 : i32
    %dma_wait3A_719 = tpu.memref_slice %arg8[%dma_wait3A_713, %dma_wait3A_718] : memref<80x128xi32, #tpu.memory_space<vmem>> -> memref<1x128xi32, #tpu.memory_space<vmem>>
    %dma_wait3A_720 = tpu.memref_squeeze %dma_wait3A_719 : memref<1x128xi32, #tpu.memory_space<vmem>> -> memref<128xi32, #tpu.memory_space<vmem>>
    %dma_wait3A_721 = arith.constant 0 : i32
    %dma_wait3A_722 = arith.constant 0 : i32
    %dma_wait3A_723 = tpu.memref_slice %arg10[%dma_wait3A_721, %dma_wait3A_722] : memref<10240x64xf32, #tpu.memory_space<vmem_shared>> -> memref<10240x64xf32, #tpu.memory_space<vmem_shared>>
    tpu.wait_indirect_dma semaphore(%arg23 : memref<!tpu.dma_semaphore, #tpu.memory_space<semaphore_mem>>) src(%dma_wait3A_717 : memref<128x64xf32, #tpu.memory_space<vmem>>) dst(%dma_wait3A_723 : memref<10240x64xf32, #tpu.memory_space<vmem_shared>>)
    %dma_wait3A_724 = arith.constant 79 : i32
    %dma_wait3A_725 = arith.constant 7 : i32
    %dma_wait3A_726 = arith.constant 0 : i32
    %dma_wait3A_727 = arith.constant 0 : i32
    %dma_wait3A_728 = tpu.memref_slice %arg9[%dma_wait3A_725, %dma_wait3A_726, %dma_wait3A_727] : memref<8x128x64xf32, #tpu.memory_space<vmem>> -> memref<1x128x64xf32, #tpu.memory_space<vmem>>
    %dma_wait3A_729 = tpu.memref_squeeze %dma_wait3A_728 : memref<1x128x64xf32, #tpu.memory_space<vmem>> -> memref<128x64xf32, #tpu.memory_space<vmem>>
    %dma_wait3A_730 = arith.constant 0 : i32
    %dma_wait3A_731 = tpu.memref_slice %arg7[%dma_wait3A_724, %dma_wait3A_730] : memref<80x128xi32, #tpu.memory_space<vmem>> -> memref<1x128xi32, #tpu.memory_space<vmem>>
    %dma_wait3A_732 = tpu.memref_squeeze %dma_wait3A_731 : memref<1x128xi32, #tpu.memory_space<vmem>> -> memref<128xi32, #tpu.memory_space<vmem>>
    %dma_wait3A_733 = arith.constant 0 : i32
    %dma_wait3A_734 = arith.constant 0 : i32
    %dma_wait3A_735 = tpu.memref_slice %arg2[%dma_wait3A_733, %dma_wait3A_734] : memref<10240x64xf32, #tpu.memory_space<hbm>> -> memref<10240x64xf32, #tpu.memory_space<hbm>>
    tpu.wait_indirect_dma semaphore(%arg18 : memref<!tpu.dma_semaphore, #tpu.memory_space<semaphore_mem>>) src(%dma_wait3A_735 : memref<10240x64xf32, #tpu.memory_space<hbm>>) dst(%dma_wait3A_729 : memref<128x64xf32, #tpu.memory_space<vmem>>)
    %dma_start3A_736 = arith.constant 7 : i32
    %dma_start3A_737 = arith.constant 79 : i32
    %dma_start3A_738 = arith.constant 0 : i32
    %dma_start3A_739 = arith.constant 0 : i32
    %dma_start3A_740 = tpu.memref_slice %arg9[%dma_start3A_736, %dma_start3A_738, %dma_start3A_739] : memref<8x128x64xf32, #tpu.memory_space<vmem>> -> memref<1x128x64xf32, #tpu.memory_space<vmem>>
    %dma_start3A_741 = tpu.memref_squeeze %dma_start3A_740 : memref<1x128x64xf32, #tpu.memory_space<vmem>> -> memref<128x64xf32, #tpu.memory_space<vmem>>
    %dma_start3A_742 = arith.constant 0 : i32
    %dma_start3A_743 = tpu.memref_slice %arg8[%dma_start3A_737, %dma_start3A_742] : memref<80x128xi32, #tpu.memory_space<vmem>> -> memref<1x128xi32, #tpu.memory_space<vmem>>
    %dma_start3A_744 = tpu.memref_squeeze %dma_start3A_743 : memref<1x128xi32, #tpu.memory_space<vmem>> -> memref<128xi32, #tpu.memory_space<vmem>>
    %dma_start3A_745 = arith.constant 0 : i32
    %dma_start3A_746 = arith.constant 0 : i32
    %dma_start3A_747 = tpu.memref_slice %arg10[%dma_start3A_745, %dma_start3A_746] : memref<10240x64xf32, #tpu.memory_space<vmem_shared>> -> memref<10240x64xf32, #tpu.memory_space<vmem_shared>>
    tpu.enqueue_indirect_dma source(%dma_start3A_741 : memref<128x64xf32, #tpu.memory_space<vmem>>) target(%dma_start3A_747 : memref<10240x64xf32, #tpu.memory_space<vmem_shared>>) offsets(%dma_start3A_744 : memref<128xi32, #tpu.memory_space<vmem>>) semaphore(%arg26 : memref<!tpu.dma_semaphore, #tpu.memory_space<semaphore_mem>>) {add = true}
    %dma_wait3A_748 = arith.constant 5 : i32
    %dma_wait3A_749 = arith.constant 77 : i32
    %dma_wait3A_750 = arith.constant 0 : i32
    %dma_wait3A_751 = arith.constant 0 : i32
    %dma_wait3A_752 = tpu.memref_slice %arg9[%dma_wait3A_748, %dma_wait3A_750, %dma_wait3A_751] : memref<8x128x64xf32, #tpu.memory_space<vmem>> -> memref<1x128x64xf32, #tpu.memory_space<vmem>>
    %dma_wait3A_753 = tpu.memref_squeeze %dma_wait3A_752 : memref<1x128x64xf32, #tpu.memory_space<vmem>> -> memref<128x64xf32, #tpu.memory_space<vmem>>
    %dma_wait3A_754 = arith.constant 0 : i32
    %dma_wait3A_755 = tpu.memref_slice %arg8[%dma_wait3A_749, %dma_wait3A_754] : memref<80x128xi32, #tpu.memory_space<vmem>> -> memref<1x128xi32, #tpu.memory_space<vmem>>
    %dma_wait3A_756 = tpu.memref_squeeze %dma_wait3A_755 : memref<1x128xi32, #tpu.memory_space<vmem>> -> memref<128xi32, #tpu.memory_space<vmem>>
    %dma_wait3A_757 = arith.constant 0 : i32
    %dma_wait3A_758 = arith.constant 0 : i32
    %dma_wait3A_759 = tpu.memref_slice %arg10[%dma_wait3A_757, %dma_wait3A_758] : memref<10240x64xf32, #tpu.memory_space<vmem_shared>> -> memref<10240x64xf32, #tpu.memory_space<vmem_shared>>
    tpu.wait_indirect_dma semaphore(%arg24 : memref<!tpu.dma_semaphore, #tpu.memory_space<semaphore_mem>>) src(%dma_wait3A_753 : memref<128x64xf32, #tpu.memory_space<vmem>>) dst(%dma_wait3A_759 : memref<10240x64xf32, #tpu.memory_space<vmem_shared>>)
    %dma_wait3A_760 = arith.constant 6 : i32
    %dma_wait3A_761 = arith.constant 78 : i32
    %dma_wait3A_762 = arith.constant 0 : i32
    %dma_wait3A_763 = arith.constant 0 : i32
    %dma_wait3A_764 = tpu.memref_slice %arg9[%dma_wait3A_760, %dma_wait3A_762, %dma_wait3A_763] : memref<8x128x64xf32, #tpu.memory_space<vmem>> -> memref<1x128x64xf32, #tpu.memory_space<vmem>>
    %dma_wait3A_765 = tpu.memref_squeeze %dma_wait3A_764 : memref<1x128x64xf32, #tpu.memory_space<vmem>> -> memref<128x64xf32, #tpu.memory_space<vmem>>
    %dma_wait3A_766 = arith.constant 0 : i32
    %dma_wait3A_767 = tpu.memref_slice %arg8[%dma_wait3A_761, %dma_wait3A_766] : memref<80x128xi32, #tpu.memory_space<vmem>> -> memref<1x128xi32, #tpu.memory_space<vmem>>
    %dma_wait3A_768 = tpu.memref_squeeze %dma_wait3A_767 : memref<1x128xi32, #tpu.memory_space<vmem>> -> memref<128xi32, #tpu.memory_space<vmem>>
    %dma_wait3A_769 = arith.constant 0 : i32
    %dma_wait3A_770 = arith.constant 0 : i32
    %dma_wait3A_771 = tpu.memref_slice %arg10[%dma_wait3A_769, %dma_wait3A_770] : memref<10240x64xf32, #tpu.memory_space<vmem_shared>> -> memref<10240x64xf32, #tpu.memory_space<vmem_shared>>
    tpu.wait_indirect_dma semaphore(%arg25 : memref<!tpu.dma_semaphore, #tpu.memory_space<semaphore_mem>>) src(%dma_wait3A_765 : memref<128x64xf32, #tpu.memory_space<vmem>>) dst(%dma_wait3A_771 : memref<10240x64xf32, #tpu.memory_space<vmem_shared>>)
    %dma_wait3A_772 = arith.constant 7 : i32
    %dma_wait3A_773 = arith.constant 79 : i32
    %dma_wait3A_774 = arith.constant 0 : i32
    %dma_wait3A_775 = arith.constant 0 : i32
    %dma_wait3A_776 = tpu.memref_slice %arg9[%dma_wait3A_772, %dma_wait3A_774, %dma_wait3A_775] : memref<8x128x64xf32, #tpu.memory_space<vmem>> -> memref<1x128x64xf32, #tpu.memory_space<vmem>>
    %dma_wait3A_777 = tpu.memref_squeeze %dma_wait3A_776 : memref<1x128x64xf32, #tpu.memory_space<vmem>> -> memref<128x64xf32, #tpu.memory_space<vmem>>
    %dma_wait3A_778 = arith.constant 0 : i32
    %dma_wait3A_779 = tpu.memref_slice %arg8[%dma_wait3A_773, %dma_wait3A_778] : memref<80x128xi32, #tpu.memory_space<vmem>> -> memref<1x128xi32, #tpu.memory_space<vmem>>
    %dma_wait3A_780 = tpu.memref_squeeze %dma_wait3A_779 : memref<1x128xi32, #tpu.memory_space<vmem>> -> memref<128xi32, #tpu.memory_space<vmem>>
    %dma_wait3A_781 = arith.constant 0 : i32
    %dma_wait3A_782 = arith.constant 0 : i32
    %dma_wait3A_783 = tpu.memref_slice %arg10[%dma_wait3A_781, %dma_wait3A_782] : memref<10240x64xf32, #tpu.memory_space<vmem_shared>> -> memref<10240x64xf32, #tpu.memory_space<vmem_shared>>
    tpu.wait_indirect_dma semaphore(%arg26 : memref<!tpu.dma_semaphore, #tpu.memory_space<semaphore_mem>>) src(%dma_wait3A_777 : memref<128x64xf32, #tpu.memory_space<vmem>>) dst(%dma_wait3A_783 : memref<10240x64xf32, #tpu.memory_space<vmem_shared>>)
    %barrier3A_784 = arith.constant 0 : index
    tpu.barrier barrier_id(%barrier3A_784)
    %eq3A_785 = arith.constant 0 : i32
    %eq3A_786 = arith.cmpi eq, %arg0, %eq3A_785 : i32
    %convert_element_type3A_787 = arith.extui %eq3A_786 : i1 to i32
    %cond3A_788 = arith.constant 0 : i32
    %cond3A_789 = arith.cmpi ne, %convert_element_type3A_787, %cond3A_788 : i32
    scf.if %cond3A_789 {
      %mul3A_795 = arith.constant 640 : i32
      %mul3A_796 = arith.muli %arg1, %mul3A_795 : i32
      %mul3A_797 = arith.constant 640 : i32
      %mul3A_798 = arith.muli %arg1, %mul3A_797 : i32
      "tpu.region"() ({
        %run_scoped3A = tpu.sem_alloc : memref<!tpu.dma_semaphore, #tpu.memory_space<semaphore_mem>>
        %dma_start3A_799 = arith.constant 0 : i32
        %dma_start3A_800 = tpu.memref_slice %arg5[%mul3A_798, %dma_start3A_799] : memref<10240x64xf32, #tpu.memory_space<hbm>> -> memref<640x64xf32, #tpu.memory_space<hbm>>
        %dma_start3A_801 = arith.constant 0 : i32
        %dma_start3A_802 = tpu.memref_slice %arg10[%mul3A_796, %dma_start3A_801] : memref<10240x64xf32, #tpu.memory_space<vmem_shared>> -> memref<640x64xf32, #tpu.memory_space<vmem_shared>>
        tpu.enqueue_dma source(%dma_start3A_802 : memref<640x64xf32, #tpu.memory_space<vmem_shared>>) target(%dma_start3A_800 : memref<640x64xf32, #tpu.memory_space<hbm>>) target_semaphore(%run_scoped3A : memref<!tpu.dma_semaphore, #tpu.memory_space<semaphore_mem>>)
        %dma_wait3A_803 = arith.constant 0 : i32
        %dma_wait3A_804 = tpu.memref_slice %arg5[%mul3A_798, %dma_wait3A_803] : memref<10240x64xf32, #tpu.memory_space<hbm>> -> memref<640x64xf32, #tpu.memory_space<hbm>>
        %dma_wait3A_805 = arith.constant 0 : i32
        %dma_wait3A_806 = tpu.memref_slice %arg10[%mul3A_796, %dma_wait3A_805] : memref<10240x64xf32, #tpu.memory_space<vmem_shared>> -> memref<640x64xf32, #tpu.memory_space<vmem_shared>>
        tpu.wait_dma2 semaphore(%run_scoped3A : memref<!tpu.dma_semaphore, #tpu.memory_space<semaphore_mem>>) src(%dma_wait3A_806 : memref<640x64xf32, #tpu.memory_space<vmem_shared>>) dst(%dma_wait3A_804 : memref<640x64xf32, #tpu.memory_space<hbm>>)
        tpu.yield
      }) : () -> ()
    } else {
    }
    %eq3A_790 = arith.constant 1 : i32
    %eq3A_791 = arith.cmpi eq, %arg0, %eq3A_790 : i32
    %convert_element_type3A_792 = arith.extui %eq3A_791 : i1 to i32
    %cond3A_793 = arith.constant 0 : i32
    %cond3A_794 = arith.cmpi ne, %convert_element_type3A_792, %cond3A_793 : i32
    scf.if %cond3A_794 {
      %mul3A_795 = arith.constant 640 : i32
      %mul3A_796 = arith.muli %arg1, %mul3A_795 : i32
      %mul3A_797 = arith.constant 640 : i32
      %mul3A_798 = arith.muli %arg1, %mul3A_797 : i32
      "tpu.region"() ({
        %run_scoped3A = tpu.sem_alloc : memref<!tpu.dma_semaphore, #tpu.memory_space<semaphore_mem>>
        %dma_start3A_799 = arith.constant 0 : i32
        %dma_start3A_800 = tpu.memref_slice %arg6[%mul3A_798, %dma_start3A_799] : memref<10240x64xf32, #tpu.memory_space<hbm>> -> memref<640x64xf32, #tpu.memory_space<hbm>>
        %dma_start3A_801 = arith.constant 0 : i32
        %dma_start3A_802 = tpu.memref_slice %arg10[%mul3A_796, %dma_start3A_801] : memref<10240x64xf32, #tpu.memory_space<vmem_shared>> -> memref<640x64xf32, #tpu.memory_space<vmem_shared>>
        tpu.enqueue_dma source(%dma_start3A_802 : memref<640x64xf32, #tpu.memory_space<vmem_shared>>) target(%dma_start3A_800 : memref<640x64xf32, #tpu.memory_space<hbm>>) target_semaphore(%run_scoped3A : memref<!tpu.dma_semaphore, #tpu.memory_space<semaphore_mem>>)
        %dma_wait3A_803 = arith.constant 0 : i32
        %dma_wait3A_804 = tpu.memref_slice %arg6[%mul3A_798, %dma_wait3A_803] : memref<10240x64xf32, #tpu.memory_space<hbm>> -> memref<640x64xf32, #tpu.memory_space<hbm>>
        %dma_wait3A_805 = arith.constant 0 : i32
        %dma_wait3A_806 = tpu.memref_slice %arg10[%mul3A_796, %dma_wait3A_805] : memref<10240x64xf32, #tpu.memory_space<vmem_shared>> -> memref<640x64xf32, #tpu.memory_space<vmem_shared>>
        tpu.wait_dma2 semaphore(%run_scoped3A : memref<!tpu.dma_semaphore, #tpu.memory_space<semaphore_mem>>) src(%dma_wait3A_806 : memref<640x64xf32, #tpu.memory_space<vmem_shared>>) dst(%dma_wait3A_804 : memref<640x64xf32, #tpu.memory_space<hbm>>)
        tpu.yield
      }) : () -> ()
    } else {
    }
    return
  }
}

module attributes {stable_mosaic.version = 14 : i64} {
  func.func @body(%arg0: i32, %arg1: memref<2048x128xf32, #tpu.memory_space<vmem>>, %arg2: memref<128x64xf32, #tpu.memory_space<vmem>>, %arg3: memref<2048x64xf32, #tpu.memory_space<vmem>>) attributes {dimension_semantics = [#tpu.dimension_semantics<arbitrary>], iteration_bounds = array<i64: 5>, scalar_prefetch = 0 : i64, scratch_operands = 0 : i64, tpu.core_type = #tpu.core_type<tc>, window_params = [{transform_indices = @transform_0, window_bounds = array<i64: 2048, 128>}, {pipeline_mode = #tpu.pipeline_mode<synchronous>, transform_indices = @transform_1, window_bounds = array<i64: 128, 64>}, {transform_indices = @transform_2, window_bounds = array<i64: 2048, 64>}]} {
    %get3A = arith.constant 0 : index
    %get3A_0 = arith.constant 0 : index
    %get3A_1 = vector.load %arg1[%get3A, %get3A_0] : memref<2048x128xf32, #tpu.memory_space<vmem>>, vector<2048x128xf32>
    %convert_element_type3A = arith.truncf %get3A_1 : vector<2048x128xf32> to vector<2048x128xbf16>
    %get3A_2 = arith.constant 0 : index
    %get3A_3 = arith.constant 0 : index
    %get3A_4 = vector.load %arg2[%get3A_2, %get3A_3] : memref<128x64xf32, #tpu.memory_space<vmem>>, vector<128x64xf32>
    %convert_element_type3A_5 = arith.truncf %get3A_4 : vector<128x64xf32> to vector<128x64xbf16>
    %dot_general3A = arith.constant dense<0.000000e+00> : vector<2048x64xf32>
    %dot_general3A_6 = tpu.matmul %convert_element_type3A, %convert_element_type3A_5, %dot_general3A {dimension_numbers = #tpu.dot_dimension_numbers<[1], [0], [0], [1], [0, 0, 1, 1], [], []>, transpose_lhs_hint = false} : vector<2048x128xbf16>, vector<128x64xbf16>, vector<2048x64xf32> -> vector<2048x64xf32>
    %swap3A = arith.constant 0 : index
    %swap3A_7 = arith.constant 0 : index
    %swap3A_8 = vector.load %arg3[%swap3A, %swap3A_7] : memref<2048x64xf32, #tpu.memory_space<vmem>>, vector<2048x64xf32>
    tpu.vector_store %arg3[%swap3A, %swap3A_7], %dot_general3A_6 {strides = array<i32>} : memref<2048x64xf32, #tpu.memory_space<vmem>>, vector<2048x64xf32>,
    return
  }
  func.func @transform_0(%arg0: i32) -> (i32, i32) {
    %c0_i32 = arith.constant 0 : i32
    %c0_i32_0 = arith.constant 0 : i32
    return %arg0, %c0_i32 : i32, i32
  }
  func.func @transform_1(%arg0: i32) -> (i32, i32) {
    %c0_i32 = arith.constant 0 : i32
    %c0_i32_0 = arith.constant 0 : i32
    %c0_i32_1 = arith.constant 0 : i32
    return %c0_i32, %c0_i32_0 : i32, i32
  }
  func.func @transform_2(%arg0: i32) -> (i32, i32) {
    %c0_i32 = arith.constant 0 : i32
    %c0_i32_0 = arith.constant 0 : i32
    return %arg0, %c0_i32 : i32, i32
  }
}

module attributes {stable_mosaic.version = 14 : i64} {
  func.func @body(%arg0: i32, %arg1: memref<2048x64xf32, #tpu.memory_space<vmem>>, %arg2: memref<16x128xf32, #tpu.memory_space<vmem>>, %arg3: memref<16x128xf32, #tpu.memory_space<vmem>>, %arg4: memref<2048x64xf32, #tpu.memory_space<vmem>>, %arg5: memref<16x128xf32, #tpu.memory_space<vmem>>) attributes {dimension_semantics = [#tpu.dimension_semantics<arbitrary>], iteration_bounds = array<i64: 5>, scalar_prefetch = 0 : i64, scratch_operands = 0 : i64, tpu.core_type = #tpu.core_type<tc>, window_params = [{transform_indices = @transform_0, window_bounds = array<i64: 2048, 64>}, {transform_indices = @transform_1, window_bounds = array<i64: 16, 128>}, {transform_indices = @transform_2, window_bounds = array<i64: 16, 128>}, {transform_indices = @transform_3, window_bounds = array<i64: 2048, 64>}, {transform_indices = @transform_4, window_bounds = array<i64: 16, 128>}]} {
    %get3A = arith.constant 0 : index
    %get3A_0 = arith.constant 0 : index
    %get3A_1 = vector.load %arg2[%get3A, %get3A_0] : memref<16x128xf32, #tpu.memory_space<vmem>>, vector<16x128xf32>
    %get3A_2 = arith.constant 0 : index
    %get3A_3 = arith.constant 0 : index
    %get3A_4 = vector.load %arg3[%get3A_2, %get3A_3] : memref<16x128xf32, #tpu.memory_space<vmem>>, vector<16x128xf32>
    %add3A = arith.addf %get3A_1, %get3A_4 : vector<16x128xf32>
    %add3A_5 = arith.constant 1.000000e+00 : f32
    %add3A_6 = vector.broadcast %add3A_5 : f32 to vector<16x128xf32>
    %add3A_7 = arith.addf %add3A, %add3A_6 : vector<16x128xf32>
    %rsqrt3A = math.rsqrt %add3A_7 : vector<16x128xf32>
    %get3A_8 = arith.constant 0 : index
    %get3A_9 = arith.constant 0 : index
    %get3A_10 = vector.load %arg1[%get3A_8, %get3A_9] : memref<2048x64xf32, #tpu.memory_space<vmem>>, vector<2048x64xf32>
    %reshape3A = vector.shape_cast %get3A_10 : vector<2048x64xf32> to vector<16x128x64xf32>
    %reshape3A_11 = vector.shape_cast %rsqrt3A : vector<16x128xf32> to vector<16x128x1xf32>
    %mul3A = vector.broadcast %reshape3A_11 : vector<16x128x1xf32> to vector<16x128x64xf32>
    %mul3A_12 = arith.mulf %reshape3A, %mul3A : vector<16x128x64xf32>
    %reshape3A_13 = vector.shape_cast %mul3A_12 : vector<16x128x64xf32> to vector<2048x64xf32>
    %swap3A = arith.constant 0 : index
    %swap3A_14 = arith.constant 0 : index
    %swap3A_15 = vector.load %arg4[%swap3A, %swap3A_14] : memref<2048x64xf32, #tpu.memory_space<vmem>>, vector<2048x64xf32>
    tpu.vector_store %arg4[%swap3A, %swap3A_14], %reshape3A_13 {strides = array<i32>} : memref<2048x64xf32, #tpu.memory_space<vmem>>, vector<2048x64xf32>,
    %swap3A_16 = arith.constant 0 : index
    %swap3A_17 = arith.constant 0 : index
    %swap3A_18 = vector.load %arg5[%swap3A_16, %swap3A_17] : memref<16x128xf32, #tpu.memory_space<vmem>>, vector<16x128xf32>
    tpu.vector_store %arg5[%swap3A_16, %swap3A_17], %rsqrt3A {strides = array<i32>} : memref<16x128xf32, #tpu.memory_space<vmem>>, vector<16x128xf32>,
    return
  }
  func.func @transform_0(%arg0: i32) -> (i32, i32) {
    %c0_i32 = arith.constant 0 : i32
    %c0_i32_0 = arith.constant 0 : i32
    return %arg0, %c0_i32 : i32, i32
  }
  func.func @transform_1(%arg0: i32) -> (i32, i32) {
    %c0_i32 = arith.constant 0 : i32
    %c0_i32_0 = arith.constant 0 : i32
    return %arg0, %c0_i32 : i32, i32
  }
  func.func @transform_2(%arg0: i32) -> (i32, i32) {
    %c0_i32 = arith.constant 0 : i32
    %c0_i32_0 = arith.constant 0 : i32
    return %arg0, %c0_i32 : i32, i32
  }
  func.func @transform_3(%arg0: i32) -> (i32, i32) {
    %c0_i32 = arith.constant 0 : i32
    %c0_i32_0 = arith.constant 0 : i32
    return %arg0, %c0_i32 : i32, i32
  }
  func.func @transform_4(%arg0: i32) -> (i32, i32) {
    %c0_i32 = arith.constant 0 : i32
    %c0_i32_0 = arith.constant 0 : i32
    return %arg0, %c0_i32 : i32, i32
  }
}

module attributes {stable_mosaic.version = 14 : i64} {
  func.func @body(%arg0: i32, %arg1: memref<2048x64xf32, #tpu.memory_space<vmem>>, %arg2: memref<2048x64xf32, #tpu.memory_space<vmem>>, %arg3: memref<16x128xf32, #tpu.memory_space<vmem>>, %arg4: memref<1x64xf32, #tpu.memory_space<vmem>>, %arg5: memref<1x64xf32, #tpu.memory_space<vmem>>, %arg6: memref<16x128xf32, #tpu.memory_space<vmem>>) attributes {dimension_semantics = [#tpu.dimension_semantics<arbitrary>], iteration_bounds = array<i64: 5>, scalar_prefetch = 0 : i64, scratch_operands = 0 : i64, tpu.core_type = #tpu.core_type<tc>, window_params = [{transform_indices = @transform_0, window_bounds = array<i64: 2048, 64>}, {transform_indices = @transform_1, window_bounds = array<i64: 2048, 64>}, {transform_indices = @transform_2, window_bounds = array<i64: 16, 128>}, {pipeline_mode = #tpu.pipeline_mode<synchronous>, transform_indices = @transform_3, window_bounds = array<i64: 1, 64>}, {pipeline_mode = #tpu.pipeline_mode<synchronous>, transform_indices = @transform_4, window_bounds = array<i64: 1, 64>}, {transform_indices = @transform_5, window_bounds = array<i64: 16, 128>}]} {
    %get3A = arith.constant 0 : index
    %get3A_0 = arith.constant 0 : index
    %get3A_1 = vector.load %arg3[%get3A, %get3A_0] : memref<16x128xf32, #tpu.memory_space<vmem>>, vector<16x128xf32>
    %reshape3A = vector.shape_cast %get3A_1 : vector<16x128xf32> to vector<16x128x1xf32>
    %get3A_2 = arith.constant 0 : index
    %get3A_3 = arith.constant 0 : index
    %get3A_4 = vector.load %arg1[%get3A_2, %get3A_3] : memref<2048x64xf32, #tpu.memory_space<vmem>>, vector<2048x64xf32>
    %get3A_5 = arith.constant 0 : index
    %get3A_6 = arith.constant 0 : index
    %get3A_7 = vector.load %arg2[%get3A_5, %get3A_6] : memref<2048x64xf32, #tpu.memory_space<vmem>>, vector<2048x64xf32>
    %add3A = arith.addf %get3A_4, %get3A_7 : vector<2048x64xf32>
    %reshape3A_8 = vector.shape_cast %add3A : vector<2048x64xf32> to vector<16x128x64xf32>
    %mul3A = vector.broadcast %reshape3A : vector<16x128x1xf32> to vector<16x128x64xf32>
    %mul3A_9 = arith.mulf %reshape3A_8, %mul3A : vector<16x128x64xf32>
    %get3A_10 = arith.constant 0 : index
    %get3A_11 = arith.constant 0 : index
    %get3A_12 = vector.load %arg5[%get3A_10, %get3A_11] : memref<1x64xf32, #tpu.memory_space<vmem>>, vector<1x64xf32>
    %reshape3A_13 = vector.shape_cast %get3A_12 : vector<1x64xf32> to vector<1x1x64xf32>
    %add3A_14 = vector.broadcast %reshape3A_13 : vector<1x1x64xf32> to vector<16x128x64xf32>
    %add3A_15 = arith.addf %mul3A_9, %add3A_14 : vector<16x128x64xf32>
    %max3A = arith.constant 0.000000e+00 : f32
    %max3A_16 = vector.broadcast %max3A : f32 to vector<16x128x64xf32>
    %max3A_17 = arith.maximumf %add3A_15, %max3A_16 : vector<16x128x64xf32>
    %convert_element_type3A = arith.truncf %max3A_17 : vector<16x128x64xf32> to vector<16x128x64xbf16>
    %convert_element_type3A_18 = arith.extf %convert_element_type3A : vector<16x128x64xbf16> to vector<16x128x64xf32>
    %get3A_19 = arith.constant 0 : index
    %get3A_20 = arith.constant 0 : index
    %get3A_21 = vector.load %arg4[%get3A_19, %get3A_20] : memref<1x64xf32, #tpu.memory_space<vmem>>, vector<1x64xf32>
    %convert_element_type3A_22 = arith.truncf %get3A_21 : vector<1x64xf32> to vector<1x64xbf16>
    %convert_element_type3A_23 = arith.extf %convert_element_type3A_22 : vector<1x64xbf16> to vector<1x64xf32>
    %reshape3A_24 = vector.shape_cast %convert_element_type3A_23 : vector<1x64xf32> to vector<1x1x64xf32>
    %mul3A_25 = vector.broadcast %reshape3A_24 : vector<1x1x64xf32> to vector<16x128x64xf32>
    %mul3A_26 = arith.mulf %convert_element_type3A_18, %mul3A_25 : vector<16x128x64xf32>
    %reduce_sum3A = arith.constant dense<0.000000e+00> : vector<16x128xf32>
    %reduce_sum3A_27 = vector.multi_reduction <add>, %mul3A_26, %reduce_sum3A [2] : vector<16x128x64xf32> to vector<16x128xf32>
    %get3A_28 = arith.constant 0 : index
    %get3A_29 = arith.constant 0 : index
    %get3A_30 = vector.load %arg3[%get3A_28, %get3A_29] : memref<16x128xf32, #tpu.memory_space<vmem>>, vector<16x128xf32>
    %mul3A_31 = arith.mulf %reduce_sum3A_27, %get3A_30 : vector<16x128xf32>
    %swap3A = arith.constant 0 : index
    %swap3A_32 = arith.constant 0 : index
    %swap3A_33 = vector.load %arg6[%swap3A, %swap3A_32] : memref<16x128xf32, #tpu.memory_space<vmem>>, vector<16x128xf32>
    tpu.vector_store %arg6[%swap3A, %swap3A_32], %mul3A_31 {strides = array<i32>} : memref<16x128xf32, #tpu.memory_space<vmem>>, vector<16x128xf32>,
    return
  }
  func.func @transform_0(%arg0: i32) -> (i32, i32) {
    %c0_i32 = arith.constant 0 : i32
    %c0_i32_0 = arith.constant 0 : i32
    return %arg0, %c0_i32 : i32, i32
  }
  func.func @transform_1(%arg0: i32) -> (i32, i32) {
    %c0_i32 = arith.constant 0 : i32
    %c0_i32_0 = arith.constant 0 : i32
    return %arg0, %c0_i32 : i32, i32
  }
  func.func @transform_2(%arg0: i32) -> (i32, i32) {
    %c0_i32 = arith.constant 0 : i32
    %c0_i32_0 = arith.constant 0 : i32
    return %arg0, %c0_i32 : i32, i32
  }
  func.func @transform_3(%arg0: i32) -> (i32, i32) {
    %c0_i32 = arith.constant 0 : i32
    %c0_i32_0 = arith.constant 0 : i32
    %c0_i32_1 = arith.constant 0 : i32
    return %c0_i32, %c0_i32_0 : i32, i32
  }
  func.func @transform_4(%arg0: i32) -> (i32, i32) {
    %c0_i32 = arith.constant 0 : i32
    %c0_i32_0 = arith.constant 0 : i32
    %c0_i32_1 = arith.constant 0 : i32
    return %c0_i32, %c0_i32_0 : i32, i32
  }
  func.func @transform_5(%arg0: i32) -> (i32, i32) {
    %c0_i32 = arith.constant 0 : i32
    %c0_i32_0 = arith.constant 0 : i32
    return %arg0, %c0_i32 : i32, i32
  }
}

module attributes {stable_mosaic.version = 14 : i64} {
  func.func @body(%arg0: memref<80x128xf32, #tpu.memory_space<vmem>>, %arg1: memref<80x128xf32, #tpu.memory_space<vmem>>, %arg2: memref<80x128xf32, #tpu.memory_space<vmem>>, %arg3: memref<1x1xf32, #tpu.memory_space<vmem>>, %arg4: memref<80x128xf32, #tpu.memory_space<vmem>>) attributes {dimension_semantics = [], scalar_prefetch = 0 : i64, scratch_operands = 0 : i64, tpu.core_type = #tpu.core_type<tc>} {
    %get3A = arith.constant 0 : index
    %get3A_0 = arith.constant 0 : index
    %get3A_1 = vector.load %arg2[%get3A, %get3A_0] : memref<80x128xf32, #tpu.memory_space<vmem>>, vector<80x128xf32>
    %get3A_2 = arith.constant 0 : index
    %get3A_3 = arith.constant 0 : index
    %get3A_4 = vector.load %arg0[%get3A_2, %get3A_3] : memref<80x128xf32, #tpu.memory_space<vmem>>, vector<80x128xf32>
    %get3A_5 = arith.constant 0 : index
    %get3A_6 = arith.constant 0 : index
    %get3A_7 = vector.load %arg1[%get3A_5, %get3A_6] : memref<80x128xf32, #tpu.memory_space<vmem>>, vector<80x128xf32>
    %add3A = arith.addf %get3A_4, %get3A_7 : vector<80x128xf32>
    %mul3A = arith.mulf %get3A_1, %add3A : vector<80x128xf32>
    %get3A_8 = arith.constant 0 : index
    %get3A_9 = arith.constant 0 : index
    %get3A_10 = vector.load %arg3[%get3A_8, %get3A_9] : memref<1x1xf32, #tpu.memory_space<vmem>>, vector<1x1xf32>
    %get3A_11 = vector.extract %get3A_10[0, 0] : f32 from vector<1x1xf32>
    %add3A_12 = vector.broadcast %get3A_11 : f32 to vector<80x128xf32>
    %add3A_13 = arith.addf %mul3A, %add3A_12 : vector<80x128xf32>
    %swap3A = arith.constant 0 : index
    %swap3A_14 = arith.constant 0 : index
    %swap3A_15 = vector.load %arg4[%swap3A, %swap3A_14] : memref<80x128xf32, #tpu.memory_space<vmem>>, vector<80x128xf32>
    tpu.vector_store %arg4[%swap3A, %swap3A_14], %add3A_13 {strides = array<i32>} : memref<80x128xf32, #tpu.memory_space<vmem>>, vector<80x128xf32>,
    return
  }
}

</mosaic_0001>

<sc_bundles>
// kernel: kernel.12.cloned.1.call-start
scs
__scs_entry_jumppad:
0x0: {  	(pc) =	sbr.rel $0x88, $3  }
0x1: {  	(tag) =	ssettag $0x0;
	lr =	simm.s32 $0x1  }
0x2: {  	[smem:$0x3F9B] =	sst lr;
	_ =	strace $0xD0000000  }
0x3: {  	_ = 	snop  }
0x4: {  	_ = 	snop  }
0x5: {  	_ = 	snop  }
0x6: {  	_ = 	snop  }
0x7: {  	_ = 	snop  }
__scs_overlays_trampoline_lowered:
0x8: {  	[smem:$0x3FAA] =	sst s0  }
0x9: {  	[smem:$0x3FAB] =	sst s1  }
0xa: {  	[smem:$0x3FAC] =	sst s2  }
0xb: {  	[smem:$0x3FAD] =	sst s3  }
0xc: {  	[smem:$0x3FAE] =	sst s4  }
0xd: {  	[smem:$0x3FAF] =	sst s5  }
0xe: {  	[smem:$0x3FB0] =	sst s6  }
0xf: {  	[smem:$0x3FB1] =	sst s7  }
0x10: {  	[smem:$0x3FB2] =	sst s8  }
0x11: {  	[smem:$0x3FB3] =	sst s9;
	s0 =	simm.s32 @!p0 $0x0  }
0x12: {  	s1 =	sld [smem:$0x3F99];
	s0 =	simm.s32 @p0 $0x1  }
0x13: {  	[smem:$0x3FB4] =	sst s0;
	s0 =	simm.s32 @!p1 $0x0  }
0x14: {  	s2 =	sld [smem:$0x3F98];
	s0 =	simm.s32 @p1 $0x1  }
0x15: {  	[smem:$0x3FB5] =	sst s0;
	s0 =	simm.s32 @!p2 $0x0  }
0x16: {  	s3 =	sld [smem:$0x3FDB];
	s0 =	simm.s32 @p2 $0x1  }
0x17: {  	s4 =	simm.s32 $0x1BF5;
	[smem:$0x3FB7] =	sst s0  }
0x18: {  	s0 =	sld [smem:$0x3F9A];
	_ =	swait.ge [sflag:s4], $0x0  }
0x19: {  	s7 =	sld [smem:$0x3F9B]  }
0x1a: {  	s8 =	sadd.s32 $0xFFFFE003, lr  }
0x1b: {  	s9 =	sadd.s32 $0xFFFFFEF7, lr;
	s5 =	simm.s32 $0xFFFFFFFF;
	p2 =	slt.u32 s8, $0xFFFFF086  }
0x1c: {  	p1 =	slt.u32 s9, $0xF7A;
	s5 =	simm.s32 @!p2 $0x0  }
0x1d: {  	s5 =	simm.s32 @p1 $0x1;
	p0 =	seq.s32 s7, s2  }
0x1e: {  	s7 =	smul.u32 @!p0 $0xF7A, s2;
	p2 =	seq.s32 @!p0 s5, $0x0  }
0x1f: {  	s9 =	smul.u32 $0xF7A, s1;
	s8 =	simm.s32 @!p0 $0x1BF5;
	p2 =	por !p2, p0  }
0x20: {  	[sflag:s8] =	ssyncset.s32 @!p0 $0xFFFFF086;
	s6 =	sadd.s32 @!p0 s3, s7;
	s7 =	simm.s32 @!p0 $0x108  }
0x21: {  	s3 =	sadd.s32 s3, s9;
	s6 =	sadd.s32 @!p0 $0x88, s6;
	s7 =	simm.s32 @p2 $0x1082  }
0x22: {  	[simem:s7], [sflag:s8] =	dma.local @!p0 [hbm:s6], $0xF7A  }
0x23: {  	s9 =	sor.u32 $0xD0000000, s2;
	s6 =	simm.s32 $0x108;
	_ =	swait.ge @!p0 [sflag:s8], $0x0  }
0x24: {  	s3 =	sadd.s32 $0x88, s3;
	s6 =	simm.s32 @!p1 $0x1082;
	[sflag:s4] =	ssyncset.s32 $0xFFFFF086  }
0x25: {  	[simem:s6], [sflag:s4] =	dma.local [hbm:s3], $0xF7A  }
0x26: {  	[smem:$0x3F9B] =	sst s1;
	(tag) =	ssettag s2;
	_ =	strace s9  }
0x27: {  	s1 =	sld [smem:$0x3FAB]  }
0x28: {  	s2 =	sld [smem:$0x3FAC]  }
0x29: {  	s4 =	sld [smem:$0x3FAE]  }
0x2a: {  	p0 =	seq.s32 s5, $0x0;
	s5 =	sld [smem:$0x3FAF]  }
0x2b: {  	s6 =	sld [smem:$0x3FB0]  }
0x2c: {  	s7 =	sld [smem:$0x3FB1]  }
0x2d: {  	s3 =	simm.s32 $0x108;
	s8 =	sld [smem:$0x3FB2]  }
0x2e: {  	s3 =	simm.s32 @!p0 $0x1082;
	s9 =	sld [smem:$0x3FB3]  }
0x2f: {  	lr =	sadd.s32 s0, s3;
	s0 =	sld [smem:$0x3FAA]  }
0x30: {  	s3 =	sld [smem:$0x3FAD]  }
0x31: {  	[smem:$0x3FB6] =	sst s10  }
0x32: {  	s10 =	sld [smem:$0x3FB4];
	_ =	sdelay $0x3  }
0x33: {  	p0 =	seq.s32 s10, $0x1;
	s10 =	sld [smem:$0x3FB6];
	_ =	sdelay $0x3  }
0x34: {  	[smem:$0x3FB6] =	sst s10  }
0x35: {  	s10 =	sld [smem:$0x3FB5];
	_ =	sdelay $0x3  }
0x36: {  	p1 =	seq.s32 s10, $0x1;
	s10 =	sld [smem:$0x3FB6];
	_ =	sdelay $0x3  }
0x37: {  	[smem:$0x3FB6] =	sst s10  }
0x38: {  	s10 =	sld [smem:$0x3FB7]  }
0x39: {  	_ = 	snop;
	(pc) =	sbr.ind lr, $3  }
0x3a: {  	_ = 	snop  }
0x3b: {  	_ = 	snop  }
0x3c: {  	p2 =	seq.s32 s10, $0x1;
	s10 =	sld [smem:$0x3FB6]  }
0x3d: {  	_ =	shalt  }
0x3e: {  	_ =	shalt  }
0x3f: {  	_ =	shalt  }
0x40: {  	_ =	shalt  }
0x41: {  	_ =	shalt  }
0x42: {  	_ =	shalt  }
0x43: {  	_ =	shalt  }
0x44: {  	_ =	shalt  }
0x45: {  	_ =	shalt  }
0x46: {  	_ =	shalt  }
0x47: {  	_ =	shalt  }
0x48: {  	_ =	shalt  }
0x49: {  	_ =	shalt  }
0x4a: {  	_ =	shalt  }
0x4b: {  	_ =	shalt  }
0x4c: {  	_ =	shalt  }
0x4d: {  	_ =	shalt  }
0x4e: {  	_ =	shalt  }
0x4f: {  	_ =	shalt  }
0x50: {  	_ =	shalt  }
0x51: {  	_ =	shalt  }
0x52: {  	_ =	shalt  }
0x53: {  	_ =	shalt  }
0x54: {  	_ =	shalt  }
0x55: {  	_ =	shalt  }
0x56: {  	_ =	shalt  }
0x57: {  	_ =	shalt  }
0x58: {  	_ =	shalt  }
0x59: {  	_ =	shalt  }
0x5a: {  	_ =	shalt  }
0x5b: {  	_ =	shalt  }
0x5c: {  	_ =	shalt  }
0x5d: {  	_ =	shalt  }
0x5e: {  	_ =	shalt  }
0x5f: {  	_ =	shalt  }
0x60: {  	_ =	shalt  }
0x61: {  	_ =	shalt  }
0x62: {  	_ =	shalt  }
0x63: {  	_ =	shalt  }
0x64: {  	_ =	shalt  }
0x65: {  	_ =	shalt  }
0x66: {  	_ =	shalt  }
0x67: {  	_ =	shalt  }
0x68: {  	_ =	shalt  }
0x69: {  	_ =	shalt  }
0x6a: {  	_ =	shalt  }
0x6b: {  	_ =	shalt  }
0x6c: {  	_ =	shalt  }
0x6d: {  	_ =	shalt  }
0x6e: {  	_ =	shalt  }
0x6f: {  	_ =	shalt  }
0x70: {  	_ =	shalt  }
0x71: {  	_ =	shalt  }
0x72: {  	_ =	shalt  }
0x73: {  	_ =	shalt  }
0x74: {  	_ =	shalt  }
0x75: {  	_ =	shalt  }
0x76: {  	_ =	shalt  }
0x77: {  	_ =	shalt  }
0x78: {  	_ =	shalt  }
0x79: {  	_ =	shalt  }
0x7a: {  	_ =	shalt  }
0x7b: {  	_ =	shalt  }
0x7c: {  	_ =	shalt  }
0x7d: {  	_ =	shalt  }
0x7e: {  	_ =	shalt  }
0x7f: {  	_ =	shalt  }
0x80: {  	_ =	shalt  }
0x81: {  	_ =	shalt  }
0x82: {  	_ =	shalt  }
0x83: {  	_ =	shalt  }
0x84: {  	_ =	shalt  }
0x85: {  	_ =	shalt  }
0x86: {  	_ =	shalt  }
0x87: {  	_ =	shalt  }
.Lfunc_end0:
.L_simem_size_0:
called_computation.1_lowered:
.L_overlay_start_0:
0x88: {  	s2 =	sld [smem:$0x3FD9]  }
0x89: {  	s3 =	sld [smem:$0x3FFE];
	_ =	sdelay $0x1  }
0x8a: {  	s1 =	srdreg.scid  }
0x8b: {  	s0 =	sand.u32 $0x1, s1  }
0x8c: {  	s16 =	sshll.u32 s0, $0xA;
	s2 =	sadd.s32 s3, s2  }
0x8d: {  	s2 =	sadd.s32 s2, s16  }
0x8e: {  	[smem:$0x3FC2] =	sst s2  }
0x8f: {  	_ = 	snop  }
0x90: {  	(tm) =	ssettm $0x1  }
0x91: {  	s17 =	sld [smem:$0x3FFB];
	_ =	sdelay $0x3  }
0x92: {  	_ =	strace s17  }
0x93: {  	s2 =	sld [smem:$0x3FFC];
	_ =	sdelay $0x3  }
0x94: {  	_ =	strace s2  }
0x95: {  	s2 =	sld [smem:$0x3FFD];
	_ =	sdelay $0x3  }
0x96: {  	_ =	strace s2  }
0x97: {  	_ =	strace $0x8FFFFFFF  }
0x98: {  	s18 =	sld [smem:$0x3FDB];
	_ =	sdelay $0x1  }
0x99: {  	s19 =	simm.s32 $_scs_section_size  }
0x9a: {  	s4 =	simm.s32 $_size__tile_overlayer_lowered;
	s5 =	simm.s32 $_tile_overlayer_lowered  }
0x9b: {  	s22 =	simm.s32 $0x1BFF;
	s21 =	sshll.u32 s5, $0x1;
	s2 =	sadd.s32 s19, s18  }
0x9c: {  	s6 =	simm.s32 $0x0;
	s20 =	sshll.u32 s4, $0x1;
	s4 =	sadd.s32 s21, s2  }
0x9d: {  	[timem:s6], [sflag:s22] =	dma.local [hbm:s4], s20  }
0x9e: {  	_ =	swait.ge [sflag:s22], s20  }
0x9f: {  	s3 =	ssub.s32 $0x0, s20;
	[sflag:s22] =	ssyncset.done $0x0  }
0xa0: {  	[sflag:s22] =	ssyncadd.s32 s3;
	_ =	sdelay $0x1  }
0xa1: {  	s23 =	simm.s32 $0x1B8B  }
0xa2: {  	_ =	swait.ge [sflag:s23], $0x1  }
0xa3: {  	[sflag:s23] =	ssyncset.done $0x0  }
0xa4: {  	s25 =	simm.s32 $0x1B8E;
	s24 =	sld [smem:$0x3FFE];
	[sflag:s23] =	ssyncadd.s32 $0xFFFFFFFF  }
0xa5: {  	s26 =	simm.s32 $execute0_lowered;
	[smem:$0x3FD2] =	sst s25  }
0xa6: {  	s4 =	sshll.u32 s26, $0x1;
	_ =	strace $0x80000049;
	[dreg:$0x1] =	wrdreg $0xFFFFFFFF  }
0xa7: {  	s28 =	simm.s32 $_size_execute0_lowered;
	s2 =	sadd.s32 s2, s4;
	[dreg:$0x0] =	wrdreg $0x0  }
0xa8: {  	s4 =	sshll.u32 s28, $0x1;
	[dreg:$0x2] =	wrdreg s2  }
0xa9: {  	[dreg:$0x3] =	wrdreg s4  }
0xaa: {  	[dreg:$0x4] =	wrdreg $0xC0  }
0xab: {  	_ =	task [dreg:s6], $0x5FFFF  }
0xac: {  	[dreg:$0x1] =	wrdreg $0xFFFFFFFF  }
0xad: {  	[dreg:$0x0] =	wrdreg $0x60  }
0xae: {  	[dreg:$0x2] =	wrdreg s24  }
0xaf: {  	[dreg:$0x3] =	wrdreg $0x150000  }
0xb0: {  	[dreg:$0x4] =	wrdreg $0x9  }
0xb1: {  	_ =	task.clear_ibuf [dreg:s6], $0x5FFFF;
	_ =	strace $0x90000049  }
0xb2: {  	s29 =	simm.s32 $0x9;
	_ =	strace $0x8000004B  }
0xb3: {  	_ =	swait.ge [sflag:s29], $0x1  }
0xb4: {  	[sflag:s29] =	ssyncadd.s32 $0xFFFFFFFF  }
0xb5: {  	_ =	strace $0x9000004B  }
0xb6: {  	_ =	sfence  }
0xb7: {  	s30 =	sld [smem:$0x0];
	_ =	sdelay $0x2  }
0xb8: {  	s31 =	sshll.u32 s1, $0xD;
	s1 =	sshrl.u32 s1, $0x2  }
0xb9: {  	s3 =	sand.u32 $0x4000, s31;
	s1 =	sadd.s32 s1, s30  }
0xba: {  	s0 =	sor.u32 s3, s0;
	s1 =	sshll.u32 s1, $0x11  }
0xbb: {  	s0 =	sor.u32 s1, s0  }
0xbc: {  	s0 =	sadd.s32 $0x8F2B, s0  }
0xbd: {  	[sflag:s0] =	ssyncadd.remote.s32 $0x1  }
0xbe: {  	_ =	sfence.sel $0xFFFF  }
0xbf: {  	[dreg:$0x0] =	wrdreg $0xFFFFFFFF;
	(pc) =	sbr.abs _section_cstart, $3  }
0xc0: {  	[dreg:$0x1] =	wrdreg $0xFFFFFFFF  }
0xc1: {  	_ =	task.clear_ibuf [dreg:s6], $0x2FFFF;
	_ =	strace $0x9FFFFFFF  }
0xc2: {  	(tm) =	ssettm $0x7FFFFFFF  }
0xc3: {  	_ =	shalt  }
tec
execute0_lowered:
.L_overlay_start_1:
0x0: {  	(tag) =	ssettag $0x1  }
0x1: {  	s0 =	srdreg.scid;
	s1 =	rddreg [dreg:$0x0]  }
0x2: {  	s8 =	stileid.u32;
	s2 =	rddreg [dreg:$0x1];
	s4 =	simm.s32 $0x0  }
0x3: {  	s16 =	simm.s32 $0x11;
	s20 =	simm.s32 $0x80;
	s29 =	simm.s32 $0xD000  }
0x4: {  	s31 =	simm.s32 $0xF000;
	s28 =	simm.s32 $0x2;
	s30 =	simm.s32 $0x13000  }
0x5: {  	s10 =	simm.s32 $0xC;
	s11 =	simm.s32 $0x7;
	s17 =	simm.s32 $0xD  }
0x6: {  	s13 =	simm.s32 $0x8;
	s14 =	simm.s32 $0xE;
	s15 =	simm.s32 $0xF  }
0x7: {  	s18 =	simm.s32 $0x10;
	s12 =	simm.s32 $0x0;
	s19 =	simm.s32 $0x2800  }
0x8: {  	s0 =	sand.u32 $0x1, s0;
	s3 =	sshll.u32 s8, $0x1;
	s6 =	smul.u32 $0x28000, s8  }
0x9: {  	[smem:$0x7FF] =	sst s4;
	s4 =	sadd.s32 $0x17C00, s1;
	s24 =	smul.u32 $0xA000, s8  }
0xa: {  	s3 =	sor.u32 s0, s3;
	s5 =	ssub.s32 $0x2, s0;
	_ =	strace $0x8000004A  }
0xb: {  	p0 =	seq.s32 s0, $0x0;
	s3 =	smul.u32 $0x500, s3;
	s6 =	sshrl.u32 s6, $0x2  }
0xc: {  	s7 =	sshrl.u32 s5, $0x1;
	s26 =	sshrl.u32 s24, $0x3;
	s22 =	sadd.s32 s6, s2  }
0xd: {  	s5 =	ssub.s32 s5, s7;
	s9 =	sadd.s32 s4, s26;
	[dreg:$0x5] =	wrdreg s22  }
0xe: {  	s3 =	sadd.s32 s3, s1;
	s23 =	sadd.s32 $0x2000, s22;
	[dreg:$0xb] =	wrdreg s9  }
0xf: {  	s6 =	sadd.s32 $0x4000, s22;
	s25 =	sadd.s32 $0x6000, s22;
	[dreg:$0x6] =	wrdreg s23  }
0x10: {  	s7 =	sadd.s32 $0x8000, s22;
	s5 =	smax.u32 s5, $0x1;
	[dreg:$0x7] =	wrdreg s6  }
0x11: {  	s22 =	simm.s32 $0x7000;
	s9 =	simm.s32 $0x6;
	[dreg:$0x8] =	wrdreg s25  }
0x12: {  	s21 =	sadd.s32 $0x3C00, s3;
	s3 =	sadd.s32 $0xDC00, s3;
	[dreg:$0x9] =	wrdreg s7  }
0x13: {  	s6 =	simm.s32 $0x3FC00;
	[dreg:$0xc] =	wrdreg s5;
	s25 =	simm.s32 $0x11000  }
0x14: {  	s23 =	simm.s32 $0x3;
	s5 =	simm.s32 $0xA;
	[dreg:$0x3] =	wrdreg s21  }
0x15: {  	[dreg:$0x4] =	wrdreg s3;
	s6 =	simm.s32 @!p0 $0x2BC00;
	s3 =	sadd.s32 s24, s2  }
0x16: {  	p0 =	sne.s32 s0, $0x0;
	s21 =	simm.s32 $0x5000;
	s24 =	simm.s32 $0x9000  }
0x17: {  	s1 =	sadd.s32 s6, s1;
	s0 =	sshll.u32 @!p0 s8, $0x6;
	[dreg:$0xa] =	wrdreg s3  }
0x18: {  	s6 =	simm.s32 $0x5;
	s8 =	simm.s32 $0xB;
	s1 =	sadd.s32 s1, s26  }
0x19: {  	s0 =	sor.u32 @!p0 $0x1C11, s0;
	s26 =	simm.s32 $0xB000;
	[dreg:$0xd] =	wrdreg s1  }
0x1a: {  	[dreg:$0xe] =	wrdreg s0;
	s0 =	sshrl.u32 @!p0 s3, $0x3;
	s1 =	simm.s32 $0x1  }
0x1b: {  	v0 =	vimm.f32 $0.0e+00;
	s3 =	simm.s32 $0x4;
	[dreg:$0xf] =	wrdreg s0;
	s0 =	simm.s32 $0x9  }
.LBB2_1:
0x1c: {  	[dreg:$0x10] =	wrdreg s12  }
0x1d: {  	s7 =	simm.s32 $0x0;
	s12 =	rddreg [dreg:$0x3]  }
0x1e: {  	[tilespmem:s7], [sflag:$0x11] =	stream.linear.gather [hbm4b:s12+s7], $0x2800, $0x38;
	[tilespmem:$0x1F000] =	vst v63  }
0x1f: {  	_ =	swait.ge [sflag:s16], $0x2800  }
0x20: {  	[sflag:s16] =	ssyncset.done $0x0  }
0x21: {  	s12 =	rddreg [dreg:$0x4];
	[sflag:s16] =	ssyncadd.s32 $0xFFFFD800  }
0x22: {  	[tilespmem:s19], [sflag:$0x11] =	stream.linear.gather [hbm4b:s12+s7], $0x2800, $0x38;
	[tilespmem:$0x1F000] =	vst v63  }
0x23: {  	_ =	swait.ge [sflag:s16], $0x2800  }
0x24: {  	[sflag:s16] =	ssyncset.done $0x0  }
0x25: {  	s12 =	simm.s32 $0x100;
	s7 =	simm.s32 $0x0;
	[sflag:s16] =	ssyncadd.s32 $0xFFFFD800  }
.LBB2_2:
0x26: {  	p1 =	sne.s32 s12, $0x7F00;
	[tilespmem:s7+$0x5030] =	vst v0;
	s16 =	smov.u32 s12;
	s12 =	sadd.s32 $0x100, s12  }
.Ltmp0:
0x27: {  	[tilespmem:s7+$0x5020] =	vst v0;
	(pc) =	sbr.rel @p1 .LBB2_2-.Ltmp0, $3  }
0x28: {  	[tilespmem:s7+$0x5000] =	vst v0  }
0x29: {  	[tilespmem:s7+$0x5010] =	vst v0;
	_ =	sdelay $0x1  }
0x2a: {  	s7 =	sshra.s32 s16, $0x2  }
0x2b: {  	[tilespmem:s7+$0x5030] =	vst v0  }
0x2c: {  	[tilespmem:s7+$0x5020] =	vst v0  }
0x2d: {  	[tilespmem:s7+$0x5000] =	vst v0  }
0x2e: {  	[tilespmem:s7+$0x5010] =	vst v0;
	s7 =	simm.s32 @p0 $0x5000;
	s12 =	rddreg [dreg:$0x5]  }
0x2f: {  	[spmem:s12] =	stream.linear.scatter @p0 [tilespmem:s7], [sflag:$0x11], $0x2000, $0x38;
	[tilespmem:$0x1F000] =	vst v63  }
0x30: {  	s12 =	simm.s32 @p0 $0x11  }
0x31: {  	_ =	swait.ge @p0 [sflag:s12], $0x2000  }
0x32: {  	[sflag:s12] =	ssyncset.done @p0 $0x0  }
0x33: {  	s16 =	rddreg [dreg:$0x6];
	[sflag:s12] =	ssyncadd.s32 @p0 $0xFFFFE000  }
0x34: {  	[spmem:s16] =	stream.linear.scatter @p0 [tilespmem:s7], [sflag:$0x11], $0x2000, $0x38;
	[tilespmem:$0x1F000] =	vst v63  }
0x35: {  	_ =	swait.ge @p0 [sflag:s12], $0x2000  }
0x36: {  	[sflag:s12] =	ssyncset.done @p0 $0x0  }
0x37: {  	s16 =	rddreg [dreg:$0x7];
	[sflag:s12] =	ssyncadd.s32 @p0 $0xFFFFE000  }
0x38: {  	[spmem:s16] =	stream.linear.scatter @p0 [tilespmem:s7], [sflag:$0x11], $0x2000, $0x38;
	[tilespmem:$0x1F000] =	vst v63  }
0x39: {  	_ =	swait.ge @p0 [sflag:s12], $0x2000  }
0x3a: {  	[sflag:s12] =	ssyncset.done @p0 $0x0  }
0x3b: {  	s16 =	rddreg [dreg:$0x8];
	[sflag:s12] =	ssyncadd.s32 @p0 $0xFFFFE000  }
0x3c: {  	[spmem:s16] =	stream.linear.scatter @p0 [tilespmem:s7], [sflag:$0x11], $0x2000, $0x38;
	[tilespmem:$0x1F000] =	vst v63  }
0x3d: {  	_ =	swait.ge @p0 [sflag:s12], $0x2000  }
0x3e: {  	[sflag:s12] =	ssyncset.done @p0 $0x0  }
0x3f: {  	s16 =	rddreg [dreg:$0x9];
	[sflag:s12] =	ssyncadd.s32 @p0 $0xFFFFE000  }
0x40: {  	[spmem:s16] =	stream.linear.scatter @p0 [tilespmem:s7], [sflag:$0x11], $0x2000, $0x38;
	[tilespmem:$0x1F000] =	vst v63  }
0x41: {  	_ =	swait.ge @p0 [sflag:s12], $0x2000  }
0x42: {  	s7 =	rddreg [dreg:$0xb]  }
0x43: {  	[sflag:s12] =	ssyncset.done @p0 $0x0;
	s16 =	rddreg [dreg:$0xf]  }
0x44: {  	[sflag:s12] =	ssyncadd.s32 @p0 $0xFFFFE000;
	s12 =	rddreg [dreg:$0xe]  }
0x45: {  	[spmem:s16], [sflag:s12] =	dma.local @!p0 [hbm:s7], $0x1400  }
0x46: {  	s7 =	simm.s32 @!p0 $0x11  }
0x47: {  	_ =	swait.ge @!p0 [sflag:s7], $0x1400  }
0x48: {  	[sflag:s7] =	ssyncset.done @!p0 $0x0  }
0x49: {  	[sflag:s7] =	ssyncadd.s32 @!p0 $0xFFFFEC00  }
0x4a: {  	s12 =	simm.s32 $0x0;
	[bflag:$0x0] =	sbarrier.arrive $0xFFFF  }
0x4b: {  	[tilespmem:s21], [sflag:$0x1] =	stream.indirect.gather [hbm4b:s4+s20], $0x40, s12, s20, $0xb8;
	[tilespmem:$0x1F000] =	vst v63  }
0x4c: {  	_ = 	snop  }
0x4d: {  	[tilespmem:s22], [sflag:$0x2] =	stream.indirect.gather [hbm4b:s4+s20], $0x40, s20, s20, $0xb8;
	[tilespmem:$0x1F000] =	vst v63  }
0x4e: {  	s16 =	simm.s32 $0x100  }
0x4f: {  	[tilespmem:s24], [sflag:$0x3] =	stream.indirect.gather [hbm4b:s4+s20], $0x40, s16, s20, $0xb8;
	[tilespmem:$0x1F000] =	vst v63  }
0x50: {  	s12 =	simm.s32 $0x180  }
0x51: {  	[tilespmem:s26], [sflag:$0x4] =	stream.indirect.gather [hbm4b:s4+s20], $0x40, s12, s20, $0xb8;
	[tilespmem:$0x1F000] =	vst v63  }
0x52: {  	s16 =	simm.s32 $0x200  }
0x53: {  	[tilespmem:s29], [sflag:$0x5] =	stream.indirect.gather [hbm4b:s4+s20], $0x40, s16, s20, $0xb8;
	[tilespmem:$0x1F000] =	vst v63  }
0x54: {  	s12 =	simm.s32 $0x280  }
0x55: {  	[tilespmem:s31], [sflag:$0x6] =	stream.indirect.gather [hbm4b:s4+s20], $0x40, s12, s20, $0xb8;
	[tilespmem:$0x1F000] =	vst v63  }
0x56: {  	_ =	swait.ge [sflag:s1], $0x2000  }
0x57: {  	[sflag:s1] =	ssyncset.done $0x0  }
0x58: {  	s16 =	simm.s32 $0x2800;
	[sflag:s1] =	ssyncadd.s32 $0xFFFFE000  }
0x59: {  	[spmem:s2] =	stream.indirect.scatter.add.f32 [tilespmem:s21], [sflag:$0x9], $0x40, s16, s20, $0xb8;
	[tilespmem:$0x1F000] =	vst v63  }
0x5a: {  	s12 =	simm.s32 $0x300  }
0x5b: {  	[tilespmem:s25], [sflag:$0x7] =	stream.indirect.gather [hbm4b:s4+s20], $0x40, s12, s20, $0xb8;
	[tilespmem:$0x1F000] =	vst v63  }
0x5c: {  	_ =	swait.ge [sflag:s28], $0x2000  }
0x5d: {  	[sflag:s28] =	ssyncset.done $0x0  }
0x5e: {  	s16 =	simm.s32 $0x2880;
	[sflag:s28] =	ssyncadd.s32 $0xFFFFE000  }
0x5f: {  	[spmem:s2] =	stream.indirect.scatter.add.f32 [tilespmem:s22], [sflag:$0xA], $0x40, s16, s20, $0xb8;
	[tilespmem:$0x1F000] =	vst v63  }
0x60: {  	s12 =	simm.s32 $0x380  }
0x61: {  	[tilespmem:s30], [sflag:$0x8] =	stream.indirect.gather [hbm4b:s4+s20], $0x40, s12, s20, $0xb8;
	[tilespmem:$0x1F000] =	vst v63  }
0x62: {  	_ =	swait.ge [sflag:s23], $0x2000  }
0x63: {  	[sflag:s23] =	ssyncset.done $0x0  }
0x64: {  	s16 =	simm.s32 $0x2900;
	[sflag:s23] =	ssyncadd.s32 $0xFFFFE000  }
0x65: {  	[spmem:s2] =	stream.indirect.scatter.add.f32 [tilespmem:s24], [sflag:$0xB], $0x40, s16, s20, $0xb8;
	[tilespmem:$0x1F000] =	vst v63  }
0x66: {  	_ =	swait.ge [sflag:s0], $0x2000  }
0x67: {  	[sflag:s0] =	ssyncset.done $0x0  }
0x68: {  	s12 =	simm.s32 $0x400;
	[sflag:s0] =	ssyncadd.s32 $0xFFFFE000  }
0x69: {  	[tilespmem:s21], [sflag:$0x1] =	stream.indirect.gather [hbm4b:s4+s20], $0x40, s12, s20, $0xb8;
	[tilespmem:$0x1F000] =	vst v63  }
0x6a: {  	_ =	swait.ge [sflag:s3], $0x2000  }
0x6b: {  	[sflag:s3] =	ssyncset.done $0x0  }
0x6c: {  	s16 =	simm.s32 $0x2980;
	[sflag:s3] =	ssyncadd.s32 $0xFFFFE000  }
0x6d: {  	[spmem:s2] =	stream.indirect.scatter.add.f32 [tilespmem:s26], [sflag:$0xC], $0x40, s16, s20, $0xb8;
	[tilespmem:$0x1F000] =	vst v63  }
0x6e: {  	_ =	swait.ge [sflag:s5], $0x2000  }
0x6f: {  	[sflag:s5] =	ssyncset.done $0x0  }
0x70: {  	s12 =	simm.s32 $0x480;
	[sflag:s5] =	ssyncadd.s32 $0xFFFFE000  }
0x71: {  	[tilespmem:s22], [sflag:$0x2] =	stream.indirect.gather [hbm4b:s4+s20], $0x40, s12, s20, $0xb8;
	[tilespmem:$0x1F000] =	vst v63  }
0x72: {  	_ =	swait.ge [sflag:s6], $0x2000  }
0x73: {  	[sflag:s6] =	ssyncset.done $0x0  }
0x74: {  	s16 =	simm.s32 $0x2A00;
	[sflag:s6] =	ssyncadd.s32 $0xFFFFE000  }
0x75: {  	[spmem:s2] =	stream.indirect.scatter.add.f32 [tilespmem:s29], [sflag:$0xD], $0x40, s16, s20, $0xb8;
	[tilespmem:$0x1F000] =	vst v63  }
0x76: {  	_ =	swait.ge [sflag:s8], $0x2000  }
0x77: {  	[sflag:s8] =	ssyncset.done $0x0  }
0x78: {  	s12 =	simm.s32 $0x500;
	[sflag:s8] =	ssyncadd.s32 $0xFFFFE000  }
0x79: {  	[tilespmem:s24], [sflag:$0x3] =	stream.indirect.gather [hbm4b:s4+s20], $0x40, s12, s20, $0xb8;
	[tilespmem:$0x1F000] =	vst v63  }
0x7a: {  	_ =	swait.ge [sflag:s9], $0x2000  }
0x7b: {  	[sflag:s9] =	ssyncset.done $0x0  }
0x7c: {  	s16 =	simm.s32 $0x2A80;
	[sflag:s9] =	ssyncadd.s32 $0xFFFFE000  }
0x7d: {  	[spmem:s2] =	stream.indirect.scatter.add.f32 [tilespmem:s31], [sflag:$0xE], $0x40, s16, s20, $0xb8;
	[tilespmem:$0x1F000] =	vst v63  }
0x7e: {  	_ =	swait.ge [sflag:s10], $0x2000  }
0x7f: {  	[sflag:s10] =	ssyncset.done $0x0  }
0x80: {  	s12 =	simm.s32 $0x580;
	[sflag:s10] =	ssyncadd.s32 $0xFFFFE000  }
0x81: {  	[tilespmem:s26], [sflag:$0x4] =	stream.indirect.gather [hbm4b:s4+s20], $0x40, s12, s20, $0xb8;
	[tilespmem:$0x1F000] =	vst v63  }
0x82: {  	_ =	swait.ge [sflag:s11], $0x2000  }
0x83: {  	[sflag:s11] =	ssyncset.done $0x0  }
0x84: {  	s16 =	simm.s32 $0x2B00;
	[sflag:s11] =	ssyncadd.s32 $0xFFFFE000  }
0x85: {  	[spmem:s2] =	stream.indirect.scatter.add.f32 [tilespmem:s25], [sflag:$0xF], $0x40, s16, s20, $0xb8;
	[tilespmem:$0x1F000] =	vst v63  }
0x86: {  	_ =	swait.ge [sflag:s17], $0x2000  }
0x87: {  	[sflag:s17] =	ssyncset.done $0x0  }
0x88: {  	s12 =	simm.s32 $0x600;
	[sflag:s17] =	ssyncadd.s32 $0xFFFFE000  }
0x89: {  	[tilespmem:s29], [sflag:$0x5] =	stream.indirect.gather [hbm4b:s4+s20], $0x40, s12, s20, $0xb8;
	[tilespmem:$0x1F000] =	vst v63  }
0x8a: {  	_ =	swait.ge [sflag:s13], $0x2000  }
0x8b: {  	[sflag:s13] =	ssyncset.done $0x0  }
0x8c: {  	s16 =	simm.s32 $0x2B80;
	[sflag:s13] =	ssyncadd.s32 $0xFFFFE000  }
0x8d: {  	[spmem:s2] =	stream.indirect.scatter.add.f32 [tilespmem:s30], [sflag:$0x10], $0x40, s16, s20, $0xb8;
	[tilespmem:$0x1F000] =	vst v63  }
0x8e: {  	_ =	swait.ge [sflag:s14], $0x2000  }
0x8f: {  	[sflag:s14] =	ssyncset.done $0x0  }
0x90: {  	s12 =	simm.s32 $0x680;
	[sflag:s14] =	ssyncadd.s32 $0xFFFFE000  }
0x91: {  	[tilespmem:s31], [sflag:$0x6] =	stream.indirect.gather [hbm4b:s4+s20], $0x40, s12, s20, $0xb8;
	[tilespmem:$0x1F000] =	vst v63  }
0x92: {  	_ =	swait.ge [sflag:s1], $0x2000  }
0x93: {  	[sflag:s1] =	ssyncset.done $0x0  }
0x94: {  	s16 =	simm.s32 $0x2C00;
	[sflag:s1] =	ssyncadd.s32 $0xFFFFE000  }
0x95: {  	[spmem:s2] =	stream.indirect.scatter.add.f32 [tilespmem:s21], [sflag:$0x9], $0x40, s16, s20, $0xb8;
	[tilespmem:$0x1F000] =	vst v63  }
0x96: {  	_ =	swait.ge [sflag:s15], $0x2000  }
0x97: {  	[sflag:s15] =	ssyncset.done $0x0  }
0x98: {  	s12 =	simm.s32 $0x700;
	[sflag:s15] =	ssyncadd.s32 $0xFFFFE000  }
0x99: {  	[tilespmem:s25], [sflag:$0x7] =	stream.indirect.gather [hbm4b:s4+s20], $0x40, s12, s20, $0xb8;
	[tilespmem:$0x1F000] =	vst v63  }
0x9a: {  	_ =	swait.ge [sflag:s28], $0x2000  }
0x9b: {  	[sflag:s28] =	ssyncset.done $0x0  }
0x9c: {  	s16 =	simm.s32 $0x2C80;
	[sflag:s28] =	ssyncadd.s32 $0xFFFFE000  }
0x9d: {  	[spmem:s2] =	stream.indirect.scatter.add.f32 [tilespmem:s22], [sflag:$0xA], $0x40, s16, s20, $0xb8;
	[tilespmem:$0x1F000] =	vst v63  }
0x9e: {  	_ =	swait.ge [sflag:s18], $0x2000  }
0x9f: {  	[sflag:s18] =	ssyncset.done $0x0  }
0xa0: {  	s12 =	simm.s32 $0x780;
	[sflag:s18] =	ssyncadd.s32 $0xFFFFE000  }
0xa1: {  	[tilespmem:s30], [sflag:$0x8] =	stream.indirect.gather [hbm4b:s4+s20], $0x40, s12, s20, $0xb8;
	[tilespmem:$0x1F000] =	vst v63  }
0xa2: {  	_ =	swait.ge [sflag:s23], $0x2000  }
0xa3: {  	[sflag:s23] =	ssyncset.done $0x0  }
0xa4: {  	s16 =	simm.s32 $0x2D00;
	[sflag:s23] =	ssyncadd.s32 $0xFFFFE000  }
0xa5: {  	[spmem:s2] =	stream.indirect.scatter.add.f32 [tilespmem:s24], [sflag:$0xB], $0x40, s16, s20, $0xb8;
	[tilespmem:$0x1F000] =	vst v63  }
0xa6: {  	_ =	swait.ge [sflag:s0], $0x2000  }
0xa7: {  	[sflag:s0] =	ssyncset.done $0x0  }
0xa8: {  	s12 =	simm.s32 $0x800;
	[sflag:s0] =	ssyncadd.s32 $0xFFFFE000  }
0xa9: {  	[tilespmem:s21], [sflag:$0x1] =	stream.indirect.gather [hbm4b:s4+s20], $0x40, s12, s20, $0xb8;
	[tilespmem:$0x1F000] =	vst v63  }
0xaa: {  	_ =	swait.ge [sflag:s3], $0x2000  }
0xab: {  	[sflag:s3] =	ssyncset.done $0x0  }
0xac: {  	s16 =	simm.s32 $0x2D80;
	[sflag:s3] =	ssyncadd.s32 $0xFFFFE000  }
0xad: {  	[spmem:s2] =	stream.indirect.scatter.add.f32 [tilespmem:s26], [sflag:$0xC], $0x40, s16, s20, $0xb8;
	[tilespmem:$0x1F000] =	vst v63  }
0xae: {  	_ =	swait.ge [sflag:s5], $0x2000  }
0xaf: {  	[sflag:s5] =	ssyncset.done $0x0  }
0xb0: {  	s12 =	simm.s32 $0x880;
	[sflag:s5] =	ssyncadd.s32 $0xFFFFE000  }
0xb1: {  	[tilespmem:s22], [sflag:$0x2] =	stream.indirect.gather [hbm4b:s4+s20], $0x40, s12, s20, $0xb8;
	[tilespmem:$0x1F000] =	vst v63  }
0xb2: {  	_ =	swait.ge [sflag:s6], $0x2000  }
0xb3: {  	[sflag:s6] =	ssyncset.done $0x0  }
0xb4: {  	s16 =	simm.s32 $0x2E00;
	[sflag:s6] =	ssyncadd.s32 $0xFFFFE000  }
0xb5: {  	[spmem:s2] =	stream.indirect.scatter.add.f32 [tilespmem:s29], [sflag:$0xD], $0x40, s16, s20, $0xb8;
	[tilespmem:$0x1F000] =	vst v63  }
0xb6: {  	_ =	swait.ge [sflag:s8], $0x2000  }
0xb7: {  	[sflag:s8] =	ssyncset.done $0x0  }
0xb8: {  	s12 =	simm.s32 $0x900;
	[sflag:s8] =	ssyncadd.s32 $0xFFFFE000  }
0xb9: {  	[tilespmem:s24], [sflag:$0x3] =	stream.indirect.gather [hbm4b:s4+s20], $0x40, s12, s20, $0xb8;
	[tilespmem:$0x1F000] =	vst v63  }
0xba: {  	_ =	swait.ge [sflag:s9], $0x2000  }
0xbb: {  	[sflag:s9] =	ssyncset.done $0x0  }
0xbc: {  	s16 =	simm.s32 $0x2E80;
	[sflag:s9] =	ssyncadd.s32 $0xFFFFE000  }
0xbd: {  	[spmem:s2] =	stream.indirect.scatter.add.f32 [tilespmem:s31], [sflag:$0xE], $0x40, s16, s20, $0xb8;
	[tilespmem:$0x1F000] =	vst v63  }
0xbe: {  	_ =	swait.ge [sflag:s10], $0x2000  }
0xbf: {  	[sflag:s10] =	ssyncset.done $0x0  }
0xc0: {  	s12 =	simm.s32 $0x980;
	[sflag:s10] =	ssyncadd.s32 $0xFFFFE000  }
0xc1: {  	[tilespmem:s26], [sflag:$0x4] =	stream.indirect.gather [hbm4b:s4+s20], $0x40, s12, s20, $0xb8;
	[tilespmem:$0x1F000] =	vst v63  }
0xc2: {  	_ =	swait.ge [sflag:s11], $0x2000  }
0xc3: {  	[sflag:s11] =	ssyncset.done $0x0  }
0xc4: {  	s16 =	simm.s32 $0x2F00;
	[sflag:s11] =	ssyncadd.s32 $0xFFFFE000  }
0xc5: {  	[spmem:s2] =	stream.indirect.scatter.add.f32 [tilespmem:s25], [sflag:$0xF], $0x40, s16, s20, $0xb8;
	[tilespmem:$0x1F000] =	vst v63  }
0xc6: {  	_ =	swait.ge [sflag:s17], $0x2000  }
0xc7: {  	[sflag:s17] =	ssyncset.done $0x0  }
0xc8: {  	s12 =	simm.s32 $0xA00;
	[sflag:s17] =	ssyncadd.s32 $0xFFFFE000  }
0xc9: {  	[tilespmem:s29], [sflag:$0x5] =	stream.indirect.gather [hbm4b:s4+s20], $0x40, s12, s20, $0xb8;
	[tilespmem:$0x1F000] =	vst v63  }
0xca: {  	_ =	swait.ge [sflag:s13], $0x2000  }
0xcb: {  	[sflag:s13] =	ssyncset.done $0x0  }
0xcc: {  	s16 =	simm.s32 $0x2F80;
	[sflag:s13] =	ssyncadd.s32 $0xFFFFE000  }
0xcd: {  	[spmem:s2] =	stream.indirect.scatter.add.f32 [tilespmem:s30], [sflag:$0x10], $0x40, s16, s20, $0xb8;
	[tilespmem:$0x1F000] =	vst v63  }
0xce: {  	_ =	swait.ge [sflag:s14], $0x2000  }
0xcf: {  	[sflag:s14] =	ssyncset.done $0x0  }
0xd0: {  	s7 =	simm.s32 $0xA80;
	s12 =	simm.s32 $0x1000;
	[sflag:s14] =	ssyncadd.s32 $0xFFFFE000  }
.LBB2_4:
0xd1: {  	[tilespmem:s31], [sflag:$0x6] =	stream.indirect.gather [hbm4b:s4+s20], $0x40, s7, s20, $0xb8;
	[tilespmem:$0x1F000] =	vst v63  }
0xd2: {  	s7 =	smov.u32 s12  }
0xd3: {  	p1 =	sne.s32 s12, $0x7000;
	s12 =	sadd.s32 $0x1000, s12;
	_ =	swait.ge [sflag:s1], $0x2000  }
0xd4: {  	s7 =	sshra.s32 s7, $0x2;
	[sflag:s1] =	ssyncset.done $0x0  }
0xd5: {  	s16 =	sadd.s32 $0x2C00, s7;
	[sflag:s1] =	ssyncadd.s32 $0xFFFFE000  }
0xd6: {  	[spmem:s2] =	stream.indirect.scatter.add.f32 [tilespmem:s21], [sflag:$0x9], $0x40, s16, s20, $0xb8;
	[tilespmem:$0x1F000] =	vst v63  }
0xd7: {  	_ =	swait.ge [sflag:s15], $0x2000  }
0xd8: {  	[sflag:s15] =	ssyncset.done $0x0  }
0xd9: {  	s16 =	sadd.s32 $0x700, s7;
	[sflag:s15] =	ssyncadd.s32 $0xFFFFE000  }
0xda: {  	[tilespmem:s25], [sflag:$0x7] =	stream.indirect.gather [hbm4b:s4+s20], $0x40, s16, s20, $0xb8;
	[tilespmem:$0x1F000] =	vst v63  }
0xdb: {  	_ =	swait.ge [sflag:s28], $0x2000  }
0xdc: {  	[sflag:s28] =	ssyncset.done $0x0  }
0xdd: {  	s16 =	sadd.s32 $0x2C80, s7;
	[sflag:s28] =	ssyncadd.s32 $0xFFFFE000  }
0xde: {  	[spmem:s2] =	stream.indirect.scatter.add.f32 [tilespmem:s22], [sflag:$0xA], $0x40, s16, s20, $0xb8;
	[tilespmem:$0x1F000] =	vst v63  }
0xdf: {  	_ =	swait.ge [sflag:s18], $0x2000  }
0xe0: {  	[sflag:s18] =	ssyncset.done $0x0  }
0xe1: {  	s16 =	sadd.s32 $0x780, s7;
	[sflag:s18] =	ssyncadd.s32 $0xFFFFE000  }
0xe2: {  	[tilespmem:s30], [sflag:$0x8] =	stream.indirect.gather [hbm4b:s4+s20], $0x40, s16, s20, $0xb8;
	[tilespmem:$0x1F000] =	vst v63  }
0xe3: {  	_ =	swait.ge [sflag:s23], $0x2000  }
0xe4: {  	[sflag:s23] =	ssyncset.done $0x0  }
0xe5: {  	s16 =	sadd.s32 $0x2D00, s7;
	[sflag:s23] =	ssyncadd.s32 $0xFFFFE000  }
0xe6: {  	[spmem:s2] =	stream.indirect.scatter.add.f32 [tilespmem:s24], [sflag:$0xB], $0x40, s16, s20, $0xb8;
	[tilespmem:$0x1F000] =	vst v63  }
0xe7: {  	_ =	swait.ge [sflag:s0], $0x2000  }
0xe8: {  	[sflag:s0] =	ssyncset.done $0x0  }
0xe9: {  	s16 =	sadd.s32 $0x800, s7;
	[sflag:s0] =	ssyncadd.s32 $0xFFFFE000  }
0xea: {  	[tilespmem:s21], [sflag:$0x1] =	stream.indirect.gather [hbm4b:s4+s20], $0x40, s16, s20, $0xb8;
	[tilespmem:$0x1F000] =	vst v63  }
0xeb: {  	_ =	swait.ge [sflag:s3], $0x2000  }
0xec: {  	[sflag:s3] =	ssyncset.done $0x0  }
0xed: {  	s16 =	sadd.s32 $0x2D80, s7;
	[sflag:s3] =	ssyncadd.s32 $0xFFFFE000  }
0xee: {  	[spmem:s2] =	stream.indirect.scatter.add.f32 [tilespmem:s26], [sflag:$0xC], $0x40, s16, s20, $0xb8;
	[tilespmem:$0x1F000] =	vst v63  }
0xef: {  	_ =	swait.ge [sflag:s5], $0x2000  }
0xf0: {  	[sflag:s5] =	ssyncset.done $0x0  }
0xf1: {  	s16 =	sadd.s32 $0x880, s7;
	[sflag:s5] =	ssyncadd.s32 $0xFFFFE000  }
0xf2: {  	[tilespmem:s22], [sflag:$0x2] =	stream.indirect.gather [hbm4b:s4+s20], $0x40, s16, s20, $0xb8;
	[tilespmem:$0x1F000] =	vst v63  }
0xf3: {  	_ =	swait.ge [sflag:s6], $0x2000  }
0xf4: {  	[sflag:s6] =	ssyncset.done $0x0  }
0xf5: {  	s16 =	sadd.s32 $0x2E00, s7;
	[sflag:s6] =	ssyncadd.s32 $0xFFFFE000  }
0xf6: {  	[spmem:s2] =	stream.indirect.scatter.add.f32 [tilespmem:s29], [sflag:$0xD], $0x40, s16, s20, $0xb8;
	[tilespmem:$0x1F000] =	vst v63  }
0xf7: {  	_ =	swait.ge [sflag:s8], $0x2000  }
0xf8: {  	[sflag:s8] =	ssyncset.done $0x0  }
0xf9: {  	s16 =	sadd.s32 $0x900, s7;
	[sflag:s8] =	ssyncadd.s32 $0xFFFFE000  }
0xfa: {  	[tilespmem:s24], [sflag:$0x3] =	stream.indirect.gather [hbm4b:s4+s20], $0x40, s16, s20, $0xb8;
	[tilespmem:$0x1F000] =	vst v63  }
0xfb: {  	_ =	swait.ge [sflag:s9], $0x2000  }
0xfc: {  	[sflag:s9] =	ssyncset.done $0x0  }
0xfd: {  	s16 =	sadd.s32 $0x2E80, s7;
	[sflag:s9] =	ssyncadd.s32 $0xFFFFE000  }
0xfe: {  	[spmem:s2] =	stream.indirect.scatter.add.f32 [tilespmem:s31], [sflag:$0xE], $0x40, s16, s20, $0xb8;
	[tilespmem:$0x1F000] =	vst v63  }
0xff: {  	_ =	swait.ge [sflag:s10], $0x2000  }
0x100: {  	[sflag:s10] =	ssyncset.done $0x0  }
0x101: {  	s16 =	sadd.s32 $0x980, s7;
	[sflag:s10] =	ssyncadd.s32 $0xFFFFE000  }
0x102: {  	[tilespmem:s26], [sflag:$0x4] =	stream.indirect.gather [hbm4b:s4+s20], $0x40, s16, s20, $0xb8;
	[tilespmem:$0x1F000] =	vst v63  }
0x103: {  	_ =	swait.ge [sflag:s11], $0x2000  }
0x104: {  	[sflag:s11] =	ssyncset.done $0x0  }
0x105: {  	s16 =	sadd.s32 $0x2F00, s7;
	[sflag:s11] =	ssyncadd.s32 $0xFFFFE000  }
0x106: {  	[spmem:s2] =	stream.indirect.scatter.add.f32 [tilespmem:s25], [sflag:$0xF], $0x40, s16, s20, $0xb8;
	[tilespmem:$0x1F000] =	vst v63  }
0x107: {  	_ =	swait.ge [sflag:s17], $0x2000  }
0x108: {  	[sflag:s17] =	ssyncset.done $0x0  }
0x109: {  	s16 =	sadd.s32 $0xA00, s7;
	[sflag:s17] =	ssyncadd.s32 $0xFFFFE000  }
0x10a: {  	[tilespmem:s29], [sflag:$0x5] =	stream.indirect.gather [hbm4b:s4+s20], $0x40, s16, s20, $0xb8;
	[tilespmem:$0x1F000] =	vst v63  }
0x10b: {  	_ =	swait.ge [sflag:s13], $0x2000  }
0x10c: {  	[sflag:s13] =	ssyncset.done $0x0  }
.Ltmp1:
0x10d: {  	s16 =	sadd.s32 $0x2F80, s7;
	[sflag:s13] =	ssyncadd.s32 $0xFFFFE000;
	(pc) =	sbr.rel @p1 .LBB2_4-.Ltmp1, $4  }
0x10e: {  	[spmem:s2] =	stream.indirect.scatter.add.f32 [tilespmem:s30], [sflag:$0x10], $0x40, s16, s20, $0xb8;
	[tilespmem:$0x1F000] =	vst v63  }
0x10f: {  	_ =	swait.ge [sflag:s14], $0x2000  }
0x110: {  	[sflag:s14] =	ssyncset.done $0x0  }
0x111: {  	s7 =	sadd.s32 $0xA80, s7;
	[sflag:s14] =	ssyncadd.s32 $0xFFFFE000  }
0x112: {  	[tilespmem:s31], [sflag:$0x6] =	stream.indirect.gather [hbm4b:s4+s20], $0x40, s7, s20, $0xb8;
	[tilespmem:$0x1F000] =	vst v63  }
0x113: {  	_ =	swait.ge [sflag:s1], $0x2000  }
0x114: {  	[sflag:s1] =	ssyncset.done $0x0  }
0x115: {  	s16 =	simm.s32 $0x4C00;
	[sflag:s1] =	ssyncadd.s32 $0xFFFFE000  }
0x116: {  	[spmem:s2] =	stream.indirect.scatter.add.f32 [tilespmem:s21], [sflag:$0x9], $0x40, s16, s20, $0xb8;
	[tilespmem:$0x1F000] =	vst v63  }
0x117: {  	_ =	swait.ge [sflag:s15], $0x2000  }
0x118: {  	[sflag:s15] =	ssyncset.done $0x0  }
0x119: {  	s12 =	simm.s32 $0x2700;
	[sflag:s15] =	ssyncadd.s32 $0xFFFFE000  }
0x11a: {  	[tilespmem:s25], [sflag:$0x7] =	stream.indirect.gather [hbm4b:s4+s20], $0x40, s12, s20, $0xb8;
	[tilespmem:$0x1F000] =	vst v63  }
0x11b: {  	_ =	swait.ge [sflag:s28], $0x2000  }
0x11c: {  	[sflag:s28] =	ssyncset.done $0x0  }
0x11d: {  	s16 =	simm.s32 $0x4C80;
	[sflag:s28] =	ssyncadd.s32 $0xFFFFE000  }
0x11e: {  	[spmem:s2] =	stream.indirect.scatter.add.f32 [tilespmem:s22], [sflag:$0xA], $0x40, s16, s20, $0xb8;
	[tilespmem:$0x1F000] =	vst v63  }
0x11f: {  	_ =	swait.ge [sflag:s18], $0x2000  }
0x120: {  	[sflag:s18] =	ssyncset.done $0x0  }
0x121: {  	s12 =	simm.s32 $0x2780;
	[sflag:s18] =	ssyncadd.s32 $0xFFFFE000  }
0x122: {  	[tilespmem:s30], [sflag:$0x8] =	stream.indirect.gather [hbm4b:s4+s20], $0x40, s12, s20, $0xb8;
	[tilespmem:$0x1F000] =	vst v63  }
0x123: {  	_ =	swait.ge [sflag:s23], $0x2000  }
0x124: {  	[sflag:s23] =	ssyncset.done $0x0  }
0x125: {  	s16 =	simm.s32 $0x4D00;
	[sflag:s23] =	ssyncadd.s32 $0xFFFFE000  }
0x126: {  	[spmem:s2] =	stream.indirect.scatter.add.f32 [tilespmem:s24], [sflag:$0xB], $0x40, s16, s20, $0xb8;
	[tilespmem:$0x1F000] =	vst v63  }
0x127: {  	_ =	swait.ge [sflag:s0], $0x2000  }
0x128: {  	[sflag:s0] =	ssyncset.done $0x0  }
0x129: {  	[sflag:s0] =	ssyncadd.s32 $0xFFFFE000  }
0x12a: {  	_ =	swait.ge [sflag:s3], $0x2000  }
0x12b: {  	[sflag:s3] =	ssyncset.done $0x0  }
0x12c: {  	s12 =	simm.s32 $0x4D80;
	[sflag:s3] =	ssyncadd.s32 $0xFFFFE000  }
0x12d: {  	[spmem:s2] =	stream.indirect.scatter.add.f32 [tilespmem:s26], [sflag:$0xC], $0x40, s12, s20, $0xb8;
	[tilespmem:$0x1F000] =	vst v63  }
0x12e: {  	_ =	swait.ge [sflag:s5], $0x2000  }
0x12f: {  	[sflag:s5] =	ssyncset.done $0x0  }
0x130: {  	[sflag:s5] =	ssyncadd.s32 $0xFFFFE000  }
0x131: {  	_ =	swait.ge [sflag:s6], $0x2000  }
0x132: {  	[sflag:s6] =	ssyncset.done $0x0  }
0x133: {  	s16 =	simm.s32 $0x4E00;
	[sflag:s6] =	ssyncadd.s32 $0xFFFFE000  }
0x134: {  	[spmem:s2] =	stream.indirect.scatter.add.f32 [tilespmem:s29], [sflag:$0xD], $0x40, s16, s20, $0xb8;
	[tilespmem:$0x1F000] =	vst v63  }
0x135: {  	_ =	swait.ge [sflag:s8], $0x2000  }
0x136: {  	[sflag:s8] =	ssyncset.done $0x0  }
0x137: {  	[sflag:s8] =	ssyncadd.s32 $0xFFFFE000  }
0x138: {  	_ =	swait.ge [sflag:s9], $0x2000  }
0x139: {  	[sflag:s9] =	ssyncset.done $0x0  }
0x13a: {  	s12 =	simm.s32 $0x4E80;
	[sflag:s9] =	ssyncadd.s32 $0xFFFFE000  }
0x13b: {  	[spmem:s2] =	stream.indirect.scatter.add.f32 [tilespmem:s31], [sflag:$0xE], $0x40, s12, s20, $0xb8;
	[tilespmem:$0x1F000] =	vst v63  }
0x13c: {  	_ =	swait.ge [sflag:s10], $0x2000  }
0x13d: {  	[sflag:s10] =	ssyncset.done $0x0  }
0x13e: {  	[sflag:s10] =	ssyncadd.s32 $0xFFFFE000  }
0x13f: {  	_ =	swait.ge [sflag:s11], $0x2000  }
0x140: {  	[sflag:s11] =	ssyncset.done $0x0  }
0x141: {  	s16 =	simm.s32 $0x4F00;
	[sflag:s11] =	ssyncadd.s32 $0xFFFFE000  }
0x142: {  	[spmem:s2] =	stream.indirect.scatter.add.f32 [tilespmem:s25], [sflag:$0xF], $0x40, s16, s20, $0xb8;
	[tilespmem:$0x1F000] =	vst v63  }
0x143: {  	_ =	swait.ge [sflag:s17], $0x2000  }
0x144: {  	[sflag:s17] =	ssyncset.done $0x0  }
0x145: {  	[sflag:s17] =	ssyncadd.s32 $0xFFFFE000  }
0x146: {  	_ =	swait.ge [sflag:s13], $0x2000  }
0x147: {  	[sflag:s13] =	ssyncset.done $0x0  }
0x148: {  	s12 =	simm.s32 $0x4F80;
	[sflag:s13] =	ssyncadd.s32 $0xFFFFE000  }
0x149: {  	[spmem:s2] =	stream.indirect.scatter.add.f32 [tilespmem:s30], [sflag:$0x10], $0x40, s12, s20, $0xb8;
	[tilespmem:$0x1F000] =	vst v63  }
0x14a: {  	_ =	swait.ge [sflag:s14], $0x2000  }
0x14b: {  	[sflag:s14] =	ssyncset.done $0x0  }
0x14c: {  	[sflag:s14] =	ssyncadd.s32 $0xFFFFE000  }
0x14d: {  	_ =	swait.ge [sflag:s15], $0x2000  }
0x14e: {  	[sflag:s15] =	ssyncset.done $0x0  }
0x14f: {  	[sflag:s15] =	ssyncadd.s32 $0xFFFFE000  }
0x150: {  	_ =	swait.ge [sflag:s18], $0x2000  }
0x151: {  	[sflag:s18] =	ssyncset.done $0x0  }
0x152: {  	[sflag:s18] =	ssyncadd.s32 $0xFFFFE000  }
0x153: {  	s16 =	stileid.u32;
	[bflag:$0x0] =	sbarrier.arrive $0xFFFF  }
0x154: {  	s7 =	sshll.u32 s16, $0x6;
	s12 =	rddreg [dreg:$0xa]  }
0x155: {  	s7 =	sor.u32 $0x1C11, s7;
	s16 =	rddreg [dreg:$0xd];
	s12 =	sshrl.u32 s12, $0x3  }
0x156: {  	[hbm:s16], [sflag:s7] =	dma.local [spmem:s12], $0x1400  }
0x157: {  	s16 =	simm.s32 $0x11  }
0x158: {  	_ =	swait.ge [sflag:s16], $0x1400  }
0x159: {  	s7 =	rddreg [dreg:$0x10]  }
0x15a: {  	s12 =	sadd.s32 $0x1, s7;
	s7 =	rddreg [dreg:$0xc]  }
0x15b: {  	p1 =	sne.s32 s12, s7  }
.Ltmp2:
0x15c: {  	_ = 	snop;
	(pc) =	sbr.rel @p1 .LBB2_1-.Ltmp2, $3  }
0x15d: {  	_ =	sdelay $0x1  }
0x15e: {  	[sflag:s16] =	ssyncset.done $0x0  }
0x15f: {  	[sflag:s16] =	ssyncadd.s32 $0xFFFFEC00  }
0x160: {  	_ =	sfence.sel $0x180000  }
0x161: {  	[bflag:$0x0] =	sbarrier.arrive $0xFFFF  }
0x162: {  	_ =	strace $0x9000004A  }
0x163: {  	s0 =	stileid.u32;
	[bflag:$0x2] =	sbarrier.arrive $0xFFFF  }
0x164: {  	p0 =	sne.s32 s0, $0x0;
	s0 =	rddreg [dreg:$0x2]  }
0x165: {  	s0 =	sadd.s32 @!p0 $0x100000, s0  }
0x166: {  	[sflag:s0] =	ssyncadd.tile.s32 @!p0 $0x1;
	_ =	shalt  }
.Lfunc_end2:
_tile_overlayer_lowered:
.L_overlay_start_2:
0x167: {  	(tag) =	ssettag $0x2  }
0x168: {  	s0 =	rddreg [dreg:$0x0];
	s2 =	stileid.u32  }
0x169: {  	s1 =	rddreg [dreg:$0x1];
	p0 =	sne.s32 s2, $0x0  }
0x16a: {  	s3 =	rddreg [dreg:$0x2];
	[bflag:$0x3] =	sbarrier.arrive $0xFFFF;
	s2 =	simm.s32 @!p0 $0x1C11  }
0x16b: {  	[timem:s3], [sflag:s2] =	dma.local @!p0 [hbm:s0], s1  }
0x16c: {  	s0 =	simm.s32 @!p0 $0x11  }
0x16d: {  	_ =	swait.ge @!p0 [sflag:s0], s1  }
0x16e: {  	s1 =	ssub.s32 @!p0 $0x0, s1;
	[sflag:s0] =	ssyncset.done @!p0 $0x0  }
0x16f: {  	[sflag:s0] =	ssyncadd.s32 @!p0 s1  }
0x170: {  	[bflag:$0x3] =	sbarrier.arrive $0xFFFF  }
0x171: {  	_ =	shalt  }

// kernel: kernel.15.cloned.1.call-start
scs
__scs_entry_jumppad:
0x0: {  	(pc) =	sbr.rel $0x88, $3  }
0x1: {  	(tag) =	ssettag $0x0;
	lr =	simm.s32 $0x1  }
0x2: {  	[smem:$0x3F9B] =	sst lr;
	_ =	strace $0xD0000000  }
0x3: {  	_ = 	snop  }
0x4: {  	_ = 	snop  }
0x5: {  	_ = 	snop  }
0x6: {  	_ = 	snop  }
0x7: {  	_ = 	snop  }
__scs_overlays_trampoline_lowered:
0x8: {  	[smem:$0x3FAA] =	sst s0  }
0x9: {  	[smem:$0x3FAB] =	sst s1  }
0xa: {  	[smem:$0x3FAC] =	sst s2  }
0xb: {  	[smem:$0x3FAD] =	sst s3  }
0xc: {  	[smem:$0x3FAE] =	sst s4  }
0xd: {  	[smem:$0x3FAF] =	sst s5  }
0xe: {  	[smem:$0x3FB0] =	sst s6  }
0xf: {  	[smem:$0x3FB1] =	sst s7  }
0x10: {  	[smem:$0x3FB2] =	sst s8  }
0x11: {  	[smem:$0x3FB3] =	sst s9;
	s0 =	simm.s32 @!p0 $0x0  }
0x12: {  	s1 =	sld [smem:$0x3F99];
	s0 =	simm.s32 @p0 $0x1  }
0x13: {  	[smem:$0x3FB4] =	sst s0;
	s0 =	simm.s32 @!p1 $0x0  }
0x14: {  	s2 =	sld [smem:$0x3F98];
	s0 =	simm.s32 @p1 $0x1  }
0x15: {  	[smem:$0x3FB5] =	sst s0;
	s0 =	simm.s32 @!p2 $0x0  }
0x16: {  	s3 =	sld [smem:$0x3FDB];
	s0 =	simm.s32 @p2 $0x1  }
0x17: {  	s4 =	simm.s32 $0x1BF5;
	[smem:$0x3FB7] =	sst s0  }
0x18: {  	s0 =	sld [smem:$0x3F9A];
	_ =	swait.ge [sflag:s4], $0x0  }
0x19: {  	s7 =	sld [smem:$0x3F9B]  }
0x1a: {  	s8 =	sadd.s32 $0xFFFFE003, lr  }
0x1b: {  	s9 =	sadd.s32 $0xFFFFFEF7, lr;
	s5 =	simm.s32 $0xFFFFFFFF;
	p2 =	slt.u32 s8, $0xFFFFF086  }
0x1c: {  	p1 =	slt.u32 s9, $0xF7A;
	s5 =	simm.s32 @!p2 $0x0  }
0x1d: {  	s5 =	simm.s32 @p1 $0x1;
	p0 =	seq.s32 s7, s2  }
0x1e: {  	s7 =	smul.u32 @!p0 $0xF7A, s2;
	p2 =	seq.s32 @!p0 s5, $0x0  }
0x1f: {  	s9 =	smul.u32 $0xF7A, s1;
	s8 =	simm.s32 @!p0 $0x1BF5;
	p2 =	por !p2, p0  }
0x20: {  	[sflag:s8] =	ssyncset.s32 @!p0 $0xFFFFF086;
	s6 =	sadd.s32 @!p0 s3, s7;
	s7 =	simm.s32 @!p0 $0x108  }
0x21: {  	s3 =	sadd.s32 s3, s9;
	s6 =	sadd.s32 @!p0 $0x88, s6;
	s7 =	simm.s32 @p2 $0x1082  }
0x22: {  	[simem:s7], [sflag:s8] =	dma.local @!p0 [hbm:s6], $0xF7A  }
0x23: {  	s9 =	sor.u32 $0xD0000000, s2;
	s6 =	simm.s32 $0x108;
	_ =	swait.ge @!p0 [sflag:s8], $0x0  }
0x24: {  	s3 =	sadd.s32 $0x88, s3;
	s6 =	simm.s32 @!p1 $0x1082;
	[sflag:s4] =	ssyncset.s32 $0xFFFFF086  }
0x25: {  	[simem:s6], [sflag:s4] =	dma.local [hbm:s3], $0xF7A  }
0x26: {  	[smem:$0x3F9B] =	sst s1;
	(tag) =	ssettag s2;
	_ =	strace s9  }
0x27: {  	s1 =	sld [smem:$0x3FAB]  }
0x28: {  	s2 =	sld [smem:$0x3FAC]  }
0x29: {  	s4 =	sld [smem:$0x3FAE]  }
0x2a: {  	p0 =	seq.s32 s5, $0x0;
	s5 =	sld [smem:$0x3FAF]  }
0x2b: {  	s6 =	sld [smem:$0x3FB0]  }
0x2c: {  	s7 =	sld [smem:$0x3FB1]  }
0x2d: {  	s3 =	simm.s32 $0x108;
	s8 =	sld [smem:$0x3FB2]  }
0x2e: {  	s3 =	simm.s32 @!p0 $0x1082;
	s9 =	sld [smem:$0x3FB3]  }
0x2f: {  	lr =	sadd.s32 s0, s3;
	s0 =	sld [smem:$0x3FAA]  }
0x30: {  	s3 =	sld [smem:$0x3FAD]  }
0x31: {  	[smem:$0x3FB6] =	sst s10  }
0x32: {  	s10 =	sld [smem:$0x3FB4];
	_ =	sdelay $0x3  }
0x33: {  	p0 =	seq.s32 s10, $0x1;
	s10 =	sld [smem:$0x3FB6];
	_ =	sdelay $0x3  }
0x34: {  	[smem:$0x3FB6] =	sst s10  }
0x35: {  	s10 =	sld [smem:$0x3FB5];
	_ =	sdelay $0x3  }
0x36: {  	p1 =	seq.s32 s10, $0x1;
	s10 =	sld [smem:$0x3FB6];
	_ =	sdelay $0x3  }
0x37: {  	[smem:$0x3FB6] =	sst s10  }
0x38: {  	s10 =	sld [smem:$0x3FB7]  }
0x39: {  	_ = 	snop;
	(pc) =	sbr.ind lr, $3  }
0x3a: {  	_ = 	snop  }
0x3b: {  	_ = 	snop  }
0x3c: {  	p2 =	seq.s32 s10, $0x1;
	s10 =	sld [smem:$0x3FB6]  }
0x3d: {  	_ =	shalt  }
0x3e: {  	_ =	shalt  }
0x3f: {  	_ =	shalt  }
0x40: {  	_ =	shalt  }
0x41: {  	_ =	shalt  }
0x42: {  	_ =	shalt  }
0x43: {  	_ =	shalt  }
0x44: {  	_ =	shalt  }
0x45: {  	_ =	shalt  }
0x46: {  	_ =	shalt  }
0x47: {  	_ =	shalt  }
0x48: {  	_ =	shalt  }
0x49: {  	_ =	shalt  }
0x4a: {  	_ =	shalt  }
0x4b: {  	_ =	shalt  }
0x4c: {  	_ =	shalt  }
0x4d: {  	_ =	shalt  }
0x4e: {  	_ =	shalt  }
0x4f: {  	_ =	shalt  }
0x50: {  	_ =	shalt  }
0x51: {  	_ =	shalt  }
0x52: {  	_ =	shalt  }
0x53: {  	_ =	shalt  }
0x54: {  	_ =	shalt  }
0x55: {  	_ =	shalt  }
0x56: {  	_ =	shalt  }
0x57: {  	_ =	shalt  }
0x58: {  	_ =	shalt  }
0x59: {  	_ =	shalt  }
0x5a: {  	_ =	shalt  }
0x5b: {  	_ =	shalt  }
0x5c: {  	_ =	shalt  }
0x5d: {  	_ =	shalt  }
0x5e: {  	_ =	shalt  }
0x5f: {  	_ =	shalt  }
0x60: {  	_ =	shalt  }
0x61: {  	_ =	shalt  }
0x62: {  	_ =	shalt  }
0x63: {  	_ =	shalt  }
0x64: {  	_ =	shalt  }
0x65: {  	_ =	shalt  }
0x66: {  	_ =	shalt  }
0x67: {  	_ =	shalt  }
0x68: {  	_ =	shalt  }
0x69: {  	_ =	shalt  }
0x6a: {  	_ =	shalt  }
0x6b: {  	_ =	shalt  }
0x6c: {  	_ =	shalt  }
0x6d: {  	_ =	shalt  }
0x6e: {  	_ =	shalt  }
0x6f: {  	_ =	shalt  }
0x70: {  	_ =	shalt  }
0x71: {  	_ =	shalt  }
0x72: {  	_ =	shalt  }
0x73: {  	_ =	shalt  }
0x74: {  	_ =	shalt  }
0x75: {  	_ =	shalt  }
0x76: {  	_ =	shalt  }
0x77: {  	_ =	shalt  }
0x78: {  	_ =	shalt  }
0x79: {  	_ =	shalt  }
0x7a: {  	_ =	shalt  }
0x7b: {  	_ =	shalt  }
0x7c: {  	_ =	shalt  }
0x7d: {  	_ =	shalt  }
0x7e: {  	_ =	shalt  }
0x7f: {  	_ =	shalt  }
0x80: {  	_ =	shalt  }
0x81: {  	_ =	shalt  }
0x82: {  	_ =	shalt  }
0x83: {  	_ =	shalt  }
0x84: {  	_ =	shalt  }
0x85: {  	_ =	shalt  }
0x86: {  	_ =	shalt  }
0x87: {  	_ =	shalt  }
.Lfunc_end0:
.L_simem_size_0:
called_computation.2_lowered:
.L_overlay_start_0:
0x88: {  	s2 =	sld [smem:$0x3FD9]  }
0x89: {  	s3 =	sld [smem:$0x3FFE];
	_ =	sdelay $0x1  }
0x8a: {  	s1 =	srdreg.scid  }
0x8b: {  	s0 =	sand.u32 $0x1, s1  }
0x8c: {  	s17 =	sshll.u32 s0, $0xA;
	s2 =	sadd.s32 s3, s2  }
0x8d: {  	s2 =	sadd.s32 s2, s17  }
0x8e: {  	[smem:$0x3FC2] =	sst s2  }
0x8f: {  	_ = 	snop  }
0x90: {  	s2 =	sld [smem:$0x3FD0];
	(tm) =	ssettm $0x1  }
0x91: {  	s18 =	sld [smem:$0x3FFB];
	_ =	sdelay $0x3  }
0x92: {  	_ =	strace s18  }
0x93: {  	s3 =	sld [smem:$0x3FFC];
	_ =	sdelay $0x3  }
0x94: {  	_ =	strace s3  }
0x95: {  	s3 =	sld [smem:$0x3FFD];
	_ =	sdelay $0x3  }
0x96: {  	_ =	strace s3  }
0x97: {  	_ =	strace $0x8FFFFFFF  }
0x98: {  	s19 =	sld [smem:$0x3FDB];
	_ =	sdelay $0x1  }
0x99: {  	s4 =	simm.s32 $_scs_section_size  }
0x9a: {  	s5 =	simm.s32 $_size__tile_overlayer_lowered;
	s6 =	simm.s32 $_tile_overlayer_lowered  }
0x9b: {  	s22 =	simm.s32 $0x1BFF;
	s21 =	sshll.u32 s6, $0x1;
	s3 =	sadd.s32 s4, s19  }
0x9c: {  	s7 =	simm.s32 $0x0;
	s20 =	sshll.u32 s5, $0x1;
	s5 =	sadd.s32 s21, s3  }
0x9d: {  	[timem:s7], [sflag:s22] =	dma.local [hbm:s5], s20  }
0x9e: {  	_ =	swait.ge [sflag:s22], s20  }
0x9f: {  	s4 =	ssub.s32 $0x0, s20;
	[sflag:s22] =	ssyncset.done $0x0  }
0xa0: {  	[sflag:s22] =	ssyncadd.s32 s4;
	_ =	sdelay $0x1  }
0xa1: {  	s23 =	simm.s32 $0x1B8B  }
0xa2: {  	_ =	swait.ge [sflag:s23], $0x1  }
0xa3: {  	[sflag:s23] =	ssyncset.done $0x0  }
0xa4: {  	s25 =	simm.s32 $0x1B8E;
	s24 =	sld [smem:$0x3FFE];
	[sflag:s23] =	ssyncadd.s32 $0xFFFFFFFF  }
0xa5: {  	s26 =	simm.s32 $execute0_lowered;
	[smem:$0x3FD2] =	sst s25  }
0xa6: {  	s5 =	sshll.u32 s26, $0x1;
	_ =	strace $0x8000004C;
	[dreg:$0x1] =	wrdreg $0xFFFFFFFF  }
0xa7: {  	s28 =	simm.s32 $_size_execute0_lowered;
	s3 =	sadd.s32 s3, s5;
	[dreg:$0x0] =	wrdreg $0x0  }
0xa8: {  	s5 =	sshll.u32 s28, $0x1;
	[dreg:$0x2] =	wrdreg s3  }
0xa9: {  	[dreg:$0x3] =	wrdreg s5  }
0xaa: {  	[dreg:$0x4] =	wrdreg $0xC0  }
0xab: {  	_ =	task [dreg:s7], $0x5FFFF  }
0xac: {  	[dreg:$0x1] =	wrdreg $0xFFFFFFFF  }
0xad: {  	[dreg:$0x0] =	wrdreg $0x60  }
0xae: {  	[dreg:$0x2] =	wrdreg s2  }
0xaf: {  	[dreg:$0x3] =	wrdreg s24  }
0xb0: {  	[dreg:$0x4] =	wrdreg $0x54000  }
0xb1: {  	[dreg:$0x5] =	wrdreg $0x56800  }
0xb2: {  	[dreg:$0x6] =	wrdreg $0x9  }
0xb3: {  	_ =	task.clear_ibuf [dreg:s7], $0x7FFFF;
	_ =	strace $0x9000004C  }
0xb4: {  	s29 =	simm.s32 $0x9;
	_ =	strace $0x8000004E  }
0xb5: {  	_ =	swait.ge [sflag:s29], $0x1  }
0xb6: {  	[sflag:s29] =	ssyncadd.s32 $0xFFFFFFFF  }
0xb7: {  	_ =	strace $0x9000004E  }
0xb8: {  	_ =	sfence  }
0xb9: {  	s30 =	sld [smem:$0x0];
	_ =	sdelay $0x2  }
0xba: {  	s31 =	sshll.u32 s1, $0xD;
	s1 =	sshrl.u32 s1, $0x2  }
0xbb: {  	s3 =	sand.u32 $0x4000, s31;
	s1 =	sadd.s32 s1, s30  }
0xbc: {  	s0 =	sor.u32 s3, s0;
	s1 =	sshll.u32 s1, $0x11  }
0xbd: {  	s0 =	sor.u32 s1, s0  }
0xbe: {  	s0 =	sadd.s32 $0x8F2B, s0  }
0xbf: {  	[sflag:s0] =	ssyncadd.remote.s32 $0x1  }
0xc0: {  	_ =	sfence.sel $0xFFFF  }
0xc1: {  	[dreg:$0x0] =	wrdreg $0xFFFFFFFF;
	(pc) =	sbr.abs _section_cstart, $3  }
0xc2: {  	[dreg:$0x1] =	wrdreg $0xFFFFFFFF  }
0xc3: {  	_ =	task.clear_ibuf [dreg:s7], $0x2FFFF;
	_ =	strace $0x9FFFFFFF  }
0xc4: {  	(tm) =	ssettm $0x7FFFFFFF  }
0xc5: {  	_ =	shalt  }
tec
execute0_lowered:
.L_overlay_start_1:
0x0: {  	(tag) =	ssettag $0x1  }
0x1: {  	s0 =	rddreg [dreg:$0x0]  }
0x2: {  	s1 =	rddreg [dreg:$0x1];
	s3 =	srdreg.scid  }
0x3: {  	s9 =	stileid.u32;
	s2 =	rddreg [dreg:$0x2]  }
0x4: {  	s6 =	simm.s32 $0x0;
	s29 =	simm.s32 $0x5180;
	s31 =	simm.s32 $0x5200  }
0x5: {  	s30 =	simm.s32 $0x5300;
	s28 =	simm.s32 $0x5380;
	s11 =	simm.s32 $0xB  }
0x6: {  	s14 =	simm.s32 $0xC;
	s15 =	simm.s32 $0x7;
	s12 =	simm.s32 $0xE  }
0x7: {  	s16 =	simm.s32 $0x0;
	s4 =	sand.u32 $0x1, s3;
	s3 =	rddreg [dreg:$0x3]  }
0x8: {  	s5 =	sshll.u32 s9, $0x1;
	[smem:$0x7FF] =	sst s6;
	s7 =	smul.u32 $0xA00, s9  }
0x9: {  	s21 =	smul.u32 $0x280, s9;
	s26 =	sshll.u32 s9, $0x6;
	s5 =	sor.u32 s4, s5  }
0xa: {  	s17 =	ssub.s32 $0x2, s4;
	_ =	strace $0x8000004D;
	p0 =	seq.s32 s4, $0x0  }
0xb: {  	s13 =	sor.u32 $0x1C11, s26;
	s26 =	simm.s32 $0x5100;
	s5 =	smul.u32 $0x500, s5  }
0xc: {  	s8 =	sshrl.u32 s17, $0x1;
	s7 =	sshrl.u32 s7, $0x2;
	s10 =	sadd.s32 s21, s2  }
0xd: {  	s23 =	sshrl.u32 s21, $0x3;
	s24 =	sadd.s32 s21, s3;
	s21 =	simm.s32 $0xF  }
0xe: {  	[dreg:$0x12] =	wrdreg s13;
	s6 =	ssub.s32 s17, s8;
	s7 =	sadd.s32 s7, s2  }
0xf: {  	s0 =	sadd.s32 s0, s23;
	[dreg:$0xc] =	wrdreg s10;
	s8 =	simm.s32 $0x4  }
0x10: {  	s17 =	simm.s32 $0x6;
	s5 =	sadd.s32 s5, s1;
	[dreg:$0x7] =	wrdreg s7  }
0x11: {  	s19 =	sadd.s32 $0x80, s7;
	s20 =	sadd.s32 $0x100, s7;
	[dreg:$0xd] =	wrdreg s0  }
0x12: {  	s22 =	sadd.s32 $0x180, s7;
	s7 =	sadd.s32 $0x200, s7;
	[dreg:$0x8] =	wrdreg s19  }
0x13: {  	s25 =	smax.u32 s6, $0x1;
	s0 =	sshrl.u32 s24, $0x3;
	[dreg:$0x9] =	wrdreg s20  }
0x14: {  	s24 =	simm.s32 $0x5080;
	s6 =	simm.s32 $0x9;
	[dreg:$0xa] =	wrdreg s22  }
0x15: {  	s18 =	sadd.s32 $0x3C00, s5;
	s5 =	sadd.s32 $0xDC00, s5;
	[dreg:$0xb] =	wrdreg s7  }
0x16: {  	s7 =	simm.s32 $0x17C00;
	[dreg:$0xe] =	wrdreg s25;
	s20 =	simm.s32 $0x11  }
0x17: {  	[dreg:$0x13] =	wrdreg s0;
	s22 =	simm.s32 $0x80;
	s0 =	simm.s32 $0x5280  }
0x18: {  	s25 =	simm.s32 $0x1;
	[dreg:$0x5] =	wrdreg s18;
	s7 =	simm.s32 @!p0 $0x18200  }
0x19: {  	s19 =	simm.s32 $0x8;
	[dreg:$0x6] =	wrdreg s5;
	s1 =	sadd.s32 s7, s1  }
0x1a: {  	p0 =	sne.s32 s4, $0x0;
	s5 =	simm.s32 $0x3;
	s1 =	sadd.s32 s1, s23  }
0x1b: {  	s18 =	simm.s32 $0xD;
	[dreg:$0xf] =	wrdreg s1;
	s1 =	sshll.u32 @!p0 s9, $0x6  }
0x1c: {  	s7 =	simm.s32 $0x10;
	s23 =	simm.s32 $0x5000;
	s1 =	sor.u32 @!p0 $0x1C11, s1  }
0x1d: {  	s9 =	simm.s32 $0xA;
	[dreg:$0x10] =	wrdreg s1;
	s1 =	sshrl.u32 @!p0 s10, $0x3  }
0x1e: {  	v0 =	vimm.f32 $0.0e+00;
	s10 =	simm.s32 $0x5;
	[dreg:$0x11] =	wrdreg s1;
	s1 =	simm.s32 $0x2  }
.LBB2_1:
0x1f: {  	[dreg:$0x14] =	wrdreg s16  }
0x20: {  	s4 =	simm.s32 $0x0;
	s13 =	rddreg [dreg:$0x5]  }
0x21: {  	[tilespmem:s4], [sflag:$0x11] =	stream.linear.gather [hbm4b:s13+s4], $0x2800, $0x38;
	[tilespmem:$0x5900] =	vst v63  }
0x22: {  	_ =	swait.ge [sflag:s20], $0x2800  }
0x23: {  	s16 =	simm.s32 $0x0;
	[sflag:s20] =	ssyncset.done $0x0  }
0x24: {  	s4 =	simm.s32 $0x2800;
	s13 =	rddreg [dreg:$0x6];
	[sflag:s20] =	ssyncadd.s32 $0xFFFFD800  }
0x25: {  	[tilespmem:s4], [sflag:$0x11] =	stream.linear.gather [hbm4b:s13+s16], $0x2800, $0x38;
	[tilespmem:$0x5900] =	vst v63  }
0x26: {  	_ =	swait.ge [sflag:s20], $0x2800  }
0x27: {  	[sflag:s20] =	ssyncset.done $0x0  }
0x28: {  	[sflag:s20] =	ssyncadd.s32 $0xFFFFD800  }
0x29: {  	[tilespmem:$0x5000] =	vst v0  }
0x2a: {  	[tilespmem:$0x5010] =	vst v0  }
0x2b: {  	[tilespmem:$0x5020] =	vst v0  }
0x2c: {  	[tilespmem:$0x5030] =	vst v0  }
0x2d: {  	[tilespmem:$0x5040] =	vst v0  }
0x2e: {  	[tilespmem:$0x5050] =	vst v0  }
0x2f: {  	[tilespmem:$0x5060] =	vst v0  }
0x30: {  	s13 =	simm.s32 @p0 $0x5000;
	s20 =	rddreg [dreg:$0x7];
	[tilespmem:$0x5070] =	vst v0  }
0x31: {  	[spmem:s20] =	stream.linear.scatter @p0 [tilespmem:s13], [sflag:$0x11], $0x80, $0x38;
	[tilespmem:$0x5900] =	vst v63  }
0x32: {  	s20 =	simm.s32 @p0 $0x11  }
0x33: {  	_ =	swait.ge @p0 [sflag:s20], $0x80  }
0x34: {  	[sflag:s20] =	ssyncset.done @p0 $0x0  }
0x35: {  	s4 =	rddreg [dreg:$0x8];
	[sflag:s20] =	ssyncadd.s32 @p0 $0xFFFFFF80  }
0x36: {  	[spmem:s4] =	stream.linear.scatter @p0 [tilespmem:s13], [sflag:$0x11], $0x80, $0x38;
	[tilespmem:$0x5900] =	vst v63  }
0x37: {  	_ =	swait.ge @p0 [sflag:s20], $0x80  }
0x38: {  	[sflag:s20] =	ssyncset.done @p0 $0x0  }
0x39: {  	s4 =	rddreg [dreg:$0x9];
	[sflag:s20] =	ssyncadd.s32 @p0 $0xFFFFFF80  }
0x3a: {  	[spmem:s4] =	stream.linear.scatter @p0 [tilespmem:s13], [sflag:$0x11], $0x80, $0x38;
	[tilespmem:$0x5900] =	vst v63  }
0x3b: {  	_ =	swait.ge @p0 [sflag:s20], $0x80  }
0x3c: {  	[sflag:s20] =	ssyncset.done @p0 $0x0  }
0x3d: {  	s4 =	rddreg [dreg:$0xa];
	[sflag:s20] =	ssyncadd.s32 @p0 $0xFFFFFF80  }
0x3e: {  	[spmem:s4] =	stream.linear.scatter @p0 [tilespmem:s13], [sflag:$0x11], $0x80, $0x38;
	[tilespmem:$0x5900] =	vst v63  }
0x3f: {  	_ =	swait.ge @p0 [sflag:s20], $0x80  }
0x40: {  	[sflag:s20] =	ssyncset.done @p0 $0x0  }
0x41: {  	s4 =	rddreg [dreg:$0xb];
	[sflag:s20] =	ssyncadd.s32 @p0 $0xFFFFFF80  }
0x42: {  	[spmem:s4] =	stream.linear.scatter @p0 [tilespmem:s13], [sflag:$0x11], $0x80, $0x38;
	[tilespmem:$0x5900] =	vst v63  }
0x43: {  	_ =	swait.ge @p0 [sflag:s20], $0x80  }
0x44: {  	s4 =	rddreg [dreg:$0xd]  }
0x45: {  	[sflag:s20] =	ssyncset.done @p0 $0x0;
	s13 =	rddreg [dreg:$0x10]  }
0x46: {  	[sflag:s20] =	ssyncadd.s32 @p0 $0xFFFFFF80;
	s20 =	rddreg [dreg:$0x11]  }
0x47: {  	[spmem:s20], [sflag:s13] =	dma.local @!p0 [hbm:s4], $0x50  }
0x48: {  	s13 =	simm.s32 @!p0 $0x11  }
0x49: {  	_ =	swait.ge @!p0 [sflag:s13], $0x50  }
0x4a: {  	[sflag:s13] =	ssyncset.done @!p0 $0x0;
	s20 =	rddreg [dreg:$0x12]  }
0x4b: {  	[sflag:s13] =	ssyncadd.s32 @!p0 $0xFFFFFFB0;
	s13 =	rddreg [dreg:$0x13]  }
0x4c: {  	[spmem:s13], [sflag:s20] =	dma.local [hbm:s4], $0x50  }
0x4d: {  	s13 =	simm.s32 $0x11  }
0x4e: {  	_ =	swait.ge [sflag:s13], $0x50  }
0x4f: {  	[sflag:s13] =	ssyncset.done $0x0  }
0x50: {  	[sflag:s13] =	ssyncadd.s32 $0xFFFFFFB0  }
0x51: {  	s16 =	simm.s32 $0x0;
	[bflag:$0x0] =	sbarrier.arrive $0xFFFF  }
0x52: {  	[tilespmem:s23], [sflag:$0x1] =	stream.indirect.gather [spmem:s3], $0x1, s16, s22, $0xb8;
	[tilespmem:$0x5900] =	vst v63  }
0x53: {  	_ = 	snop  }
0x54: {  	[tilespmem:s24], [sflag:$0x2] =	stream.indirect.gather [spmem:s3], $0x1, s22, s22, $0xb8;
	[tilespmem:$0x5900] =	vst v63  }
0x55: {  	s16 =	simm.s32 $0x100  }
0x56: {  	[tilespmem:s26], [sflag:$0x3] =	stream.indirect.gather [spmem:s3], $0x1, s16, s22, $0xb8;
	[tilespmem:$0x5900] =	vst v63  }
0x57: {  	s20 =	simm.s32 $0x180  }
0x58: {  	[tilespmem:s29], [sflag:$0x4] =	stream.indirect.gather [spmem:s3], $0x1, s20, s22, $0xb8;
	[tilespmem:$0x5900] =	vst v63  }
0x59: {  	s13 =	simm.s32 $0x200  }
0x5a: {  	[tilespmem:s31], [sflag:$0x5] =	stream.indirect.gather [spmem:s3], $0x1, s13, s22, $0xb8;
	[tilespmem:$0x5900] =	vst v63  }
0x5b: {  	s16 =	simm.s32 $0x280  }
0x5c: {  	[tilespmem:s0], [sflag:$0x6] =	stream.indirect.gather [spmem:s3], $0x1, s16, s22, $0xb8;
	[tilespmem:$0x5900] =	vst v63  }
0x5d: {  	_ =	swait.ge [sflag:s25], $0x80  }
0x5e: {  	[sflag:s25] =	ssyncset.done $0x0  }
0x5f: {  	s20 =	simm.s32 $0x2800;
	[sflag:s25] =	ssyncadd.s32 $0xFFFFFF80  }
0x60: {  	[spmem:s2] =	stream.indirect.scatter.add.f32 [tilespmem:s23], [sflag:$0x9], $0x1, s20, s22, $0xb8;
	[tilespmem:$0x5900] =	vst v63  }
0x61: {  	s13 =	simm.s32 $0x300  }
0x62: {  	[tilespmem:s30], [sflag:$0x7] =	stream.indirect.gather [spmem:s3], $0x1, s13, s22, $0xb8;
	[tilespmem:$0x5900] =	vst v63  }
0x63: {  	_ =	swait.ge [sflag:s1], $0x80  }
0x64: {  	[sflag:s1] =	ssyncset.done $0x0  }
0x65: {  	s16 =	simm.s32 $0x2880;
	[sflag:s1] =	ssyncadd.s32 $0xFFFFFF80  }
0x66: {  	[spmem:s2] =	stream.indirect.scatter.add.f32 [tilespmem:s24], [sflag:$0xA], $0x1, s16, s22, $0xb8;
	[tilespmem:$0x5900] =	vst v63  }
0x67: {  	s20 =	simm.s32 $0x380  }
0x68: {  	[tilespmem:s28], [sflag:$0x8] =	stream.indirect.gather [spmem:s3], $0x1, s20, s22, $0xb8;
	[tilespmem:$0x5900] =	vst v63  }
0x69: {  	_ =	swait.ge [sflag:s5], $0x80  }
0x6a: {  	[sflag:s5] =	ssyncset.done $0x0  }
0x6b: {  	s13 =	simm.s32 $0x2900;
	[sflag:s5] =	ssyncadd.s32 $0xFFFFFF80  }
0x6c: {  	[spmem:s2] =	stream.indirect.scatter.add.f32 [tilespmem:s26], [sflag:$0xB], $0x1, s13, s22, $0xb8;
	[tilespmem:$0x5900] =	vst v63  }
0x6d: {  	_ =	swait.ge [sflag:s6], $0x80  }
0x6e: {  	[sflag:s6] =	ssyncset.done $0x0  }
0x6f: {  	s16 =	simm.s32 $0x400;
	[sflag:s6] =	ssyncadd.s32 $0xFFFFFF80  }
0x70: {  	[tilespmem:s23], [sflag:$0x1] =	stream.indirect.gather [spmem:s3], $0x1, s16, s22, $0xb8;
	[tilespmem:$0x5900] =	vst v63  }
0x71: {  	_ =	swait.ge [sflag:s8], $0x80  }
0x72: {  	[sflag:s8] =	ssyncset.done $0x0  }
0x73: {  	s20 =	simm.s32 $0x2980;
	[sflag:s8] =	ssyncadd.s32 $0xFFFFFF80  }
0x74: {  	[spmem:s2] =	stream.indirect.scatter.add.f32 [tilespmem:s29], [sflag:$0xC], $0x1, s20, s22, $0xb8;
	[tilespmem:$0x5900] =	vst v63  }
0x75: {  	_ =	swait.ge [sflag:s9], $0x80  }
0x76: {  	[sflag:s9] =	ssyncset.done $0x0  }
0x77: {  	s13 =	simm.s32 $0x480;
	[sflag:s9] =	ssyncadd.s32 $0xFFFFFF80  }
0x78: {  	[tilespmem:s24], [sflag:$0x2] =	stream.indirect.gather [spmem:s3], $0x1, s13, s22, $0xb8;
	[tilespmem:$0x5900] =	vst v63  }
0x79: {  	_ =	swait.ge [sflag:s10], $0x80  }
0x7a: {  	[sflag:s10] =	ssyncset.done $0x0  }
0x7b: {  	s16 =	simm.s32 $0x2A00;
	[sflag:s10] =	ssyncadd.s32 $0xFFFFFF80  }
0x7c: {  	[spmem:s2] =	stream.indirect.scatter.add.f32 [tilespmem:s31], [sflag:$0xD], $0x1, s16, s22, $0xb8;
	[tilespmem:$0x5900] =	vst v63  }
0x7d: {  	_ =	swait.ge [sflag:s11], $0x80  }
0x7e: {  	[sflag:s11] =	ssyncset.done $0x0  }
0x7f: {  	s20 =	simm.s32 $0x500;
	[sflag:s11] =	ssyncadd.s32 $0xFFFFFF80  }
0x80: {  	[tilespmem:s26], [sflag:$0x3] =	stream.indirect.gather [spmem:s3], $0x1, s20, s22, $0xb8;
	[tilespmem:$0x5900] =	vst v63  }
0x81: {  	_ =	swait.ge [sflag:s17], $0x80  }
0x82: {  	[sflag:s17] =	ssyncset.done $0x0  }
0x83: {  	s13 =	simm.s32 $0x2A80;
	[sflag:s17] =	ssyncadd.s32 $0xFFFFFF80  }
0x84: {  	[spmem:s2] =	stream.indirect.scatter.add.f32 [tilespmem:s0], [sflag:$0xE], $0x1, s13, s22, $0xb8;
	[tilespmem:$0x5900] =	vst v63  }
0x85: {  	_ =	swait.ge [sflag:s14], $0x80  }
0x86: {  	[sflag:s14] =	ssyncset.done $0x0  }
0x87: {  	s16 =	simm.s32 $0x580;
	[sflag:s14] =	ssyncadd.s32 $0xFFFFFF80  }
0x88: {  	[tilespmem:s29], [sflag:$0x4] =	stream.indirect.gather [spmem:s3], $0x1, s16, s22, $0xb8;
	[tilespmem:$0x5900] =	vst v63  }
0x89: {  	_ =	swait.ge [sflag:s15], $0x80  }
0x8a: {  	[sflag:s15] =	ssyncset.done $0x0  }
0x8b: {  	s20 =	simm.s32 $0x2B00;
	[sflag:s15] =	ssyncadd.s32 $0xFFFFFF80  }
0x8c: {  	[spmem:s2] =	stream.indirect.scatter.add.f32 [tilespmem:s30], [sflag:$0xF], $0x1, s20, s22, $0xb8;
	[tilespmem:$0x5900] =	vst v63  }
0x8d: {  	_ =	swait.ge [sflag:s18], $0x80  }
0x8e: {  	[sflag:s18] =	ssyncset.done $0x0  }
0x8f: {  	s13 =	simm.s32 $0x600;
	[sflag:s18] =	ssyncadd.s32 $0xFFFFFF80  }
0x90: {  	[tilespmem:s31], [sflag:$0x5] =	stream.indirect.gather [spmem:s3], $0x1, s13, s22, $0xb8;
	[tilespmem:$0x5900] =	vst v63  }
0x91: {  	_ =	swait.ge [sflag:s19], $0x80  }
0x92: {  	[sflag:s19] =	ssyncset.done $0x0  }
0x93: {  	s16 =	simm.s32 $0x2B80;
	[sflag:s19] =	ssyncadd.s32 $0xFFFFFF80  }
0x94: {  	[spmem:s2] =	stream.indirect.scatter.add.f32 [tilespmem:s28], [sflag:$0x10], $0x1, s16, s22, $0xb8;
	[tilespmem:$0x5900] =	vst v63  }
0x95: {  	_ =	swait.ge [sflag:s12], $0x80  }
0x96: {  	[sflag:s12] =	ssyncset.done $0x0  }
0x97: {  	s20 =	simm.s32 $0x680;
	[sflag:s12] =	ssyncadd.s32 $0xFFFFFF80  }
0x98: {  	[tilespmem:s0], [sflag:$0x6] =	stream.indirect.gather [spmem:s3], $0x1, s20, s22, $0xb8;
	[tilespmem:$0x5900] =	vst v63  }
0x99: {  	_ =	swait.ge [sflag:s25], $0x80  }
0x9a: {  	[sflag:s25] =	ssyncset.done $0x0  }
0x9b: {  	s4 =	simm.s32 $0x2C00;
	[sflag:s25] =	ssyncadd.s32 $0xFFFFFF80  }
0x9c: {  	[spmem:s2] =	stream.indirect.scatter.add.f32 [tilespmem:s23], [sflag:$0x9], $0x1, s4, s22, $0xb8;
	[tilespmem:$0x5900] =	vst v63  }
0x9d: {  	_ =	swait.ge [sflag:s21], $0x80  }
0x9e: {  	[sflag:s21] =	ssyncset.done $0x0  }
0x9f: {  	s16 =	simm.s32 $0x700;
	[sflag:s21] =	ssyncadd.s32 $0xFFFFFF80  }
0xa0: {  	[tilespmem:s30], [sflag:$0x7] =	stream.indirect.gather [spmem:s3], $0x1, s16, s22, $0xb8;
	[tilespmem:$0x5900] =	vst v63  }
0xa1: {  	_ =	swait.ge [sflag:s1], $0x80  }
0xa2: {  	[sflag:s1] =	ssyncset.done $0x0  }
0xa3: {  	s20 =	simm.s32 $0x2C80;
	[sflag:s1] =	ssyncadd.s32 $0xFFFFFF80  }
0xa4: {  	[spmem:s2] =	stream.indirect.scatter.add.f32 [tilespmem:s24], [sflag:$0xA], $0x1, s20, s22, $0xb8;
	[tilespmem:$0x5900] =	vst v63  }
0xa5: {  	_ =	swait.ge [sflag:s7], $0x80  }
0xa6: {  	[sflag:s7] =	ssyncset.done $0x0  }
0xa7: {  	s4 =	simm.s32 $0x780;
	[sflag:s7] =	ssyncadd.s32 $0xFFFFFF80  }
0xa8: {  	[tilespmem:s28], [sflag:$0x8] =	stream.indirect.gather [spmem:s3], $0x1, s4, s22, $0xb8;
	[tilespmem:$0x5900] =	vst v63  }
0xa9: {  	_ =	swait.ge [sflag:s5], $0x80  }
0xaa: {  	[sflag:s5] =	ssyncset.done $0x0  }
0xab: {  	s16 =	simm.s32 $0x2D00;
	[sflag:s5] =	ssyncadd.s32 $0xFFFFFF80  }
0xac: {  	[spmem:s2] =	stream.indirect.scatter.add.f32 [tilespmem:s26], [sflag:$0xB], $0x1, s16, s22, $0xb8;
	[tilespmem:$0x5900] =	vst v63  }
0xad: {  	_ =	swait.ge [sflag:s6], $0x80  }
0xae: {  	[sflag:s6] =	ssyncset.done $0x0  }
0xaf: {  	s20 =	simm.s32 $0x800;
	[sflag:s6] =	ssyncadd.s32 $0xFFFFFF80  }
0xb0: {  	[tilespmem:s23], [sflag:$0x1] =	stream.indirect.gather [spmem:s3], $0x1, s20, s22, $0xb8;
	[tilespmem:$0x5900] =	vst v63  }
0xb1: {  	_ =	swait.ge [sflag:s8], $0x80  }
0xb2: {  	[sflag:s8] =	ssyncset.done $0x0  }
0xb3: {  	s4 =	simm.s32 $0x2D80;
	[sflag:s8] =	ssyncadd.s32 $0xFFFFFF80  }
0xb4: {  	[spmem:s2] =	stream.indirect.scatter.add.f32 [tilespmem:s29], [sflag:$0xC], $0x1, s4, s22, $0xb8;
	[tilespmem:$0x5900] =	vst v63  }
0xb5: {  	_ =	swait.ge [sflag:s9], $0x80  }
0xb6: {  	[sflag:s9] =	ssyncset.done $0x0  }
0xb7: {  	s16 =	simm.s32 $0x880;
	[sflag:s9] =	ssyncadd.s32 $0xFFFFFF80  }
0xb8: {  	[tilespmem:s24], [sflag:$0x2] =	stream.indirect.gather [spmem:s3], $0x1, s16, s22, $0xb8;
	[tilespmem:$0x5900] =	vst v63  }
0xb9: {  	_ =	swait.ge [sflag:s10], $0x80  }
0xba: {  	[sflag:s10] =	ssyncset.done $0x0  }
0xbb: {  	s20 =	simm.s32 $0x2E00;
	[sflag:s10] =	ssyncadd.s32 $0xFFFFFF80  }
0xbc: {  	[spmem:s2] =	stream.indirect.scatter.add.f32 [tilespmem:s31], [sflag:$0xD], $0x1, s20, s22, $0xb8;
	[tilespmem:$0x5900] =	vst v63  }
0xbd: {  	_ =	swait.ge [sflag:s11], $0x80  }
0xbe: {  	[sflag:s11] =	ssyncset.done $0x0  }
0xbf: {  	s4 =	simm.s32 $0x900;
	[sflag:s11] =	ssyncadd.s32 $0xFFFFFF80  }
0xc0: {  	[tilespmem:s26], [sflag:$0x3] =	stream.indirect.gather [spmem:s3], $0x1, s4, s22, $0xb8;
	[tilespmem:$0x5900] =	vst v63  }
0xc1: {  	_ =	swait.ge [sflag:s17], $0x80  }
0xc2: {  	[sflag:s17] =	ssyncset.done $0x0  }
0xc3: {  	s16 =	simm.s32 $0x2E80;
	[sflag:s17] =	ssyncadd.s32 $0xFFFFFF80  }
0xc4: {  	[spmem:s2] =	stream.indirect.scatter.add.f32 [tilespmem:s0], [sflag:$0xE], $0x1, s16, s22, $0xb8;
	[tilespmem:$0x5900] =	vst v63  }
0xc5: {  	_ =	swait.ge [sflag:s14], $0x80  }
0xc6: {  	[sflag:s14] =	ssyncset.done $0x0  }
0xc7: {  	s20 =	simm.s32 $0x980;
	[sflag:s14] =	ssyncadd.s32 $0xFFFFFF80  }
0xc8: {  	[tilespmem:s29], [sflag:$0x4] =	stream.indirect.gather [spmem:s3], $0x1, s20, s22, $0xb8;
	[tilespmem:$0x5900] =	vst v63  }
0xc9: {  	_ =	swait.ge [sflag:s15], $0x80  }
0xca: {  	[sflag:s15] =	ssyncset.done $0x0  }
0xcb: {  	s4 =	simm.s32 $0x2F00;
	[sflag:s15] =	ssyncadd.s32 $0xFFFFFF80  }
0xcc: {  	[spmem:s2] =	stream.indirect.scatter.add.f32 [tilespmem:s30], [sflag:$0xF], $0x1, s4, s22, $0xb8;
	[tilespmem:$0x5900] =	vst v63  }
0xcd: {  	_ =	swait.ge [sflag:s18], $0x80  }
0xce: {  	[sflag:s18] =	ssyncset.done $0x0  }
0xcf: {  	s16 =	simm.s32 $0xA00;
	[sflag:s18] =	ssyncadd.s32 $0xFFFFFF80  }
0xd0: {  	[tilespmem:s31], [sflag:$0x5] =	stream.indirect.gather [spmem:s3], $0x1, s16, s22, $0xb8;
	[tilespmem:$0x5900] =	vst v63  }
0xd1: {  	_ =	swait.ge [sflag:s19], $0x80  }
0xd2: {  	[sflag:s19] =	ssyncset.done $0x0  }
0xd3: {  	s20 =	simm.s32 $0x2F80;
	[sflag:s19] =	ssyncadd.s32 $0xFFFFFF80  }
0xd4: {  	[spmem:s2] =	stream.indirect.scatter.add.f32 [tilespmem:s28], [sflag:$0x10], $0x1, s20, s22, $0xb8;
	[tilespmem:$0x5900] =	vst v63  }
0xd5: {  	_ =	swait.ge [sflag:s12], $0x80  }
0xd6: {  	[sflag:s12] =	ssyncset.done $0x0  }
0xd7: {  	s13 =	simm.s32 $0x1000;
	s20 =	simm.s32 $0xA80;
	[sflag:s12] =	ssyncadd.s32 $0xFFFFFF80  }
.LBB2_2:
0xd8: {  	[tilespmem:s0], [sflag:$0x6] =	stream.indirect.gather [spmem:s3], $0x1, s20, s22, $0xb8;
	[tilespmem:$0x5900] =	vst v63  }
0xd9: {  	s20 =	smov.u32 s13  }
0xda: {  	p1 =	sne.s32 s13, $0x7000;
	s13 =	sadd.s32 $0x1000, s13;
	_ =	swait.ge [sflag:s25], $0x80  }
0xdb: {  	s20 =	sshra.s32 s20, $0x2;
	[sflag:s25] =	ssyncset.done $0x0  }
0xdc: {  	s16 =	sadd.s32 $0x2C00, s20;
	[sflag:s25] =	ssyncadd.s32 $0xFFFFFF80  }
0xdd: {  	[spmem:s2] =	stream.indirect.scatter.add.f32 [tilespmem:s23], [sflag:$0x9], $0x1, s16, s22, $0xb8;
	[tilespmem:$0x5900] =	vst v63  }
0xde: {  	_ =	swait.ge [sflag:s21], $0x80  }
0xdf: {  	[sflag:s21] =	ssyncset.done $0x0  }
0xe0: {  	s16 =	sadd.s32 $0x700, s20;
	[sflag:s21] =	ssyncadd.s32 $0xFFFFFF80  }
0xe1: {  	[tilespmem:s30], [sflag:$0x7] =	stream.indirect.gather [spmem:s3], $0x1, s16, s22, $0xb8;
	[tilespmem:$0x5900] =	vst v63  }
0xe2: {  	_ =	swait.ge [sflag:s1], $0x80  }
0xe3: {  	[sflag:s1] =	ssyncset.done $0x0  }
0xe4: {  	s16 =	sadd.s32 $0x2C80, s20;
	[sflag:s1] =	ssyncadd.s32 $0xFFFFFF80  }
0xe5: {  	[spmem:s2] =	stream.indirect.scatter.add.f32 [tilespmem:s24], [sflag:$0xA], $0x1, s16, s22, $0xb8;
	[tilespmem:$0x5900] =	vst v63  }
0xe6: {  	_ =	swait.ge [sflag:s7], $0x80  }
0xe7: {  	[sflag:s7] =	ssyncset.done $0x0  }
0xe8: {  	s16 =	sadd.s32 $0x780, s20;
	[sflag:s7] =	ssyncadd.s32 $0xFFFFFF80  }
0xe9: {  	[tilespmem:s28], [sflag:$0x8] =	stream.indirect.gather [spmem:s3], $0x1, s16, s22, $0xb8;
	[tilespmem:$0x5900] =	vst v63  }
0xea: {  	_ =	swait.ge [sflag:s5], $0x80  }
0xeb: {  	[sflag:s5] =	ssyncset.done $0x0  }
0xec: {  	s16 =	sadd.s32 $0x2D00, s20;
	[sflag:s5] =	ssyncadd.s32 $0xFFFFFF80  }
0xed: {  	[spmem:s2] =	stream.indirect.scatter.add.f32 [tilespmem:s26], [sflag:$0xB], $0x1, s16, s22, $0xb8;
	[tilespmem:$0x5900] =	vst v63  }
0xee: {  	_ =	swait.ge [sflag:s6], $0x80  }
0xef: {  	[sflag:s6] =	ssyncset.done $0x0  }
0xf0: {  	s16 =	sadd.s32 $0x800, s20;
	[sflag:s6] =	ssyncadd.s32 $0xFFFFFF80  }
0xf1: {  	[tilespmem:s23], [sflag:$0x1] =	stream.indirect.gather [spmem:s3], $0x1, s16, s22, $0xb8;
	[tilespmem:$0x5900] =	vst v63  }
0xf2: {  	_ =	swait.ge [sflag:s8], $0x80  }
0xf3: {  	[sflag:s8] =	ssyncset.done $0x0  }
0xf4: {  	s16 =	sadd.s32 $0x2D80, s20;
	[sflag:s8] =	ssyncadd.s32 $0xFFFFFF80  }
0xf5: {  	[spmem:s2] =	stream.indirect.scatter.add.f32 [tilespmem:s29], [sflag:$0xC], $0x1, s16, s22, $0xb8;
	[tilespmem:$0x5900] =	vst v63  }
0xf6: {  	_ =	swait.ge [sflag:s9], $0x80  }
0xf7: {  	[sflag:s9] =	ssyncset.done $0x0  }
0xf8: {  	s16 =	sadd.s32 $0x880, s20;
	[sflag:s9] =	ssyncadd.s32 $0xFFFFFF80  }
0xf9: {  	[tilespmem:s24], [sflag:$0x2] =	stream.indirect.gather [spmem:s3], $0x1, s16, s22, $0xb8;
	[tilespmem:$0x5900] =	vst v63  }
0xfa: {  	_ =	swait.ge [sflag:s10], $0x80  }
0xfb: {  	[sflag:s10] =	ssyncset.done $0x0  }
0xfc: {  	s16 =	sadd.s32 $0x2E00, s20;
	[sflag:s10] =	ssyncadd.s32 $0xFFFFFF80  }
0xfd: {  	[spmem:s2] =	stream.indirect.scatter.add.f32 [tilespmem:s31], [sflag:$0xD], $0x1, s16, s22, $0xb8;
	[tilespmem:$0x5900] =	vst v63  }
0xfe: {  	_ =	swait.ge [sflag:s11], $0x80  }
0xff: {  	[sflag:s11] =	ssyncset.done $0x0  }
0x100: {  	s16 =	sadd.s32 $0x900, s20;
	[sflag:s11] =	ssyncadd.s32 $0xFFFFFF80  }
0x101: {  	[tilespmem:s26], [sflag:$0x3] =	stream.indirect.gather [spmem:s3], $0x1, s16, s22, $0xb8;
	[tilespmem:$0x5900] =	vst v63  }
0x102: {  	_ =	swait.ge [sflag:s17], $0x80  }
0x103: {  	[sflag:s17] =	ssyncset.done $0x0  }
0x104: {  	s16 =	sadd.s32 $0x2E80, s20;
	[sflag:s17] =	ssyncadd.s32 $0xFFFFFF80  }
0x105: {  	[spmem:s2] =	stream.indirect.scatter.add.f32 [tilespmem:s0], [sflag:$0xE], $0x1, s16, s22, $0xb8;
	[tilespmem:$0x5900] =	vst v63  }
0x106: {  	_ =	swait.ge [sflag:s14], $0x80  }
0x107: {  	[sflag:s14] =	ssyncset.done $0x0  }
0x108: {  	s16 =	sadd.s32 $0x980, s20;
	[sflag:s14] =	ssyncadd.s32 $0xFFFFFF80  }
0x109: {  	[tilespmem:s29], [sflag:$0x4] =	stream.indirect.gather [spmem:s3], $0x1, s16, s22, $0xb8;
	[tilespmem:$0x5900] =	vst v63  }
0x10a: {  	_ =	swait.ge [sflag:s15], $0x80  }
0x10b: {  	[sflag:s15] =	ssyncset.done $0x0  }
0x10c: {  	s16 =	sadd.s32 $0x2F00, s20;
	[sflag:s15] =	ssyncadd.s32 $0xFFFFFF80  }
0x10d: {  	[spmem:s2] =	stream.indirect.scatter.add.f32 [tilespmem:s30], [sflag:$0xF], $0x1, s16, s22, $0xb8;
	[tilespmem:$0x5900] =	vst v63  }
0x10e: {  	_ =	swait.ge [sflag:s18], $0x80  }
0x10f: {  	[sflag:s18] =	ssyncset.done $0x0  }
0x110: {  	s16 =	sadd.s32 $0xA00, s20;
	[sflag:s18] =	ssyncadd.s32 $0xFFFFFF80  }
0x111: {  	[tilespmem:s31], [sflag:$0x5] =	stream.indirect.gather [spmem:s3], $0x1, s16, s22, $0xb8;
	[tilespmem:$0x5900] =	vst v63  }
0x112: {  	_ =	swait.ge [sflag:s19], $0x80  }
0x113: {  	[sflag:s19] =	ssyncset.done $0x0  }
.Ltmp0:
0x114: {  	s16 =	sadd.s32 $0x2F80, s20;
	[sflag:s19] =	ssyncadd.s32 $0xFFFFFF80;
	(pc) =	sbr.rel @p1 .LBB2_2-.Ltmp0, $4  }
0x115: {  	[spmem:s2] =	stream.indirect.scatter.add.f32 [tilespmem:s28], [sflag:$0x10], $0x1, s16, s22, $0xb8;
	[tilespmem:$0x5900] =	vst v63  }
0x116: {  	_ =	swait.ge [sflag:s12], $0x80  }
0x117: {  	[sflag:s12] =	ssyncset.done $0x0  }
0x118: {  	s20 =	sadd.s32 $0xA80, s20;
	[sflag:s12] =	ssyncadd.s32 $0xFFFFFF80  }
0x119: {  	[tilespmem:s0], [sflag:$0x6] =	stream.indirect.gather [spmem:s3], $0x1, s20, s22, $0xb8;
	[tilespmem:$0x5900] =	vst v63  }
0x11a: {  	_ =	swait.ge [sflag:s25], $0x80  }
0x11b: {  	[sflag:s25] =	ssyncset.done $0x0  }
0x11c: {  	s4 =	simm.s32 $0x4C00;
	[sflag:s25] =	ssyncadd.s32 $0xFFFFFF80  }
0x11d: {  	[spmem:s2] =	stream.indirect.scatter.add.f32 [tilespmem:s23], [sflag:$0x9], $0x1, s4, s22, $0xb8;
	[tilespmem:$0x5900] =	vst v63  }
0x11e: {  	_ =	swait.ge [sflag:s21], $0x80  }
0x11f: {  	[sflag:s21] =	ssyncset.done $0x0  }
0x120: {  	s16 =	simm.s32 $0x2700;
	[sflag:s21] =	ssyncadd.s32 $0xFFFFFF80  }
0x121: {  	[tilespmem:s30], [sflag:$0x7] =	stream.indirect.gather [spmem:s3], $0x1, s16, s22, $0xb8;
	[tilespmem:$0x5900] =	vst v63  }
0x122: {  	_ =	swait.ge [sflag:s1], $0x80  }
0x123: {  	[sflag:s1] =	ssyncset.done $0x0  }
0x124: {  	s20 =	simm.s32 $0x4C80;
	[sflag:s1] =	ssyncadd.s32 $0xFFFFFF80  }
0x125: {  	[spmem:s2] =	stream.indirect.scatter.add.f32 [tilespmem:s24], [sflag:$0xA], $0x1, s20, s22, $0xb8;
	[tilespmem:$0x5900] =	vst v63  }
0x126: {  	_ =	swait.ge [sflag:s7], $0x80  }
0x127: {  	[sflag:s7] =	ssyncset.done $0x0  }
0x128: {  	s13 =	simm.s32 $0x2780;
	[sflag:s7] =	ssyncadd.s32 $0xFFFFFF80  }
0x129: {  	[tilespmem:s28], [sflag:$0x8] =	stream.indirect.gather [spmem:s3], $0x1, s13, s22, $0xb8;
	[tilespmem:$0x5900] =	vst v63  }
0x12a: {  	_ =	swait.ge [sflag:s5], $0x80  }
0x12b: {  	[sflag:s5] =	ssyncset.done $0x0  }
0x12c: {  	s16 =	simm.s32 $0x4D00;
	[sflag:s5] =	ssyncadd.s32 $0xFFFFFF80  }
0x12d: {  	[spmem:s2] =	stream.indirect.scatter.add.f32 [tilespmem:s26], [sflag:$0xB], $0x1, s16, s22, $0xb8;
	[tilespmem:$0x5900] =	vst v63  }
0x12e: {  	_ =	swait.ge [sflag:s6], $0x80  }
0x12f: {  	[sflag:s6] =	ssyncset.done $0x0  }
0x130: {  	[sflag:s6] =	ssyncadd.s32 $0xFFFFFF80  }
0x131: {  	_ =	swait.ge [sflag:s8], $0x80  }
0x132: {  	[sflag:s8] =	ssyncset.done $0x0  }
0x133: {  	s20 =	simm.s32 $0x4D80;
	[sflag:s8] =	ssyncadd.s32 $0xFFFFFF80  }
0x134: {  	[spmem:s2] =	stream.indirect.scatter.add.f32 [tilespmem:s29], [sflag:$0xC], $0x1, s20, s22, $0xb8;
	[tilespmem:$0x5900] =	vst v63  }
0x135: {  	_ =	swait.ge [sflag:s9], $0x80  }
0x136: {  	[sflag:s9] =	ssyncset.done $0x0  }
0x137: {  	[sflag:s9] =	ssyncadd.s32 $0xFFFFFF80  }
0x138: {  	_ =	swait.ge [sflag:s10], $0x80  }
0x139: {  	[sflag:s10] =	ssyncset.done $0x0  }
0x13a: {  	s13 =	simm.s32 $0x4E00;
	[sflag:s10] =	ssyncadd.s32 $0xFFFFFF80  }
0x13b: {  	[spmem:s2] =	stream.indirect.scatter.add.f32 [tilespmem:s31], [sflag:$0xD], $0x1, s13, s22, $0xb8;
	[tilespmem:$0x5900] =	vst v63  }
0x13c: {  	_ =	swait.ge [sflag:s11], $0x80  }
0x13d: {  	[sflag:s11] =	ssyncset.done $0x0  }
0x13e: {  	[sflag:s11] =	ssyncadd.s32 $0xFFFFFF80  }
0x13f: {  	_ =	swait.ge [sflag:s17], $0x80  }
0x140: {  	[sflag:s17] =	ssyncset.done $0x0  }
0x141: {  	s16 =	simm.s32 $0x4E80;
	[sflag:s17] =	ssyncadd.s32 $0xFFFFFF80  }
0x142: {  	[spmem:s2] =	stream.indirect.scatter.add.f32 [tilespmem:s0], [sflag:$0xE], $0x1, s16, s22, $0xb8;
	[tilespmem:$0x5900] =	vst v63  }
0x143: {  	_ =	swait.ge [sflag:s14], $0x80  }
0x144: {  	[sflag:s14] =	ssyncset.done $0x0  }
0x145: {  	[sflag:s14] =	ssyncadd.s32 $0xFFFFFF80  }
0x146: {  	_ =	swait.ge [sflag:s15], $0x80  }
0x147: {  	[sflag:s15] =	ssyncset.done $0x0  }
0x148: {  	s20 =	simm.s32 $0x4F00;
	[sflag:s15] =	ssyncadd.s32 $0xFFFFFF80  }
0x149: {  	[spmem:s2] =	stream.indirect.scatter.add.f32 [tilespmem:s30], [sflag:$0xF], $0x1, s20, s22, $0xb8;
	[tilespmem:$0x5900] =	vst v63  }
0x14a: {  	_ =	swait.ge [sflag:s18], $0x80  }
0x14b: {  	[sflag:s18] =	ssyncset.done $0x0  }
0x14c: {  	[sflag:s18] =	ssyncadd.s32 $0xFFFFFF80  }
0x14d: {  	_ =	swait.ge [sflag:s19], $0x80  }
0x14e: {  	[sflag:s19] =	ssyncset.done $0x0  }
0x14f: {  	s13 =	simm.s32 $0x4F80;
	[sflag:s19] =	ssyncadd.s32 $0xFFFFFF80  }
0x150: {  	[spmem:s2] =	stream.indirect.scatter.add.f32 [tilespmem:s28], [sflag:$0x10], $0x1, s13, s22, $0xb8;
	[tilespmem:$0x5900] =	vst v63  }
0x151: {  	_ =	swait.ge [sflag:s12], $0x80  }
0x152: {  	[sflag:s12] =	ssyncset.done $0x0  }
0x153: {  	[sflag:s12] =	ssyncadd.s32 $0xFFFFFF80  }
0x154: {  	_ =	swait.ge [sflag:s21], $0x80  }
0x155: {  	[sflag:s21] =	ssyncset.done $0x0  }
0x156: {  	[sflag:s21] =	ssyncadd.s32 $0xFFFFFF80  }
0x157: {  	_ =	swait.ge [sflag:s7], $0x80  }
0x158: {  	[sflag:s7] =	ssyncset.done $0x0  }
0x159: {  	[sflag:s7] =	ssyncadd.s32 $0xFFFFFF80  }
0x15a: {  	[bflag:$0x0] =	sbarrier.arrive $0xFFFF  }
0x15b: {  	s16 =	rddreg [dreg:$0xc]  }
0x15c: {  	s20 =	rddreg [dreg:$0xf]  }
0x15d: {  	s13 =	sshrl.u32 s16, $0x3;
	s16 =	rddreg [dreg:$0x12]  }
0x15e: {  	[hbm:s20], [sflag:s16] =	dma.local [spmem:s13], $0x50  }
0x15f: {  	s20 =	simm.s32 $0x11  }
0x160: {  	_ =	swait.ge [sflag:s20], $0x50  }
0x161: {  	s4 =	rddreg [dreg:$0x14]  }
0x162: {  	s13 =	rddreg [dreg:$0xe];
	s16 =	sadd.s32 $0x1, s4  }
0x163: {  	p1 =	sne.s32 s16, s13  }
.Ltmp1:
0x164: {  	_ = 	snop;
	(pc) =	sbr.rel @p1 .LBB2_1-.Ltmp1, $3  }
0x165: {  	_ =	sdelay $0x1  }
0x166: {  	[sflag:s20] =	ssyncset.done $0x0  }
0x167: {  	[sflag:s20] =	ssyncadd.s32 $0xFFFFFFB0  }
0x168: {  	_ =	sfence.sel $0x180000  }
0x169: {  	[bflag:$0x0] =	sbarrier.arrive $0xFFFF  }
0x16a: {  	_ =	strace $0x9000004D  }
0x16b: {  	s0 =	stileid.u32;
	[bflag:$0x2] =	sbarrier.arrive $0xFFFF  }
0x16c: {  	p0 =	sne.s32 s0, $0x0;
	s0 =	rddreg [dreg:$0x4]  }
0x16d: {  	s0 =	sadd.s32 @!p0 $0x100000, s0  }
0x16e: {  	[sflag:s0] =	ssyncadd.tile.s32 @!p0 $0x1;
	_ =	shalt  }
.Lfunc_end2:
_tile_overlayer_lowered:
.L_overlay_start_2:
0x16f: {  	(tag) =	ssettag $0x2  }
0x170: {  	s0 =	rddreg [dreg:$0x0];
	s2 =	stileid.u32  }
0x171: {  	s1 =	rddreg [dreg:$0x1];
	p0 =	sne.s32 s2, $0x0  }
0x172: {  	s3 =	rddreg [dreg:$0x2];
	[bflag:$0x3] =	sbarrier.arrive $0xFFFF;
	s2 =	simm.s32 @!p0 $0x1C11  }
0x173: {  	[timem:s3], [sflag:s2] =	dma.local @!p0 [hbm:s0], s1  }
0x174: {  	s0 =	simm.s32 @!p0 $0x11  }
0x175: {  	_ =	swait.ge @!p0 [sflag:s0], s1  }
0x176: {  	s1 =	ssub.s32 @!p0 $0x0, s1;
	[sflag:s0] =	ssyncset.done @!p0 $0x0  }
0x177: {  	[sflag:s0] =	ssyncadd.s32 @!p0 s1  }
0x178: {  	[bflag:$0x3] =	sbarrier.arrive $0xFFFF  }
0x179: {  	_ =	shalt  }

// kernel: kernel.9.cloned.1.call-start
scs
__scs_entry_jumppad:
0x0: {  	(pc) =	sbr.rel $0x88, $3  }
0x1: {  	(tag) =	ssettag $0x0;
	lr =	simm.s32 $0x1  }
0x2: {  	[smem:$0x3F9B] =	sst lr;
	_ =	strace $0xD0000000  }
0x3: {  	_ = 	snop  }
0x4: {  	_ = 	snop  }
0x5: {  	_ = 	snop  }
0x6: {  	_ = 	snop  }
0x7: {  	_ = 	snop  }
__scs_overlays_trampoline_lowered:
0x8: {  	[smem:$0x3FAA] =	sst s0  }
0x9: {  	[smem:$0x3FAB] =	sst s1  }
0xa: {  	[smem:$0x3FAC] =	sst s2  }
0xb: {  	[smem:$0x3FAD] =	sst s3  }
0xc: {  	[smem:$0x3FAE] =	sst s4  }
0xd: {  	[smem:$0x3FAF] =	sst s5  }
0xe: {  	[smem:$0x3FB0] =	sst s6  }
0xf: {  	[smem:$0x3FB1] =	sst s7  }
0x10: {  	[smem:$0x3FB2] =	sst s8  }
0x11: {  	[smem:$0x3FB3] =	sst s9;
	s0 =	simm.s32 @!p0 $0x0  }
0x12: {  	s1 =	sld [smem:$0x3F99];
	s0 =	simm.s32 @p0 $0x1  }
0x13: {  	[smem:$0x3FB4] =	sst s0;
	s0 =	simm.s32 @!p1 $0x0  }
0x14: {  	s2 =	sld [smem:$0x3F98];
	s0 =	simm.s32 @p1 $0x1  }
0x15: {  	[smem:$0x3FB5] =	sst s0;
	s0 =	simm.s32 @!p2 $0x0  }
0x16: {  	s3 =	sld [smem:$0x3FDB];
	s0 =	simm.s32 @p2 $0x1  }
0x17: {  	s4 =	simm.s32 $0x1BF5;
	[smem:$0x3FB7] =	sst s0  }
0x18: {  	s0 =	sld [smem:$0x3F9A];
	_ =	swait.ge [sflag:s4], $0x0  }
0x19: {  	s7 =	sld [smem:$0x3F9B]  }
0x1a: {  	s8 =	sadd.s32 $0xFFFFE003, lr  }
0x1b: {  	s9 =	sadd.s32 $0xFFFFFEF7, lr;
	s5 =	simm.s32 $0xFFFFFFFF;
	p2 =	slt.u32 s8, $0xFFFFF086  }
0x1c: {  	p1 =	slt.u32 s9, $0xF7A;
	s5 =	simm.s32 @!p2 $0x0  }
0x1d: {  	s5 =	simm.s32 @p1 $0x1;
	p0 =	seq.s32 s7, s2  }
0x1e: {  	s7 =	smul.u32 @!p0 $0xF7A, s2;
	p2 =	seq.s32 @!p0 s5, $0x0  }
0x1f: {  	s9 =	smul.u32 $0xF7A, s1;
	s8 =	simm.s32 @!p0 $0x1BF5;
	p2 =	por !p2, p0  }
0x20: {  	[sflag:s8] =	ssyncset.s32 @!p0 $0xFFFFF086;
	s6 =	sadd.s32 @!p0 s3, s7;
	s7 =	simm.s32 @!p0 $0x108  }
0x21: {  	s3 =	sadd.s32 s3, s9;
	s6 =	sadd.s32 @!p0 $0x88, s6;
	s7 =	simm.s32 @p2 $0x1082  }
0x22: {  	[simem:s7], [sflag:s8] =	dma.local @!p0 [hbm:s6], $0xF7A  }
0x23: {  	s9 =	sor.u32 $0xD0000000, s2;
	s6 =	simm.s32 $0x108;
	_ =	swait.ge @!p0 [sflag:s8], $0x0  }
0x24: {  	s3 =	sadd.s32 $0x88, s3;
	s6 =	simm.s32 @!p1 $0x1082;
	[sflag:s4] =	ssyncset.s32 $0xFFFFF086  }
0x25: {  	[simem:s6], [sflag:s4] =	dma.local [hbm:s3], $0xF7A  }
0x26: {  	[smem:$0x3F9B] =	sst s1;
	(tag) =	ssettag s2;
	_ =	strace s9  }
0x27: {  	s1 =	sld [smem:$0x3FAB]  }
0x28: {  	s2 =	sld [smem:$0x3FAC]  }
0x29: {  	s4 =	sld [smem:$0x3FAE]  }
0x2a: {  	p0 =	seq.s32 s5, $0x0;
	s5 =	sld [smem:$0x3FAF]  }
0x2b: {  	s6 =	sld [smem:$0x3FB0]  }
0x2c: {  	s7 =	sld [smem:$0x3FB1]  }
0x2d: {  	s3 =	simm.s32 $0x108;
	s8 =	sld [smem:$0x3FB2]  }
0x2e: {  	s3 =	simm.s32 @!p0 $0x1082;
	s9 =	sld [smem:$0x3FB3]  }
0x2f: {  	lr =	sadd.s32 s0, s3;
	s0 =	sld [smem:$0x3FAA]  }
0x30: {  	s3 =	sld [smem:$0x3FAD]  }
0x31: {  	[smem:$0x3FB6] =	sst s10  }
0x32: {  	s10 =	sld [smem:$0x3FB4];
	_ =	sdelay $0x3  }
0x33: {  	p0 =	seq.s32 s10, $0x1;
	s10 =	sld [smem:$0x3FB6];
	_ =	sdelay $0x3  }
0x34: {  	[smem:$0x3FB6] =	sst s10  }
0x35: {  	s10 =	sld [smem:$0x3FB5];
	_ =	sdelay $0x3  }
0x36: {  	p1 =	seq.s32 s10, $0x1;
	s10 =	sld [smem:$0x3FB6];
	_ =	sdelay $0x3  }
0x37: {  	[smem:$0x3FB6] =	sst s10  }
0x38: {  	s10 =	sld [smem:$0x3FB7]  }
0x39: {  	_ = 	snop;
	(pc) =	sbr.ind lr, $3  }
0x3a: {  	_ = 	snop  }
0x3b: {  	_ = 	snop  }
0x3c: {  	p2 =	seq.s32 s10, $0x1;
	s10 =	sld [smem:$0x3FB6]  }
0x3d: {  	_ =	shalt  }
0x3e: {  	_ =	shalt  }
0x3f: {  	_ =	shalt  }
0x40: {  	_ =	shalt  }
0x41: {  	_ =	shalt  }
0x42: {  	_ =	shalt  }
0x43: {  	_ =	shalt  }
0x44: {  	_ =	shalt  }
0x45: {  	_ =	shalt  }
0x46: {  	_ =	shalt  }
0x47: {  	_ =	shalt  }
0x48: {  	_ =	shalt  }
0x49: {  	_ =	shalt  }
0x4a: {  	_ =	shalt  }
0x4b: {  	_ =	shalt  }
0x4c: {  	_ =	shalt  }
0x4d: {  	_ =	shalt  }
0x4e: {  	_ =	shalt  }
0x4f: {  	_ =	shalt  }
0x50: {  	_ =	shalt  }
0x51: {  	_ =	shalt  }
0x52: {  	_ =	shalt  }
0x53: {  	_ =	shalt  }
0x54: {  	_ =	shalt  }
0x55: {  	_ =	shalt  }
0x56: {  	_ =	shalt  }
0x57: {  	_ =	shalt  }
0x58: {  	_ =	shalt  }
0x59: {  	_ =	shalt  }
0x5a: {  	_ =	shalt  }
0x5b: {  	_ =	shalt  }
0x5c: {  	_ =	shalt  }
0x5d: {  	_ =	shalt  }
0x5e: {  	_ =	shalt  }
0x5f: {  	_ =	shalt  }
0x60: {  	_ =	shalt  }
0x61: {  	_ =	shalt  }
0x62: {  	_ =	shalt  }
0x63: {  	_ =	shalt  }
0x64: {  	_ =	shalt  }
0x65: {  	_ =	shalt  }
0x66: {  	_ =	shalt  }
0x67: {  	_ =	shalt  }
0x68: {  	_ =	shalt  }
0x69: {  	_ =	shalt  }
0x6a: {  	_ =	shalt  }
0x6b: {  	_ =	shalt  }
0x6c: {  	_ =	shalt  }
0x6d: {  	_ =	shalt  }
0x6e: {  	_ =	shalt  }
0x6f: {  	_ =	shalt  }
0x70: {  	_ =	shalt  }
0x71: {  	_ =	shalt  }
0x72: {  	_ =	shalt  }
0x73: {  	_ =	shalt  }
0x74: {  	_ =	shalt  }
0x75: {  	_ =	shalt  }
0x76: {  	_ =	shalt  }
0x77: {  	_ =	shalt  }
0x78: {  	_ =	shalt  }
0x79: {  	_ =	shalt  }
0x7a: {  	_ =	shalt  }
0x7b: {  	_ =	shalt  }
0x7c: {  	_ =	shalt  }
0x7d: {  	_ =	shalt  }
0x7e: {  	_ =	shalt  }
0x7f: {  	_ =	shalt  }
0x80: {  	_ =	shalt  }
0x81: {  	_ =	shalt  }
0x82: {  	_ =	shalt  }
0x83: {  	_ =	shalt  }
0x84: {  	_ =	shalt  }
0x85: {  	_ =	shalt  }
0x86: {  	_ =	shalt  }
0x87: {  	_ =	shalt  }
.Lfunc_end0:
.L_simem_size_0:
called_computation_lowered:
.L_overlay_start_0:
0x88: {  	s2 =	sld [smem:$0x3FD9]  }
0x89: {  	s3 =	sld [smem:$0x3FFE];
	_ =	sdelay $0x1  }
0x8a: {  	s1 =	srdreg.scid  }
0x8b: {  	s0 =	sand.u32 $0x1, s1  }
0x8c: {  	s17 =	sshll.u32 s0, $0xA;
	s2 =	sadd.s32 s3, s2  }
0x8d: {  	s2 =	sadd.s32 s2, s17  }
0x8e: {  	[smem:$0x3FC2] =	sst s2  }
0x8f: {  	_ = 	snop  }
0x90: {  	s2 =	sld [smem:$0x3FD0];
	(tm) =	ssettm $0x1  }
0x91: {  	s18 =	sld [smem:$0x3FFB];
	_ =	sdelay $0x3  }
0x92: {  	_ =	strace s18  }
0x93: {  	s3 =	sld [smem:$0x3FFC];
	_ =	sdelay $0x3  }
0x94: {  	_ =	strace s3  }
0x95: {  	s3 =	sld [smem:$0x3FFD];
	_ =	sdelay $0x3  }
0x96: {  	_ =	strace s3  }
0x97: {  	_ =	strace $0x8FFFFFFF  }
0x98: {  	s19 =	sld [smem:$0x3FDB];
	_ =	sdelay $0x1  }
0x99: {  	s4 =	simm.s32 $_scs_section_size  }
0x9a: {  	s5 =	simm.s32 $_size__tile_overlayer_lowered;
	s6 =	simm.s32 $_tile_overlayer_lowered  }
0x9b: {  	s22 =	simm.s32 $0x1BFF;
	s21 =	sshll.u32 s6, $0x1;
	s3 =	sadd.s32 s4, s19  }
0x9c: {  	s7 =	simm.s32 $0x0;
	s20 =	sshll.u32 s5, $0x1;
	s5 =	sadd.s32 s21, s3  }
0x9d: {  	[timem:s7], [sflag:s22] =	dma.local [hbm:s5], s20  }
0x9e: {  	_ =	swait.ge [sflag:s22], s20  }
0x9f: {  	s4 =	ssub.s32 $0x0, s20;
	[sflag:s22] =	ssyncset.done $0x0  }
0xa0: {  	[sflag:s22] =	ssyncadd.s32 s4;
	_ =	sdelay $0x1  }
0xa1: {  	s23 =	simm.s32 $0x1B8B  }
0xa2: {  	_ =	swait.ge [sflag:s23], $0x1  }
0xa3: {  	[sflag:s23] =	ssyncset.done $0x0  }
0xa4: {  	s25 =	simm.s32 $0x1B8E;
	s24 =	sld [smem:$0x3FFE];
	[sflag:s23] =	ssyncadd.s32 $0xFFFFFFFF  }
0xa5: {  	s26 =	simm.s32 $execute0_lowered;
	[smem:$0x3FD2] =	sst s25  }
0xa6: {  	s5 =	sshll.u32 s26, $0x1;
	_ =	strace $0x80000046;
	[dreg:$0x1] =	wrdreg $0xFFFFFFFF  }
0xa7: {  	s28 =	simm.s32 $_size_execute0_lowered;
	s3 =	sadd.s32 s3, s5;
	[dreg:$0x0] =	wrdreg $0x0  }
0xa8: {  	s5 =	sshll.u32 s28, $0x1;
	[dreg:$0x2] =	wrdreg s3  }
0xa9: {  	[dreg:$0x3] =	wrdreg s5  }
0xaa: {  	[dreg:$0x4] =	wrdreg $0xC0  }
0xab: {  	_ =	task [dreg:s7], $0x5FFFF  }
0xac: {  	[dreg:$0x1] =	wrdreg $0xFFFFFFFF  }
0xad: {  	[dreg:$0x0] =	wrdreg $0x60  }
0xae: {  	[dreg:$0x2] =	wrdreg s24  }
0xaf: {  	[dreg:$0x3] =	wrdreg s2  }
0xb0: {  	[dreg:$0x4] =	wrdreg $0x2B000  }
0xb1: {  	[dreg:$0x5] =	wrdreg $0x9  }
0xb2: {  	_ =	task.clear_ibuf [dreg:s7], $0x6FFFF;
	_ =	strace $0x90000046  }
0xb3: {  	s29 =	simm.s32 $0x9;
	_ =	strace $0x80000048  }
0xb4: {  	_ =	swait.ge [sflag:s29], $0x1  }
0xb5: {  	[sflag:s29] =	ssyncadd.s32 $0xFFFFFFFF  }
0xb6: {  	_ =	strace $0x90000048  }
0xb7: {  	_ =	sfence  }
0xb8: {  	s30 =	sld [smem:$0x0];
	_ =	sdelay $0x2  }
0xb9: {  	s31 =	sshll.u32 s1, $0xD;
	s1 =	sshrl.u32 s1, $0x2  }
0xba: {  	s3 =	sand.u32 $0x4000, s31;
	s1 =	sadd.s32 s1, s30  }
0xbb: {  	s0 =	sor.u32 s3, s0;
	s1 =	sshll.u32 s1, $0x11  }
0xbc: {  	s0 =	sor.u32 s1, s0  }
0xbd: {  	s0 =	sadd.s32 $0x8F2B, s0  }
0xbe: {  	[sflag:s0] =	ssyncadd.remote.s32 $0x1  }
0xbf: {  	_ =	sfence.sel $0xFFFF  }
0xc0: {  	[dreg:$0x0] =	wrdreg $0xFFFFFFFF;
	(pc) =	sbr.abs _section_cstart, $3  }
0xc1: {  	[dreg:$0x1] =	wrdreg $0xFFFFFFFF  }
0xc2: {  	_ =	task.clear_ibuf [dreg:s7], $0x2FFFF;
	_ =	strace $0x9FFFFFFF  }
0xc3: {  	(tm) =	ssettm $0x7FFFFFFF  }
tec
execute0_lowered:
.L_overlay_start_1:
0x0: {  	(tag) =	ssettag $0x1  }
0x1: {  	s4 =	rddreg [dreg:$0x0]  }
0x2: {  	s7 =	rddreg [dreg:$0x1];
	s1 =	srdreg.scid  }
0x3: {  	s0 =	stileid.u32;
	s2 =	rddreg [dreg:$0x2]  }
0x4: {  	s3 =	simm.s32 $0x0;
	s12 =	simm.s32 $0x1;
	s15 =	simm.s32 $0x0  }
0x5: {  	s5 =	sand.u32 $0x1, s1;
	s6 =	sshll.u32 s0, $0x1;
	s1 =	rddreg [dreg:$0x3]  }
0x6: {  	[smem:$0x7FF] =	sst s3;
	s10 =	smul.u32 $0x280, s0;
	s11 =	sadd.s32 $0x17C00, s4  }
0x7: {  	s13 =	sshll.u32 s0, $0x6;
	s6 =	sor.u32 s5, s6;
	_ =	strace $0x80000047  }
0x8: {  	s8 =	ssub.s32 $0x2, s5;
	p0 =	seq.s32 s5, $0x1;
	s13 =	sor.u32 $0x1C02, s13  }
0x9: {  	s6 =	smul.u32 $0x500, s6;
	s9 =	sshrl.u32 s8, $0x1;
	s31 =	sshrl.u32 s10, $0x3  }
0xa: {  	s7 =	smov.u32 @p0 s11;
	s5 =	sadd.s32 s10, s2;
	s10 =	simm.s32 $0x80  }
0xb: {  	s11 =	simm.s32 $0x2800;
	s8 =	ssub.s32 s8, s9;
	s7 =	sadd.s32 s7, s31  }
0xc: {  	s9 =	simm.s32 $0x2880;
	s14 =	sshrl.u32 s5, $0x3;
	s6 =	sadd.s32 s6, s4  }
0xd: {  	v0 =	vimm.f32 $1.000000000e+00;
	v1 =	vimm.f32 $0.0e+00;
	s4 =	sadd.s32 $0xDC00, s6;
	s6 =	smax.u32 s8, $0x1;
	s8 =	simm.s32 $0x2  }
.LBB2_1:
0xe: {  	[tilespmem:s3], [sflag:$0x2] =	stream.linear.gather [hbm4b:s4+s3], $0x2800, $0x38;
	[tilespmem:$0x2D80] =	vst v63  }
0xf: {  	_ =	swait.ge [sflag:s8], $0x2800  }
0x10: {  	[sflag:s8] =	ssyncset.done $0x0  }
0x11: {  	[sflag:s8] =	ssyncadd.s32 $0xFFFFD800  }
0x12: {  	[tilespmem:$0x2800] =	vst v0  }
0x13: {  	[tilespmem:$0x2810] =	vst v0  }
0x14: {  	[tilespmem:$0x2820] =	vst v0  }
0x15: {  	[tilespmem:$0x2830] =	vst v0  }
0x16: {  	[tilespmem:$0x2840] =	vst v0  }
0x17: {  	[tilespmem:$0x2850] =	vst v0  }
0x18: {  	[tilespmem:$0x2860] =	vst v0  }
0x19: {  	[tilespmem:$0x2870] =	vst v0  }
0x1a: {  	[tilespmem:$0x2880] =	vst v1  }
0x1b: {  	[tilespmem:$0x2890] =	vst v1  }
0x1c: {  	[tilespmem:$0x28A0] =	vst v1  }
0x1d: {  	[tilespmem:$0x28B0] =	vst v1  }
0x1e: {  	[tilespmem:$0x28C0] =	vst v1  }
0x1f: {  	[tilespmem:$0x28D0] =	vst v1  }
0x20: {  	[tilespmem:$0x28E0] =	vst v1  }
0x21: {  	[tilespmem:$0x28F0] =	vst v1  }
0x22: {  	[tilespmem:$0x2900] =	vst v1  }
0x23: {  	[tilespmem:$0x2910] =	vst v1  }
0x24: {  	[tilespmem:$0x2920] =	vst v1  }
0x25: {  	[tilespmem:$0x2930] =	vst v1  }
0x26: {  	[tilespmem:$0x2940] =	vst v1  }
0x27: {  	[tilespmem:$0x2950] =	vst v1  }
0x28: {  	[tilespmem:$0x2960] =	vst v1  }
0x29: {  	[tilespmem:$0x2970] =	vst v1  }
0x2a: {  	[tilespmem:$0x2980] =	vst v1  }
0x2b: {  	[tilespmem:$0x2990] =	vst v1  }
0x2c: {  	[tilespmem:$0x29A0] =	vst v1  }
0x2d: {  	[tilespmem:$0x29B0] =	vst v1  }
0x2e: {  	[tilespmem:$0x29C0] =	vst v1  }
0x2f: {  	[tilespmem:$0x29D0] =	vst v1  }
0x30: {  	[tilespmem:$0x29E0] =	vst v1  }
0x31: {  	[tilespmem:$0x29F0] =	vst v1  }
0x32: {  	[tilespmem:$0x2A00] =	vst v1  }
0x33: {  	[tilespmem:$0x2A10] =	vst v1  }
0x34: {  	[tilespmem:$0x2A20] =	vst v1  }
0x35: {  	[tilespmem:$0x2A30] =	vst v1  }
0x36: {  	[tilespmem:$0x2A40] =	vst v1  }
0x37: {  	[tilespmem:$0x2A50] =	vst v1  }
0x38: {  	[tilespmem:$0x2A60] =	vst v1  }
0x39: {  	[tilespmem:$0x2A70] =	vst v1  }
0x3a: {  	[tilespmem:$0x2A80] =	vst v1  }
0x3b: {  	[tilespmem:$0x2A90] =	vst v1  }
0x3c: {  	[tilespmem:$0x2AA0] =	vst v1  }
0x3d: {  	[tilespmem:$0x2AB0] =	vst v1  }
0x3e: {  	[tilespmem:$0x2AC0] =	vst v1  }
0x3f: {  	[tilespmem:$0x2AD0] =	vst v1  }
0x40: {  	[tilespmem:$0x2AE0] =	vst v1  }
0x41: {  	[tilespmem:$0x2AF0] =	vst v1  }
0x42: {  	[spmem:s5] =	stream.linear.scatter [tilespmem:s9], [sflag:$0x2], $0x280, $0x38;
	[tilespmem:$0x2D80] =	vst v63  }
0x43: {  	_ =	swait.ge [sflag:s8], $0x280  }
0x44: {  	[sflag:s8] =	ssyncset.done $0x0  }
0x45: {  	[sflag:s8] =	ssyncadd.s32 $0xFFFFFD80  }
0x46: {  	s16 =	simm.s32 $0x0;
	[bflag:$0x0] =	sbarrier.arrive $0xFFFF  }
.LBB2_2:
0x47: {  	p0 =	sne.s32 s16, $0x9E00  }
.Ltmp0:
0x48: {  	_ = 	snop;
	(pc) =	sbr.rel @p0 .LBB2_2-.Ltmp0, $3  }
0x49: {  	_ =	sdelay $0x1  }
0x4a: {  	s17 =	sshra.s32 s16, $0x2;
	s16 =	sadd.s32 $0x200, s16  }
0x4b: {  	[spmem:s2] =	stream.indirect.scatter.add.f32 [tilespmem:s11], [sflag:$0x1], $0x1, s17, s10, $0xb8;
	[tilespmem:$0x2D80] =	vst v63  }
0x4c: {  	_ =	swait.ge [sflag:s12], $0x80  }
0x4d: {  	s16 =	simm.s32 $0x4F;
	[sflag:s12] =	ssyncset.done $0x0  }
.LBB2_4:
0x4e: {  	p0 =	sne.s32 s16, $0x1;
	s16 =	sadd.s32 $0xFFFFFFFF, s16;
	[sflag:s12] =	ssyncadd.s32 $0xFFFFFF80  }
.Ltmp1:
0x4f: {  	(pc) =	sbr.rel @p0 .LBB2_4-.Ltmp1, $3  }
0x50: {  	_ =	sdelay $0x1  }
0x51: {  	_ =	swait.ge [sflag:s12], $0x80  }
0x52: {  	[sflag:s12] =	ssyncset.done $0x0  }
0x53: {  	s15 =	sadd.s32 $0x1, s15  }
0x54: {  	[sflag:s12] =	ssyncadd.s32 $0xFFFFFF80;
	p0 =	sne.s32 s15, s6  }
.Ltmp2:
0x55: {  	[bflag:$0x0] =	sbarrier.arrive $0xFFFF;
	(pc) =	sbr.rel @p0 .LBB2_1-.Ltmp2, $4  }
0x56: {  	[hbm:s7], [sflag:s13] =	dma.local [spmem:s14], $0x50  }
0x57: {  	_ =	swait.ge [sflag:s8], $0x50  }
0x58: {  	[sflag:s8] =	ssyncset.done $0x0  }
0x59: {  	[sflag:s8] =	ssyncadd.s32 $0xFFFFFFB0  }
0x5a: {  	_ =	sfence.sel $0x180000  }
0x5b: {  	[bflag:$0x0] =	sbarrier.arrive $0xFFFF  }
0x5c: {  	p0 =	sne.s32 s0, $0x0;
	_ =	strace $0x90000047  }
0x5d: {  	s0 =	sadd.s32 @!p0 $0x100000, s1;
	[bflag:$0x2] =	sbarrier.arrive $0xFFFF  }
0x5e: {  	[sflag:s0] =	ssyncadd.tile.s32 @!p0 $0x1;
	_ =	shalt  }
.Lfunc_end2:
_tile_overlayer_lowered:
.L_overlay_start_2:
0x5f: {  	(tag) =	ssettag $0x2  }
0x60: {  	s0 =	rddreg [dreg:$0x0];
	s2 =	stileid.u32  }
0x61: {  	s1 =	rddreg [dreg:$0x1];
	p0 =	sne.s32 s2, $0x0  }
0x62: {  	s3 =	rddreg [dreg:$0x2];
	[bflag:$0x3] =	sbarrier.arrive $0xFFFF;
	s2 =	simm.s32 @!p0 $0x1C02  }
0x63: {  	[timem:s3], [sflag:s2] =	dma.local @!p0 [hbm:s0], s1  }
0x64: {  	s0 =	simm.s32 @!p0 $0x2  }
0x65: {  	_ =	swait.ge @!p0 [sflag:s0], s1  }
0x66: {  	s1 =	ssub.s32 @!p0 $0x0, s1;
	[sflag:s0] =	ssyncset.done @!p0 $0x0  }
0x67: {  	[sflag:s0] =	ssyncadd.s32 @!p0 s1  }
0x68: {  	[bflag:$0x3] =	sbarrier.arrive $0xFFFF  }
0x69: {  	_ =	shalt  }

</sc_bundles>
